<compile_context>
chip_gen: v7x
topology: tpu7x:2x2x1
jax: 0.10.2.dev20260603
libtpu: 0.0.44.dev20260713+nightly
codegen_flags: <defaults>
</compile_context>

<pallas_src>
import functools

import jax
import jax.numpy as jnp
from jax import lax
from jax.experimental import pallas as pl
from jax.experimental.pallas import tpu as pltpu
from jax.experimental.pallas import tpu_sc as plsc

F = 26
V = 100000
E = 32
B = 4096
GEN = F * E
DOM = 4 * E
GH = 256
TN = 2
NW = 32
RPW = GEN // NW


def _sc_gather_t(idxT, t2):
    mesh = plsc.VectorSubcoreMesh(core_axis_name="c", subcore_axis_name="s")
    nc = mesh.num_cores

    @functools.partial(
        pl.kernel,
        out_type=jax.ShapeDtypeStruct((GEN, B), jnp.float32),
        mesh=mesh,
        scratch_types=[
            pltpu.VMEM((V,), jnp.float32),
            pltpu.VMEM((B,), jnp.int32),
            pltpu.VMEM((B,), jnp.float32),
        ],
        compiler_params=pltpu.CompilerParams(needs_layout_passes=False),
    )
    def k(idx_hbm, t2_hbm, out_hbm, row_v, idx_v, ob_v):
        wid = lax.axis_index("s") * nc + lax.axis_index("c")
        for m in range(RPW):
            r = wid * RPW + m
            f = r // E
            if m == 0:
                pltpu.sync_copy(idx_hbm.at[f], idx_v)
            else:
                f_prev = (wid * RPW + m - 1) // E

                @pl.when(f != f_prev)
                def _load_idx(f=f):
                    pltpu.sync_copy(idx_hbm.at[f], idx_v)

            pltpu.sync_copy(t2_hbm.at[r], row_v)

            def body(i, _):
                idx16 = idx_v[pl.ds(i * 16, 16)]
                ob_v[pl.ds(i * 16, 16)] = plsc.load_gather(row_v, [idx16])
                return 0

            lax.fori_loop(0, B // 16, body, 0)
            pltpu.sync_copy(ob_v, out_hbm.at[r])

    return k(idxT, t2)


def _dense_t(embT, gw1, gb1, gw2, gb2, tw1, tb1, tw2, tb2, tw3, tb3):
    BT = 2048
    grid = (B // BT,)
    c00 = (((0,), (0,)), ((), ()))

    def bcol(bias, shape):
        return lax.broadcast_in_dim(bias, shape, (0,))

    def dot00(a, b):
        return lax.dot_general(a, b, c00, preferred_element_type=jnp.float32)

    def body(embT_ref, gw1_ref, gb1_ref, gw2_ref, gb2_ref,
             tw1_ref, tb1_ref, tw2_ref, tb2_ref, tw3_ref, tb3_ref, out_ref):
        et = embT_ref[...]
        h = dot00(gw1_ref[:DOM, :], et[:DOM, :])
        h = h + dot00(gw1_ref[DOM:, :], et)
        h = jnp.maximum(h + bcol(gb1_ref[...], (GH, BT)), 0.0)
        g = dot00(gw2_ref[...], h)
        g = 2.0 * jax.nn.sigmoid(g + bcol(gb2_ref[...], (E, BT)))
        ep = jnp.tile(g, (F, 1)) * et
        outs = []
        for t in range(TN):
            h1 = dot00(tw1_ref[t], ep)
            h1 = jnp.maximum(h1 + bcol(tb1_ref[t], (512, BT)), 0.0)
            h2 = dot00(tw2_ref[t], h1)
            h2 = jnp.maximum(h2 + bcol(tb2_ref[t], (128, BT)), 0.0)
            lg = dot00(h2, tw3_ref[t])
            outs.append(lg + tb3_ref[t])
        out_ref[...] = jnp.concatenate(outs, axis=1)

    full = lambda *shape: pl.BlockSpec(shape, lambda i: (0,) * len(shape))
    return pl.pallas_call(
        body,
        grid=grid,
        in_specs=[
            pl.BlockSpec((GEN, BT), lambda i: (0, i)),
            full(*gw1.shape), full(*gb1.shape), full(*gw2.shape), full(*gb2.shape),
            full(*tw1.shape), full(*tb1.shape), full(*tw2.shape), full(*tb2.shape),
            full(*tw3.shape), full(*tb3.shape),
        ],
        out_specs=pl.BlockSpec((BT, TN), lambda i: (i, 0)),
        out_shape=jax.ShapeDtypeStruct((B, TN), jnp.float32),
        compiler_params=pltpu.CompilerParams(
            dimension_semantics=("arbitrary",),
        ),
    )(embT, gw1, gb1, gw2, gb2, tw1, tb1, tw2, tb2, tw3, tb3)


def kernel(inputs, tables, gate_W1, gate_b1, gate_W2, gate_b2,
           tower_W1, tower_b1, tower_W2, tower_b2, tower_W3, tower_b3):
    t2 = jnp.transpose(tables, (0, 2, 1)).reshape(GEN, V)
    idxT = jnp.transpose(inputs.astype(jnp.int32))
    embT = _sc_gather_t(idxT, t2)
    return _dense_t(embT, gate_W1, gate_b1, gate_W2, gate_b2,
                    tower_W1, tower_b1, tower_W2, tower_b2, tower_W3, tower_b3)

# --- scband reference (transcript-rebuilt; emitter-appended) ---
"""Pipeline reference for scband-pepnet-66589172957763 (READ-ONLY COPY).

The authoritative reference and input builder live on the scoring server;
editing this copy changes nothing except your own understanding.
"""

import jax, jax.numpy as jnp
import numpy as np

NUM_FIELDS = 26
VOCAB = 100000
EMBED = 32
BATCH = 4096
NUM_DOMAIN = 4  # fields f0..f3 are 'domain' group
GATE_HIDDEN = 256
TASK_NUM = 2
TASK_H1 = 512
TASK_H2 = 128

GEN_DIM = NUM_FIELDS * EMBED        # 832, 'general' group = all fields
DOM_DIM = NUM_DOMAIN * EMBED        # 128
GATE_IN = DOM_DIM + GEN_DIM         # 960


def setup_inputs(seed: int = 0) -> dict:
    key = jax.random.key(seed)
    ks = jax.random.split(key, 16)
    inputs = jax.random.randint(ks[0], (BATCH, NUM_FIELDS), 0, VOCAB)
    tables = jax.random.normal(ks[1], (NUM_FIELDS, VOCAB, EMBED), jnp.float32) * 0.02
    gate_W1 = jax.random.normal(ks[2], (GATE_IN, GATE_HIDDEN), jnp.float32) * (1.0 / np.sqrt(GATE_IN))
    gate_b1 = jnp.zeros((GATE_HIDDEN,), jnp.float32)
    gate_W2 = jax.random.normal(ks[3], (GATE_HIDDEN, EMBED), jnp.float32) * (1.0 / np.sqrt(GATE_HIDDEN))
    gate_b2 = jnp.zeros((EMBED,), jnp.float32)
    tower_W1 = jax.random.normal(ks[4], (TASK_NUM, GEN_DIM, TASK_H1), jnp.float32) * (1.0 / np.sqrt(GEN_DIM))
    tower_b1 = jnp.zeros((TASK_NUM, TASK_H1), jnp.float32)
    tower_W2 = jax.random.normal(ks[5], (TASK_NUM, TASK_H1, TASK_H2), jnp.float32) * (1.0 / np.sqrt(TASK_H1))
    tower_b2 = jnp.zeros((TASK_NUM, TASK_H2), jnp.float32)
    tower_W3 = jax.random.normal(ks[6], (TASK_NUM, TASK_H2, 1), jnp.float32) * (1.0 / np.sqrt(TASK_H2))
    tower_b3 = jnp.zeros((TASK_NUM, 1), jnp.float32)
    return {
        "inputs": inputs,
        "tables": tables,
        "gate_W1": gate_W1, "gate_b1": gate_b1,
        "gate_W2": gate_W2, "gate_b2": gate_b2,
        "tower_W1": tower_W1, "tower_b1": tower_b1,
        "tower_W2": tower_W2, "tower_b2": tower_b2,
        "tower_W3": tower_W3, "tower_b3": tower_b3,
    }


def reference(inputs, tables, gate_W1, gate_b1, gate_W2, gate_b2,
              tower_W1, tower_b1, tower_W2, tower_b2, tower_W3, tower_b3):
    # embedding_lookup: per-field gather from each field's table
    field_ids = jnp.arange(NUM_FIELDS)[None, :]            # [1, F]
    emb = tables[field_ids, inputs]                        # [B, F, E]
    # concat_grouped_embedding('general') -> all fields
    general_embedding = emb.reshape(BATCH, GEN_DIM)        # [B, F*E]
    # concat_grouped_embedding('domain') -> first NUM_DOMAIN fields
    domain_embedding = emb[:, :NUM_DOMAIN, :].reshape(BATCH, DOM_DIM)
    # EPNet: GateNU on [domain, stop_grad(general)]
    gate_in = jnp.concatenate([domain_embedding, jax.lax.stop_gradient(general_embedding)], axis=-1)
    h = jax.nn.relu(gate_in @ gate_W1 + gate_b1)
    gate = jax.nn.sigmoid(h @ gate_W2 + gate_b2) * 2.0     # [B, E]
    epnet_embedding = jnp.tile(gate, (1, NUM_FIELDS)) * general_embedding  # [B, F*E]
    # task towers (consume gated embedding)
    logits = []
    for t in range(TASK_NUM):
        h1 = jax.nn.relu(epnet_embedding @ tower_W1[t] + tower_b1[t])
        h2 = jax.nn.relu(h1 @ tower_W2[t] + tower_b2[t])
        logit = h2 @ tower_W3[t] + tower_b3[t]             # [B, 1]
        logits.append(logit)
    return jnp.concatenate(logits, axis=-1)                # [B, TASK_NUM]

if __name__ == "__main__":
    import jax
    _d = setup_inputs()
    print(jax.jit(kernel)(*tuple(_d.values())))

</pallas_src>

<mosaic_0001>
#map = affine_map<(d0, d1) -> (0, 0)>
module attributes {stable_mosaic.version = 14 : i64} {
  func.func @k(%arg0: i32, %arg1: i32, %arg2: memref<26x4096xi32, #tpu.memory_space<hbm>>, %arg3: memref<832x100000xf32, #tpu.memory_space<hbm>>, %arg4: memref<832x4096xf32, #tpu.memory_space<hbm>>, %arg5: memref<100000xf32, #tpu.memory_space<vmem>>, %arg6: memref<4096xi32, #tpu.memory_space<vmem>>, %arg7: memref<4096xf32, #tpu.memory_space<vmem>>) attributes {dimension_semantics = [#tpu.dimension_semantics<core_parallel>, #tpu.dimension_semantics<subcore_parallel>], iteration_bounds = array<i64: 2, 16>, scalar_prefetch = 0 : i64, scratch_operands = 3 : i64, tpu.core_type = #tpu.core_type<sc_vector_subcore>, window_params = [{transform_indices = #map}, {transform_indices = #map}, {transform_indices = #map}]} {
    %mul3A = arith.constant 2 : i32
    %mul3A_0 = arith.muli %arg1, %mul3A : i32
    %add3A = arith.addi %mul3A_0, %arg0 : i32
    %mul3A_1 = arith.constant 26 : i32
    %mul3A_2 = arith.muli %add3A, %mul3A_1 : i32
    %add3A_3 = arith.constant 0 : i32
    %add3A_4 = arith.addi %mul3A_2, %add3A_3 : i32
    %jit3A = arith.constant 32 : i32
    %div3A = arith.divsi %add3A_4, %jit3A : i32
    %sign3A = arith.constant 0 : i32
    %sign3A_5 = arith.cmpi sgt, %add3A_4, %sign3A : i32
    %sign3A_6 = arith.extui %sign3A_5 : i1 to i32
    %sign3A_7 = arith.constant 0 : i32
    %sign3A_8 = arith.cmpi slt, %add3A_4, %sign3A_7 : i32
    %sign3A_9 = arith.extui %sign3A_8 : i1 to i32
    %sign3A_10 = arith.subi %sign3A_6, %sign3A_9 : i32
    %sign3A_11 = arith.constant 0 : i32
    %sign3A_12 = arith.cmpi sgt, %jit3A, %sign3A_11 : i32
    %sign3A_13 = arith.extui %sign3A_12 : i1 to i32
    %sign3A_14 = arith.constant 0 : i32
    %sign3A_15 = arith.cmpi slt, %jit3A, %sign3A_14 : i32
    %sign3A_16 = arith.extui %sign3A_15 : i1 to i32
    %sign3A_17 = arith.subi %sign3A_13, %sign3A_16 : i32
    %ne3A = arith.cmpi ne, %sign3A_10, %sign3A_17 : i32
    %rem3A = arith.remsi %add3A_4, %jit3A : i32
    %ne3A_18 = arith.constant 0 : i32
    %ne3A_19 = arith.cmpi ne, %rem3A, %ne3A_18 : i32
    %and3A = arith.andi %ne3A, %ne3A_19 : i1
    %sub3A = arith.constant 1 : i32
    %sub3A_20 = arith.subi %div3A, %sub3A : i32
    %select_n3A = arith.select %and3A, %sub3A_20, %div3A : i32
    "tpu.region"() ({
      %run_scoped3A = tpu.sem_alloc : memref<!tpu.dma_semaphore, #tpu.memory_space<semaphore_mem>>
      %dma_start3A = arith.constant 0 : i32
      %dma_start3A_1750 = tpu.memref_slice %arg2[%select_n3A, %dma_start3A] : memref<26x4096xi32, #tpu.memory_space<hbm>> -> memref<1x4096xi32, #tpu.memory_space<hbm>>
      %dma_start3A_1751 = tpu.memref_squeeze %dma_start3A_1750 : memref<1x4096xi32, #tpu.memory_space<hbm>> -> memref<4096xi32, #tpu.memory_space<hbm>>
      %dma_start3A_1752 = arith.constant 0 : i32
      %dma_start3A_1753 = tpu.memref_slice %arg2[%select_n3A, %dma_start3A_1752] : memref<26x4096xi32, #tpu.memory_space<hbm>> -> memref<1x4096xi32, #tpu.memory_space<hbm>>
      %dma_start3A_1754 = tpu.memref_squeeze %dma_start3A_1753 : memref<1x4096xi32, #tpu.memory_space<hbm>> -> memref<4096xi32, #tpu.memory_space<hbm>>
      tpu.enqueue_dma source(%dma_start3A_1754 : memref<4096xi32, #tpu.memory_space<hbm>>) target(%arg6 : memref<4096xi32, #tpu.memory_space<vmem>>) target_semaphore(%run_scoped3A : memref<!tpu.dma_semaphore, #tpu.memory_space<semaphore_mem>>)
      %dma_wait3A = arith.constant 0 : i32
      %dma_wait3A_1755 = tpu.memref_slice %arg2[%select_n3A, %dma_wait3A] : memref<26x4096xi32, #tpu.memory_space<hbm>> -> memref<1x4096xi32, #tpu.memory_space<hbm>>
      %dma_wait3A_1756 = tpu.memref_squeeze %dma_wait3A_1755 : memref<1x4096xi32, #tpu.memory_space<hbm>> -> memref<4096xi32, #tpu.memory_space<hbm>>
      %dma_wait3A_1757 = arith.constant 0 : i32
      %dma_wait3A_1758 = tpu.memref_slice %arg2[%select_n3A, %dma_wait3A_1757] : memref<26x4096xi32, #tpu.memory_space<hbm>> -> memref<1x4096xi32, #tpu.memory_space<hbm>>
      %dma_wait3A_1759 = tpu.memref_squeeze %dma_wait3A_1758 : memref<1x4096xi32, #tpu.memory_space<hbm>> -> memref<4096xi32, #tpu.memory_space<hbm>>
      tpu.wait_dma2 semaphore(%run_scoped3A : memref<!tpu.dma_semaphore, #tpu.memory_space<semaphore_mem>>) src(%dma_wait3A_1759 : memref<4096xi32, #tpu.memory_space<hbm>>) dst(%arg6 : memref<4096xi32, #tpu.memory_space<vmem>>)
      tpu.yield
    }) : () -> ()
    "tpu.region"() ({
      %run_scoped3A = tpu.sem_alloc : memref<!tpu.dma_semaphore, #tpu.memory_space<semaphore_mem>>
      %dma_start3A = arith.constant 0 : i32
      %dma_start3A_1750 = tpu.memref_slice %arg3[%add3A_4, %dma_start3A] : memref<832x100000xf32, #tpu.memory_space<hbm>> -> memref<1x100000xf32, #tpu.memory_space<hbm>>
      %dma_start3A_1751 = tpu.memref_squeeze %dma_start3A_1750 : memref<1x100000xf32, #tpu.memory_space<hbm>> -> memref<100000xf32, #tpu.memory_space<hbm>>
      %dma_start3A_1752 = arith.constant 0 : i32
      %dma_start3A_1753 = tpu.memref_slice %arg3[%add3A_4, %dma_start3A_1752] : memref<832x100000xf32, #tpu.memory_space<hbm>> -> memref<1x100000xf32, #tpu.memory_space<hbm>>
      %dma_start3A_1754 = tpu.memref_squeeze %dma_start3A_1753 : memref<1x100000xf32, #tpu.memory_space<hbm>> -> memref<100000xf32, #tpu.memory_space<hbm>>
      tpu.enqueue_dma source(%dma_start3A_1754 : memref<100000xf32, #tpu.memory_space<hbm>>) target(%arg5 : memref<100000xf32, #tpu.memory_space<vmem>>) target_semaphore(%run_scoped3A : memref<!tpu.dma_semaphore, #tpu.memory_space<semaphore_mem>>)
      %dma_wait3A = arith.constant 0 : i32
      %dma_wait3A_1755 = tpu.memref_slice %arg3[%add3A_4, %dma_wait3A] : memref<832x100000xf32, #tpu.memory_space<hbm>> -> memref<1x100000xf32, #tpu.memory_space<hbm>>
      %dma_wait3A_1756 = tpu.memref_squeeze %dma_wait3A_1755 : memref<1x100000xf32, #tpu.memory_space<hbm>> -> memref<100000xf32, #tpu.memory_space<hbm>>
      %dma_wait3A_1757 = arith.constant 0 : i32
      %dma_wait3A_1758 = tpu.memref_slice %arg3[%add3A_4, %dma_wait3A_1757] : memref<832x100000xf32, #tpu.memory_space<hbm>> -> memref<1x100000xf32, #tpu.memory_space<hbm>>
      %dma_wait3A_1759 = tpu.memref_squeeze %dma_wait3A_1758 : memref<1x100000xf32, #tpu.memory_space<hbm>> -> memref<100000xf32, #tpu.memory_space<hbm>>
      tpu.wait_dma2 semaphore(%run_scoped3A : memref<!tpu.dma_semaphore, #tpu.memory_space<semaphore_mem>>) src(%dma_wait3A_1759 : memref<100000xf32, #tpu.memory_space<hbm>>) dst(%arg5 : memref<100000xf32, #tpu.memory_space<vmem>>)
      tpu.yield
    }) : () -> ()
    %scan3A = arith.constant 0 : i32
    %scan3A_21 = arith.constant 0 : i32
    %scan3A_22 = arith.constant 256 : i32
    %scan3A_23 = arith.addi %scan3A_21, %scan3A_22 : i32
    %scan3A_24 = arith.constant 1 : i32
    %scan3A_25 = scf.for %scan3A_1750 = %scan3A_21 to %scan3A_23 step %scan3A_24 iter_args(%scan3A_1751 = %scan3A) -> (i32)  : i32 {
      %mul3A_1752 = arith.constant 16 : i32
      %mul3A_1753 = arith.muli %scan3A_1750, %mul3A_1752 : i32
      %get3A = arith.index_cast %mul3A_1753 : i32 to index
      %get3A_1754 = tpu.vector_load %arg6[%get3A] {strides = array<i32>} : memref<4096xi32, #tpu.memory_space<vmem>>, vector<16xi32>,
      %gather3A = tpu.vector_load_idx %arg5[%get3A_1754] : memref<100000xf32, #tpu.memory_space<vmem>>[vector<16xi32>], vector<16xf32>,
      %mul3A_1755 = arith.constant 16 : i32
      %mul3A_1756 = arith.muli %scan3A_1750, %mul3A_1755 : i32
      %swap3A = arith.index_cast %mul3A_1756 : i32 to index
      %swap3A_1757 = tpu.vector_load %arg7[%swap3A] {strides = array<i32>} : memref<4096xf32, #tpu.memory_space<vmem>>, vector<16xf32>,
      tpu.vector_store %arg7[%swap3A], %gather3A {strides = array<i32>} : memref<4096xf32, #tpu.memory_space<vmem>>, vector<16xf32>,
      %scan3A_1758 = arith.constant 0 : i32
      scf.yield %scan3A_1758 : i32
    }
    %scan3A_26 = arith.constant 256 : i32
    "tpu.region"() ({
      %run_scoped3A = tpu.sem_alloc : memref<!tpu.dma_semaphore, #tpu.memory_space<semaphore_mem>>
      %dma_start3A = arith.constant 0 : i32
      %dma_start3A_1750 = tpu.memref_slice %arg4[%add3A_4, %dma_start3A] : memref<832x4096xf32, #tpu.memory_space<hbm>> -> memref<1x4096xf32, #tpu.memory_space<hbm>>
      %dma_start3A_1751 = tpu.memref_squeeze %dma_start3A_1750 : memref<1x4096xf32, #tpu.memory_space<hbm>> -> memref<4096xf32, #tpu.memory_space<hbm>>
      %dma_start3A_1752 = arith.constant 0 : i32
      %dma_start3A_1753 = tpu.memref_slice %arg4[%add3A_4, %dma_start3A_1752] : memref<832x4096xf32, #tpu.memory_space<hbm>> -> memref<1x4096xf32, #tpu.memory_space<hbm>>
      %dma_start3A_1754 = tpu.memref_squeeze %dma_start3A_1753 : memref<1x4096xf32, #tpu.memory_space<hbm>> -> memref<4096xf32, #tpu.memory_space<hbm>>
      tpu.enqueue_dma source(%arg7 : memref<4096xf32, #tpu.memory_space<vmem>>) target(%dma_start3A_1754 : memref<4096xf32, #tpu.memory_space<hbm>>) target_semaphore(%run_scoped3A : memref<!tpu.dma_semaphore, #tpu.memory_space<semaphore_mem>>)
      %dma_wait3A = arith.constant 0 : i32
      %dma_wait3A_1755 = tpu.memref_slice %arg4[%add3A_4, %dma_wait3A] : memref<832x4096xf32, #tpu.memory_space<hbm>> -> memref<1x4096xf32, #tpu.memory_space<hbm>>
      %dma_wait3A_1756 = tpu.memref_squeeze %dma_wait3A_1755 : memref<1x4096xf32, #tpu.memory_space<hbm>> -> memref<4096xf32, #tpu.memory_space<hbm>>
      %dma_wait3A_1757 = arith.constant 0 : i32
      %dma_wait3A_1758 = tpu.memref_slice %arg4[%add3A_4, %dma_wait3A_1757] : memref<832x4096xf32, #tpu.memory_space<hbm>> -> memref<1x4096xf32, #tpu.memory_space<hbm>>
      %dma_wait3A_1759 = tpu.memref_squeeze %dma_wait3A_1758 : memref<1x4096xf32, #tpu.memory_space<hbm>> -> memref<4096xf32, #tpu.memory_space<hbm>>
      tpu.wait_dma2 semaphore(%run_scoped3A : memref<!tpu.dma_semaphore, #tpu.memory_space<semaphore_mem>>) src(%arg7 : memref<4096xf32, #tpu.memory_space<vmem>>) dst(%dma_wait3A_1759 : memref<4096xf32, #tpu.memory_space<hbm>>)
      tpu.yield
    }) : () -> ()
    %mul3A_27 = arith.constant 26 : i32
    %mul3A_28 = arith.muli %add3A, %mul3A_27 : i32
    %add3A_29 = arith.constant 1 : i32
    %add3A_30 = arith.addi %mul3A_28, %add3A_29 : i32
    %jit3A_31 = arith.constant 32 : i32
    %div3A_32 = arith.divsi %add3A_30, %jit3A_31 : i32
    %sign3A_33 = arith.constant 0 : i32
    %sign3A_34 = arith.cmpi sgt, %add3A_30, %sign3A_33 : i32
    %sign3A_35 = arith.extui %sign3A_34 : i1 to i32
    %sign3A_36 = arith.constant 0 : i32
    %sign3A_37 = arith.cmpi slt, %add3A_30, %sign3A_36 : i32
    %sign3A_38 = arith.extui %sign3A_37 : i1 to i32
    %sign3A_39 = arith.subi %sign3A_35, %sign3A_38 : i32
    %sign3A_40 = arith.constant 0 : i32
    %sign3A_41 = arith.cmpi sgt, %jit3A_31, %sign3A_40 : i32
    %sign3A_42 = arith.extui %sign3A_41 : i1 to i32
    %sign3A_43 = arith.constant 0 : i32
    %sign3A_44 = arith.cmpi slt, %jit3A_31, %sign3A_43 : i32
    %sign3A_45 = arith.extui %sign3A_44 : i1 to i32
    %sign3A_46 = arith.subi %sign3A_42, %sign3A_45 : i32
    %ne3A_47 = arith.cmpi ne, %sign3A_39, %sign3A_46 : i32
    %rem3A_48 = arith.remsi %add3A_30, %jit3A_31 : i32
    %ne3A_49 = arith.constant 0 : i32
    %ne3A_50 = arith.cmpi ne, %rem3A_48, %ne3A_49 : i32
    %and3A_51 = arith.andi %ne3A_47, %ne3A_50 : i1
    %sub3A_52 = arith.constant 1 : i32
    %sub3A_53 = arith.subi %div3A_32, %sub3A_52 : i32
    %select_n3A_54 = arith.select %and3A_51, %sub3A_53, %div3A_32 : i32
    %mul3A_55 = arith.constant 26 : i32
    %mul3A_56 = arith.muli %add3A, %mul3A_55 : i32
    %add3A_57 = arith.constant 1 : i32
    %add3A_58 = arith.addi %mul3A_56, %add3A_57 : i32
    %sub3A_59 = arith.constant 1 : i32
    %sub3A_60 = arith.subi %add3A_58, %sub3A_59 : i32
    %jit3A_61 = arith.constant 32 : i32
    %div3A_62 = arith.divsi %sub3A_60, %jit3A_61 : i32
    %sign3A_63 = arith.constant 0 : i32
    %sign3A_64 = arith.cmpi sgt, %sub3A_60, %sign3A_63 : i32
    %sign3A_65 = arith.extui %sign3A_64 : i1 to i32
    %sign3A_66 = arith.constant 0 : i32
    %sign3A_67 = arith.cmpi slt, %sub3A_60, %sign3A_66 : i32
    %sign3A_68 = arith.extui %sign3A_67 : i1 to i32
    %sign3A_69 = arith.subi %sign3A_65, %sign3A_68 : i32
    %sign3A_70 = arith.constant 0 : i32
    %sign3A_71 = arith.cmpi sgt, %jit3A_61, %sign3A_70 : i32
    %sign3A_72 = arith.extui %sign3A_71 : i1 to i32
    %sign3A_73 = arith.constant 0 : i32
    %sign3A_74 = arith.cmpi slt, %jit3A_61, %sign3A_73 : i32
    %sign3A_75 = arith.extui %sign3A_74 : i1 to i32
    %sign3A_76 = arith.subi %sign3A_72, %sign3A_75 : i32
    %ne3A_77 = arith.cmpi ne, %sign3A_69, %sign3A_76 : i32
    %rem3A_78 = arith.remsi %sub3A_60, %jit3A_61 : i32
    %ne3A_79 = arith.constant 0 : i32
    %ne3A_80 = arith.cmpi ne, %rem3A_78, %ne3A_79 : i32
    %and3A_81 = arith.andi %ne3A_77, %ne3A_80 : i1
    %sub3A_82 = arith.constant 1 : i32
    %sub3A_83 = arith.subi %div3A_62, %sub3A_82 : i32
    %select_n3A_84 = arith.select %and3A_81, %sub3A_83, %div3A_62 : i32
    %ne3A_85 = arith.cmpi ne, %select_n3A_54, %select_n3A_84 : i32
    %convert_element_type3A = arith.extui %ne3A_85 : i1 to i32
    %cond3A = arith.constant 0 : i32
    %cond3A_86 = arith.cmpi ne, %convert_element_type3A, %cond3A : i32
    scf.if %cond3A_86 {
      "tpu.region"() ({
        %run_scoped3A = tpu.sem_alloc : memref<!tpu.dma_semaphore, #tpu.memory_space<semaphore_mem>>
        %dma_start3A = arith.constant 0 : i32
        %dma_start3A_1750 = tpu.memref_slice %arg2[%select_n3A_54, %dma_start3A] : memref<26x4096xi32, #tpu.memory_space<hbm>> -> memref<1x4096xi32, #tpu.memory_space<hbm>>
        %dma_start3A_1751 = tpu.memref_squeeze %dma_start3A_1750 : memref<1x4096xi32, #tpu.memory_space<hbm>> -> memref<4096xi32, #tpu.memory_space<hbm>>
        %dma_start3A_1752 = arith.constant 0 : i32
        %dma_start3A_1753 = tpu.memref_slice %arg2[%select_n3A_54, %dma_start3A_1752] : memref<26x4096xi32, #tpu.memory_space<hbm>> -> memref<1x4096xi32, #tpu.memory_space<hbm>>
        %dma_start3A_1754 = tpu.memref_squeeze %dma_start3A_1753 : memref<1x4096xi32, #tpu.memory_space<hbm>> -> memref<4096xi32, #tpu.memory_space<hbm>>
        tpu.enqueue_dma source(%dma_start3A_1754 : memref<4096xi32, #tpu.memory_space<hbm>>) target(%arg6 : memref<4096xi32, #tpu.memory_space<vmem>>) target_semaphore(%run_scoped3A : memref<!tpu.dma_semaphore, #tpu.memory_space<semaphore_mem>>)
        %dma_wait3A = arith.constant 0 : i32
        %dma_wait3A_1755 = tpu.memref_slice %arg2[%select_n3A_54, %dma_wait3A] : memref<26x4096xi32, #tpu.memory_space<hbm>> -> memref<1x4096xi32, #tpu.memory_space<hbm>>
        %dma_wait3A_1756 = tpu.memref_squeeze %dma_wait3A_1755 : memref<1x4096xi32, #tpu.memory_space<hbm>> -> memref<4096xi32, #tpu.memory_space<hbm>>
        %dma_wait3A_1757 = arith.constant 0 : i32
        %dma_wait3A_1758 = tpu.memref_slice %arg2[%select_n3A_54, %dma_wait3A_1757] : memref<26x4096xi32, #tpu.memory_space<hbm>> -> memref<1x4096xi32, #tpu.memory_space<hbm>>
        %dma_wait3A_1759 = tpu.memref_squeeze %dma_wait3A_1758 : memref<1x4096xi32, #tpu.memory_space<hbm>> -> memref<4096xi32, #tpu.memory_space<hbm>>
        tpu.wait_dma2 semaphore(%run_scoped3A : memref<!tpu.dma_semaphore, #tpu.memory_space<semaphore_mem>>) src(%dma_wait3A_1759 : memref<4096xi32, #tpu.memory_space<hbm>>) dst(%arg6 : memref<4096xi32, #tpu.memory_space<vmem>>)
        tpu.yield
      }) : () -> ()
    } else {
    }
    "tpu.region"() ({
      %run_scoped3A = tpu.sem_alloc : memref<!tpu.dma_semaphore, #tpu.memory_space<semaphore_mem>>
      %dma_start3A = arith.constant 0 : i32
      %dma_start3A_1750 = tpu.memref_slice %arg3[%add3A_30, %dma_start3A] : memref<832x100000xf32, #tpu.memory_space<hbm>> -> memref<1x100000xf32, #tpu.memory_space<hbm>>
      %dma_start3A_1751 = tpu.memref_squeeze %dma_start3A_1750 : memref<1x100000xf32, #tpu.memory_space<hbm>> -> memref<100000xf32, #tpu.memory_space<hbm>>
      %dma_start3A_1752 = arith.constant 0 : i32
      %dma_start3A_1753 = tpu.memref_slice %arg3[%add3A_30, %dma_start3A_1752] : memref<832x100000xf32, #tpu.memory_space<hbm>> -> memref<1x100000xf32, #tpu.memory_space<hbm>>
      %dma_start3A_1754 = tpu.memref_squeeze %dma_start3A_1753 : memref<1x100000xf32, #tpu.memory_space<hbm>> -> memref<100000xf32, #tpu.memory_space<hbm>>
      tpu.enqueue_dma source(%dma_start3A_1754 : memref<100000xf32, #tpu.memory_space<hbm>>) target(%arg5 : memref<100000xf32, #tpu.memory_space<vmem>>) target_semaphore(%run_scoped3A : memref<!tpu.dma_semaphore, #tpu.memory_space<semaphore_mem>>)
      %dma_wait3A = arith.constant 0 : i32
      %dma_wait3A_1755 = tpu.memref_slice %arg3[%add3A_30, %dma_wait3A] : memref<832x100000xf32, #tpu.memory_space<hbm>> -> memref<1x100000xf32, #tpu.memory_space<hbm>>
      %dma_wait3A_1756 = tpu.memref_squeeze %dma_wait3A_1755 : memref<1x100000xf32, #tpu.memory_space<hbm>> -> memref<100000xf32, #tpu.memory_space<hbm>>
      %dma_wait3A_1757 = arith.constant 0 : i32
      %dma_wait3A_1758 = tpu.memref_slice %arg3[%add3A_30, %dma_wait3A_1757] : memref<832x100000xf32, #tpu.memory_space<hbm>> -> memref<1x100000xf32, #tpu.memory_space<hbm>>
      %dma_wait3A_1759 = tpu.memref_squeeze %dma_wait3A_1758 : memref<1x100000xf32, #tpu.memory_space<hbm>> -> memref<100000xf32, #tpu.memory_space<hbm>>
      tpu.wait_dma2 semaphore(%run_scoped3A : memref<!tpu.dma_semaphore, #tpu.memory_space<semaphore_mem>>) src(%dma_wait3A_1759 : memref<100000xf32, #tpu.memory_space<hbm>>) dst(%arg5 : memref<100000xf32, #tpu.memory_space<vmem>>)
      tpu.yield
    }) : () -> ()
    %scan3A_87 = arith.constant 0 : i32
    %scan3A_88 = arith.constant 0 : i32
    %scan3A_89 = arith.constant 256 : i32
    %scan3A_90 = arith.addi %scan3A_88, %scan3A_89 : i32
    %scan3A_91 = arith.constant 1 : i32
    %scan3A_92 = scf.for %scan3A_1750 = %scan3A_88 to %scan3A_90 step %scan3A_91 iter_args(%scan3A_1751 = %scan3A_87) -> (i32)  : i32 {
      %mul3A_1752 = arith.constant 16 : i32
      %mul3A_1753 = arith.muli %scan3A_1750, %mul3A_1752 : i32
      %get3A = arith.index_cast %mul3A_1753 : i32 to index
      %get3A_1754 = tpu.vector_load %arg6[%get3A] {strides = array<i32>} : memref<4096xi32, #tpu.memory_space<vmem>>, vector<16xi32>,
      %gather3A = tpu.vector_load_idx %arg5[%get3A_1754] : memref<100000xf32, #tpu.memory_space<vmem>>[vector<16xi32>], vector<16xf32>,
      %mul3A_1755 = arith.constant 16 : i32
      %mul3A_1756 = arith.muli %scan3A_1750, %mul3A_1755 : i32
      %swap3A = arith.index_cast %mul3A_1756 : i32 to index
      %swap3A_1757 = tpu.vector_load %arg7[%swap3A] {strides = array<i32>} : memref<4096xf32, #tpu.memory_space<vmem>>, vector<16xf32>,
      tpu.vector_store %arg7[%swap3A], %gather3A {strides = array<i32>} : memref<4096xf32, #tpu.memory_space<vmem>>, vector<16xf32>,
      %scan3A_1758 = arith.constant 0 : i32
      scf.yield %scan3A_1758 : i32
    }
    %scan3A_93 = arith.constant 256 : i32
    "tpu.region"() ({
      %run_scoped3A = tpu.sem_alloc : memref<!tpu.dma_semaphore, #tpu.memory_space<semaphore_mem>>
      %dma_start3A = arith.constant 0 : i32
      %dma_start3A_1750 = tpu.memref_slice %arg4[%add3A_30, %dma_start3A] : memref<832x4096xf32, #tpu.memory_space<hbm>> -> memref<1x4096xf32, #tpu.memory_space<hbm>>
      %dma_start3A_1751 = tpu.memref_squeeze %dma_start3A_1750 : memref<1x4096xf32, #tpu.memory_space<hbm>> -> memref<4096xf32, #tpu.memory_space<hbm>>
      %dma_start3A_1752 = arith.constant 0 : i32
      %dma_start3A_1753 = tpu.memref_slice %arg4[%add3A_30, %dma_start3A_1752] : memref<832x4096xf32, #tpu.memory_space<hbm>> -> memref<1x4096xf32, #tpu.memory_space<hbm>>
      %dma_start3A_1754 = tpu.memref_squeeze %dma_start3A_1753 : memref<1x4096xf32, #tpu.memory_space<hbm>> -> memref<4096xf32, #tpu.memory_space<hbm>>
      tpu.enqueue_dma source(%arg7 : memref<4096xf32, #tpu.memory_space<vmem>>) target(%dma_start3A_1754 : memref<4096xf32, #tpu.memory_space<hbm>>) target_semaphore(%run_scoped3A : memref<!tpu.dma_semaphore, #tpu.memory_space<semaphore_mem>>)
      %dma_wait3A = arith.constant 0 : i32
      %dma_wait3A_1755 = tpu.memref_slice %arg4[%add3A_30, %dma_wait3A] : memref<832x4096xf32, #tpu.memory_space<hbm>> -> memref<1x4096xf32, #tpu.memory_space<hbm>>
      %dma_wait3A_1756 = tpu.memref_squeeze %dma_wait3A_1755 : memref<1x4096xf32, #tpu.memory_space<hbm>> -> memref<4096xf32, #tpu.memory_space<hbm>>
      %dma_wait3A_1757 = arith.constant 0 : i32
      %dma_wait3A_1758 = tpu.memref_slice %arg4[%add3A_30, %dma_wait3A_1757] : memref<832x4096xf32, #tpu.memory_space<hbm>> -> memref<1x4096xf32, #tpu.memory_space<hbm>>
      %dma_wait3A_1759 = tpu.memref_squeeze %dma_wait3A_1758 : memref<1x4096xf32, #tpu.memory_space<hbm>> -> memref<4096xf32, #tpu.memory_space<hbm>>
      tpu.wait_dma2 semaphore(%run_scoped3A : memref<!tpu.dma_semaphore, #tpu.memory_space<semaphore_mem>>) src(%arg7 : memref<4096xf32, #tpu.memory_space<vmem>>) dst(%dma_wait3A_1759 : memref<4096xf32, #tpu.memory_space<hbm>>)
      tpu.yield
    }) : () -> ()
    %mul3A_94 = arith.constant 26 : i32
    %mul3A_95 = arith.muli %add3A, %mul3A_94 : i32
    %add3A_96 = arith.constant 2 : i32
    %add3A_97 = arith.addi %mul3A_95, %add3A_96 : i32
    %jit3A_98 = arith.constant 32 : i32
    %div3A_99 = arith.divsi %add3A_97, %jit3A_98 : i32
    %sign3A_100 = arith.constant 0 : i32
    %sign3A_101 = arith.cmpi sgt, %add3A_97, %sign3A_100 : i32
    %sign3A_102 = arith.extui %sign3A_101 : i1 to i32
    %sign3A_103 = arith.constant 0 : i32
    %sign3A_104 = arith.cmpi slt, %add3A_97, %sign3A_103 : i32
    %sign3A_105 = arith.extui %sign3A_104 : i1 to i32
    %sign3A_106 = arith.subi %sign3A_102, %sign3A_105 : i32
    %sign3A_107 = arith.constant 0 : i32
    %sign3A_108 = arith.cmpi sgt, %jit3A_98, %sign3A_107 : i32
    %sign3A_109 = arith.extui %sign3A_108 : i1 to i32
    %sign3A_110 = arith.constant 0 : i32
    %sign3A_111 = arith.cmpi slt, %jit3A_98, %sign3A_110 : i32
    %sign3A_112 = arith.extui %sign3A_111 : i1 to i32
    %sign3A_113 = arith.subi %sign3A_109, %sign3A_112 : i32
    %ne3A_114 = arith.cmpi ne, %sign3A_106, %sign3A_113 : i32
    %rem3A_115 = arith.remsi %add3A_97, %jit3A_98 : i32
    %ne3A_116 = arith.constant 0 : i32
    %ne3A_117 = arith.cmpi ne, %rem3A_115, %ne3A_116 : i32
    %and3A_118 = arith.andi %ne3A_114, %ne3A_117 : i1
    %sub3A_119 = arith.constant 1 : i32
    %sub3A_120 = arith.subi %div3A_99, %sub3A_119 : i32
    %select_n3A_121 = arith.select %and3A_118, %sub3A_120, %div3A_99 : i32
    %mul3A_122 = arith.constant 26 : i32
    %mul3A_123 = arith.muli %add3A, %mul3A_122 : i32
    %add3A_124 = arith.constant 2 : i32
    %add3A_125 = arith.addi %mul3A_123, %add3A_124 : i32
    %sub3A_126 = arith.constant 1 : i32
    %sub3A_127 = arith.subi %add3A_125, %sub3A_126 : i32
    %jit3A_128 = arith.constant 32 : i32
    %div3A_129 = arith.divsi %sub3A_127, %jit3A_128 : i32
    %sign3A_130 = arith.constant 0 : i32
    %sign3A_131 = arith.cmpi sgt, %sub3A_127, %sign3A_130 : i32
    %sign3A_132 = arith.extui %sign3A_131 : i1 to i32
    %sign3A_133 = arith.constant 0 : i32
    %sign3A_134 = arith.cmpi slt, %sub3A_127, %sign3A_133 : i32
    %sign3A_135 = arith.extui %sign3A_134 : i1 to i32
    %sign3A_136 = arith.subi %sign3A_132, %sign3A_135 : i32
    %sign3A_137 = arith.constant 0 : i32
    %sign3A_138 = arith.cmpi sgt, %jit3A_128, %sign3A_137 : i32
    %sign3A_139 = arith.extui %sign3A_138 : i1 to i32
    %sign3A_140 = arith.constant 0 : i32
    %sign3A_141 = arith.cmpi slt, %jit3A_128, %sign3A_140 : i32
    %sign3A_142 = arith.extui %sign3A_141 : i1 to i32
    %sign3A_143 = arith.subi %sign3A_139, %sign3A_142 : i32
    %ne3A_144 = arith.cmpi ne, %sign3A_136, %sign3A_143 : i32
    %rem3A_145 = arith.remsi %sub3A_127, %jit3A_128 : i32
    %ne3A_146 = arith.constant 0 : i32
    %ne3A_147 = arith.cmpi ne, %rem3A_145, %ne3A_146 : i32
    %and3A_148 = arith.andi %ne3A_144, %ne3A_147 : i1
    %sub3A_149 = arith.constant 1 : i32
    %sub3A_150 = arith.subi %div3A_129, %sub3A_149 : i32
    %select_n3A_151 = arith.select %and3A_148, %sub3A_150, %div3A_129 : i32
    %ne3A_152 = arith.cmpi ne, %select_n3A_121, %select_n3A_151 : i32
    %convert_element_type3A_153 = arith.extui %ne3A_152 : i1 to i32
    %cond3A_154 = arith.constant 0 : i32
    %cond3A_155 = arith.cmpi ne, %convert_element_type3A_153, %cond3A_154 : i32
    scf.if %cond3A_155 {
      "tpu.region"() ({
        %run_scoped3A = tpu.sem_alloc : memref<!tpu.dma_semaphore, #tpu.memory_space<semaphore_mem>>
        %dma_start3A = arith.constant 0 : i32
        %dma_start3A_1750 = tpu.memref_slice %arg2[%select_n3A_121, %dma_start3A] : memref<26x4096xi32, #tpu.memory_space<hbm>> -> memref<1x4096xi32, #tpu.memory_space<hbm>>
        %dma_start3A_1751 = tpu.memref_squeeze %dma_start3A_1750 : memref<1x4096xi32, #tpu.memory_space<hbm>> -> memref<4096xi32, #tpu.memory_space<hbm>>
        %dma_start3A_1752 = arith.constant 0 : i32
        %dma_start3A_1753 = tpu.memref_slice %arg2[%select_n3A_121, %dma_start3A_1752] : memref<26x4096xi32, #tpu.memory_space<hbm>> -> memref<1x4096xi32, #tpu.memory_space<hbm>>
        %dma_start3A_1754 = tpu.memref_squeeze %dma_start3A_1753 : memref<1x4096xi32, #tpu.memory_space<hbm>> -> memref<4096xi32, #tpu.memory_space<hbm>>
        tpu.enqueue_dma source(%dma_start3A_1754 : memref<4096xi32, #tpu.memory_space<hbm>>) target(%arg6 : memref<4096xi32, #tpu.memory_space<vmem>>) target_semaphore(%run_scoped3A : memref<!tpu.dma_semaphore, #tpu.memory_space<semaphore_mem>>)
        %dma_wait3A = arith.constant 0 : i32
        %dma_wait3A_1755 = tpu.memref_slice %arg2[%select_n3A_121, %dma_wait3A] : memref<26x4096xi32, #tpu.memory_space<hbm>> -> memref<1x4096xi32, #tpu.memory_space<hbm>>
        %dma_wait3A_1756 = tpu.memref_squeeze %dma_wait3A_1755 : memref<1x4096xi32, #tpu.memory_space<hbm>> -> memref<4096xi32, #tpu.memory_space<hbm>>
        %dma_wait3A_1757 = arith.constant 0 : i32
        %dma_wait3A_1758 = tpu.memref_slice %arg2[%select_n3A_121, %dma_wait3A_1757] : memref<26x4096xi32, #tpu.memory_space<hbm>> -> memref<1x4096xi32, #tpu.memory_space<hbm>>
        %dma_wait3A_1759 = tpu.memref_squeeze %dma_wait3A_1758 : memref<1x4096xi32, #tpu.memory_space<hbm>> -> memref<4096xi32, #tpu.memory_space<hbm>>
        tpu.wait_dma2 semaphore(%run_scoped3A : memref<!tpu.dma_semaphore, #tpu.memory_space<semaphore_mem>>) src(%dma_wait3A_1759 : memref<4096xi32, #tpu.memory_space<hbm>>) dst(%arg6 : memref<4096xi32, #tpu.memory_space<vmem>>)
        tpu.yield
      }) : () -> ()
    } else {
    }
    "tpu.region"() ({
      %run_scoped3A = tpu.sem_alloc : memref<!tpu.dma_semaphore, #tpu.memory_space<semaphore_mem>>
      %dma_start3A = arith.constant 0 : i32
      %dma_start3A_1750 = tpu.memref_slice %arg3[%add3A_97, %dma_start3A] : memref<832x100000xf32, #tpu.memory_space<hbm>> -> memref<1x100000xf32, #tpu.memory_space<hbm>>
      %dma_start3A_1751 = tpu.memref_squeeze %dma_start3A_1750 : memref<1x100000xf32, #tpu.memory_space<hbm>> -> memref<100000xf32, #tpu.memory_space<hbm>>
      %dma_start3A_1752 = arith.constant 0 : i32
      %dma_start3A_1753 = tpu.memref_slice %arg3[%add3A_97, %dma_start3A_1752] : memref<832x100000xf32, #tpu.memory_space<hbm>> -> memref<1x100000xf32, #tpu.memory_space<hbm>>
      %dma_start3A_1754 = tpu.memref_squeeze %dma_start3A_1753 : memref<1x100000xf32, #tpu.memory_space<hbm>> -> memref<100000xf32, #tpu.memory_space<hbm>>
      tpu.enqueue_dma source(%dma_start3A_1754 : memref<100000xf32, #tpu.memory_space<hbm>>) target(%arg5 : memref<100000xf32, #tpu.memory_space<vmem>>) target_semaphore(%run_scoped3A : memref<!tpu.dma_semaphore, #tpu.memory_space<semaphore_mem>>)
      %dma_wait3A = arith.constant 0 : i32
      %dma_wait3A_1755 = tpu.memref_slice %arg3[%add3A_97, %dma_wait3A] : memref<832x100000xf32, #tpu.memory_space<hbm>> -> memref<1x100000xf32, #tpu.memory_space<hbm>>
      %dma_wait3A_1756 = tpu.memref_squeeze %dma_wait3A_1755 : memref<1x100000xf32, #tpu.memory_space<hbm>> -> memref<100000xf32, #tpu.memory_space<hbm>>
      %dma_wait3A_1757 = arith.constant 0 : i32
      %dma_wait3A_1758 = tpu.memref_slice %arg3[%add3A_97, %dma_wait3A_1757] : memref<832x100000xf32, #tpu.memory_space<hbm>> -> memref<1x100000xf32, #tpu.memory_space<hbm>>
      %dma_wait3A_1759 = tpu.memref_squeeze %dma_wait3A_1758 : memref<1x100000xf32, #tpu.memory_space<hbm>> -> memref<100000xf32, #tpu.memory_space<hbm>>
      tpu.wait_dma2 semaphore(%run_scoped3A : memref<!tpu.dma_semaphore, #tpu.memory_space<semaphore_mem>>) src(%dma_wait3A_1759 : memref<100000xf32, #tpu.memory_space<hbm>>) dst(%arg5 : memref<100000xf32, #tpu.memory_space<vmem>>)
      tpu.yield
    }) : () -> ()
    %scan3A_156 = arith.constant 0 : i32
    %scan3A_157 = arith.constant 0 : i32
    %scan3A_158 = arith.constant 256 : i32
    %scan3A_159 = arith.addi %scan3A_157, %scan3A_158 : i32
    %scan3A_160 = arith.constant 1 : i32
    %scan3A_161 = scf.for %scan3A_1750 = %scan3A_157 to %scan3A_159 step %scan3A_160 iter_args(%scan3A_1751 = %scan3A_156) -> (i32)  : i32 {
      %mul3A_1752 = arith.constant 16 : i32
      %mul3A_1753 = arith.muli %scan3A_1750, %mul3A_1752 : i32
      %get3A = arith.index_cast %mul3A_1753 : i32 to index
      %get3A_1754 = tpu.vector_load %arg6[%get3A] {strides = array<i32>} : memref<4096xi32, #tpu.memory_space<vmem>>, vector<16xi32>,
      %gather3A = tpu.vector_load_idx %arg5[%get3A_1754] : memref<100000xf32, #tpu.memory_space<vmem>>[vector<16xi32>], vector<16xf32>,
      %mul3A_1755 = arith.constant 16 : i32
      %mul3A_1756 = arith.muli %scan3A_1750, %mul3A_1755 : i32
      %swap3A = arith.index_cast %mul3A_1756 : i32 to index
      %swap3A_1757 = tpu.vector_load %arg7[%swap3A] {strides = array<i32>} : memref<4096xf32, #tpu.memory_space<vmem>>, vector<16xf32>,
      tpu.vector_store %arg7[%swap3A], %gather3A {strides = array<i32>} : memref<4096xf32, #tpu.memory_space<vmem>>, vector<16xf32>,
      %scan3A_1758 = arith.constant 0 : i32
      scf.yield %scan3A_1758 : i32
    }
    %scan3A_162 = arith.constant 256 : i32
    "tpu.region"() ({
      %run_scoped3A = tpu.sem_alloc : memref<!tpu.dma_semaphore, #tpu.memory_space<semaphore_mem>>
      %dma_start3A = arith.constant 0 : i32
      %dma_start3A_1750 = tpu.memref_slice %arg4[%add3A_97, %dma_start3A] : memref<832x4096xf32, #tpu.memory_space<hbm>> -> memref<1x4096xf32, #tpu.memory_space<hbm>>
      %dma_start3A_1751 = tpu.memref_squeeze %dma_start3A_1750 : memref<1x4096xf32, #tpu.memory_space<hbm>> -> memref<4096xf32, #tpu.memory_space<hbm>>
      %dma_start3A_1752 = arith.constant 0 : i32
      %dma_start3A_1753 = tpu.memref_slice %arg4[%add3A_97, %dma_start3A_1752] : memref<832x4096xf32, #tpu.memory_space<hbm>> -> memref<1x4096xf32, #tpu.memory_space<hbm>>
      %dma_start3A_1754 = tpu.memref_squeeze %dma_start3A_1753 : memref<1x4096xf32, #tpu.memory_space<hbm>> -> memref<4096xf32, #tpu.memory_space<hbm>>
      tpu.enqueue_dma source(%arg7 : memref<4096xf32, #tpu.memory_space<vmem>>) target(%dma_start3A_1754 : memref<4096xf32, #tpu.memory_space<hbm>>) target_semaphore(%run_scoped3A : memref<!tpu.dma_semaphore, #tpu.memory_space<semaphore_mem>>)
      %dma_wait3A = arith.constant 0 : i32
      %dma_wait3A_1755 = tpu.memref_slice %arg4[%add3A_97, %dma_wait3A] : memref<832x4096xf32, #tpu.memory_space<hbm>> -> memref<1x4096xf32, #tpu.memory_space<hbm>>
      %dma_wait3A_1756 = tpu.memref_squeeze %dma_wait3A_1755 : memref<1x4096xf32, #tpu.memory_space<hbm>> -> memref<4096xf32, #tpu.memory_space<hbm>>
      %dma_wait3A_1757 = arith.constant 0 : i32
      %dma_wait3A_1758 = tpu.memref_slice %arg4[%add3A_97, %dma_wait3A_1757] : memref<832x4096xf32, #tpu.memory_space<hbm>> -> memref<1x4096xf32, #tpu.memory_space<hbm>>
      %dma_wait3A_1759 = tpu.memref_squeeze %dma_wait3A_1758 : memref<1x4096xf32, #tpu.memory_space<hbm>> -> memref<4096xf32, #tpu.memory_space<hbm>>
      tpu.wait_dma2 semaphore(%run_scoped3A : memref<!tpu.dma_semaphore, #tpu.memory_space<semaphore_mem>>) src(%arg7 : memref<4096xf32, #tpu.memory_space<vmem>>) dst(%dma_wait3A_1759 : memref<4096xf32, #tpu.memory_space<hbm>>)
      tpu.yield
    }) : () -> ()
    %mul3A_163 = arith.constant 26 : i32
    %mul3A_164 = arith.muli %add3A, %mul3A_163 : i32
    %add3A_165 = arith.constant 3 : i32
    %add3A_166 = arith.addi %mul3A_164, %add3A_165 : i32
    %jit3A_167 = arith.constant 32 : i32
    %div3A_168 = arith.divsi %add3A_166, %jit3A_167 : i32
    %sign3A_169 = arith.constant 0 : i32
    %sign3A_170 = arith.cmpi sgt, %add3A_166, %sign3A_169 : i32
    %sign3A_171 = arith.extui %sign3A_170 : i1 to i32
    %sign3A_172 = arith.constant 0 : i32
    %sign3A_173 = arith.cmpi slt, %add3A_166, %sign3A_172 : i32
    %sign3A_174 = arith.extui %sign3A_173 : i1 to i32
    %sign3A_175 = arith.subi %sign3A_171, %sign3A_174 : i32
    %sign3A_176 = arith.constant 0 : i32
    %sign3A_177 = arith.cmpi sgt, %jit3A_167, %sign3A_176 : i32
    %sign3A_178 = arith.extui %sign3A_177 : i1 to i32
    %sign3A_179 = arith.constant 0 : i32
    %sign3A_180 = arith.cmpi slt, %jit3A_167, %sign3A_179 : i32
    %sign3A_181 = arith.extui %sign3A_180 : i1 to i32
    %sign3A_182 = arith.subi %sign3A_178, %sign3A_181 : i32
    %ne3A_183 = arith.cmpi ne, %sign3A_175, %sign3A_182 : i32
    %rem3A_184 = arith.remsi %add3A_166, %jit3A_167 : i32
    %ne3A_185 = arith.constant 0 : i32
    %ne3A_186 = arith.cmpi ne, %rem3A_184, %ne3A_185 : i32
    %and3A_187 = arith.andi %ne3A_183, %ne3A_186 : i1
    %sub3A_188 = arith.constant 1 : i32
    %sub3A_189 = arith.subi %div3A_168, %sub3A_188 : i32
    %select_n3A_190 = arith.select %and3A_187, %sub3A_189, %div3A_168 : i32
    %mul3A_191 = arith.constant 26 : i32
    %mul3A_192 = arith.muli %add3A, %mul3A_191 : i32
    %add3A_193 = arith.constant 3 : i32
    %add3A_194 = arith.addi %mul3A_192, %add3A_193 : i32
    %sub3A_195 = arith.constant 1 : i32
    %sub3A_196 = arith.subi %add3A_194, %sub3A_195 : i32
    %jit3A_197 = arith.constant 32 : i32
    %div3A_198 = arith.divsi %sub3A_196, %jit3A_197 : i32
    %sign3A_199 = arith.constant 0 : i32
    %sign3A_200 = arith.cmpi sgt, %sub3A_196, %sign3A_199 : i32
    %sign3A_201 = arith.extui %sign3A_200 : i1 to i32
    %sign3A_202 = arith.constant 0 : i32
    %sign3A_203 = arith.cmpi slt, %sub3A_196, %sign3A_202 : i32
    %sign3A_204 = arith.extui %sign3A_203 : i1 to i32
    %sign3A_205 = arith.subi %sign3A_201, %sign3A_204 : i32
    %sign3A_206 = arith.constant 0 : i32
    %sign3A_207 = arith.cmpi sgt, %jit3A_197, %sign3A_206 : i32
    %sign3A_208 = arith.extui %sign3A_207 : i1 to i32
    %sign3A_209 = arith.constant 0 : i32
    %sign3A_210 = arith.cmpi slt, %jit3A_197, %sign3A_209 : i32
    %sign3A_211 = arith.extui %sign3A_210 : i1 to i32
    %sign3A_212 = arith.subi %sign3A_208, %sign3A_211 : i32
    %ne3A_213 = arith.cmpi ne, %sign3A_205, %sign3A_212 : i32
    %rem3A_214 = arith.remsi %sub3A_196, %jit3A_197 : i32
    %ne3A_215 = arith.constant 0 : i32
    %ne3A_216 = arith.cmpi ne, %rem3A_214, %ne3A_215 : i32
    %and3A_217 = arith.andi %ne3A_213, %ne3A_216 : i1
    %sub3A_218 = arith.constant 1 : i32
    %sub3A_219 = arith.subi %div3A_198, %sub3A_218 : i32
    %select_n3A_220 = arith.select %and3A_217, %sub3A_219, %div3A_198 : i32
    %ne3A_221 = arith.cmpi ne, %select_n3A_190, %select_n3A_220 : i32
    %convert_element_type3A_222 = arith.extui %ne3A_221 : i1 to i32
    %cond3A_223 = arith.constant 0 : i32
    %cond3A_224 = arith.cmpi ne, %convert_element_type3A_222, %cond3A_223 : i32
    scf.if %cond3A_224 {
      "tpu.region"() ({
        %run_scoped3A = tpu.sem_alloc : memref<!tpu.dma_semaphore, #tpu.memory_space<semaphore_mem>>
        %dma_start3A = arith.constant 0 : i32
        %dma_start3A_1750 = tpu.memref_slice %arg2[%select_n3A_190, %dma_start3A] : memref<26x4096xi32, #tpu.memory_space<hbm>> -> memref<1x4096xi32, #tpu.memory_space<hbm>>
        %dma_start3A_1751 = tpu.memref_squeeze %dma_start3A_1750 : memref<1x4096xi32, #tpu.memory_space<hbm>> -> memref<4096xi32, #tpu.memory_space<hbm>>
        %dma_start3A_1752 = arith.constant 0 : i32
        %dma_start3A_1753 = tpu.memref_slice %arg2[%select_n3A_190, %dma_start3A_1752] : memref<26x4096xi32, #tpu.memory_space<hbm>> -> memref<1x4096xi32, #tpu.memory_space<hbm>>
        %dma_start3A_1754 = tpu.memref_squeeze %dma_start3A_1753 : memref<1x4096xi32, #tpu.memory_space<hbm>> -> memref<4096xi32, #tpu.memory_space<hbm>>
        tpu.enqueue_dma source(%dma_start3A_1754 : memref<4096xi32, #tpu.memory_space<hbm>>) target(%arg6 : memref<4096xi32, #tpu.memory_space<vmem>>) target_semaphore(%run_scoped3A : memref<!tpu.dma_semaphore, #tpu.memory_space<semaphore_mem>>)
        %dma_wait3A = arith.constant 0 : i32
        %dma_wait3A_1755 = tpu.memref_slice %arg2[%select_n3A_190, %dma_wait3A] : memref<26x4096xi32, #tpu.memory_space<hbm>> -> memref<1x4096xi32, #tpu.memory_space<hbm>>
        %dma_wait3A_1756 = tpu.memref_squeeze %dma_wait3A_1755 : memref<1x4096xi32, #tpu.memory_space<hbm>> -> memref<4096xi32, #tpu.memory_space<hbm>>
        %dma_wait3A_1757 = arith.constant 0 : i32
        %dma_wait3A_1758 = tpu.memref_slice %arg2[%select_n3A_190, %dma_wait3A_1757] : memref<26x4096xi32, #tpu.memory_space<hbm>> -> memref<1x4096xi32, #tpu.memory_space<hbm>>
        %dma_wait3A_1759 = tpu.memref_squeeze %dma_wait3A_1758 : memref<1x4096xi32, #tpu.memory_space<hbm>> -> memref<4096xi32, #tpu.memory_space<hbm>>
        tpu.wait_dma2 semaphore(%run_scoped3A : memref<!tpu.dma_semaphore, #tpu.memory_space<semaphore_mem>>) src(%dma_wait3A_1759 : memref<4096xi32, #tpu.memory_space<hbm>>) dst(%arg6 : memref<4096xi32, #tpu.memory_space<vmem>>)
        tpu.yield
      }) : () -> ()
    } else {
    }
    "tpu.region"() ({
      %run_scoped3A = tpu.sem_alloc : memref<!tpu.dma_semaphore, #tpu.memory_space<semaphore_mem>>
      %dma_start3A = arith.constant 0 : i32
      %dma_start3A_1750 = tpu.memref_slice %arg3[%add3A_166, %dma_start3A] : memref<832x100000xf32, #tpu.memory_space<hbm>> -> memref<1x100000xf32, #tpu.memory_space<hbm>>
      %dma_start3A_1751 = tpu.memref_squeeze %dma_start3A_1750 : memref<1x100000xf32, #tpu.memory_space<hbm>> -> memref<100000xf32, #tpu.memory_space<hbm>>
      %dma_start3A_1752 = arith.constant 0 : i32
      %dma_start3A_1753 = tpu.memref_slice %arg3[%add3A_166, %dma_start3A_1752] : memref<832x100000xf32, #tpu.memory_space<hbm>> -> memref<1x100000xf32, #tpu.memory_space<hbm>>
      %dma_start3A_1754 = tpu.memref_squeeze %dma_start3A_1753 : memref<1x100000xf32, #tpu.memory_space<hbm>> -> memref<100000xf32, #tpu.memory_space<hbm>>
      tpu.enqueue_dma source(%dma_start3A_1754 : memref<100000xf32, #tpu.memory_space<hbm>>) target(%arg5 : memref<100000xf32, #tpu.memory_space<vmem>>) target_semaphore(%run_scoped3A : memref<!tpu.dma_semaphore, #tpu.memory_space<semaphore_mem>>)
      %dma_wait3A = arith.constant 0 : i32
      %dma_wait3A_1755 = tpu.memref_slice %arg3[%add3A_166, %dma_wait3A] : memref<832x100000xf32, #tpu.memory_space<hbm>> -> memref<1x100000xf32, #tpu.memory_space<hbm>>
      %dma_wait3A_1756 = tpu.memref_squeeze %dma_wait3A_1755 : memref<1x100000xf32, #tpu.memory_space<hbm>> -> memref<100000xf32, #tpu.memory_space<hbm>>
      %dma_wait3A_1757 = arith.constant 0 : i32
      %dma_wait3A_1758 = tpu.memref_slice %arg3[%add3A_166, %dma_wait3A_1757] : memref<832x100000xf32, #tpu.memory_space<hbm>> -> memref<1x100000xf32, #tpu.memory_space<hbm>>
      %dma_wait3A_1759 = tpu.memref_squeeze %dma_wait3A_1758 : memref<1x100000xf32, #tpu.memory_space<hbm>> -> memref<100000xf32, #tpu.memory_space<hbm>>
      tpu.wait_dma2 semaphore(%run_scoped3A : memref<!tpu.dma_semaphore, #tpu.memory_space<semaphore_mem>>) src(%dma_wait3A_1759 : memref<100000xf32, #tpu.memory_space<hbm>>) dst(%arg5 : memref<100000xf32, #tpu.memory_space<vmem>>)
      tpu.yield
    }) : () -> ()
    %scan3A_225 = arith.constant 0 : i32
    %scan3A_226 = arith.constant 0 : i32
    %scan3A_227 = arith.constant 256 : i32
    %scan3A_228 = arith.addi %scan3A_226, %scan3A_227 : i32
    %scan3A_229 = arith.constant 1 : i32
    %scan3A_230 = scf.for %scan3A_1750 = %scan3A_226 to %scan3A_228 step %scan3A_229 iter_args(%scan3A_1751 = %scan3A_225) -> (i32)  : i32 {
      %mul3A_1752 = arith.constant 16 : i32
      %mul3A_1753 = arith.muli %scan3A_1750, %mul3A_1752 : i32
      %get3A = arith.index_cast %mul3A_1753 : i32 to index
      %get3A_1754 = tpu.vector_load %arg6[%get3A] {strides = array<i32>} : memref<4096xi32, #tpu.memory_space<vmem>>, vector<16xi32>,
      %gather3A = tpu.vector_load_idx %arg5[%get3A_1754] : memref<100000xf32, #tpu.memory_space<vmem>>[vector<16xi32>], vector<16xf32>,
      %mul3A_1755 = arith.constant 16 : i32
      %mul3A_1756 = arith.muli %scan3A_1750, %mul3A_1755 : i32
      %swap3A = arith.index_cast %mul3A_1756 : i32 to index
      %swap3A_1757 = tpu.vector_load %arg7[%swap3A] {strides = array<i32>} : memref<4096xf32, #tpu.memory_space<vmem>>, vector<16xf32>,
      tpu.vector_store %arg7[%swap3A], %gather3A {strides = array<i32>} : memref<4096xf32, #tpu.memory_space<vmem>>, vector<16xf32>,
      %scan3A_1758 = arith.constant 0 : i32
      scf.yield %scan3A_1758 : i32
    }
    %scan3A_231 = arith.constant 256 : i32
    "tpu.region"() ({
      %run_scoped3A = tpu.sem_alloc : memref<!tpu.dma_semaphore, #tpu.memory_space<semaphore_mem>>
      %dma_start3A = arith.constant 0 : i32
      %dma_start3A_1750 = tpu.memref_slice %arg4[%add3A_166, %dma_start3A] : memref<832x4096xf32, #tpu.memory_space<hbm>> -> memref<1x4096xf32, #tpu.memory_space<hbm>>
      %dma_start3A_1751 = tpu.memref_squeeze %dma_start3A_1750 : memref<1x4096xf32, #tpu.memory_space<hbm>> -> memref<4096xf32, #tpu.memory_space<hbm>>
      %dma_start3A_1752 = arith.constant 0 : i32
      %dma_start3A_1753 = tpu.memref_slice %arg4[%add3A_166, %dma_start3A_1752] : memref<832x4096xf32, #tpu.memory_space<hbm>> -> memref<1x4096xf32, #tpu.memory_space<hbm>>
      %dma_start3A_1754 = tpu.memref_squeeze %dma_start3A_1753 : memref<1x4096xf32, #tpu.memory_space<hbm>> -> memref<4096xf32, #tpu.memory_space<hbm>>
      tpu.enqueue_dma source(%arg7 : memref<4096xf32, #tpu.memory_space<vmem>>) target(%dma_start3A_1754 : memref<4096xf32, #tpu.memory_space<hbm>>) target_semaphore(%run_scoped3A : memref<!tpu.dma_semaphore, #tpu.memory_space<semaphore_mem>>)
      %dma_wait3A = arith.constant 0 : i32
      %dma_wait3A_1755 = tpu.memref_slice %arg4[%add3A_166, %dma_wait3A] : memref<832x4096xf32, #tpu.memory_space<hbm>> -> memref<1x4096xf32, #tpu.memory_space<hbm>>
      %dma_wait3A_1756 = tpu.memref_squeeze %dma_wait3A_1755 : memref<1x4096xf32, #tpu.memory_space<hbm>> -> memref<4096xf32, #tpu.memory_space<hbm>>
      %dma_wait3A_1757 = arith.constant 0 : i32
      %dma_wait3A_1758 = tpu.memref_slice %arg4[%add3A_166, %dma_wait3A_1757] : memref<832x4096xf32, #tpu.memory_space<hbm>> -> memref<1x4096xf32, #tpu.memory_space<hbm>>
      %dma_wait3A_1759 = tpu.memref_squeeze %dma_wait3A_1758 : memref<1x4096xf32, #tpu.memory_space<hbm>> -> memref<4096xf32, #tpu.memory_space<hbm>>
      tpu.wait_dma2 semaphore(%run_scoped3A : memref<!tpu.dma_semaphore, #tpu.memory_space<semaphore_mem>>) src(%arg7 : memref<4096xf32, #tpu.memory_space<vmem>>) dst(%dma_wait3A_1759 : memref<4096xf32, #tpu.memory_space<hbm>>)
      tpu.yield
    }) : () -> ()
    %mul3A_232 = arith.constant 26 : i32
    %mul3A_233 = arith.muli %add3A, %mul3A_232 : i32
    %add3A_234 = arith.constant 4 : i32
    %add3A_235 = arith.addi %mul3A_233, %add3A_234 : i32
    %jit3A_236 = arith.constant 32 : i32
    %div3A_237 = arith.divsi %add3A_235, %jit3A_236 : i32
    %sign3A_238 = arith.constant 0 : i32
    %sign3A_239 = arith.cmpi sgt, %add3A_235, %sign3A_238 : i32
    %sign3A_240 = arith.extui %sign3A_239 : i1 to i32
    %sign3A_241 = arith.constant 0 : i32
    %sign3A_242 = arith.cmpi slt, %add3A_235, %sign3A_241 : i32
    %sign3A_243 = arith.extui %sign3A_242 : i1 to i32
    %sign3A_244 = arith.subi %sign3A_240, %sign3A_243 : i32
    %sign3A_245 = arith.constant 0 : i32
    %sign3A_246 = arith.cmpi sgt, %jit3A_236, %sign3A_245 : i32
    %sign3A_247 = arith.extui %sign3A_246 : i1 to i32
    %sign3A_248 = arith.constant 0 : i32
    %sign3A_249 = arith.cmpi slt, %jit3A_236, %sign3A_248 : i32
    %sign3A_250 = arith.extui %sign3A_249 : i1 to i32
    %sign3A_251 = arith.subi %sign3A_247, %sign3A_250 : i32
    %ne3A_252 = arith.cmpi ne, %sign3A_244, %sign3A_251 : i32
    %rem3A_253 = arith.remsi %add3A_235, %jit3A_236 : i32
    %ne3A_254 = arith.constant 0 : i32
    %ne3A_255 = arith.cmpi ne, %rem3A_253, %ne3A_254 : i32
    %and3A_256 = arith.andi %ne3A_252, %ne3A_255 : i1
    %sub3A_257 = arith.constant 1 : i32
    %sub3A_258 = arith.subi %div3A_237, %sub3A_257 : i32
    %select_n3A_259 = arith.select %and3A_256, %sub3A_258, %div3A_237 : i32
    %mul3A_260 = arith.constant 26 : i32
    %mul3A_261 = arith.muli %add3A, %mul3A_260 : i32
    %add3A_262 = arith.constant 4 : i32
    %add3A_263 = arith.addi %mul3A_261, %add3A_262 : i32
    %sub3A_264 = arith.constant 1 : i32
    %sub3A_265 = arith.subi %add3A_263, %sub3A_264 : i32
    %jit3A_266 = arith.constant 32 : i32
    %div3A_267 = arith.divsi %sub3A_265, %jit3A_266 : i32
    %sign3A_268 = arith.constant 0 : i32
    %sign3A_269 = arith.cmpi sgt, %sub3A_265, %sign3A_268 : i32
    %sign3A_270 = arith.extui %sign3A_269 : i1 to i32
    %sign3A_271 = arith.constant 0 : i32
    %sign3A_272 = arith.cmpi slt, %sub3A_265, %sign3A_271 : i32
    %sign3A_273 = arith.extui %sign3A_272 : i1 to i32
    %sign3A_274 = arith.subi %sign3A_270, %sign3A_273 : i32
    %sign3A_275 = arith.constant 0 : i32
    %sign3A_276 = arith.cmpi sgt, %jit3A_266, %sign3A_275 : i32
    %sign3A_277 = arith.extui %sign3A_276 : i1 to i32
    %sign3A_278 = arith.constant 0 : i32
    %sign3A_279 = arith.cmpi slt, %jit3A_266, %sign3A_278 : i32
    %sign3A_280 = arith.extui %sign3A_279 : i1 to i32
    %sign3A_281 = arith.subi %sign3A_277, %sign3A_280 : i32
    %ne3A_282 = arith.cmpi ne, %sign3A_274, %sign3A_281 : i32
    %rem3A_283 = arith.remsi %sub3A_265, %jit3A_266 : i32
    %ne3A_284 = arith.constant 0 : i32
    %ne3A_285 = arith.cmpi ne, %rem3A_283, %ne3A_284 : i32
    %and3A_286 = arith.andi %ne3A_282, %ne3A_285 : i1
    %sub3A_287 = arith.constant 1 : i32
    %sub3A_288 = arith.subi %div3A_267, %sub3A_287 : i32
    %select_n3A_289 = arith.select %and3A_286, %sub3A_288, %div3A_267 : i32
    %ne3A_290 = arith.cmpi ne, %select_n3A_259, %select_n3A_289 : i32
    %convert_element_type3A_291 = arith.extui %ne3A_290 : i1 to i32
    %cond3A_292 = arith.constant 0 : i32
    %cond3A_293 = arith.cmpi ne, %convert_element_type3A_291, %cond3A_292 : i32
    scf.if %cond3A_293 {
      "tpu.region"() ({
        %run_scoped3A = tpu.sem_alloc : memref<!tpu.dma_semaphore, #tpu.memory_space<semaphore_mem>>
        %dma_start3A = arith.constant 0 : i32
        %dma_start3A_1750 = tpu.memref_slice %arg2[%select_n3A_259, %dma_start3A] : memref<26x4096xi32, #tpu.memory_space<hbm>> -> memref<1x4096xi32, #tpu.memory_space<hbm>>
        %dma_start3A_1751 = tpu.memref_squeeze %dma_start3A_1750 : memref<1x4096xi32, #tpu.memory_space<hbm>> -> memref<4096xi32, #tpu.memory_space<hbm>>
        %dma_start3A_1752 = arith.constant 0 : i32
        %dma_start3A_1753 = tpu.memref_slice %arg2[%select_n3A_259, %dma_start3A_1752] : memref<26x4096xi32, #tpu.memory_space<hbm>> -> memref<1x4096xi32, #tpu.memory_space<hbm>>
        %dma_start3A_1754 = tpu.memref_squeeze %dma_start3A_1753 : memref<1x4096xi32, #tpu.memory_space<hbm>> -> memref<4096xi32, #tpu.memory_space<hbm>>
        tpu.enqueue_dma source(%dma_start3A_1754 : memref<4096xi32, #tpu.memory_space<hbm>>) target(%arg6 : memref<4096xi32, #tpu.memory_space<vmem>>) target_semaphore(%run_scoped3A : memref<!tpu.dma_semaphore, #tpu.memory_space<semaphore_mem>>)
        %dma_wait3A = arith.constant 0 : i32
        %dma_wait3A_1755 = tpu.memref_slice %arg2[%select_n3A_259, %dma_wait3A] : memref<26x4096xi32, #tpu.memory_space<hbm>> -> memref<1x4096xi32, #tpu.memory_space<hbm>>
        %dma_wait3A_1756 = tpu.memref_squeeze %dma_wait3A_1755 : memref<1x4096xi32, #tpu.memory_space<hbm>> -> memref<4096xi32, #tpu.memory_space<hbm>>
        %dma_wait3A_1757 = arith.constant 0 : i32
        %dma_wait3A_1758 = tpu.memref_slice %arg2[%select_n3A_259, %dma_wait3A_1757] : memref<26x4096xi32, #tpu.memory_space<hbm>> -> memref<1x4096xi32, #tpu.memory_space<hbm>>
        %dma_wait3A_1759 = tpu.memref_squeeze %dma_wait3A_1758 : memref<1x4096xi32, #tpu.memory_space<hbm>> -> memref<4096xi32, #tpu.memory_space<hbm>>
        tpu.wait_dma2 semaphore(%run_scoped3A : memref<!tpu.dma_semaphore, #tpu.memory_space<semaphore_mem>>) src(%dma_wait3A_1759 : memref<4096xi32, #tpu.memory_space<hbm>>) dst(%arg6 : memref<4096xi32, #tpu.memory_space<vmem>>)
        tpu.yield
      }) : () -> ()
    } else {
    }
    "tpu.region"() ({
      %run_scoped3A = tpu.sem_alloc : memref<!tpu.dma_semaphore, #tpu.memory_space<semaphore_mem>>
      %dma_start3A = arith.constant 0 : i32
      %dma_start3A_1750 = tpu.memref_slice %arg3[%add3A_235, %dma_start3A] : memref<832x100000xf32, #tpu.memory_space<hbm>> -> memref<1x100000xf32, #tpu.memory_space<hbm>>
      %dma_start3A_1751 = tpu.memref_squeeze %dma_start3A_1750 : memref<1x100000xf32, #tpu.memory_space<hbm>> -> memref<100000xf32, #tpu.memory_space<hbm>>
      %dma_start3A_1752 = arith.constant 0 : i32
      %dma_start3A_1753 = tpu.memref_slice %arg3[%add3A_235, %dma_start3A_1752] : memref<832x100000xf32, #tpu.memory_space<hbm>> -> memref<1x100000xf32, #tpu.memory_space<hbm>>
      %dma_start3A_1754 = tpu.memref_squeeze %dma_start3A_1753 : memref<1x100000xf32, #tpu.memory_space<hbm>> -> memref<100000xf32, #tpu.memory_space<hbm>>
      tpu.enqueue_dma source(%dma_start3A_1754 : memref<100000xf32, #tpu.memory_space<hbm>>) target(%arg5 : memref<100000xf32, #tpu.memory_space<vmem>>) target_semaphore(%run_scoped3A : memref<!tpu.dma_semaphore, #tpu.memory_space<semaphore_mem>>)
      %dma_wait3A = arith.constant 0 : i32
      %dma_wait3A_1755 = tpu.memref_slice %arg3[%add3A_235, %dma_wait3A] : memref<832x100000xf32, #tpu.memory_space<hbm>> -> memref<1x100000xf32, #tpu.memory_space<hbm>>
      %dma_wait3A_1756 = tpu.memref_squeeze %dma_wait3A_1755 : memref<1x100000xf32, #tpu.memory_space<hbm>> -> memref<100000xf32, #tpu.memory_space<hbm>>
      %dma_wait3A_1757 = arith.constant 0 : i32
      %dma_wait3A_1758 = tpu.memref_slice %arg3[%add3A_235, %dma_wait3A_1757] : memref<832x100000xf32, #tpu.memory_space<hbm>> -> memref<1x100000xf32, #tpu.memory_space<hbm>>
      %dma_wait3A_1759 = tpu.memref_squeeze %dma_wait3A_1758 : memref<1x100000xf32, #tpu.memory_space<hbm>> -> memref<100000xf32, #tpu.memory_space<hbm>>
      tpu.wait_dma2 semaphore(%run_scoped3A : memref<!tpu.dma_semaphore, #tpu.memory_space<semaphore_mem>>) src(%dma_wait3A_1759 : memref<100000xf32, #tpu.memory_space<hbm>>) dst(%arg5 : memref<100000xf32, #tpu.memory_space<vmem>>)
      tpu.yield
    }) : () -> ()
    %scan3A_294 = arith.constant 0 : i32
    %scan3A_295 = arith.constant 0 : i32
    %scan3A_296 = arith.constant 256 : i32
    %scan3A_297 = arith.addi %scan3A_295, %scan3A_296 : i32
    %scan3A_298 = arith.constant 1 : i32
    %scan3A_299 = scf.for %scan3A_1750 = %scan3A_295 to %scan3A_297 step %scan3A_298 iter_args(%scan3A_1751 = %scan3A_294) -> (i32)  : i32 {
      %mul3A_1752 = arith.constant 16 : i32
      %mul3A_1753 = arith.muli %scan3A_1750, %mul3A_1752 : i32
      %get3A = arith.index_cast %mul3A_1753 : i32 to index
      %get3A_1754 = tpu.vector_load %arg6[%get3A] {strides = array<i32>} : memref<4096xi32, #tpu.memory_space<vmem>>, vector<16xi32>,
      %gather3A = tpu.vector_load_idx %arg5[%get3A_1754] : memref<100000xf32, #tpu.memory_space<vmem>>[vector<16xi32>], vector<16xf32>,
      %mul3A_1755 = arith.constant 16 : i32
      %mul3A_1756 = arith.muli %scan3A_1750, %mul3A_1755 : i32
      %swap3A = arith.index_cast %mul3A_1756 : i32 to index
      %swap3A_1757 = tpu.vector_load %arg7[%swap3A] {strides = array<i32>} : memref<4096xf32, #tpu.memory_space<vmem>>, vector<16xf32>,
      tpu.vector_store %arg7[%swap3A], %gather3A {strides = array<i32>} : memref<4096xf32, #tpu.memory_space<vmem>>, vector<16xf32>,
      %scan3A_1758 = arith.constant 0 : i32
      scf.yield %scan3A_1758 : i32
    }
    %scan3A_300 = arith.constant 256 : i32
    "tpu.region"() ({
      %run_scoped3A = tpu.sem_alloc : memref<!tpu.dma_semaphore, #tpu.memory_space<semaphore_mem>>
      %dma_start3A = arith.constant 0 : i32
      %dma_start3A_1750 = tpu.memref_slice %arg4[%add3A_235, %dma_start3A] : memref<832x4096xf32, #tpu.memory_space<hbm>> -> memref<1x4096xf32, #tpu.memory_space<hbm>>
      %dma_start3A_1751 = tpu.memref_squeeze %dma_start3A_1750 : memref<1x4096xf32, #tpu.memory_space<hbm>> -> memref<4096xf32, #tpu.memory_space<hbm>>
      %dma_start3A_1752 = arith.constant 0 : i32
      %dma_start3A_1753 = tpu.memref_slice %arg4[%add3A_235, %dma_start3A_1752] : memref<832x4096xf32, #tpu.memory_space<hbm>> -> memref<1x4096xf32, #tpu.memory_space<hbm>>
      %dma_start3A_1754 = tpu.memref_squeeze %dma_start3A_1753 : memref<1x4096xf32, #tpu.memory_space<hbm>> -> memref<4096xf32, #tpu.memory_space<hbm>>
      tpu.enqueue_dma source(%arg7 : memref<4096xf32, #tpu.memory_space<vmem>>) target(%dma_start3A_1754 : memref<4096xf32, #tpu.memory_space<hbm>>) target_semaphore(%run_scoped3A : memref<!tpu.dma_semaphore, #tpu.memory_space<semaphore_mem>>)
      %dma_wait3A = arith.constant 0 : i32
      %dma_wait3A_1755 = tpu.memref_slice %arg4[%add3A_235, %dma_wait3A] : memref<832x4096xf32, #tpu.memory_space<hbm>> -> memref<1x4096xf32, #tpu.memory_space<hbm>>
      %dma_wait3A_1756 = tpu.memref_squeeze %dma_wait3A_1755 : memref<1x4096xf32, #tpu.memory_space<hbm>> -> memref<4096xf32, #tpu.memory_space<hbm>>
      %dma_wait3A_1757 = arith.constant 0 : i32
      %dma_wait3A_1758 = tpu.memref_slice %arg4[%add3A_235, %dma_wait3A_1757] : memref<832x4096xf32, #tpu.memory_space<hbm>> -> memref<1x4096xf32, #tpu.memory_space<hbm>>
      %dma_wait3A_1759 = tpu.memref_squeeze %dma_wait3A_1758 : memref<1x4096xf32, #tpu.memory_space<hbm>> -> memref<4096xf32, #tpu.memory_space<hbm>>
      tpu.wait_dma2 semaphore(%run_scoped3A : memref<!tpu.dma_semaphore, #tpu.memory_space<semaphore_mem>>) src(%arg7 : memref<4096xf32, #tpu.memory_space<vmem>>) dst(%dma_wait3A_1759 : memref<4096xf32, #tpu.memory_space<hbm>>)
      tpu.yield
    }) : () -> ()
    %mul3A_301 = arith.constant 26 : i32
    %mul3A_302 = arith.muli %add3A, %mul3A_301 : i32
    %add3A_303 = arith.constant 5 : i32
    %add3A_304 = arith.addi %mul3A_302, %add3A_303 : i32
    %jit3A_305 = arith.constant 32 : i32
    %div3A_306 = arith.divsi %add3A_304, %jit3A_305 : i32
    %sign3A_307 = arith.constant 0 : i32
    %sign3A_308 = arith.cmpi sgt, %add3A_304, %sign3A_307 : i32
    %sign3A_309 = arith.extui %sign3A_308 : i1 to i32
    %sign3A_310 = arith.constant 0 : i32
    %sign3A_311 = arith.cmpi slt, %add3A_304, %sign3A_310 : i32
    %sign3A_312 = arith.extui %sign3A_311 : i1 to i32
    %sign3A_313 = arith.subi %sign3A_309, %sign3A_312 : i32
    %sign3A_314 = arith.constant 0 : i32
    %sign3A_315 = arith.cmpi sgt, %jit3A_305, %sign3A_314 : i32
    %sign3A_316 = arith.extui %sign3A_315 : i1 to i32
    %sign3A_317 = arith.constant 0 : i32
    %sign3A_318 = arith.cmpi slt, %jit3A_305, %sign3A_317 : i32
    %sign3A_319 = arith.extui %sign3A_318 : i1 to i32
    %sign3A_320 = arith.subi %sign3A_316, %sign3A_319 : i32
    %ne3A_321 = arith.cmpi ne, %sign3A_313, %sign3A_320 : i32
    %rem3A_322 = arith.remsi %add3A_304, %jit3A_305 : i32
    %ne3A_323 = arith.constant 0 : i32
    %ne3A_324 = arith.cmpi ne, %rem3A_322, %ne3A_323 : i32
    %and3A_325 = arith.andi %ne3A_321, %ne3A_324 : i1
    %sub3A_326 = arith.constant 1 : i32
    %sub3A_327 = arith.subi %div3A_306, %sub3A_326 : i32
    %select_n3A_328 = arith.select %and3A_325, %sub3A_327, %div3A_306 : i32
    %mul3A_329 = arith.constant 26 : i32
    %mul3A_330 = arith.muli %add3A, %mul3A_329 : i32
    %add3A_331 = arith.constant 5 : i32
    %add3A_332 = arith.addi %mul3A_330, %add3A_331 : i32
    %sub3A_333 = arith.constant 1 : i32
    %sub3A_334 = arith.subi %add3A_332, %sub3A_333 : i32
    %jit3A_335 = arith.constant 32 : i32
    %div3A_336 = arith.divsi %sub3A_334, %jit3A_335 : i32
    %sign3A_337 = arith.constant 0 : i32
    %sign3A_338 = arith.cmpi sgt, %sub3A_334, %sign3A_337 : i32
    %sign3A_339 = arith.extui %sign3A_338 : i1 to i32
    %sign3A_340 = arith.constant 0 : i32
    %sign3A_341 = arith.cmpi slt, %sub3A_334, %sign3A_340 : i32
    %sign3A_342 = arith.extui %sign3A_341 : i1 to i32
    %sign3A_343 = arith.subi %sign3A_339, %sign3A_342 : i32
    %sign3A_344 = arith.constant 0 : i32
    %sign3A_345 = arith.cmpi sgt, %jit3A_335, %sign3A_344 : i32
    %sign3A_346 = arith.extui %sign3A_345 : i1 to i32
    %sign3A_347 = arith.constant 0 : i32
    %sign3A_348 = arith.cmpi slt, %jit3A_335, %sign3A_347 : i32
    %sign3A_349 = arith.extui %sign3A_348 : i1 to i32
    %sign3A_350 = arith.subi %sign3A_346, %sign3A_349 : i32
    %ne3A_351 = arith.cmpi ne, %sign3A_343, %sign3A_350 : i32
    %rem3A_352 = arith.remsi %sub3A_334, %jit3A_335 : i32
    %ne3A_353 = arith.constant 0 : i32
    %ne3A_354 = arith.cmpi ne, %rem3A_352, %ne3A_353 : i32
    %and3A_355 = arith.andi %ne3A_351, %ne3A_354 : i1
    %sub3A_356 = arith.constant 1 : i32
    %sub3A_357 = arith.subi %div3A_336, %sub3A_356 : i32
    %select_n3A_358 = arith.select %and3A_355, %sub3A_357, %div3A_336 : i32
    %ne3A_359 = arith.cmpi ne, %select_n3A_328, %select_n3A_358 : i32
    %convert_element_type3A_360 = arith.extui %ne3A_359 : i1 to i32
    %cond3A_361 = arith.constant 0 : i32
    %cond3A_362 = arith.cmpi ne, %convert_element_type3A_360, %cond3A_361 : i32
    scf.if %cond3A_362 {
      "tpu.region"() ({
        %run_scoped3A = tpu.sem_alloc : memref<!tpu.dma_semaphore, #tpu.memory_space<semaphore_mem>>
        %dma_start3A = arith.constant 0 : i32
        %dma_start3A_1750 = tpu.memref_slice %arg2[%select_n3A_328, %dma_start3A] : memref<26x4096xi32, #tpu.memory_space<hbm>> -> memref<1x4096xi32, #tpu.memory_space<hbm>>
        %dma_start3A_1751 = tpu.memref_squeeze %dma_start3A_1750 : memref<1x4096xi32, #tpu.memory_space<hbm>> -> memref<4096xi32, #tpu.memory_space<hbm>>
        %dma_start3A_1752 = arith.constant 0 : i32
        %dma_start3A_1753 = tpu.memref_slice %arg2[%select_n3A_328, %dma_start3A_1752] : memref<26x4096xi32, #tpu.memory_space<hbm>> -> memref<1x4096xi32, #tpu.memory_space<hbm>>
        %dma_start3A_1754 = tpu.memref_squeeze %dma_start3A_1753 : memref<1x4096xi32, #tpu.memory_space<hbm>> -> memref<4096xi32, #tpu.memory_space<hbm>>
        tpu.enqueue_dma source(%dma_start3A_1754 : memref<4096xi32, #tpu.memory_space<hbm>>) target(%arg6 : memref<4096xi32, #tpu.memory_space<vmem>>) target_semaphore(%run_scoped3A : memref<!tpu.dma_semaphore, #tpu.memory_space<semaphore_mem>>)
        %dma_wait3A = arith.constant 0 : i32
        %dma_wait3A_1755 = tpu.memref_slice %arg2[%select_n3A_328, %dma_wait3A] : memref<26x4096xi32, #tpu.memory_space<hbm>> -> memref<1x4096xi32, #tpu.memory_space<hbm>>
        %dma_wait3A_1756 = tpu.memref_squeeze %dma_wait3A_1755 : memref<1x4096xi32, #tpu.memory_space<hbm>> -> memref<4096xi32, #tpu.memory_space<hbm>>
        %dma_wait3A_1757 = arith.constant 0 : i32
        %dma_wait3A_1758 = tpu.memref_slice %arg2[%select_n3A_328, %dma_wait3A_1757] : memref<26x4096xi32, #tpu.memory_space<hbm>> -> memref<1x4096xi32, #tpu.memory_space<hbm>>
        %dma_wait3A_1759 = tpu.memref_squeeze %dma_wait3A_1758 : memref<1x4096xi32, #tpu.memory_space<hbm>> -> memref<4096xi32, #tpu.memory_space<hbm>>
        tpu.wait_dma2 semaphore(%run_scoped3A : memref<!tpu.dma_semaphore, #tpu.memory_space<semaphore_mem>>) src(%dma_wait3A_1759 : memref<4096xi32, #tpu.memory_space<hbm>>) dst(%arg6 : memref<4096xi32, #tpu.memory_space<vmem>>)
        tpu.yield
      }) : () -> ()
    } else {
    }
    "tpu.region"() ({
      %run_scoped3A = tpu.sem_alloc : memref<!tpu.dma_semaphore, #tpu.memory_space<semaphore_mem>>
      %dma_start3A = arith.constant 0 : i32
      %dma_start3A_1750 = tpu.memref_slice %arg3[%add3A_304, %dma_start3A] : memref<832x100000xf32, #tpu.memory_space<hbm>> -> memref<1x100000xf32, #tpu.memory_space<hbm>>
      %dma_start3A_1751 = tpu.memref_squeeze %dma_start3A_1750 : memref<1x100000xf32, #tpu.memory_space<hbm>> -> memref<100000xf32, #tpu.memory_space<hbm>>
      %dma_start3A_1752 = arith.constant 0 : i32
      %dma_start3A_1753 = tpu.memref_slice %arg3[%add3A_304, %dma_start3A_1752] : memref<832x100000xf32, #tpu.memory_space<hbm>> -> memref<1x100000xf32, #tpu.memory_space<hbm>>
      %dma_start3A_1754 = tpu.memref_squeeze %dma_start3A_1753 : memref<1x100000xf32, #tpu.memory_space<hbm>> -> memref<100000xf32, #tpu.memory_space<hbm>>
      tpu.enqueue_dma source(%dma_start3A_1754 : memref<100000xf32, #tpu.memory_space<hbm>>) target(%arg5 : memref<100000xf32, #tpu.memory_space<vmem>>) target_semaphore(%run_scoped3A : memref<!tpu.dma_semaphore, #tpu.memory_space<semaphore_mem>>)
      %dma_wait3A = arith.constant 0 : i32
      %dma_wait3A_1755 = tpu.memref_slice %arg3[%add3A_304, %dma_wait3A] : memref<832x100000xf32, #tpu.memory_space<hbm>> -> memref<1x100000xf32, #tpu.memory_space<hbm>>
      %dma_wait3A_1756 = tpu.memref_squeeze %dma_wait3A_1755 : memref<1x100000xf32, #tpu.memory_space<hbm>> -> memref<100000xf32, #tpu.memory_space<hbm>>
      %dma_wait3A_1757 = arith.constant 0 : i32
      %dma_wait3A_1758 = tpu.memref_slice %arg3[%add3A_304, %dma_wait3A_1757] : memref<832x100000xf32, #tpu.memory_space<hbm>> -> memref<1x100000xf32, #tpu.memory_space<hbm>>
      %dma_wait3A_1759 = tpu.memref_squeeze %dma_wait3A_1758 : memref<1x100000xf32, #tpu.memory_space<hbm>> -> memref<100000xf32, #tpu.memory_space<hbm>>
      tpu.wait_dma2 semaphore(%run_scoped3A : memref<!tpu.dma_semaphore, #tpu.memory_space<semaphore_mem>>) src(%dma_wait3A_1759 : memref<100000xf32, #tpu.memory_space<hbm>>) dst(%arg5 : memref<100000xf32, #tpu.memory_space<vmem>>)
      tpu.yield
    }) : () -> ()
    %scan3A_363 = arith.constant 0 : i32
    %scan3A_364 = arith.constant 0 : i32
    %scan3A_365 = arith.constant 256 : i32
    %scan3A_366 = arith.addi %scan3A_364, %scan3A_365 : i32
    %scan3A_367 = arith.constant 1 : i32
    %scan3A_368 = scf.for %scan3A_1750 = %scan3A_364 to %scan3A_366 step %scan3A_367 iter_args(%scan3A_1751 = %scan3A_363) -> (i32)  : i32 {
      %mul3A_1752 = arith.constant 16 : i32
      %mul3A_1753 = arith.muli %scan3A_1750, %mul3A_1752 : i32
      %get3A = arith.index_cast %mul3A_1753 : i32 to index
      %get3A_1754 = tpu.vector_load %arg6[%get3A] {strides = array<i32>} : memref<4096xi32, #tpu.memory_space<vmem>>, vector<16xi32>,
      %gather3A = tpu.vector_load_idx %arg5[%get3A_1754] : memref<100000xf32, #tpu.memory_space<vmem>>[vector<16xi32>], vector<16xf32>,
      %mul3A_1755 = arith.constant 16 : i32
      %mul3A_1756 = arith.muli %scan3A_1750, %mul3A_1755 : i32
      %swap3A = arith.index_cast %mul3A_1756 : i32 to index
      %swap3A_1757 = tpu.vector_load %arg7[%swap3A] {strides = array<i32>} : memref<4096xf32, #tpu.memory_space<vmem>>, vector<16xf32>,
      tpu.vector_store %arg7[%swap3A], %gather3A {strides = array<i32>} : memref<4096xf32, #tpu.memory_space<vmem>>, vector<16xf32>,
      %scan3A_1758 = arith.constant 0 : i32
      scf.yield %scan3A_1758 : i32
    }
    %scan3A_369 = arith.constant 256 : i32
    "tpu.region"() ({
      %run_scoped3A = tpu.sem_alloc : memref<!tpu.dma_semaphore, #tpu.memory_space<semaphore_mem>>
      %dma_start3A = arith.constant 0 : i32
      %dma_start3A_1750 = tpu.memref_slice %arg4[%add3A_304, %dma_start3A] : memref<832x4096xf32, #tpu.memory_space<hbm>> -> memref<1x4096xf32, #tpu.memory_space<hbm>>
      %dma_start3A_1751 = tpu.memref_squeeze %dma_start3A_1750 : memref<1x4096xf32, #tpu.memory_space<hbm>> -> memref<4096xf32, #tpu.memory_space<hbm>>
      %dma_start3A_1752 = arith.constant 0 : i32
      %dma_start3A_1753 = tpu.memref_slice %arg4[%add3A_304, %dma_start3A_1752] : memref<832x4096xf32, #tpu.memory_space<hbm>> -> memref<1x4096xf32, #tpu.memory_space<hbm>>
      %dma_start3A_1754 = tpu.memref_squeeze %dma_start3A_1753 : memref<1x4096xf32, #tpu.memory_space<hbm>> -> memref<4096xf32, #tpu.memory_space<hbm>>
      tpu.enqueue_dma source(%arg7 : memref<4096xf32, #tpu.memory_space<vmem>>) target(%dma_start3A_1754 : memref<4096xf32, #tpu.memory_space<hbm>>) target_semaphore(%run_scoped3A : memref<!tpu.dma_semaphore, #tpu.memory_space<semaphore_mem>>)
      %dma_wait3A = arith.constant 0 : i32
      %dma_wait3A_1755 = tpu.memref_slice %arg4[%add3A_304, %dma_wait3A] : memref<832x4096xf32, #tpu.memory_space<hbm>> -> memref<1x4096xf32, #tpu.memory_space<hbm>>
      %dma_wait3A_1756 = tpu.memref_squeeze %dma_wait3A_1755 : memref<1x4096xf32, #tpu.memory_space<hbm>> -> memref<4096xf32, #tpu.memory_space<hbm>>
      %dma_wait3A_1757 = arith.constant 0 : i32
      %dma_wait3A_1758 = tpu.memref_slice %arg4[%add3A_304, %dma_wait3A_1757] : memref<832x4096xf32, #tpu.memory_space<hbm>> -> memref<1x4096xf32, #tpu.memory_space<hbm>>
      %dma_wait3A_1759 = tpu.memref_squeeze %dma_wait3A_1758 : memref<1x4096xf32, #tpu.memory_space<hbm>> -> memref<4096xf32, #tpu.memory_space<hbm>>
      tpu.wait_dma2 semaphore(%run_scoped3A : memref<!tpu.dma_semaphore, #tpu.memory_space<semaphore_mem>>) src(%arg7 : memref<4096xf32, #tpu.memory_space<vmem>>) dst(%dma_wait3A_1759 : memref<4096xf32, #tpu.memory_space<hbm>>)
      tpu.yield
    }) : () -> ()
    %mul3A_370 = arith.constant 26 : i32
    %mul3A_371 = arith.muli %add3A, %mul3A_370 : i32
    %add3A_372 = arith.constant 6 : i32
    %add3A_373 = arith.addi %mul3A_371, %add3A_372 : i32
    %jit3A_374 = arith.constant 32 : i32
    %div3A_375 = arith.divsi %add3A_373, %jit3A_374 : i32
    %sign3A_376 = arith.constant 0 : i32
    %sign3A_377 = arith.cmpi sgt, %add3A_373, %sign3A_376 : i32
    %sign3A_378 = arith.extui %sign3A_377 : i1 to i32
    %sign3A_379 = arith.constant 0 : i32
    %sign3A_380 = arith.cmpi slt, %add3A_373, %sign3A_379 : i32
    %sign3A_381 = arith.extui %sign3A_380 : i1 to i32
    %sign3A_382 = arith.subi %sign3A_378, %sign3A_381 : i32
    %sign3A_383 = arith.constant 0 : i32
    %sign3A_384 = arith.cmpi sgt, %jit3A_374, %sign3A_383 : i32
    %sign3A_385 = arith.extui %sign3A_384 : i1 to i32
    %sign3A_386 = arith.constant 0 : i32
    %sign3A_387 = arith.cmpi slt, %jit3A_374, %sign3A_386 : i32
    %sign3A_388 = arith.extui %sign3A_387 : i1 to i32
    %sign3A_389 = arith.subi %sign3A_385, %sign3A_388 : i32
    %ne3A_390 = arith.cmpi ne, %sign3A_382, %sign3A_389 : i32
    %rem3A_391 = arith.remsi %add3A_373, %jit3A_374 : i32
    %ne3A_392 = arith.constant 0 : i32
    %ne3A_393 = arith.cmpi ne, %rem3A_391, %ne3A_392 : i32
    %and3A_394 = arith.andi %ne3A_390, %ne3A_393 : i1
    %sub3A_395 = arith.constant 1 : i32
    %sub3A_396 = arith.subi %div3A_375, %sub3A_395 : i32
    %select_n3A_397 = arith.select %and3A_394, %sub3A_396, %div3A_375 : i32
    %mul3A_398 = arith.constant 26 : i32
    %mul3A_399 = arith.muli %add3A, %mul3A_398 : i32
    %add3A_400 = arith.constant 6 : i32
    %add3A_401 = arith.addi %mul3A_399, %add3A_400 : i32
    %sub3A_402 = arith.constant 1 : i32
    %sub3A_403 = arith.subi %add3A_401, %sub3A_402 : i32
    %jit3A_404 = arith.constant 32 : i32
    %div3A_405 = arith.divsi %sub3A_403, %jit3A_404 : i32
    %sign3A_406 = arith.constant 0 : i32
    %sign3A_407 = arith.cmpi sgt, %sub3A_403, %sign3A_406 : i32
    %sign3A_408 = arith.extui %sign3A_407 : i1 to i32
    %sign3A_409 = arith.constant 0 : i32
    %sign3A_410 = arith.cmpi slt, %sub3A_403, %sign3A_409 : i32
    %sign3A_411 = arith.extui %sign3A_410 : i1 to i32
    %sign3A_412 = arith.subi %sign3A_408, %sign3A_411 : i32
    %sign3A_413 = arith.constant 0 : i32
    %sign3A_414 = arith.cmpi sgt, %jit3A_404, %sign3A_413 : i32
    %sign3A_415 = arith.extui %sign3A_414 : i1 to i32
    %sign3A_416 = arith.constant 0 : i32
    %sign3A_417 = arith.cmpi slt, %jit3A_404, %sign3A_416 : i32
    %sign3A_418 = arith.extui %sign3A_417 : i1 to i32
    %sign3A_419 = arith.subi %sign3A_415, %sign3A_418 : i32
    %ne3A_420 = arith.cmpi ne, %sign3A_412, %sign3A_419 : i32
    %rem3A_421 = arith.remsi %sub3A_403, %jit3A_404 : i32
    %ne3A_422 = arith.constant 0 : i32
    %ne3A_423 = arith.cmpi ne, %rem3A_421, %ne3A_422 : i32
    %and3A_424 = arith.andi %ne3A_420, %ne3A_423 : i1
    %sub3A_425 = arith.constant 1 : i32
    %sub3A_426 = arith.subi %div3A_405, %sub3A_425 : i32
    %select_n3A_427 = arith.select %and3A_424, %sub3A_426, %div3A_405 : i32
    %ne3A_428 = arith.cmpi ne, %select_n3A_397, %select_n3A_427 : i32
    %convert_element_type3A_429 = arith.extui %ne3A_428 : i1 to i32
    %cond3A_430 = arith.constant 0 : i32
    %cond3A_431 = arith.cmpi ne, %convert_element_type3A_429, %cond3A_430 : i32
    scf.if %cond3A_431 {
      "tpu.region"() ({
        %run_scoped3A = tpu.sem_alloc : memref<!tpu.dma_semaphore, #tpu.memory_space<semaphore_mem>>
        %dma_start3A = arith.constant 0 : i32
        %dma_start3A_1750 = tpu.memref_slice %arg2[%select_n3A_397, %dma_start3A] : memref<26x4096xi32, #tpu.memory_space<hbm>> -> memref<1x4096xi32, #tpu.memory_space<hbm>>
        %dma_start3A_1751 = tpu.memref_squeeze %dma_start3A_1750 : memref<1x4096xi32, #tpu.memory_space<hbm>> -> memref<4096xi32, #tpu.memory_space<hbm>>
        %dma_start3A_1752 = arith.constant 0 : i32
        %dma_start3A_1753 = tpu.memref_slice %arg2[%select_n3A_397, %dma_start3A_1752] : memref<26x4096xi32, #tpu.memory_space<hbm>> -> memref<1x4096xi32, #tpu.memory_space<hbm>>
        %dma_start3A_1754 = tpu.memref_squeeze %dma_start3A_1753 : memref<1x4096xi32, #tpu.memory_space<hbm>> -> memref<4096xi32, #tpu.memory_space<hbm>>
        tpu.enqueue_dma source(%dma_start3A_1754 : memref<4096xi32, #tpu.memory_space<hbm>>) target(%arg6 : memref<4096xi32, #tpu.memory_space<vmem>>) target_semaphore(%run_scoped3A : memref<!tpu.dma_semaphore, #tpu.memory_space<semaphore_mem>>)
        %dma_wait3A = arith.constant 0 : i32
        %dma_wait3A_1755 = tpu.memref_slice %arg2[%select_n3A_397, %dma_wait3A] : memref<26x4096xi32, #tpu.memory_space<hbm>> -> memref<1x4096xi32, #tpu.memory_space<hbm>>
        %dma_wait3A_1756 = tpu.memref_squeeze %dma_wait3A_1755 : memref<1x4096xi32, #tpu.memory_space<hbm>> -> memref<4096xi32, #tpu.memory_space<hbm>>
        %dma_wait3A_1757 = arith.constant 0 : i32
        %dma_wait3A_1758 = tpu.memref_slice %arg2[%select_n3A_397, %dma_wait3A_1757] : memref<26x4096xi32, #tpu.memory_space<hbm>> -> memref<1x4096xi32, #tpu.memory_space<hbm>>
        %dma_wait3A_1759 = tpu.memref_squeeze %dma_wait3A_1758 : memref<1x4096xi32, #tpu.memory_space<hbm>> -> memref<4096xi32, #tpu.memory_space<hbm>>
        tpu.wait_dma2 semaphore(%run_scoped3A : memref<!tpu.dma_semaphore, #tpu.memory_space<semaphore_mem>>) src(%dma_wait3A_1759 : memref<4096xi32, #tpu.memory_space<hbm>>) dst(%arg6 : memref<4096xi32, #tpu.memory_space<vmem>>)
        tpu.yield
      }) : () -> ()
    } else {
    }
    "tpu.region"() ({
      %run_scoped3A = tpu.sem_alloc : memref<!tpu.dma_semaphore, #tpu.memory_space<semaphore_mem>>
      %dma_start3A = arith.constant 0 : i32
      %dma_start3A_1750 = tpu.memref_slice %arg3[%add3A_373, %dma_start3A] : memref<832x100000xf32, #tpu.memory_space<hbm>> -> memref<1x100000xf32, #tpu.memory_space<hbm>>
      %dma_start3A_1751 = tpu.memref_squeeze %dma_start3A_1750 : memref<1x100000xf32, #tpu.memory_space<hbm>> -> memref<100000xf32, #tpu.memory_space<hbm>>
      %dma_start3A_1752 = arith.constant 0 : i32
      %dma_start3A_1753 = tpu.memref_slice %arg3[%add3A_373, %dma_start3A_1752] : memref<832x100000xf32, #tpu.memory_space<hbm>> -> memref<1x100000xf32, #tpu.memory_space<hbm>>
      %dma_start3A_1754 = tpu.memref_squeeze %dma_start3A_1753 : memref<1x100000xf32, #tpu.memory_space<hbm>> -> memref<100000xf32, #tpu.memory_space<hbm>>
      tpu.enqueue_dma source(%dma_start3A_1754 : memref<100000xf32, #tpu.memory_space<hbm>>) target(%arg5 : memref<100000xf32, #tpu.memory_space<vmem>>) target_semaphore(%run_scoped3A : memref<!tpu.dma_semaphore, #tpu.memory_space<semaphore_mem>>)
      %dma_wait3A = arith.constant 0 : i32
      %dma_wait3A_1755 = tpu.memref_slice %arg3[%add3A_373, %dma_wait3A] : memref<832x100000xf32, #tpu.memory_space<hbm>> -> memref<1x100000xf32, #tpu.memory_space<hbm>>
      %dma_wait3A_1756 = tpu.memref_squeeze %dma_wait3A_1755 : memref<1x100000xf32, #tpu.memory_space<hbm>> -> memref<100000xf32, #tpu.memory_space<hbm>>
      %dma_wait3A_1757 = arith.constant 0 : i32
      %dma_wait3A_1758 = tpu.memref_slice %arg3[%add3A_373, %dma_wait3A_1757] : memref<832x100000xf32, #tpu.memory_space<hbm>> -> memref<1x100000xf32, #tpu.memory_space<hbm>>
      %dma_wait3A_1759 = tpu.memref_squeeze %dma_wait3A_1758 : memref<1x100000xf32, #tpu.memory_space<hbm>> -> memref<100000xf32, #tpu.memory_space<hbm>>
      tpu.wait_dma2 semaphore(%run_scoped3A : memref<!tpu.dma_semaphore, #tpu.memory_space<semaphore_mem>>) src(%dma_wait3A_1759 : memref<100000xf32, #tpu.memory_space<hbm>>) dst(%arg5 : memref<100000xf32, #tpu.memory_space<vmem>>)
      tpu.yield
    }) : () -> ()
    %scan3A_432 = arith.constant 0 : i32
    %scan3A_433 = arith.constant 0 : i32
    %scan3A_434 = arith.constant 256 : i32
    %scan3A_435 = arith.addi %scan3A_433, %scan3A_434 : i32
    %scan3A_436 = arith.constant 1 : i32
    %scan3A_437 = scf.for %scan3A_1750 = %scan3A_433 to %scan3A_435 step %scan3A_436 iter_args(%scan3A_1751 = %scan3A_432) -> (i32)  : i32 {
      %mul3A_1752 = arith.constant 16 : i32
      %mul3A_1753 = arith.muli %scan3A_1750, %mul3A_1752 : i32
      %get3A = arith.index_cast %mul3A_1753 : i32 to index
      %get3A_1754 = tpu.vector_load %arg6[%get3A] {strides = array<i32>} : memref<4096xi32, #tpu.memory_space<vmem>>, vector<16xi32>,
      %gather3A = tpu.vector_load_idx %arg5[%get3A_1754] : memref<100000xf32, #tpu.memory_space<vmem>>[vector<16xi32>], vector<16xf32>,
      %mul3A_1755 = arith.constant 16 : i32
      %mul3A_1756 = arith.muli %scan3A_1750, %mul3A_1755 : i32
      %swap3A = arith.index_cast %mul3A_1756 : i32 to index
      %swap3A_1757 = tpu.vector_load %arg7[%swap3A] {strides = array<i32>} : memref<4096xf32, #tpu.memory_space<vmem>>, vector<16xf32>,
      tpu.vector_store %arg7[%swap3A], %gather3A {strides = array<i32>} : memref<4096xf32, #tpu.memory_space<vmem>>, vector<16xf32>,
      %scan3A_1758 = arith.constant 0 : i32
      scf.yield %scan3A_1758 : i32
    }
    %scan3A_438 = arith.constant 256 : i32
    "tpu.region"() ({
      %run_scoped3A = tpu.sem_alloc : memref<!tpu.dma_semaphore, #tpu.memory_space<semaphore_mem>>
      %dma_start3A = arith.constant 0 : i32
      %dma_start3A_1750 = tpu.memref_slice %arg4[%add3A_373, %dma_start3A] : memref<832x4096xf32, #tpu.memory_space<hbm>> -> memref<1x4096xf32, #tpu.memory_space<hbm>>
      %dma_start3A_1751 = tpu.memref_squeeze %dma_start3A_1750 : memref<1x4096xf32, #tpu.memory_space<hbm>> -> memref<4096xf32, #tpu.memory_space<hbm>>
      %dma_start3A_1752 = arith.constant 0 : i32
      %dma_start3A_1753 = tpu.memref_slice %arg4[%add3A_373, %dma_start3A_1752] : memref<832x4096xf32, #tpu.memory_space<hbm>> -> memref<1x4096xf32, #tpu.memory_space<hbm>>
      %dma_start3A_1754 = tpu.memref_squeeze %dma_start3A_1753 : memref<1x4096xf32, #tpu.memory_space<hbm>> -> memref<4096xf32, #tpu.memory_space<hbm>>
      tpu.enqueue_dma source(%arg7 : memref<4096xf32, #tpu.memory_space<vmem>>) target(%dma_start3A_1754 : memref<4096xf32, #tpu.memory_space<hbm>>) target_semaphore(%run_scoped3A : memref<!tpu.dma_semaphore, #tpu.memory_space<semaphore_mem>>)
      %dma_wait3A = arith.constant 0 : i32
      %dma_wait3A_1755 = tpu.memref_slice %arg4[%add3A_373, %dma_wait3A] : memref<832x4096xf32, #tpu.memory_space<hbm>> -> memref<1x4096xf32, #tpu.memory_space<hbm>>
      %dma_wait3A_1756 = tpu.memref_squeeze %dma_wait3A_1755 : memref<1x4096xf32, #tpu.memory_space<hbm>> -> memref<4096xf32, #tpu.memory_space<hbm>>
      %dma_wait3A_1757 = arith.constant 0 : i32
      %dma_wait3A_1758 = tpu.memref_slice %arg4[%add3A_373, %dma_wait3A_1757] : memref<832x4096xf32, #tpu.memory_space<hbm>> -> memref<1x4096xf32, #tpu.memory_space<hbm>>
      %dma_wait3A_1759 = tpu.memref_squeeze %dma_wait3A_1758 : memref<1x4096xf32, #tpu.memory_space<hbm>> -> memref<4096xf32, #tpu.memory_space<hbm>>
      tpu.wait_dma2 semaphore(%run_scoped3A : memref<!tpu.dma_semaphore, #tpu.memory_space<semaphore_mem>>) src(%arg7 : memref<4096xf32, #tpu.memory_space<vmem>>) dst(%dma_wait3A_1759 : memref<4096xf32, #tpu.memory_space<hbm>>)
      tpu.yield
    }) : () -> ()
    %mul3A_439 = arith.constant 26 : i32
    %mul3A_440 = arith.muli %add3A, %mul3A_439 : i32
    %add3A_441 = arith.constant 7 : i32
    %add3A_442 = arith.addi %mul3A_440, %add3A_441 : i32
    %jit3A_443 = arith.constant 32 : i32
    %div3A_444 = arith.divsi %add3A_442, %jit3A_443 : i32
    %sign3A_445 = arith.constant 0 : i32
    %sign3A_446 = arith.cmpi sgt, %add3A_442, %sign3A_445 : i32
    %sign3A_447 = arith.extui %sign3A_446 : i1 to i32
    %sign3A_448 = arith.constant 0 : i32
    %sign3A_449 = arith.cmpi slt, %add3A_442, %sign3A_448 : i32
    %sign3A_450 = arith.extui %sign3A_449 : i1 to i32
    %sign3A_451 = arith.subi %sign3A_447, %sign3A_450 : i32
    %sign3A_452 = arith.constant 0 : i32
    %sign3A_453 = arith.cmpi sgt, %jit3A_443, %sign3A_452 : i32
    %sign3A_454 = arith.extui %sign3A_453 : i1 to i32
    %sign3A_455 = arith.constant 0 : i32
    %sign3A_456 = arith.cmpi slt, %jit3A_443, %sign3A_455 : i32
    %sign3A_457 = arith.extui %sign3A_456 : i1 to i32
    %sign3A_458 = arith.subi %sign3A_454, %sign3A_457 : i32
    %ne3A_459 = arith.cmpi ne, %sign3A_451, %sign3A_458 : i32
    %rem3A_460 = arith.remsi %add3A_442, %jit3A_443 : i32
    %ne3A_461 = arith.constant 0 : i32
    %ne3A_462 = arith.cmpi ne, %rem3A_460, %ne3A_461 : i32
    %and3A_463 = arith.andi %ne3A_459, %ne3A_462 : i1
    %sub3A_464 = arith.constant 1 : i32
    %sub3A_465 = arith.subi %div3A_444, %sub3A_464 : i32
    %select_n3A_466 = arith.select %and3A_463, %sub3A_465, %div3A_444 : i32
    %mul3A_467 = arith.constant 26 : i32
    %mul3A_468 = arith.muli %add3A, %mul3A_467 : i32
    %add3A_469 = arith.constant 7 : i32
    %add3A_470 = arith.addi %mul3A_468, %add3A_469 : i32
    %sub3A_471 = arith.constant 1 : i32
    %sub3A_472 = arith.subi %add3A_470, %sub3A_471 : i32
    %jit3A_473 = arith.constant 32 : i32
    %div3A_474 = arith.divsi %sub3A_472, %jit3A_473 : i32
    %sign3A_475 = arith.constant 0 : i32
    %sign3A_476 = arith.cmpi sgt, %sub3A_472, %sign3A_475 : i32
    %sign3A_477 = arith.extui %sign3A_476 : i1 to i32
    %sign3A_478 = arith.constant 0 : i32
    %sign3A_479 = arith.cmpi slt, %sub3A_472, %sign3A_478 : i32
    %sign3A_480 = arith.extui %sign3A_479 : i1 to i32
    %sign3A_481 = arith.subi %sign3A_477, %sign3A_480 : i32
    %sign3A_482 = arith.constant 0 : i32
    %sign3A_483 = arith.cmpi sgt, %jit3A_473, %sign3A_482 : i32
    %sign3A_484 = arith.extui %sign3A_483 : i1 to i32
    %sign3A_485 = arith.constant 0 : i32
    %sign3A_486 = arith.cmpi slt, %jit3A_473, %sign3A_485 : i32
    %sign3A_487 = arith.extui %sign3A_486 : i1 to i32
    %sign3A_488 = arith.subi %sign3A_484, %sign3A_487 : i32
    %ne3A_489 = arith.cmpi ne, %sign3A_481, %sign3A_488 : i32
    %rem3A_490 = arith.remsi %sub3A_472, %jit3A_473 : i32
    %ne3A_491 = arith.constant 0 : i32
    %ne3A_492 = arith.cmpi ne, %rem3A_490, %ne3A_491 : i32
    %and3A_493 = arith.andi %ne3A_489, %ne3A_492 : i1
    %sub3A_494 = arith.constant 1 : i32
    %sub3A_495 = arith.subi %div3A_474, %sub3A_494 : i32
    %select_n3A_496 = arith.select %and3A_493, %sub3A_495, %div3A_474 : i32
    %ne3A_497 = arith.cmpi ne, %select_n3A_466, %select_n3A_496 : i32
    %convert_element_type3A_498 = arith.extui %ne3A_497 : i1 to i32
    %cond3A_499 = arith.constant 0 : i32
    %cond3A_500 = arith.cmpi ne, %convert_element_type3A_498, %cond3A_499 : i32
    scf.if %cond3A_500 {
      "tpu.region"() ({
        %run_scoped3A = tpu.sem_alloc : memref<!tpu.dma_semaphore, #tpu.memory_space<semaphore_mem>>
        %dma_start3A = arith.constant 0 : i32
        %dma_start3A_1750 = tpu.memref_slice %arg2[%select_n3A_466, %dma_start3A] : memref<26x4096xi32, #tpu.memory_space<hbm>> -> memref<1x4096xi32, #tpu.memory_space<hbm>>
        %dma_start3A_1751 = tpu.memref_squeeze %dma_start3A_1750 : memref<1x4096xi32, #tpu.memory_space<hbm>> -> memref<4096xi32, #tpu.memory_space<hbm>>
        %dma_start3A_1752 = arith.constant 0 : i32
        %dma_start3A_1753 = tpu.memref_slice %arg2[%select_n3A_466, %dma_start3A_1752] : memref<26x4096xi32, #tpu.memory_space<hbm>> -> memref<1x4096xi32, #tpu.memory_space<hbm>>
        %dma_start3A_1754 = tpu.memref_squeeze %dma_start3A_1753 : memref<1x4096xi32, #tpu.memory_space<hbm>> -> memref<4096xi32, #tpu.memory_space<hbm>>
        tpu.enqueue_dma source(%dma_start3A_1754 : memref<4096xi32, #tpu.memory_space<hbm>>) target(%arg6 : memref<4096xi32, #tpu.memory_space<vmem>>) target_semaphore(%run_scoped3A : memref<!tpu.dma_semaphore, #tpu.memory_space<semaphore_mem>>)
        %dma_wait3A = arith.constant 0 : i32
        %dma_wait3A_1755 = tpu.memref_slice %arg2[%select_n3A_466, %dma_wait3A] : memref<26x4096xi32, #tpu.memory_space<hbm>> -> memref<1x4096xi32, #tpu.memory_space<hbm>>
        %dma_wait3A_1756 = tpu.memref_squeeze %dma_wait3A_1755 : memref<1x4096xi32, #tpu.memory_space<hbm>> -> memref<4096xi32, #tpu.memory_space<hbm>>
        %dma_wait3A_1757 = arith.constant 0 : i32
        %dma_wait3A_1758 = tpu.memref_slice %arg2[%select_n3A_466, %dma_wait3A_1757] : memref<26x4096xi32, #tpu.memory_space<hbm>> -> memref<1x4096xi32, #tpu.memory_space<hbm>>
        %dma_wait3A_1759 = tpu.memref_squeeze %dma_wait3A_1758 : memref<1x4096xi32, #tpu.memory_space<hbm>> -> memref<4096xi32, #tpu.memory_space<hbm>>
        tpu.wait_dma2 semaphore(%run_scoped3A : memref<!tpu.dma_semaphore, #tpu.memory_space<semaphore_mem>>) src(%dma_wait3A_1759 : memref<4096xi32, #tpu.memory_space<hbm>>) dst(%arg6 : memref<4096xi32, #tpu.memory_space<vmem>>)
        tpu.yield
      }) : () -> ()
    } else {
    }
    "tpu.region"() ({
      %run_scoped3A = tpu.sem_alloc : memref<!tpu.dma_semaphore, #tpu.memory_space<semaphore_mem>>
      %dma_start3A = arith.constant 0 : i32
      %dma_start3A_1750 = tpu.memref_slice %arg3[%add3A_442, %dma_start3A] : memref<832x100000xf32, #tpu.memory_space<hbm>> -> memref<1x100000xf32, #tpu.memory_space<hbm>>
      %dma_start3A_1751 = tpu.memref_squeeze %dma_start3A_1750 : memref<1x100000xf32, #tpu.memory_space<hbm>> -> memref<100000xf32, #tpu.memory_space<hbm>>
      %dma_start3A_1752 = arith.constant 0 : i32
      %dma_start3A_1753 = tpu.memref_slice %arg3[%add3A_442, %dma_start3A_1752] : memref<832x100000xf32, #tpu.memory_space<hbm>> -> memref<1x100000xf32, #tpu.memory_space<hbm>>
      %dma_start3A_1754 = tpu.memref_squeeze %dma_start3A_1753 : memref<1x100000xf32, #tpu.memory_space<hbm>> -> memref<100000xf32, #tpu.memory_space<hbm>>
      tpu.enqueue_dma source(%dma_start3A_1754 : memref<100000xf32, #tpu.memory_space<hbm>>) target(%arg5 : memref<100000xf32, #tpu.memory_space<vmem>>) target_semaphore(%run_scoped3A : memref<!tpu.dma_semaphore, #tpu.memory_space<semaphore_mem>>)
      %dma_wait3A = arith.constant 0 : i32
      %dma_wait3A_1755 = tpu.memref_slice %arg3[%add3A_442, %dma_wait3A] : memref<832x100000xf32, #tpu.memory_space<hbm>> -> memref<1x100000xf32, #tpu.memory_space<hbm>>
      %dma_wait3A_1756 = tpu.memref_squeeze %dma_wait3A_1755 : memref<1x100000xf32, #tpu.memory_space<hbm>> -> memref<100000xf32, #tpu.memory_space<hbm>>
      %dma_wait3A_1757 = arith.constant 0 : i32
      %dma_wait3A_1758 = tpu.memref_slice %arg3[%add3A_442, %dma_wait3A_1757] : memref<832x100000xf32, #tpu.memory_space<hbm>> -> memref<1x100000xf32, #tpu.memory_space<hbm>>
      %dma_wait3A_1759 = tpu.memref_squeeze %dma_wait3A_1758 : memref<1x100000xf32, #tpu.memory_space<hbm>> -> memref<100000xf32, #tpu.memory_space<hbm>>
      tpu.wait_dma2 semaphore(%run_scoped3A : memref<!tpu.dma_semaphore, #tpu.memory_space<semaphore_mem>>) src(%dma_wait3A_1759 : memref<100000xf32, #tpu.memory_space<hbm>>) dst(%arg5 : memref<100000xf32, #tpu.memory_space<vmem>>)
      tpu.yield
    }) : () -> ()
    %scan3A_501 = arith.constant 0 : i32
    %scan3A_502 = arith.constant 0 : i32
    %scan3A_503 = arith.constant 256 : i32
    %scan3A_504 = arith.addi %scan3A_502, %scan3A_503 : i32
    %scan3A_505 = arith.constant 1 : i32
    %scan3A_506 = scf.for %scan3A_1750 = %scan3A_502 to %scan3A_504 step %scan3A_505 iter_args(%scan3A_1751 = %scan3A_501) -> (i32)  : i32 {
      %mul3A_1752 = arith.constant 16 : i32
      %mul3A_1753 = arith.muli %scan3A_1750, %mul3A_1752 : i32
      %get3A = arith.index_cast %mul3A_1753 : i32 to index
      %get3A_1754 = tpu.vector_load %arg6[%get3A] {strides = array<i32>} : memref<4096xi32, #tpu.memory_space<vmem>>, vector<16xi32>,
      %gather3A = tpu.vector_load_idx %arg5[%get3A_1754] : memref<100000xf32, #tpu.memory_space<vmem>>[vector<16xi32>], vector<16xf32>,
      %mul3A_1755 = arith.constant 16 : i32
      %mul3A_1756 = arith.muli %scan3A_1750, %mul3A_1755 : i32
      %swap3A = arith.index_cast %mul3A_1756 : i32 to index
      %swap3A_1757 = tpu.vector_load %arg7[%swap3A] {strides = array<i32>} : memref<4096xf32, #tpu.memory_space<vmem>>, vector<16xf32>,
      tpu.vector_store %arg7[%swap3A], %gather3A {strides = array<i32>} : memref<4096xf32, #tpu.memory_space<vmem>>, vector<16xf32>,
      %scan3A_1758 = arith.constant 0 : i32
      scf.yield %scan3A_1758 : i32
    }
    %scan3A_507 = arith.constant 256 : i32
    "tpu.region"() ({
      %run_scoped3A = tpu.sem_alloc : memref<!tpu.dma_semaphore, #tpu.memory_space<semaphore_mem>>
      %dma_start3A = arith.constant 0 : i32
      %dma_start3A_1750 = tpu.memref_slice %arg4[%add3A_442, %dma_start3A] : memref<832x4096xf32, #tpu.memory_space<hbm>> -> memref<1x4096xf32, #tpu.memory_space<hbm>>
      %dma_start3A_1751 = tpu.memref_squeeze %dma_start3A_1750 : memref<1x4096xf32, #tpu.memory_space<hbm>> -> memref<4096xf32, #tpu.memory_space<hbm>>
      %dma_start3A_1752 = arith.constant 0 : i32
      %dma_start3A_1753 = tpu.memref_slice %arg4[%add3A_442, %dma_start3A_1752] : memref<832x4096xf32, #tpu.memory_space<hbm>> -> memref<1x4096xf32, #tpu.memory_space<hbm>>
      %dma_start3A_1754 = tpu.memref_squeeze %dma_start3A_1753 : memref<1x4096xf32, #tpu.memory_space<hbm>> -> memref<4096xf32, #tpu.memory_space<hbm>>
      tpu.enqueue_dma source(%arg7 : memref<4096xf32, #tpu.memory_space<vmem>>) target(%dma_start3A_1754 : memref<4096xf32, #tpu.memory_space<hbm>>) target_semaphore(%run_scoped3A : memref<!tpu.dma_semaphore, #tpu.memory_space<semaphore_mem>>)
      %dma_wait3A = arith.constant 0 : i32
      %dma_wait3A_1755 = tpu.memref_slice %arg4[%add3A_442, %dma_wait3A] : memref<832x4096xf32, #tpu.memory_space<hbm>> -> memref<1x4096xf32, #tpu.memory_space<hbm>>
      %dma_wait3A_1756 = tpu.memref_squeeze %dma_wait3A_1755 : memref<1x4096xf32, #tpu.memory_space<hbm>> -> memref<4096xf32, #tpu.memory_space<hbm>>
      %dma_wait3A_1757 = arith.constant 0 : i32
      %dma_wait3A_1758 = tpu.memref_slice %arg4[%add3A_442, %dma_wait3A_1757] : memref<832x4096xf32, #tpu.memory_space<hbm>> -> memref<1x4096xf32, #tpu.memory_space<hbm>>
      %dma_wait3A_1759 = tpu.memref_squeeze %dma_wait3A_1758 : memref<1x4096xf32, #tpu.memory_space<hbm>> -> memref<4096xf32, #tpu.memory_space<hbm>>
      tpu.wait_dma2 semaphore(%run_scoped3A : memref<!tpu.dma_semaphore, #tpu.memory_space<semaphore_mem>>) src(%arg7 : memref<4096xf32, #tpu.memory_space<vmem>>) dst(%dma_wait3A_1759 : memref<4096xf32, #tpu.memory_space<hbm>>)
      tpu.yield
    }) : () -> ()
    %mul3A_508 = arith.constant 26 : i32
    %mul3A_509 = arith.muli %add3A, %mul3A_508 : i32
    %add3A_510 = arith.constant 8 : i32
    %add3A_511 = arith.addi %mul3A_509, %add3A_510 : i32
    %jit3A_512 = arith.constant 32 : i32
    %div3A_513 = arith.divsi %add3A_511, %jit3A_512 : i32
    %sign3A_514 = arith.constant 0 : i32
    %sign3A_515 = arith.cmpi sgt, %add3A_511, %sign3A_514 : i32
    %sign3A_516 = arith.extui %sign3A_515 : i1 to i32
    %sign3A_517 = arith.constant 0 : i32
    %sign3A_518 = arith.cmpi slt, %add3A_511, %sign3A_517 : i32
    %sign3A_519 = arith.extui %sign3A_518 : i1 to i32
    %sign3A_520 = arith.subi %sign3A_516, %sign3A_519 : i32
    %sign3A_521 = arith.constant 0 : i32
    %sign3A_522 = arith.cmpi sgt, %jit3A_512, %sign3A_521 : i32
    %sign3A_523 = arith.extui %sign3A_522 : i1 to i32
    %sign3A_524 = arith.constant 0 : i32
    %sign3A_525 = arith.cmpi slt, %jit3A_512, %sign3A_524 : i32
    %sign3A_526 = arith.extui %sign3A_525 : i1 to i32
    %sign3A_527 = arith.subi %sign3A_523, %sign3A_526 : i32
    %ne3A_528 = arith.cmpi ne, %sign3A_520, %sign3A_527 : i32
    %rem3A_529 = arith.remsi %add3A_511, %jit3A_512 : i32
    %ne3A_530 = arith.constant 0 : i32
    %ne3A_531 = arith.cmpi ne, %rem3A_529, %ne3A_530 : i32
    %and3A_532 = arith.andi %ne3A_528, %ne3A_531 : i1
    %sub3A_533 = arith.constant 1 : i32
    %sub3A_534 = arith.subi %div3A_513, %sub3A_533 : i32
    %select_n3A_535 = arith.select %and3A_532, %sub3A_534, %div3A_513 : i32
    %mul3A_536 = arith.constant 26 : i32
    %mul3A_537 = arith.muli %add3A, %mul3A_536 : i32
    %add3A_538 = arith.constant 8 : i32
    %add3A_539 = arith.addi %mul3A_537, %add3A_538 : i32
    %sub3A_540 = arith.constant 1 : i32
    %sub3A_541 = arith.subi %add3A_539, %sub3A_540 : i32
    %jit3A_542 = arith.constant 32 : i32
    %div3A_543 = arith.divsi %sub3A_541, %jit3A_542 : i32
    %sign3A_544 = arith.constant 0 : i32
    %sign3A_545 = arith.cmpi sgt, %sub3A_541, %sign3A_544 : i32
    %sign3A_546 = arith.extui %sign3A_545 : i1 to i32
    %sign3A_547 = arith.constant 0 : i32
    %sign3A_548 = arith.cmpi slt, %sub3A_541, %sign3A_547 : i32
    %sign3A_549 = arith.extui %sign3A_548 : i1 to i32
    %sign3A_550 = arith.subi %sign3A_546, %sign3A_549 : i32
    %sign3A_551 = arith.constant 0 : i32
    %sign3A_552 = arith.cmpi sgt, %jit3A_542, %sign3A_551 : i32
    %sign3A_553 = arith.extui %sign3A_552 : i1 to i32
    %sign3A_554 = arith.constant 0 : i32
    %sign3A_555 = arith.cmpi slt, %jit3A_542, %sign3A_554 : i32
    %sign3A_556 = arith.extui %sign3A_555 : i1 to i32
    %sign3A_557 = arith.subi %sign3A_553, %sign3A_556 : i32
    %ne3A_558 = arith.cmpi ne, %sign3A_550, %sign3A_557 : i32
    %rem3A_559 = arith.remsi %sub3A_541, %jit3A_542 : i32
    %ne3A_560 = arith.constant 0 : i32
    %ne3A_561 = arith.cmpi ne, %rem3A_559, %ne3A_560 : i32
    %and3A_562 = arith.andi %ne3A_558, %ne3A_561 : i1
    %sub3A_563 = arith.constant 1 : i32
    %sub3A_564 = arith.subi %div3A_543, %sub3A_563 : i32
    %select_n3A_565 = arith.select %and3A_562, %sub3A_564, %div3A_543 : i32
    %ne3A_566 = arith.cmpi ne, %select_n3A_535, %select_n3A_565 : i32
    %convert_element_type3A_567 = arith.extui %ne3A_566 : i1 to i32
    %cond3A_568 = arith.constant 0 : i32
    %cond3A_569 = arith.cmpi ne, %convert_element_type3A_567, %cond3A_568 : i32
    scf.if %cond3A_569 {
      "tpu.region"() ({
        %run_scoped3A = tpu.sem_alloc : memref<!tpu.dma_semaphore, #tpu.memory_space<semaphore_mem>>
        %dma_start3A = arith.constant 0 : i32
        %dma_start3A_1750 = tpu.memref_slice %arg2[%select_n3A_535, %dma_start3A] : memref<26x4096xi32, #tpu.memory_space<hbm>> -> memref<1x4096xi32, #tpu.memory_space<hbm>>
        %dma_start3A_1751 = tpu.memref_squeeze %dma_start3A_1750 : memref<1x4096xi32, #tpu.memory_space<hbm>> -> memref<4096xi32, #tpu.memory_space<hbm>>
        %dma_start3A_1752 = arith.constant 0 : i32
        %dma_start3A_1753 = tpu.memref_slice %arg2[%select_n3A_535, %dma_start3A_1752] : memref<26x4096xi32, #tpu.memory_space<hbm>> -> memref<1x4096xi32, #tpu.memory_space<hbm>>
        %dma_start3A_1754 = tpu.memref_squeeze %dma_start3A_1753 : memref<1x4096xi32, #tpu.memory_space<hbm>> -> memref<4096xi32, #tpu.memory_space<hbm>>
        tpu.enqueue_dma source(%dma_start3A_1754 : memref<4096xi32, #tpu.memory_space<hbm>>) target(%arg6 : memref<4096xi32, #tpu.memory_space<vmem>>) target_semaphore(%run_scoped3A : memref<!tpu.dma_semaphore, #tpu.memory_space<semaphore_mem>>)
        %dma_wait3A = arith.constant 0 : i32
        %dma_wait3A_1755 = tpu.memref_slice %arg2[%select_n3A_535, %dma_wait3A] : memref<26x4096xi32, #tpu.memory_space<hbm>> -> memref<1x4096xi32, #tpu.memory_space<hbm>>
        %dma_wait3A_1756 = tpu.memref_squeeze %dma_wait3A_1755 : memref<1x4096xi32, #tpu.memory_space<hbm>> -> memref<4096xi32, #tpu.memory_space<hbm>>
        %dma_wait3A_1757 = arith.constant 0 : i32
        %dma_wait3A_1758 = tpu.memref_slice %arg2[%select_n3A_535, %dma_wait3A_1757] : memref<26x4096xi32, #tpu.memory_space<hbm>> -> memref<1x4096xi32, #tpu.memory_space<hbm>>
        %dma_wait3A_1759 = tpu.memref_squeeze %dma_wait3A_1758 : memref<1x4096xi32, #tpu.memory_space<hbm>> -> memref<4096xi32, #tpu.memory_space<hbm>>
        tpu.wait_dma2 semaphore(%run_scoped3A : memref<!tpu.dma_semaphore, #tpu.memory_space<semaphore_mem>>) src(%dma_wait3A_1759 : memref<4096xi32, #tpu.memory_space<hbm>>) dst(%arg6 : memref<4096xi32, #tpu.memory_space<vmem>>)
        tpu.yield
      }) : () -> ()
    } else {
    }
    "tpu.region"() ({
      %run_scoped3A = tpu.sem_alloc : memref<!tpu.dma_semaphore, #tpu.memory_space<semaphore_mem>>
      %dma_start3A = arith.constant 0 : i32
      %dma_start3A_1750 = tpu.memref_slice %arg3[%add3A_511, %dma_start3A] : memref<832x100000xf32, #tpu.memory_space<hbm>> -> memref<1x100000xf32, #tpu.memory_space<hbm>>
      %dma_start3A_1751 = tpu.memref_squeeze %dma_start3A_1750 : memref<1x100000xf32, #tpu.memory_space<hbm>> -> memref<100000xf32, #tpu.memory_space<hbm>>
      %dma_start3A_1752 = arith.constant 0 : i32
      %dma_start3A_1753 = tpu.memref_slice %arg3[%add3A_511, %dma_start3A_1752] : memref<832x100000xf32, #tpu.memory_space<hbm>> -> memref<1x100000xf32, #tpu.memory_space<hbm>>
      %dma_start3A_1754 = tpu.memref_squeeze %dma_start3A_1753 : memref<1x100000xf32, #tpu.memory_space<hbm>> -> memref<100000xf32, #tpu.memory_space<hbm>>
      tpu.enqueue_dma source(%dma_start3A_1754 : memref<100000xf32, #tpu.memory_space<hbm>>) target(%arg5 : memref<100000xf32, #tpu.memory_space<vmem>>) target_semaphore(%run_scoped3A : memref<!tpu.dma_semaphore, #tpu.memory_space<semaphore_mem>>)
      %dma_wait3A = arith.constant 0 : i32
      %dma_wait3A_1755 = tpu.memref_slice %arg3[%add3A_511, %dma_wait3A] : memref<832x100000xf32, #tpu.memory_space<hbm>> -> memref<1x100000xf32, #tpu.memory_space<hbm>>
      %dma_wait3A_1756 = tpu.memref_squeeze %dma_wait3A_1755 : memref<1x100000xf32, #tpu.memory_space<hbm>> -> memref<100000xf32, #tpu.memory_space<hbm>>
      %dma_wait3A_1757 = arith.constant 0 : i32
      %dma_wait3A_1758 = tpu.memref_slice %arg3[%add3A_511, %dma_wait3A_1757] : memref<832x100000xf32, #tpu.memory_space<hbm>> -> memref<1x100000xf32, #tpu.memory_space<hbm>>
      %dma_wait3A_1759 = tpu.memref_squeeze %dma_wait3A_1758 : memref<1x100000xf32, #tpu.memory_space<hbm>> -> memref<100000xf32, #tpu.memory_space<hbm>>
      tpu.wait_dma2 semaphore(%run_scoped3A : memref<!tpu.dma_semaphore, #tpu.memory_space<semaphore_mem>>) src(%dma_wait3A_1759 : memref<100000xf32, #tpu.memory_space<hbm>>) dst(%arg5 : memref<100000xf32, #tpu.memory_space<vmem>>)
      tpu.yield
    }) : () -> ()
    %scan3A_570 = arith.constant 0 : i32
    %scan3A_571 = arith.constant 0 : i32
    %scan3A_572 = arith.constant 256 : i32
    %scan3A_573 = arith.addi %scan3A_571, %scan3A_572 : i32
    %scan3A_574 = arith.constant 1 : i32
    %scan3A_575 = scf.for %scan3A_1750 = %scan3A_571 to %scan3A_573 step %scan3A_574 iter_args(%scan3A_1751 = %scan3A_570) -> (i32)  : i32 {
      %mul3A_1752 = arith.constant 16 : i32
      %mul3A_1753 = arith.muli %scan3A_1750, %mul3A_1752 : i32
      %get3A = arith.index_cast %mul3A_1753 : i32 to index
      %get3A_1754 = tpu.vector_load %arg6[%get3A] {strides = array<i32>} : memref<4096xi32, #tpu.memory_space<vmem>>, vector<16xi32>,
      %gather3A = tpu.vector_load_idx %arg5[%get3A_1754] : memref<100000xf32, #tpu.memory_space<vmem>>[vector<16xi32>], vector<16xf32>,
      %mul3A_1755 = arith.constant 16 : i32
      %mul3A_1756 = arith.muli %scan3A_1750, %mul3A_1755 : i32
      %swap3A = arith.index_cast %mul3A_1756 : i32 to index
      %swap3A_1757 = tpu.vector_load %arg7[%swap3A] {strides = array<i32>} : memref<4096xf32, #tpu.memory_space<vmem>>, vector<16xf32>,
      tpu.vector_store %arg7[%swap3A], %gather3A {strides = array<i32>} : memref<4096xf32, #tpu.memory_space<vmem>>, vector<16xf32>,
      %scan3A_1758 = arith.constant 0 : i32
      scf.yield %scan3A_1758 : i32
    }
    %scan3A_576 = arith.constant 256 : i32
    "tpu.region"() ({
      %run_scoped3A = tpu.sem_alloc : memref<!tpu.dma_semaphore, #tpu.memory_space<semaphore_mem>>
      %dma_start3A = arith.constant 0 : i32
      %dma_start3A_1750 = tpu.memref_slice %arg4[%add3A_511, %dma_start3A] : memref<832x4096xf32, #tpu.memory_space<hbm>> -> memref<1x4096xf32, #tpu.memory_space<hbm>>
      %dma_start3A_1751 = tpu.memref_squeeze %dma_start3A_1750 : memref<1x4096xf32, #tpu.memory_space<hbm>> -> memref<4096xf32, #tpu.memory_space<hbm>>
      %dma_start3A_1752 = arith.constant 0 : i32
      %dma_start3A_1753 = tpu.memref_slice %arg4[%add3A_511, %dma_start3A_1752] : memref<832x4096xf32, #tpu.memory_space<hbm>> -> memref<1x4096xf32, #tpu.memory_space<hbm>>
      %dma_start3A_1754 = tpu.memref_squeeze %dma_start3A_1753 : memref<1x4096xf32, #tpu.memory_space<hbm>> -> memref<4096xf32, #tpu.memory_space<hbm>>
      tpu.enqueue_dma source(%arg7 : memref<4096xf32, #tpu.memory_space<vmem>>) target(%dma_start3A_1754 : memref<4096xf32, #tpu.memory_space<hbm>>) target_semaphore(%run_scoped3A : memref<!tpu.dma_semaphore, #tpu.memory_space<semaphore_mem>>)
      %dma_wait3A = arith.constant 0 : i32
      %dma_wait3A_1755 = tpu.memref_slice %arg4[%add3A_511, %dma_wait3A] : memref<832x4096xf32, #tpu.memory_space<hbm>> -> memref<1x4096xf32, #tpu.memory_space<hbm>>
      %dma_wait3A_1756 = tpu.memref_squeeze %dma_wait3A_1755 : memref<1x4096xf32, #tpu.memory_space<hbm>> -> memref<4096xf32, #tpu.memory_space<hbm>>
      %dma_wait3A_1757 = arith.constant 0 : i32
      %dma_wait3A_1758 = tpu.memref_slice %arg4[%add3A_511, %dma_wait3A_1757] : memref<832x4096xf32, #tpu.memory_space<hbm>> -> memref<1x4096xf32, #tpu.memory_space<hbm>>
      %dma_wait3A_1759 = tpu.memref_squeeze %dma_wait3A_1758 : memref<1x4096xf32, #tpu.memory_space<hbm>> -> memref<4096xf32, #tpu.memory_space<hbm>>
      tpu.wait_dma2 semaphore(%run_scoped3A : memref<!tpu.dma_semaphore, #tpu.memory_space<semaphore_mem>>) src(%arg7 : memref<4096xf32, #tpu.memory_space<vmem>>) dst(%dma_wait3A_1759 : memref<4096xf32, #tpu.memory_space<hbm>>)
      tpu.yield
    }) : () -> ()
    %mul3A_577 = arith.constant 26 : i32
    %mul3A_578 = arith.muli %add3A, %mul3A_577 : i32
    %add3A_579 = arith.constant 9 : i32
    %add3A_580 = arith.addi %mul3A_578, %add3A_579 : i32
    %jit3A_581 = arith.constant 32 : i32
    %div3A_582 = arith.divsi %add3A_580, %jit3A_581 : i32
    %sign3A_583 = arith.constant 0 : i32
    %sign3A_584 = arith.cmpi sgt, %add3A_580, %sign3A_583 : i32
    %sign3A_585 = arith.extui %sign3A_584 : i1 to i32
    %sign3A_586 = arith.constant 0 : i32
    %sign3A_587 = arith.cmpi slt, %add3A_580, %sign3A_586 : i32
    %sign3A_588 = arith.extui %sign3A_587 : i1 to i32
    %sign3A_589 = arith.subi %sign3A_585, %sign3A_588 : i32
    %sign3A_590 = arith.constant 0 : i32
    %sign3A_591 = arith.cmpi sgt, %jit3A_581, %sign3A_590 : i32
    %sign3A_592 = arith.extui %sign3A_591 : i1 to i32
    %sign3A_593 = arith.constant 0 : i32
    %sign3A_594 = arith.cmpi slt, %jit3A_581, %sign3A_593 : i32
    %sign3A_595 = arith.extui %sign3A_594 : i1 to i32
    %sign3A_596 = arith.subi %sign3A_592, %sign3A_595 : i32
    %ne3A_597 = arith.cmpi ne, %sign3A_589, %sign3A_596 : i32
    %rem3A_598 = arith.remsi %add3A_580, %jit3A_581 : i32
    %ne3A_599 = arith.constant 0 : i32
    %ne3A_600 = arith.cmpi ne, %rem3A_598, %ne3A_599 : i32
    %and3A_601 = arith.andi %ne3A_597, %ne3A_600 : i1
    %sub3A_602 = arith.constant 1 : i32
    %sub3A_603 = arith.subi %div3A_582, %sub3A_602 : i32
    %select_n3A_604 = arith.select %and3A_601, %sub3A_603, %div3A_582 : i32
    %mul3A_605 = arith.constant 26 : i32
    %mul3A_606 = arith.muli %add3A, %mul3A_605 : i32
    %add3A_607 = arith.constant 9 : i32
    %add3A_608 = arith.addi %mul3A_606, %add3A_607 : i32
    %sub3A_609 = arith.constant 1 : i32
    %sub3A_610 = arith.subi %add3A_608, %sub3A_609 : i32
    %jit3A_611 = arith.constant 32 : i32
    %div3A_612 = arith.divsi %sub3A_610, %jit3A_611 : i32
    %sign3A_613 = arith.constant 0 : i32
    %sign3A_614 = arith.cmpi sgt, %sub3A_610, %sign3A_613 : i32
    %sign3A_615 = arith.extui %sign3A_614 : i1 to i32
    %sign3A_616 = arith.constant 0 : i32
    %sign3A_617 = arith.cmpi slt, %sub3A_610, %sign3A_616 : i32
    %sign3A_618 = arith.extui %sign3A_617 : i1 to i32
    %sign3A_619 = arith.subi %sign3A_615, %sign3A_618 : i32
    %sign3A_620 = arith.constant 0 : i32
    %sign3A_621 = arith.cmpi sgt, %jit3A_611, %sign3A_620 : i32
    %sign3A_622 = arith.extui %sign3A_621 : i1 to i32
    %sign3A_623 = arith.constant 0 : i32
    %sign3A_624 = arith.cmpi slt, %jit3A_611, %sign3A_623 : i32
    %sign3A_625 = arith.extui %sign3A_624 : i1 to i32
    %sign3A_626 = arith.subi %sign3A_622, %sign3A_625 : i32
    %ne3A_627 = arith.cmpi ne, %sign3A_619, %sign3A_626 : i32
    %rem3A_628 = arith.remsi %sub3A_610, %jit3A_611 : i32
    %ne3A_629 = arith.constant 0 : i32
    %ne3A_630 = arith.cmpi ne, %rem3A_628, %ne3A_629 : i32
    %and3A_631 = arith.andi %ne3A_627, %ne3A_630 : i1
    %sub3A_632 = arith.constant 1 : i32
    %sub3A_633 = arith.subi %div3A_612, %sub3A_632 : i32
    %select_n3A_634 = arith.select %and3A_631, %sub3A_633, %div3A_612 : i32
    %ne3A_635 = arith.cmpi ne, %select_n3A_604, %select_n3A_634 : i32
    %convert_element_type3A_636 = arith.extui %ne3A_635 : i1 to i32
    %cond3A_637 = arith.constant 0 : i32
    %cond3A_638 = arith.cmpi ne, %convert_element_type3A_636, %cond3A_637 : i32
    scf.if %cond3A_638 {
      "tpu.region"() ({
        %run_scoped3A = tpu.sem_alloc : memref<!tpu.dma_semaphore, #tpu.memory_space<semaphore_mem>>
        %dma_start3A = arith.constant 0 : i32
        %dma_start3A_1750 = tpu.memref_slice %arg2[%select_n3A_604, %dma_start3A] : memref<26x4096xi32, #tpu.memory_space<hbm>> -> memref<1x4096xi32, #tpu.memory_space<hbm>>
        %dma_start3A_1751 = tpu.memref_squeeze %dma_start3A_1750 : memref<1x4096xi32, #tpu.memory_space<hbm>> -> memref<4096xi32, #tpu.memory_space<hbm>>
        %dma_start3A_1752 = arith.constant 0 : i32
        %dma_start3A_1753 = tpu.memref_slice %arg2[%select_n3A_604, %dma_start3A_1752] : memref<26x4096xi32, #tpu.memory_space<hbm>> -> memref<1x4096xi32, #tpu.memory_space<hbm>>
        %dma_start3A_1754 = tpu.memref_squeeze %dma_start3A_1753 : memref<1x4096xi32, #tpu.memory_space<hbm>> -> memref<4096xi32, #tpu.memory_space<hbm>>
        tpu.enqueue_dma source(%dma_start3A_1754 : memref<4096xi32, #tpu.memory_space<hbm>>) target(%arg6 : memref<4096xi32, #tpu.memory_space<vmem>>) target_semaphore(%run_scoped3A : memref<!tpu.dma_semaphore, #tpu.memory_space<semaphore_mem>>)
        %dma_wait3A = arith.constant 0 : i32
        %dma_wait3A_1755 = tpu.memref_slice %arg2[%select_n3A_604, %dma_wait3A] : memref<26x4096xi32, #tpu.memory_space<hbm>> -> memref<1x4096xi32, #tpu.memory_space<hbm>>
        %dma_wait3A_1756 = tpu.memref_squeeze %dma_wait3A_1755 : memref<1x4096xi32, #tpu.memory_space<hbm>> -> memref<4096xi32, #tpu.memory_space<hbm>>
        %dma_wait3A_1757 = arith.constant 0 : i32
        %dma_wait3A_1758 = tpu.memref_slice %arg2[%select_n3A_604, %dma_wait3A_1757] : memref<26x4096xi32, #tpu.memory_space<hbm>> -> memref<1x4096xi32, #tpu.memory_space<hbm>>
        %dma_wait3A_1759 = tpu.memref_squeeze %dma_wait3A_1758 : memref<1x4096xi32, #tpu.memory_space<hbm>> -> memref<4096xi32, #tpu.memory_space<hbm>>
        tpu.wait_dma2 semaphore(%run_scoped3A : memref<!tpu.dma_semaphore, #tpu.memory_space<semaphore_mem>>) src(%dma_wait3A_1759 : memref<4096xi32, #tpu.memory_space<hbm>>) dst(%arg6 : memref<4096xi32, #tpu.memory_space<vmem>>)
        tpu.yield
      }) : () -> ()
    } else {
    }
    "tpu.region"() ({
      %run_scoped3A = tpu.sem_alloc : memref<!tpu.dma_semaphore, #tpu.memory_space<semaphore_mem>>
      %dma_start3A = arith.constant 0 : i32
      %dma_start3A_1750 = tpu.memref_slice %arg3[%add3A_580, %dma_start3A] : memref<832x100000xf32, #tpu.memory_space<hbm>> -> memref<1x100000xf32, #tpu.memory_space<hbm>>
      %dma_start3A_1751 = tpu.memref_squeeze %dma_start3A_1750 : memref<1x100000xf32, #tpu.memory_space<hbm>> -> memref<100000xf32, #tpu.memory_space<hbm>>
      %dma_start3A_1752 = arith.constant 0 : i32
      %dma_start3A_1753 = tpu.memref_slice %arg3[%add3A_580, %dma_start3A_1752] : memref<832x100000xf32, #tpu.memory_space<hbm>> -> memref<1x100000xf32, #tpu.memory_space<hbm>>
      %dma_start3A_1754 = tpu.memref_squeeze %dma_start3A_1753 : memref<1x100000xf32, #tpu.memory_space<hbm>> -> memref<100000xf32, #tpu.memory_space<hbm>>
      tpu.enqueue_dma source(%dma_start3A_1754 : memref<100000xf32, #tpu.memory_space<hbm>>) target(%arg5 : memref<100000xf32, #tpu.memory_space<vmem>>) target_semaphore(%run_scoped3A : memref<!tpu.dma_semaphore, #tpu.memory_space<semaphore_mem>>)
      %dma_wait3A = arith.constant 0 : i32
      %dma_wait3A_1755 = tpu.memref_slice %arg3[%add3A_580, %dma_wait3A] : memref<832x100000xf32, #tpu.memory_space<hbm>> -> memref<1x100000xf32, #tpu.memory_space<hbm>>
      %dma_wait3A_1756 = tpu.memref_squeeze %dma_wait3A_1755 : memref<1x100000xf32, #tpu.memory_space<hbm>> -> memref<100000xf32, #tpu.memory_space<hbm>>
      %dma_wait3A_1757 = arith.constant 0 : i32
      %dma_wait3A_1758 = tpu.memref_slice %arg3[%add3A_580, %dma_wait3A_1757] : memref<832x100000xf32, #tpu.memory_space<hbm>> -> memref<1x100000xf32, #tpu.memory_space<hbm>>
      %dma_wait3A_1759 = tpu.memref_squeeze %dma_wait3A_1758 : memref<1x100000xf32, #tpu.memory_space<hbm>> -> memref<100000xf32, #tpu.memory_space<hbm>>
      tpu.wait_dma2 semaphore(%run_scoped3A : memref<!tpu.dma_semaphore, #tpu.memory_space<semaphore_mem>>) src(%dma_wait3A_1759 : memref<100000xf32, #tpu.memory_space<hbm>>) dst(%arg5 : memref<100000xf32, #tpu.memory_space<vmem>>)
      tpu.yield
    }) : () -> ()
    %scan3A_639 = arith.constant 0 : i32
    %scan3A_640 = arith.constant 0 : i32
    %scan3A_641 = arith.constant 256 : i32
    %scan3A_642 = arith.addi %scan3A_640, %scan3A_641 : i32
    %scan3A_643 = arith.constant 1 : i32
    %scan3A_644 = scf.for %scan3A_1750 = %scan3A_640 to %scan3A_642 step %scan3A_643 iter_args(%scan3A_1751 = %scan3A_639) -> (i32)  : i32 {
      %mul3A_1752 = arith.constant 16 : i32
      %mul3A_1753 = arith.muli %scan3A_1750, %mul3A_1752 : i32
      %get3A = arith.index_cast %mul3A_1753 : i32 to index
      %get3A_1754 = tpu.vector_load %arg6[%get3A] {strides = array<i32>} : memref<4096xi32, #tpu.memory_space<vmem>>, vector<16xi32>,
      %gather3A = tpu.vector_load_idx %arg5[%get3A_1754] : memref<100000xf32, #tpu.memory_space<vmem>>[vector<16xi32>], vector<16xf32>,
      %mul3A_1755 = arith.constant 16 : i32
      %mul3A_1756 = arith.muli %scan3A_1750, %mul3A_1755 : i32
      %swap3A = arith.index_cast %mul3A_1756 : i32 to index
      %swap3A_1757 = tpu.vector_load %arg7[%swap3A] {strides = array<i32>} : memref<4096xf32, #tpu.memory_space<vmem>>, vector<16xf32>,
      tpu.vector_store %arg7[%swap3A], %gather3A {strides = array<i32>} : memref<4096xf32, #tpu.memory_space<vmem>>, vector<16xf32>,
      %scan3A_1758 = arith.constant 0 : i32
      scf.yield %scan3A_1758 : i32
    }
    %scan3A_645 = arith.constant 256 : i32
    "tpu.region"() ({
      %run_scoped3A = tpu.sem_alloc : memref<!tpu.dma_semaphore, #tpu.memory_space<semaphore_mem>>
      %dma_start3A = arith.constant 0 : i32
      %dma_start3A_1750 = tpu.memref_slice %arg4[%add3A_580, %dma_start3A] : memref<832x4096xf32, #tpu.memory_space<hbm>> -> memref<1x4096xf32, #tpu.memory_space<hbm>>
      %dma_start3A_1751 = tpu.memref_squeeze %dma_start3A_1750 : memref<1x4096xf32, #tpu.memory_space<hbm>> -> memref<4096xf32, #tpu.memory_space<hbm>>
      %dma_start3A_1752 = arith.constant 0 : i32
      %dma_start3A_1753 = tpu.memref_slice %arg4[%add3A_580, %dma_start3A_1752] : memref<832x4096xf32, #tpu.memory_space<hbm>> -> memref<1x4096xf32, #tpu.memory_space<hbm>>
      %dma_start3A_1754 = tpu.memref_squeeze %dma_start3A_1753 : memref<1x4096xf32, #tpu.memory_space<hbm>> -> memref<4096xf32, #tpu.memory_space<hbm>>
      tpu.enqueue_dma source(%arg7 : memref<4096xf32, #tpu.memory_space<vmem>>) target(%dma_start3A_1754 : memref<4096xf32, #tpu.memory_space<hbm>>) target_semaphore(%run_scoped3A : memref<!tpu.dma_semaphore, #tpu.memory_space<semaphore_mem>>)
      %dma_wait3A = arith.constant 0 : i32
      %dma_wait3A_1755 = tpu.memref_slice %arg4[%add3A_580, %dma_wait3A] : memref<832x4096xf32, #tpu.memory_space<hbm>> -> memref<1x4096xf32, #tpu.memory_space<hbm>>
      %dma_wait3A_1756 = tpu.memref_squeeze %dma_wait3A_1755 : memref<1x4096xf32, #tpu.memory_space<hbm>> -> memref<4096xf32, #tpu.memory_space<hbm>>
      %dma_wait3A_1757 = arith.constant 0 : i32
      %dma_wait3A_1758 = tpu.memref_slice %arg4[%add3A_580, %dma_wait3A_1757] : memref<832x4096xf32, #tpu.memory_space<hbm>> -> memref<1x4096xf32, #tpu.memory_space<hbm>>
      %dma_wait3A_1759 = tpu.memref_squeeze %dma_wait3A_1758 : memref<1x4096xf32, #tpu.memory_space<hbm>> -> memref<4096xf32, #tpu.memory_space<hbm>>
      tpu.wait_dma2 semaphore(%run_scoped3A : memref<!tpu.dma_semaphore, #tpu.memory_space<semaphore_mem>>) src(%arg7 : memref<4096xf32, #tpu.memory_space<vmem>>) dst(%dma_wait3A_1759 : memref<4096xf32, #tpu.memory_space<hbm>>)
      tpu.yield
    }) : () -> ()
    %mul3A_646 = arith.constant 26 : i32
    %mul3A_647 = arith.muli %add3A, %mul3A_646 : i32
    %add3A_648 = arith.constant 10 : i32
    %add3A_649 = arith.addi %mul3A_647, %add3A_648 : i32
    %jit3A_650 = arith.constant 32 : i32
    %div3A_651 = arith.divsi %add3A_649, %jit3A_650 : i32
    %sign3A_652 = arith.constant 0 : i32
    %sign3A_653 = arith.cmpi sgt, %add3A_649, %sign3A_652 : i32
    %sign3A_654 = arith.extui %sign3A_653 : i1 to i32
    %sign3A_655 = arith.constant 0 : i32
    %sign3A_656 = arith.cmpi slt, %add3A_649, %sign3A_655 : i32
    %sign3A_657 = arith.extui %sign3A_656 : i1 to i32
    %sign3A_658 = arith.subi %sign3A_654, %sign3A_657 : i32
    %sign3A_659 = arith.constant 0 : i32
    %sign3A_660 = arith.cmpi sgt, %jit3A_650, %sign3A_659 : i32
    %sign3A_661 = arith.extui %sign3A_660 : i1 to i32
    %sign3A_662 = arith.constant 0 : i32
    %sign3A_663 = arith.cmpi slt, %jit3A_650, %sign3A_662 : i32
    %sign3A_664 = arith.extui %sign3A_663 : i1 to i32
    %sign3A_665 = arith.subi %sign3A_661, %sign3A_664 : i32
    %ne3A_666 = arith.cmpi ne, %sign3A_658, %sign3A_665 : i32
    %rem3A_667 = arith.remsi %add3A_649, %jit3A_650 : i32
    %ne3A_668 = arith.constant 0 : i32
    %ne3A_669 = arith.cmpi ne, %rem3A_667, %ne3A_668 : i32
    %and3A_670 = arith.andi %ne3A_666, %ne3A_669 : i1
    %sub3A_671 = arith.constant 1 : i32
    %sub3A_672 = arith.subi %div3A_651, %sub3A_671 : i32
    %select_n3A_673 = arith.select %and3A_670, %sub3A_672, %div3A_651 : i32
    %mul3A_674 = arith.constant 26 : i32
    %mul3A_675 = arith.muli %add3A, %mul3A_674 : i32
    %add3A_676 = arith.constant 10 : i32
    %add3A_677 = arith.addi %mul3A_675, %add3A_676 : i32
    %sub3A_678 = arith.constant 1 : i32
    %sub3A_679 = arith.subi %add3A_677, %sub3A_678 : i32
    %jit3A_680 = arith.constant 32 : i32
    %div3A_681 = arith.divsi %sub3A_679, %jit3A_680 : i32
    %sign3A_682 = arith.constant 0 : i32
    %sign3A_683 = arith.cmpi sgt, %sub3A_679, %sign3A_682 : i32
    %sign3A_684 = arith.extui %sign3A_683 : i1 to i32
    %sign3A_685 = arith.constant 0 : i32
    %sign3A_686 = arith.cmpi slt, %sub3A_679, %sign3A_685 : i32
    %sign3A_687 = arith.extui %sign3A_686 : i1 to i32
    %sign3A_688 = arith.subi %sign3A_684, %sign3A_687 : i32
    %sign3A_689 = arith.constant 0 : i32
    %sign3A_690 = arith.cmpi sgt, %jit3A_680, %sign3A_689 : i32
    %sign3A_691 = arith.extui %sign3A_690 : i1 to i32
    %sign3A_692 = arith.constant 0 : i32
    %sign3A_693 = arith.cmpi slt, %jit3A_680, %sign3A_692 : i32
    %sign3A_694 = arith.extui %sign3A_693 : i1 to i32
    %sign3A_695 = arith.subi %sign3A_691, %sign3A_694 : i32
    %ne3A_696 = arith.cmpi ne, %sign3A_688, %sign3A_695 : i32
    %rem3A_697 = arith.remsi %sub3A_679, %jit3A_680 : i32
    %ne3A_698 = arith.constant 0 : i32
    %ne3A_699 = arith.cmpi ne, %rem3A_697, %ne3A_698 : i32
    %and3A_700 = arith.andi %ne3A_696, %ne3A_699 : i1
    %sub3A_701 = arith.constant 1 : i32
    %sub3A_702 = arith.subi %div3A_681, %sub3A_701 : i32
    %select_n3A_703 = arith.select %and3A_700, %sub3A_702, %div3A_681 : i32
    %ne3A_704 = arith.cmpi ne, %select_n3A_673, %select_n3A_703 : i32
    %convert_element_type3A_705 = arith.extui %ne3A_704 : i1 to i32
    %cond3A_706 = arith.constant 0 : i32
    %cond3A_707 = arith.cmpi ne, %convert_element_type3A_705, %cond3A_706 : i32
    scf.if %cond3A_707 {
      "tpu.region"() ({
        %run_scoped3A = tpu.sem_alloc : memref<!tpu.dma_semaphore, #tpu.memory_space<semaphore_mem>>
        %dma_start3A = arith.constant 0 : i32
        %dma_start3A_1750 = tpu.memref_slice %arg2[%select_n3A_673, %dma_start3A] : memref<26x4096xi32, #tpu.memory_space<hbm>> -> memref<1x4096xi32, #tpu.memory_space<hbm>>
        %dma_start3A_1751 = tpu.memref_squeeze %dma_start3A_1750 : memref<1x4096xi32, #tpu.memory_space<hbm>> -> memref<4096xi32, #tpu.memory_space<hbm>>
        %dma_start3A_1752 = arith.constant 0 : i32
        %dma_start3A_1753 = tpu.memref_slice %arg2[%select_n3A_673, %dma_start3A_1752] : memref<26x4096xi32, #tpu.memory_space<hbm>> -> memref<1x4096xi32, #tpu.memory_space<hbm>>
        %dma_start3A_1754 = tpu.memref_squeeze %dma_start3A_1753 : memref<1x4096xi32, #tpu.memory_space<hbm>> -> memref<4096xi32, #tpu.memory_space<hbm>>
        tpu.enqueue_dma source(%dma_start3A_1754 : memref<4096xi32, #tpu.memory_space<hbm>>) target(%arg6 : memref<4096xi32, #tpu.memory_space<vmem>>) target_semaphore(%run_scoped3A : memref<!tpu.dma_semaphore, #tpu.memory_space<semaphore_mem>>)
        %dma_wait3A = arith.constant 0 : i32
        %dma_wait3A_1755 = tpu.memref_slice %arg2[%select_n3A_673, %dma_wait3A] : memref<26x4096xi32, #tpu.memory_space<hbm>> -> memref<1x4096xi32, #tpu.memory_space<hbm>>
        %dma_wait3A_1756 = tpu.memref_squeeze %dma_wait3A_1755 : memref<1x4096xi32, #tpu.memory_space<hbm>> -> memref<4096xi32, #tpu.memory_space<hbm>>
        %dma_wait3A_1757 = arith.constant 0 : i32
        %dma_wait3A_1758 = tpu.memref_slice %arg2[%select_n3A_673, %dma_wait3A_1757] : memref<26x4096xi32, #tpu.memory_space<hbm>> -> memref<1x4096xi32, #tpu.memory_space<hbm>>
        %dma_wait3A_1759 = tpu.memref_squeeze %dma_wait3A_1758 : memref<1x4096xi32, #tpu.memory_space<hbm>> -> memref<4096xi32, #tpu.memory_space<hbm>>
        tpu.wait_dma2 semaphore(%run_scoped3A : memref<!tpu.dma_semaphore, #tpu.memory_space<semaphore_mem>>) src(%dma_wait3A_1759 : memref<4096xi32, #tpu.memory_space<hbm>>) dst(%arg6 : memref<4096xi32, #tpu.memory_space<vmem>>)
        tpu.yield
      }) : () -> ()
    } else {
    }
    "tpu.region"() ({
      %run_scoped3A = tpu.sem_alloc : memref<!tpu.dma_semaphore, #tpu.memory_space<semaphore_mem>>
      %dma_start3A = arith.constant 0 : i32
      %dma_start3A_1750 = tpu.memref_slice %arg3[%add3A_649, %dma_start3A] : memref<832x100000xf32, #tpu.memory_space<hbm>> -> memref<1x100000xf32, #tpu.memory_space<hbm>>
      %dma_start3A_1751 = tpu.memref_squeeze %dma_start3A_1750 : memref<1x100000xf32, #tpu.memory_space<hbm>> -> memref<100000xf32, #tpu.memory_space<hbm>>
      %dma_start3A_1752 = arith.constant 0 : i32
      %dma_start3A_1753 = tpu.memref_slice %arg3[%add3A_649, %dma_start3A_1752] : memref<832x100000xf32, #tpu.memory_space<hbm>> -> memref<1x100000xf32, #tpu.memory_space<hbm>>
      %dma_start3A_1754 = tpu.memref_squeeze %dma_start3A_1753 : memref<1x100000xf32, #tpu.memory_space<hbm>> -> memref<100000xf32, #tpu.memory_space<hbm>>
      tpu.enqueue_dma source(%dma_start3A_1754 : memref<100000xf32, #tpu.memory_space<hbm>>) target(%arg5 : memref<100000xf32, #tpu.memory_space<vmem>>) target_semaphore(%run_scoped3A : memref<!tpu.dma_semaphore, #tpu.memory_space<semaphore_mem>>)
      %dma_wait3A = arith.constant 0 : i32
      %dma_wait3A_1755 = tpu.memref_slice %arg3[%add3A_649, %dma_wait3A] : memref<832x100000xf32, #tpu.memory_space<hbm>> -> memref<1x100000xf32, #tpu.memory_space<hbm>>
      %dma_wait3A_1756 = tpu.memref_squeeze %dma_wait3A_1755 : memref<1x100000xf32, #tpu.memory_space<hbm>> -> memref<100000xf32, #tpu.memory_space<hbm>>
      %dma_wait3A_1757 = arith.constant 0 : i32
      %dma_wait3A_1758 = tpu.memref_slice %arg3[%add3A_649, %dma_wait3A_1757] : memref<832x100000xf32, #tpu.memory_space<hbm>> -> memref<1x100000xf32, #tpu.memory_space<hbm>>
      %dma_wait3A_1759 = tpu.memref_squeeze %dma_wait3A_1758 : memref<1x100000xf32, #tpu.memory_space<hbm>> -> memref<100000xf32, #tpu.memory_space<hbm>>
      tpu.wait_dma2 semaphore(%run_scoped3A : memref<!tpu.dma_semaphore, #tpu.memory_space<semaphore_mem>>) src(%dma_wait3A_1759 : memref<100000xf32, #tpu.memory_space<hbm>>) dst(%arg5 : memref<100000xf32, #tpu.memory_space<vmem>>)
      tpu.yield
    }) : () -> ()
    %scan3A_708 = arith.constant 0 : i32
    %scan3A_709 = arith.constant 0 : i32
    %scan3A_710 = arith.constant 256 : i32
    %scan3A_711 = arith.addi %scan3A_709, %scan3A_710 : i32
    %scan3A_712 = arith.constant 1 : i32
    %scan3A_713 = scf.for %scan3A_1750 = %scan3A_709 to %scan3A_711 step %scan3A_712 iter_args(%scan3A_1751 = %scan3A_708) -> (i32)  : i32 {
      %mul3A_1752 = arith.constant 16 : i32
      %mul3A_1753 = arith.muli %scan3A_1750, %mul3A_1752 : i32
      %get3A = arith.index_cast %mul3A_1753 : i32 to index
      %get3A_1754 = tpu.vector_load %arg6[%get3A] {strides = array<i32>} : memref<4096xi32, #tpu.memory_space<vmem>>, vector<16xi32>,
      %gather3A = tpu.vector_load_idx %arg5[%get3A_1754] : memref<100000xf32, #tpu.memory_space<vmem>>[vector<16xi32>], vector<16xf32>,
      %mul3A_1755 = arith.constant 16 : i32
      %mul3A_1756 = arith.muli %scan3A_1750, %mul3A_1755 : i32
      %swap3A = arith.index_cast %mul3A_1756 : i32 to index
      %swap3A_1757 = tpu.vector_load %arg7[%swap3A] {strides = array<i32>} : memref<4096xf32, #tpu.memory_space<vmem>>, vector<16xf32>,
      tpu.vector_store %arg7[%swap3A], %gather3A {strides = array<i32>} : memref<4096xf32, #tpu.memory_space<vmem>>, vector<16xf32>,
      %scan3A_1758 = arith.constant 0 : i32
      scf.yield %scan3A_1758 : i32
    }
    %scan3A_714 = arith.constant 256 : i32
    "tpu.region"() ({
      %run_scoped3A = tpu.sem_alloc : memref<!tpu.dma_semaphore, #tpu.memory_space<semaphore_mem>>
      %dma_start3A = arith.constant 0 : i32
      %dma_start3A_1750 = tpu.memref_slice %arg4[%add3A_649, %dma_start3A] : memref<832x4096xf32, #tpu.memory_space<hbm>> -> memref<1x4096xf32, #tpu.memory_space<hbm>>
      %dma_start3A_1751 = tpu.memref_squeeze %dma_start3A_1750 : memref<1x4096xf32, #tpu.memory_space<hbm>> -> memref<4096xf32, #tpu.memory_space<hbm>>
      %dma_start3A_1752 = arith.constant 0 : i32
      %dma_start3A_1753 = tpu.memref_slice %arg4[%add3A_649, %dma_start3A_1752] : memref<832x4096xf32, #tpu.memory_space<hbm>> -> memref<1x4096xf32, #tpu.memory_space<hbm>>
      %dma_start3A_1754 = tpu.memref_squeeze %dma_start3A_1753 : memref<1x4096xf32, #tpu.memory_space<hbm>> -> memref<4096xf32, #tpu.memory_space<hbm>>
      tpu.enqueue_dma source(%arg7 : memref<4096xf32, #tpu.memory_space<vmem>>) target(%dma_start3A_1754 : memref<4096xf32, #tpu.memory_space<hbm>>) target_semaphore(%run_scoped3A : memref<!tpu.dma_semaphore, #tpu.memory_space<semaphore_mem>>)
      %dma_wait3A = arith.constant 0 : i32
      %dma_wait3A_1755 = tpu.memref_slice %arg4[%add3A_649, %dma_wait3A] : memref<832x4096xf32, #tpu.memory_space<hbm>> -> memref<1x4096xf32, #tpu.memory_space<hbm>>
      %dma_wait3A_1756 = tpu.memref_squeeze %dma_wait3A_1755 : memref<1x4096xf32, #tpu.memory_space<hbm>> -> memref<4096xf32, #tpu.memory_space<hbm>>
      %dma_wait3A_1757 = arith.constant 0 : i32
      %dma_wait3A_1758 = tpu.memref_slice %arg4[%add3A_649, %dma_wait3A_1757] : memref<832x4096xf32, #tpu.memory_space<hbm>> -> memref<1x4096xf32, #tpu.memory_space<hbm>>
      %dma_wait3A_1759 = tpu.memref_squeeze %dma_wait3A_1758 : memref<1x4096xf32, #tpu.memory_space<hbm>> -> memref<4096xf32, #tpu.memory_space<hbm>>
      tpu.wait_dma2 semaphore(%run_scoped3A : memref<!tpu.dma_semaphore, #tpu.memory_space<semaphore_mem>>) src(%arg7 : memref<4096xf32, #tpu.memory_space<vmem>>) dst(%dma_wait3A_1759 : memref<4096xf32, #tpu.memory_space<hbm>>)
      tpu.yield
    }) : () -> ()
    %mul3A_715 = arith.constant 26 : i32
    %mul3A_716 = arith.muli %add3A, %mul3A_715 : i32
    %add3A_717 = arith.constant 11 : i32
    %add3A_718 = arith.addi %mul3A_716, %add3A_717 : i32
    %jit3A_719 = arith.constant 32 : i32
    %div3A_720 = arith.divsi %add3A_718, %jit3A_719 : i32
    %sign3A_721 = arith.constant 0 : i32
    %sign3A_722 = arith.cmpi sgt, %add3A_718, %sign3A_721 : i32
    %sign3A_723 = arith.extui %sign3A_722 : i1 to i32
    %sign3A_724 = arith.constant 0 : i32
    %sign3A_725 = arith.cmpi slt, %add3A_718, %sign3A_724 : i32
    %sign3A_726 = arith.extui %sign3A_725 : i1 to i32
    %sign3A_727 = arith.subi %sign3A_723, %sign3A_726 : i32
    %sign3A_728 = arith.constant 0 : i32
    %sign3A_729 = arith.cmpi sgt, %jit3A_719, %sign3A_728 : i32
    %sign3A_730 = arith.extui %sign3A_729 : i1 to i32
    %sign3A_731 = arith.constant 0 : i32
    %sign3A_732 = arith.cmpi slt, %jit3A_719, %sign3A_731 : i32
    %sign3A_733 = arith.extui %sign3A_732 : i1 to i32
    %sign3A_734 = arith.subi %sign3A_730, %sign3A_733 : i32
    %ne3A_735 = arith.cmpi ne, %sign3A_727, %sign3A_734 : i32
    %rem3A_736 = arith.remsi %add3A_718, %jit3A_719 : i32
    %ne3A_737 = arith.constant 0 : i32
    %ne3A_738 = arith.cmpi ne, %rem3A_736, %ne3A_737 : i32
    %and3A_739 = arith.andi %ne3A_735, %ne3A_738 : i1
    %sub3A_740 = arith.constant 1 : i32
    %sub3A_741 = arith.subi %div3A_720, %sub3A_740 : i32
    %select_n3A_742 = arith.select %and3A_739, %sub3A_741, %div3A_720 : i32
    %mul3A_743 = arith.constant 26 : i32
    %mul3A_744 = arith.muli %add3A, %mul3A_743 : i32
    %add3A_745 = arith.constant 11 : i32
    %add3A_746 = arith.addi %mul3A_744, %add3A_745 : i32
    %sub3A_747 = arith.constant 1 : i32
    %sub3A_748 = arith.subi %add3A_746, %sub3A_747 : i32
    %jit3A_749 = arith.constant 32 : i32
    %div3A_750 = arith.divsi %sub3A_748, %jit3A_749 : i32
    %sign3A_751 = arith.constant 0 : i32
    %sign3A_752 = arith.cmpi sgt, %sub3A_748, %sign3A_751 : i32
    %sign3A_753 = arith.extui %sign3A_752 : i1 to i32
    %sign3A_754 = arith.constant 0 : i32
    %sign3A_755 = arith.cmpi slt, %sub3A_748, %sign3A_754 : i32
    %sign3A_756 = arith.extui %sign3A_755 : i1 to i32
    %sign3A_757 = arith.subi %sign3A_753, %sign3A_756 : i32
    %sign3A_758 = arith.constant 0 : i32
    %sign3A_759 = arith.cmpi sgt, %jit3A_749, %sign3A_758 : i32
    %sign3A_760 = arith.extui %sign3A_759 : i1 to i32
    %sign3A_761 = arith.constant 0 : i32
    %sign3A_762 = arith.cmpi slt, %jit3A_749, %sign3A_761 : i32
    %sign3A_763 = arith.extui %sign3A_762 : i1 to i32
    %sign3A_764 = arith.subi %sign3A_760, %sign3A_763 : i32
    %ne3A_765 = arith.cmpi ne, %sign3A_757, %sign3A_764 : i32
    %rem3A_766 = arith.remsi %sub3A_748, %jit3A_749 : i32
    %ne3A_767 = arith.constant 0 : i32
    %ne3A_768 = arith.cmpi ne, %rem3A_766, %ne3A_767 : i32
    %and3A_769 = arith.andi %ne3A_765, %ne3A_768 : i1
    %sub3A_770 = arith.constant 1 : i32
    %sub3A_771 = arith.subi %div3A_750, %sub3A_770 : i32
    %select_n3A_772 = arith.select %and3A_769, %sub3A_771, %div3A_750 : i32
    %ne3A_773 = arith.cmpi ne, %select_n3A_742, %select_n3A_772 : i32
    %convert_element_type3A_774 = arith.extui %ne3A_773 : i1 to i32
    %cond3A_775 = arith.constant 0 : i32
    %cond3A_776 = arith.cmpi ne, %convert_element_type3A_774, %cond3A_775 : i32
    scf.if %cond3A_776 {
      "tpu.region"() ({
        %run_scoped3A = tpu.sem_alloc : memref<!tpu.dma_semaphore, #tpu.memory_space<semaphore_mem>>
        %dma_start3A = arith.constant 0 : i32
        %dma_start3A_1750 = tpu.memref_slice %arg2[%select_n3A_742, %dma_start3A] : memref<26x4096xi32, #tpu.memory_space<hbm>> -> memref<1x4096xi32, #tpu.memory_space<hbm>>
        %dma_start3A_1751 = tpu.memref_squeeze %dma_start3A_1750 : memref<1x4096xi32, #tpu.memory_space<hbm>> -> memref<4096xi32, #tpu.memory_space<hbm>>
        %dma_start3A_1752 = arith.constant 0 : i32
        %dma_start3A_1753 = tpu.memref_slice %arg2[%select_n3A_742, %dma_start3A_1752] : memref<26x4096xi32, #tpu.memory_space<hbm>> -> memref<1x4096xi32, #tpu.memory_space<hbm>>
        %dma_start3A_1754 = tpu.memref_squeeze %dma_start3A_1753 : memref<1x4096xi32, #tpu.memory_space<hbm>> -> memref<4096xi32, #tpu.memory_space<hbm>>
        tpu.enqueue_dma source(%dma_start3A_1754 : memref<4096xi32, #tpu.memory_space<hbm>>) target(%arg6 : memref<4096xi32, #tpu.memory_space<vmem>>) target_semaphore(%run_scoped3A : memref<!tpu.dma_semaphore, #tpu.memory_space<semaphore_mem>>)
        %dma_wait3A = arith.constant 0 : i32
        %dma_wait3A_1755 = tpu.memref_slice %arg2[%select_n3A_742, %dma_wait3A] : memref<26x4096xi32, #tpu.memory_space<hbm>> -> memref<1x4096xi32, #tpu.memory_space<hbm>>
        %dma_wait3A_1756 = tpu.memref_squeeze %dma_wait3A_1755 : memref<1x4096xi32, #tpu.memory_space<hbm>> -> memref<4096xi32, #tpu.memory_space<hbm>>
        %dma_wait3A_1757 = arith.constant 0 : i32
        %dma_wait3A_1758 = tpu.memref_slice %arg2[%select_n3A_742, %dma_wait3A_1757] : memref<26x4096xi32, #tpu.memory_space<hbm>> -> memref<1x4096xi32, #tpu.memory_space<hbm>>
        %dma_wait3A_1759 = tpu.memref_squeeze %dma_wait3A_1758 : memref<1x4096xi32, #tpu.memory_space<hbm>> -> memref<4096xi32, #tpu.memory_space<hbm>>
        tpu.wait_dma2 semaphore(%run_scoped3A : memref<!tpu.dma_semaphore, #tpu.memory_space<semaphore_mem>>) src(%dma_wait3A_1759 : memref<4096xi32, #tpu.memory_space<hbm>>) dst(%arg6 : memref<4096xi32, #tpu.memory_space<vmem>>)
        tpu.yield
      }) : () -> ()
    } else {
    }
    "tpu.region"() ({
      %run_scoped3A = tpu.sem_alloc : memref<!tpu.dma_semaphore, #tpu.memory_space<semaphore_mem>>
      %dma_start3A = arith.constant 0 : i32
      %dma_start3A_1750 = tpu.memref_slice %arg3[%add3A_718, %dma_start3A] : memref<832x100000xf32, #tpu.memory_space<hbm>> -> memref<1x100000xf32, #tpu.memory_space<hbm>>
      %dma_start3A_1751 = tpu.memref_squeeze %dma_start3A_1750 : memref<1x100000xf32, #tpu.memory_space<hbm>> -> memref<100000xf32, #tpu.memory_space<hbm>>
      %dma_start3A_1752 = arith.constant 0 : i32
      %dma_start3A_1753 = tpu.memref_slice %arg3[%add3A_718, %dma_start3A_1752] : memref<832x100000xf32, #tpu.memory_space<hbm>> -> memref<1x100000xf32, #tpu.memory_space<hbm>>
      %dma_start3A_1754 = tpu.memref_squeeze %dma_start3A_1753 : memref<1x100000xf32, #tpu.memory_space<hbm>> -> memref<100000xf32, #tpu.memory_space<hbm>>
      tpu.enqueue_dma source(%dma_start3A_1754 : memref<100000xf32, #tpu.memory_space<hbm>>) target(%arg5 : memref<100000xf32, #tpu.memory_space<vmem>>) target_semaphore(%run_scoped3A : memref<!tpu.dma_semaphore, #tpu.memory_space<semaphore_mem>>)
      %dma_wait3A = arith.constant 0 : i32
      %dma_wait3A_1755 = tpu.memref_slice %arg3[%add3A_718, %dma_wait3A] : memref<832x100000xf32, #tpu.memory_space<hbm>> -> memref<1x100000xf32, #tpu.memory_space<hbm>>
      %dma_wait3A_1756 = tpu.memref_squeeze %dma_wait3A_1755 : memref<1x100000xf32, #tpu.memory_space<hbm>> -> memref<100000xf32, #tpu.memory_space<hbm>>
      %dma_wait3A_1757 = arith.constant 0 : i32
      %dma_wait3A_1758 = tpu.memref_slice %arg3[%add3A_718, %dma_wait3A_1757] : memref<832x100000xf32, #tpu.memory_space<hbm>> -> memref<1x100000xf32, #tpu.memory_space<hbm>>
      %dma_wait3A_1759 = tpu.memref_squeeze %dma_wait3A_1758 : memref<1x100000xf32, #tpu.memory_space<hbm>> -> memref<100000xf32, #tpu.memory_space<hbm>>
      tpu.wait_dma2 semaphore(%run_scoped3A : memref<!tpu.dma_semaphore, #tpu.memory_space<semaphore_mem>>) src(%dma_wait3A_1759 : memref<100000xf32, #tpu.memory_space<hbm>>) dst(%arg5 : memref<100000xf32, #tpu.memory_space<vmem>>)
      tpu.yield
    }) : () -> ()
    %scan3A_777 = arith.constant 0 : i32
    %scan3A_778 = arith.constant 0 : i32
    %scan3A_779 = arith.constant 256 : i32
    %scan3A_780 = arith.addi %scan3A_778, %scan3A_779 : i32
    %scan3A_781 = arith.constant 1 : i32
    %scan3A_782 = scf.for %scan3A_1750 = %scan3A_778 to %scan3A_780 step %scan3A_781 iter_args(%scan3A_1751 = %scan3A_777) -> (i32)  : i32 {
      %mul3A_1752 = arith.constant 16 : i32
      %mul3A_1753 = arith.muli %scan3A_1750, %mul3A_1752 : i32
      %get3A = arith.index_cast %mul3A_1753 : i32 to index
      %get3A_1754 = tpu.vector_load %arg6[%get3A] {strides = array<i32>} : memref<4096xi32, #tpu.memory_space<vmem>>, vector<16xi32>,
      %gather3A = tpu.vector_load_idx %arg5[%get3A_1754] : memref<100000xf32, #tpu.memory_space<vmem>>[vector<16xi32>], vector<16xf32>,
      %mul3A_1755 = arith.constant 16 : i32
      %mul3A_1756 = arith.muli %scan3A_1750, %mul3A_1755 : i32
      %swap3A = arith.index_cast %mul3A_1756 : i32 to index
      %swap3A_1757 = tpu.vector_load %arg7[%swap3A] {strides = array<i32>} : memref<4096xf32, #tpu.memory_space<vmem>>, vector<16xf32>,
      tpu.vector_store %arg7[%swap3A], %gather3A {strides = array<i32>} : memref<4096xf32, #tpu.memory_space<vmem>>, vector<16xf32>,
      %scan3A_1758 = arith.constant 0 : i32
      scf.yield %scan3A_1758 : i32
    }
    %scan3A_783 = arith.constant 256 : i32
    "tpu.region"() ({
      %run_scoped3A = tpu.sem_alloc : memref<!tpu.dma_semaphore, #tpu.memory_space<semaphore_mem>>
      %dma_start3A = arith.constant 0 : i32
      %dma_start3A_1750 = tpu.memref_slice %arg4[%add3A_718, %dma_start3A] : memref<832x4096xf32, #tpu.memory_space<hbm>> -> memref<1x4096xf32, #tpu.memory_space<hbm>>
      %dma_start3A_1751 = tpu.memref_squeeze %dma_start3A_1750 : memref<1x4096xf32, #tpu.memory_space<hbm>> -> memref<4096xf32, #tpu.memory_space<hbm>>
      %dma_start3A_1752 = arith.constant 0 : i32
      %dma_start3A_1753 = tpu.memref_slice %arg4[%add3A_718, %dma_start3A_1752] : memref<832x4096xf32, #tpu.memory_space<hbm>> -> memref<1x4096xf32, #tpu.memory_space<hbm>>
      %dma_start3A_1754 = tpu.memref_squeeze %dma_start3A_1753 : memref<1x4096xf32, #tpu.memory_space<hbm>> -> memref<4096xf32, #tpu.memory_space<hbm>>
      tpu.enqueue_dma source(%arg7 : memref<4096xf32, #tpu.memory_space<vmem>>) target(%dma_start3A_1754 : memref<4096xf32, #tpu.memory_space<hbm>>) target_semaphore(%run_scoped3A : memref<!tpu.dma_semaphore, #tpu.memory_space<semaphore_mem>>)
      %dma_wait3A = arith.constant 0 : i32
      %dma_wait3A_1755 = tpu.memref_slice %arg4[%add3A_718, %dma_wait3A] : memref<832x4096xf32, #tpu.memory_space<hbm>> -> memref<1x4096xf32, #tpu.memory_space<hbm>>
      %dma_wait3A_1756 = tpu.memref_squeeze %dma_wait3A_1755 : memref<1x4096xf32, #tpu.memory_space<hbm>> -> memref<4096xf32, #tpu.memory_space<hbm>>
      %dma_wait3A_1757 = arith.constant 0 : i32
      %dma_wait3A_1758 = tpu.memref_slice %arg4[%add3A_718, %dma_wait3A_1757] : memref<832x4096xf32, #tpu.memory_space<hbm>> -> memref<1x4096xf32, #tpu.memory_space<hbm>>
      %dma_wait3A_1759 = tpu.memref_squeeze %dma_wait3A_1758 : memref<1x4096xf32, #tpu.memory_space<hbm>> -> memref<4096xf32, #tpu.memory_space<hbm>>
      tpu.wait_dma2 semaphore(%run_scoped3A : memref<!tpu.dma_semaphore, #tpu.memory_space<semaphore_mem>>) src(%arg7 : memref<4096xf32, #tpu.memory_space<vmem>>) dst(%dma_wait3A_1759 : memref<4096xf32, #tpu.memory_space<hbm>>)
      tpu.yield
    }) : () -> ()
    %mul3A_784 = arith.constant 26 : i32
    %mul3A_785 = arith.muli %add3A, %mul3A_784 : i32
    %add3A_786 = arith.constant 12 : i32
    %add3A_787 = arith.addi %mul3A_785, %add3A_786 : i32
    %jit3A_788 = arith.constant 32 : i32
    %div3A_789 = arith.divsi %add3A_787, %jit3A_788 : i32
    %sign3A_790 = arith.constant 0 : i32
    %sign3A_791 = arith.cmpi sgt, %add3A_787, %sign3A_790 : i32
    %sign3A_792 = arith.extui %sign3A_791 : i1 to i32
    %sign3A_793 = arith.constant 0 : i32
    %sign3A_794 = arith.cmpi slt, %add3A_787, %sign3A_793 : i32
    %sign3A_795 = arith.extui %sign3A_794 : i1 to i32
    %sign3A_796 = arith.subi %sign3A_792, %sign3A_795 : i32
    %sign3A_797 = arith.constant 0 : i32
    %sign3A_798 = arith.cmpi sgt, %jit3A_788, %sign3A_797 : i32
    %sign3A_799 = arith.extui %sign3A_798 : i1 to i32
    %sign3A_800 = arith.constant 0 : i32
    %sign3A_801 = arith.cmpi slt, %jit3A_788, %sign3A_800 : i32
    %sign3A_802 = arith.extui %sign3A_801 : i1 to i32
    %sign3A_803 = arith.subi %sign3A_799, %sign3A_802 : i32
    %ne3A_804 = arith.cmpi ne, %sign3A_796, %sign3A_803 : i32
    %rem3A_805 = arith.remsi %add3A_787, %jit3A_788 : i32
    %ne3A_806 = arith.constant 0 : i32
    %ne3A_807 = arith.cmpi ne, %rem3A_805, %ne3A_806 : i32
    %and3A_808 = arith.andi %ne3A_804, %ne3A_807 : i1
    %sub3A_809 = arith.constant 1 : i32
    %sub3A_810 = arith.subi %div3A_789, %sub3A_809 : i32
    %select_n3A_811 = arith.select %and3A_808, %sub3A_810, %div3A_789 : i32
    %mul3A_812 = arith.constant 26 : i32
    %mul3A_813 = arith.muli %add3A, %mul3A_812 : i32
    %add3A_814 = arith.constant 12 : i32
    %add3A_815 = arith.addi %mul3A_813, %add3A_814 : i32
    %sub3A_816 = arith.constant 1 : i32
    %sub3A_817 = arith.subi %add3A_815, %sub3A_816 : i32
    %jit3A_818 = arith.constant 32 : i32
    %div3A_819 = arith.divsi %sub3A_817, %jit3A_818 : i32
    %sign3A_820 = arith.constant 0 : i32
    %sign3A_821 = arith.cmpi sgt, %sub3A_817, %sign3A_820 : i32
    %sign3A_822 = arith.extui %sign3A_821 : i1 to i32
    %sign3A_823 = arith.constant 0 : i32
    %sign3A_824 = arith.cmpi slt, %sub3A_817, %sign3A_823 : i32
    %sign3A_825 = arith.extui %sign3A_824 : i1 to i32
    %sign3A_826 = arith.subi %sign3A_822, %sign3A_825 : i32
    %sign3A_827 = arith.constant 0 : i32
    %sign3A_828 = arith.cmpi sgt, %jit3A_818, %sign3A_827 : i32
    %sign3A_829 = arith.extui %sign3A_828 : i1 to i32
    %sign3A_830 = arith.constant 0 : i32
    %sign3A_831 = arith.cmpi slt, %jit3A_818, %sign3A_830 : i32
    %sign3A_832 = arith.extui %sign3A_831 : i1 to i32
    %sign3A_833 = arith.subi %sign3A_829, %sign3A_832 : i32
    %ne3A_834 = arith.cmpi ne, %sign3A_826, %sign3A_833 : i32
    %rem3A_835 = arith.remsi %sub3A_817, %jit3A_818 : i32
    %ne3A_836 = arith.constant 0 : i32
    %ne3A_837 = arith.cmpi ne, %rem3A_835, %ne3A_836 : i32
    %and3A_838 = arith.andi %ne3A_834, %ne3A_837 : i1
    %sub3A_839 = arith.constant 1 : i32
    %sub3A_840 = arith.subi %div3A_819, %sub3A_839 : i32
    %select_n3A_841 = arith.select %and3A_838, %sub3A_840, %div3A_819 : i32
    %ne3A_842 = arith.cmpi ne, %select_n3A_811, %select_n3A_841 : i32
    %convert_element_type3A_843 = arith.extui %ne3A_842 : i1 to i32
    %cond3A_844 = arith.constant 0 : i32
    %cond3A_845 = arith.cmpi ne, %convert_element_type3A_843, %cond3A_844 : i32
    scf.if %cond3A_845 {
      "tpu.region"() ({
        %run_scoped3A = tpu.sem_alloc : memref<!tpu.dma_semaphore, #tpu.memory_space<semaphore_mem>>
        %dma_start3A = arith.constant 0 : i32
        %dma_start3A_1750 = tpu.memref_slice %arg2[%select_n3A_811, %dma_start3A] : memref<26x4096xi32, #tpu.memory_space<hbm>> -> memref<1x4096xi32, #tpu.memory_space<hbm>>
        %dma_start3A_1751 = tpu.memref_squeeze %dma_start3A_1750 : memref<1x4096xi32, #tpu.memory_space<hbm>> -> memref<4096xi32, #tpu.memory_space<hbm>>
        %dma_start3A_1752 = arith.constant 0 : i32
        %dma_start3A_1753 = tpu.memref_slice %arg2[%select_n3A_811, %dma_start3A_1752] : memref<26x4096xi32, #tpu.memory_space<hbm>> -> memref<1x4096xi32, #tpu.memory_space<hbm>>
        %dma_start3A_1754 = tpu.memref_squeeze %dma_start3A_1753 : memref<1x4096xi32, #tpu.memory_space<hbm>> -> memref<4096xi32, #tpu.memory_space<hbm>>
        tpu.enqueue_dma source(%dma_start3A_1754 : memref<4096xi32, #tpu.memory_space<hbm>>) target(%arg6 : memref<4096xi32, #tpu.memory_space<vmem>>) target_semaphore(%run_scoped3A : memref<!tpu.dma_semaphore, #tpu.memory_space<semaphore_mem>>)
        %dma_wait3A = arith.constant 0 : i32
        %dma_wait3A_1755 = tpu.memref_slice %arg2[%select_n3A_811, %dma_wait3A] : memref<26x4096xi32, #tpu.memory_space<hbm>> -> memref<1x4096xi32, #tpu.memory_space<hbm>>
        %dma_wait3A_1756 = tpu.memref_squeeze %dma_wait3A_1755 : memref<1x4096xi32, #tpu.memory_space<hbm>> -> memref<4096xi32, #tpu.memory_space<hbm>>
        %dma_wait3A_1757 = arith.constant 0 : i32
        %dma_wait3A_1758 = tpu.memref_slice %arg2[%select_n3A_811, %dma_wait3A_1757] : memref<26x4096xi32, #tpu.memory_space<hbm>> -> memref<1x4096xi32, #tpu.memory_space<hbm>>
        %dma_wait3A_1759 = tpu.memref_squeeze %dma_wait3A_1758 : memref<1x4096xi32, #tpu.memory_space<hbm>> -> memref<4096xi32, #tpu.memory_space<hbm>>
        tpu.wait_dma2 semaphore(%run_scoped3A : memref<!tpu.dma_semaphore, #tpu.memory_space<semaphore_mem>>) src(%dma_wait3A_1759 : memref<4096xi32, #tpu.memory_space<hbm>>) dst(%arg6 : memref<4096xi32, #tpu.memory_space<vmem>>)
        tpu.yield
      }) : () -> ()
    } else {
    }
    "tpu.region"() ({
      %run_scoped3A = tpu.sem_alloc : memref<!tpu.dma_semaphore, #tpu.memory_space<semaphore_mem>>
      %dma_start3A = arith.constant 0 : i32
      %dma_start3A_1750 = tpu.memref_slice %arg3[%add3A_787, %dma_start3A] : memref<832x100000xf32, #tpu.memory_space<hbm>> -> memref<1x100000xf32, #tpu.memory_space<hbm>>
      %dma_start3A_1751 = tpu.memref_squeeze %dma_start3A_1750 : memref<1x100000xf32, #tpu.memory_space<hbm>> -> memref<100000xf32, #tpu.memory_space<hbm>>
      %dma_start3A_1752 = arith.constant 0 : i32
      %dma_start3A_1753 = tpu.memref_slice %arg3[%add3A_787, %dma_start3A_1752] : memref<832x100000xf32, #tpu.memory_space<hbm>> -> memref<1x100000xf32, #tpu.memory_space<hbm>>
      %dma_start3A_1754 = tpu.memref_squeeze %dma_start3A_1753 : memref<1x100000xf32, #tpu.memory_space<hbm>> -> memref<100000xf32, #tpu.memory_space<hbm>>
      tpu.enqueue_dma source(%dma_start3A_1754 : memref<100000xf32, #tpu.memory_space<hbm>>) target(%arg5 : memref<100000xf32, #tpu.memory_space<vmem>>) target_semaphore(%run_scoped3A : memref<!tpu.dma_semaphore, #tpu.memory_space<semaphore_mem>>)
      %dma_wait3A = arith.constant 0 : i32
      %dma_wait3A_1755 = tpu.memref_slice %arg3[%add3A_787, %dma_wait3A] : memref<832x100000xf32, #tpu.memory_space<hbm>> -> memref<1x100000xf32, #tpu.memory_space<hbm>>
      %dma_wait3A_1756 = tpu.memref_squeeze %dma_wait3A_1755 : memref<1x100000xf32, #tpu.memory_space<hbm>> -> memref<100000xf32, #tpu.memory_space<hbm>>
      %dma_wait3A_1757 = arith.constant 0 : i32
      %dma_wait3A_1758 = tpu.memref_slice %arg3[%add3A_787, %dma_wait3A_1757] : memref<832x100000xf32, #tpu.memory_space<hbm>> -> memref<1x100000xf32, #tpu.memory_space<hbm>>
      %dma_wait3A_1759 = tpu.memref_squeeze %dma_wait3A_1758 : memref<1x100000xf32, #tpu.memory_space<hbm>> -> memref<100000xf32, #tpu.memory_space<hbm>>
      tpu.wait_dma2 semaphore(%run_scoped3A : memref<!tpu.dma_semaphore, #tpu.memory_space<semaphore_mem>>) src(%dma_wait3A_1759 : memref<100000xf32, #tpu.memory_space<hbm>>) dst(%arg5 : memref<100000xf32, #tpu.memory_space<vmem>>)
      tpu.yield
    }) : () -> ()
    %scan3A_846 = arith.constant 0 : i32
    %scan3A_847 = arith.constant 0 : i32
    %scan3A_848 = arith.constant 256 : i32
    %scan3A_849 = arith.addi %scan3A_847, %scan3A_848 : i32
    %scan3A_850 = arith.constant 1 : i32
    %scan3A_851 = scf.for %scan3A_1750 = %scan3A_847 to %scan3A_849 step %scan3A_850 iter_args(%scan3A_1751 = %scan3A_846) -> (i32)  : i32 {
      %mul3A_1752 = arith.constant 16 : i32
      %mul3A_1753 = arith.muli %scan3A_1750, %mul3A_1752 : i32
      %get3A = arith.index_cast %mul3A_1753 : i32 to index
      %get3A_1754 = tpu.vector_load %arg6[%get3A] {strides = array<i32>} : memref<4096xi32, #tpu.memory_space<vmem>>, vector<16xi32>,
      %gather3A = tpu.vector_load_idx %arg5[%get3A_1754] : memref<100000xf32, #tpu.memory_space<vmem>>[vector<16xi32>], vector<16xf32>,
      %mul3A_1755 = arith.constant 16 : i32
      %mul3A_1756 = arith.muli %scan3A_1750, %mul3A_1755 : i32
      %swap3A = arith.index_cast %mul3A_1756 : i32 to index
      %swap3A_1757 = tpu.vector_load %arg7[%swap3A] {strides = array<i32>} : memref<4096xf32, #tpu.memory_space<vmem>>, vector<16xf32>,
      tpu.vector_store %arg7[%swap3A], %gather3A {strides = array<i32>} : memref<4096xf32, #tpu.memory_space<vmem>>, vector<16xf32>,
      %scan3A_1758 = arith.constant 0 : i32
      scf.yield %scan3A_1758 : i32
    }
    %scan3A_852 = arith.constant 256 : i32
    "tpu.region"() ({
      %run_scoped3A = tpu.sem_alloc : memref<!tpu.dma_semaphore, #tpu.memory_space<semaphore_mem>>
      %dma_start3A = arith.constant 0 : i32
      %dma_start3A_1750 = tpu.memref_slice %arg4[%add3A_787, %dma_start3A] : memref<832x4096xf32, #tpu.memory_space<hbm>> -> memref<1x4096xf32, #tpu.memory_space<hbm>>
      %dma_start3A_1751 = tpu.memref_squeeze %dma_start3A_1750 : memref<1x4096xf32, #tpu.memory_space<hbm>> -> memref<4096xf32, #tpu.memory_space<hbm>>
      %dma_start3A_1752 = arith.constant 0 : i32
      %dma_start3A_1753 = tpu.memref_slice %arg4[%add3A_787, %dma_start3A_1752] : memref<832x4096xf32, #tpu.memory_space<hbm>> -> memref<1x4096xf32, #tpu.memory_space<hbm>>
      %dma_start3A_1754 = tpu.memref_squeeze %dma_start3A_1753 : memref<1x4096xf32, #tpu.memory_space<hbm>> -> memref<4096xf32, #tpu.memory_space<hbm>>
      tpu.enqueue_dma source(%arg7 : memref<4096xf32, #tpu.memory_space<vmem>>) target(%dma_start3A_1754 : memref<4096xf32, #tpu.memory_space<hbm>>) target_semaphore(%run_scoped3A : memref<!tpu.dma_semaphore, #tpu.memory_space<semaphore_mem>>)
      %dma_wait3A = arith.constant 0 : i32
      %dma_wait3A_1755 = tpu.memref_slice %arg4[%add3A_787, %dma_wait3A] : memref<832x4096xf32, #tpu.memory_space<hbm>> -> memref<1x4096xf32, #tpu.memory_space<hbm>>
      %dma_wait3A_1756 = tpu.memref_squeeze %dma_wait3A_1755 : memref<1x4096xf32, #tpu.memory_space<hbm>> -> memref<4096xf32, #tpu.memory_space<hbm>>
      %dma_wait3A_1757 = arith.constant 0 : i32
      %dma_wait3A_1758 = tpu.memref_slice %arg4[%add3A_787, %dma_wait3A_1757] : memref<832x4096xf32, #tpu.memory_space<hbm>> -> memref<1x4096xf32, #tpu.memory_space<hbm>>
      %dma_wait3A_1759 = tpu.memref_squeeze %dma_wait3A_1758 : memref<1x4096xf32, #tpu.memory_space<hbm>> -> memref<4096xf32, #tpu.memory_space<hbm>>
      tpu.wait_dma2 semaphore(%run_scoped3A : memref<!tpu.dma_semaphore, #tpu.memory_space<semaphore_mem>>) src(%arg7 : memref<4096xf32, #tpu.memory_space<vmem>>) dst(%dma_wait3A_1759 : memref<4096xf32, #tpu.memory_space<hbm>>)
      tpu.yield
    }) : () -> ()
    %mul3A_853 = arith.constant 26 : i32
    %mul3A_854 = arith.muli %add3A, %mul3A_853 : i32
    %add3A_855 = arith.constant 13 : i32
    %add3A_856 = arith.addi %mul3A_854, %add3A_855 : i32
    %jit3A_857 = arith.constant 32 : i32
    %div3A_858 = arith.divsi %add3A_856, %jit3A_857 : i32
    %sign3A_859 = arith.constant 0 : i32
    %sign3A_860 = arith.cmpi sgt, %add3A_856, %sign3A_859 : i32
    %sign3A_861 = arith.extui %sign3A_860 : i1 to i32
    %sign3A_862 = arith.constant 0 : i32
    %sign3A_863 = arith.cmpi slt, %add3A_856, %sign3A_862 : i32
    %sign3A_864 = arith.extui %sign3A_863 : i1 to i32
    %sign3A_865 = arith.subi %sign3A_861, %sign3A_864 : i32
    %sign3A_866 = arith.constant 0 : i32
    %sign3A_867 = arith.cmpi sgt, %jit3A_857, %sign3A_866 : i32
    %sign3A_868 = arith.extui %sign3A_867 : i1 to i32
    %sign3A_869 = arith.constant 0 : i32
    %sign3A_870 = arith.cmpi slt, %jit3A_857, %sign3A_869 : i32
    %sign3A_871 = arith.extui %sign3A_870 : i1 to i32
    %sign3A_872 = arith.subi %sign3A_868, %sign3A_871 : i32
    %ne3A_873 = arith.cmpi ne, %sign3A_865, %sign3A_872 : i32
    %rem3A_874 = arith.remsi %add3A_856, %jit3A_857 : i32
    %ne3A_875 = arith.constant 0 : i32
    %ne3A_876 = arith.cmpi ne, %rem3A_874, %ne3A_875 : i32
    %and3A_877 = arith.andi %ne3A_873, %ne3A_876 : i1
    %sub3A_878 = arith.constant 1 : i32
    %sub3A_879 = arith.subi %div3A_858, %sub3A_878 : i32
    %select_n3A_880 = arith.select %and3A_877, %sub3A_879, %div3A_858 : i32
    %mul3A_881 = arith.constant 26 : i32
    %mul3A_882 = arith.muli %add3A, %mul3A_881 : i32
    %add3A_883 = arith.constant 13 : i32
    %add3A_884 = arith.addi %mul3A_882, %add3A_883 : i32
    %sub3A_885 = arith.constant 1 : i32
    %sub3A_886 = arith.subi %add3A_884, %sub3A_885 : i32
    %jit3A_887 = arith.constant 32 : i32
    %div3A_888 = arith.divsi %sub3A_886, %jit3A_887 : i32
    %sign3A_889 = arith.constant 0 : i32
    %sign3A_890 = arith.cmpi sgt, %sub3A_886, %sign3A_889 : i32
    %sign3A_891 = arith.extui %sign3A_890 : i1 to i32
    %sign3A_892 = arith.constant 0 : i32
    %sign3A_893 = arith.cmpi slt, %sub3A_886, %sign3A_892 : i32
    %sign3A_894 = arith.extui %sign3A_893 : i1 to i32
    %sign3A_895 = arith.subi %sign3A_891, %sign3A_894 : i32
    %sign3A_896 = arith.constant 0 : i32
    %sign3A_897 = arith.cmpi sgt, %jit3A_887, %sign3A_896 : i32
    %sign3A_898 = arith.extui %sign3A_897 : i1 to i32
    %sign3A_899 = arith.constant 0 : i32
    %sign3A_900 = arith.cmpi slt, %jit3A_887, %sign3A_899 : i32
    %sign3A_901 = arith.extui %sign3A_900 : i1 to i32
    %sign3A_902 = arith.subi %sign3A_898, %sign3A_901 : i32
    %ne3A_903 = arith.cmpi ne, %sign3A_895, %sign3A_902 : i32
    %rem3A_904 = arith.remsi %sub3A_886, %jit3A_887 : i32
    %ne3A_905 = arith.constant 0 : i32
    %ne3A_906 = arith.cmpi ne, %rem3A_904, %ne3A_905 : i32
    %and3A_907 = arith.andi %ne3A_903, %ne3A_906 : i1
    %sub3A_908 = arith.constant 1 : i32
    %sub3A_909 = arith.subi %div3A_888, %sub3A_908 : i32
    %select_n3A_910 = arith.select %and3A_907, %sub3A_909, %div3A_888 : i32
    %ne3A_911 = arith.cmpi ne, %select_n3A_880, %select_n3A_910 : i32
    %convert_element_type3A_912 = arith.extui %ne3A_911 : i1 to i32
    %cond3A_913 = arith.constant 0 : i32
    %cond3A_914 = arith.cmpi ne, %convert_element_type3A_912, %cond3A_913 : i32
    scf.if %cond3A_914 {
      "tpu.region"() ({
        %run_scoped3A = tpu.sem_alloc : memref<!tpu.dma_semaphore, #tpu.memory_space<semaphore_mem>>
        %dma_start3A = arith.constant 0 : i32
        %dma_start3A_1750 = tpu.memref_slice %arg2[%select_n3A_880, %dma_start3A] : memref<26x4096xi32, #tpu.memory_space<hbm>> -> memref<1x4096xi32, #tpu.memory_space<hbm>>
        %dma_start3A_1751 = tpu.memref_squeeze %dma_start3A_1750 : memref<1x4096xi32, #tpu.memory_space<hbm>> -> memref<4096xi32, #tpu.memory_space<hbm>>
        %dma_start3A_1752 = arith.constant 0 : i32
        %dma_start3A_1753 = tpu.memref_slice %arg2[%select_n3A_880, %dma_start3A_1752] : memref<26x4096xi32, #tpu.memory_space<hbm>> -> memref<1x4096xi32, #tpu.memory_space<hbm>>
        %dma_start3A_1754 = tpu.memref_squeeze %dma_start3A_1753 : memref<1x4096xi32, #tpu.memory_space<hbm>> -> memref<4096xi32, #tpu.memory_space<hbm>>
        tpu.enqueue_dma source(%dma_start3A_1754 : memref<4096xi32, #tpu.memory_space<hbm>>) target(%arg6 : memref<4096xi32, #tpu.memory_space<vmem>>) target_semaphore(%run_scoped3A : memref<!tpu.dma_semaphore, #tpu.memory_space<semaphore_mem>>)
        %dma_wait3A = arith.constant 0 : i32
        %dma_wait3A_1755 = tpu.memref_slice %arg2[%select_n3A_880, %dma_wait3A] : memref<26x4096xi32, #tpu.memory_space<hbm>> -> memref<1x4096xi32, #tpu.memory_space<hbm>>
        %dma_wait3A_1756 = tpu.memref_squeeze %dma_wait3A_1755 : memref<1x4096xi32, #tpu.memory_space<hbm>> -> memref<4096xi32, #tpu.memory_space<hbm>>
        %dma_wait3A_1757 = arith.constant 0 : i32
        %dma_wait3A_1758 = tpu.memref_slice %arg2[%select_n3A_880, %dma_wait3A_1757] : memref<26x4096xi32, #tpu.memory_space<hbm>> -> memref<1x4096xi32, #tpu.memory_space<hbm>>
        %dma_wait3A_1759 = tpu.memref_squeeze %dma_wait3A_1758 : memref<1x4096xi32, #tpu.memory_space<hbm>> -> memref<4096xi32, #tpu.memory_space<hbm>>
        tpu.wait_dma2 semaphore(%run_scoped3A : memref<!tpu.dma_semaphore, #tpu.memory_space<semaphore_mem>>) src(%dma_wait3A_1759 : memref<4096xi32, #tpu.memory_space<hbm>>) dst(%arg6 : memref<4096xi32, #tpu.memory_space<vmem>>)
        tpu.yield
      }) : () -> ()
    } else {
    }
    "tpu.region"() ({
      %run_scoped3A = tpu.sem_alloc : memref<!tpu.dma_semaphore, #tpu.memory_space<semaphore_mem>>
      %dma_start3A = arith.constant 0 : i32
      %dma_start3A_1750 = tpu.memref_slice %arg3[%add3A_856, %dma_start3A] : memref<832x100000xf32, #tpu.memory_space<hbm>> -> memref<1x100000xf32, #tpu.memory_space<hbm>>
      %dma_start3A_1751 = tpu.memref_squeeze %dma_start3A_1750 : memref<1x100000xf32, #tpu.memory_space<hbm>> -> memref<100000xf32, #tpu.memory_space<hbm>>
      %dma_start3A_1752 = arith.constant 0 : i32
      %dma_start3A_1753 = tpu.memref_slice %arg3[%add3A_856, %dma_start3A_1752] : memref<832x100000xf32, #tpu.memory_space<hbm>> -> memref<1x100000xf32, #tpu.memory_space<hbm>>
      %dma_start3A_1754 = tpu.memref_squeeze %dma_start3A_1753 : memref<1x100000xf32, #tpu.memory_space<hbm>> -> memref<100000xf32, #tpu.memory_space<hbm>>
      tpu.enqueue_dma source(%dma_start3A_1754 : memref<100000xf32, #tpu.memory_space<hbm>>) target(%arg5 : memref<100000xf32, #tpu.memory_space<vmem>>) target_semaphore(%run_scoped3A : memref<!tpu.dma_semaphore, #tpu.memory_space<semaphore_mem>>)
      %dma_wait3A = arith.constant 0 : i32
      %dma_wait3A_1755 = tpu.memref_slice %arg3[%add3A_856, %dma_wait3A] : memref<832x100000xf32, #tpu.memory_space<hbm>> -> memref<1x100000xf32, #tpu.memory_space<hbm>>
      %dma_wait3A_1756 = tpu.memref_squeeze %dma_wait3A_1755 : memref<1x100000xf32, #tpu.memory_space<hbm>> -> memref<100000xf32, #tpu.memory_space<hbm>>
      %dma_wait3A_1757 = arith.constant 0 : i32
      %dma_wait3A_1758 = tpu.memref_slice %arg3[%add3A_856, %dma_wait3A_1757] : memref<832x100000xf32, #tpu.memory_space<hbm>> -> memref<1x100000xf32, #tpu.memory_space<hbm>>
      %dma_wait3A_1759 = tpu.memref_squeeze %dma_wait3A_1758 : memref<1x100000xf32, #tpu.memory_space<hbm>> -> memref<100000xf32, #tpu.memory_space<hbm>>
      tpu.wait_dma2 semaphore(%run_scoped3A : memref<!tpu.dma_semaphore, #tpu.memory_space<semaphore_mem>>) src(%dma_wait3A_1759 : memref<100000xf32, #tpu.memory_space<hbm>>) dst(%arg5 : memref<100000xf32, #tpu.memory_space<vmem>>)
      tpu.yield
    }) : () -> ()
    %scan3A_915 = arith.constant 0 : i32
    %scan3A_916 = arith.constant 0 : i32
    %scan3A_917 = arith.constant 256 : i32
    %scan3A_918 = arith.addi %scan3A_916, %scan3A_917 : i32
    %scan3A_919 = arith.constant 1 : i32
    %scan3A_920 = scf.for %scan3A_1750 = %scan3A_916 to %scan3A_918 step %scan3A_919 iter_args(%scan3A_1751 = %scan3A_915) -> (i32)  : i32 {
      %mul3A_1752 = arith.constant 16 : i32
      %mul3A_1753 = arith.muli %scan3A_1750, %mul3A_1752 : i32
      %get3A = arith.index_cast %mul3A_1753 : i32 to index
      %get3A_1754 = tpu.vector_load %arg6[%get3A] {strides = array<i32>} : memref<4096xi32, #tpu.memory_space<vmem>>, vector<16xi32>,
      %gather3A = tpu.vector_load_idx %arg5[%get3A_1754] : memref<100000xf32, #tpu.memory_space<vmem>>[vector<16xi32>], vector<16xf32>,
      %mul3A_1755 = arith.constant 16 : i32
      %mul3A_1756 = arith.muli %scan3A_1750, %mul3A_1755 : i32
      %swap3A = arith.index_cast %mul3A_1756 : i32 to index
      %swap3A_1757 = tpu.vector_load %arg7[%swap3A] {strides = array<i32>} : memref<4096xf32, #tpu.memory_space<vmem>>, vector<16xf32>,
      tpu.vector_store %arg7[%swap3A], %gather3A {strides = array<i32>} : memref<4096xf32, #tpu.memory_space<vmem>>, vector<16xf32>,
      %scan3A_1758 = arith.constant 0 : i32
      scf.yield %scan3A_1758 : i32
    }
    %scan3A_921 = arith.constant 256 : i32
    "tpu.region"() ({
      %run_scoped3A = tpu.sem_alloc : memref<!tpu.dma_semaphore, #tpu.memory_space<semaphore_mem>>
      %dma_start3A = arith.constant 0 : i32
      %dma_start3A_1750 = tpu.memref_slice %arg4[%add3A_856, %dma_start3A] : memref<832x4096xf32, #tpu.memory_space<hbm>> -> memref<1x4096xf32, #tpu.memory_space<hbm>>
      %dma_start3A_1751 = tpu.memref_squeeze %dma_start3A_1750 : memref<1x4096xf32, #tpu.memory_space<hbm>> -> memref<4096xf32, #tpu.memory_space<hbm>>
      %dma_start3A_1752 = arith.constant 0 : i32
      %dma_start3A_1753 = tpu.memref_slice %arg4[%add3A_856, %dma_start3A_1752] : memref<832x4096xf32, #tpu.memory_space<hbm>> -> memref<1x4096xf32, #tpu.memory_space<hbm>>
      %dma_start3A_1754 = tpu.memref_squeeze %dma_start3A_1753 : memref<1x4096xf32, #tpu.memory_space<hbm>> -> memref<4096xf32, #tpu.memory_space<hbm>>
      tpu.enqueue_dma source(%arg7 : memref<4096xf32, #tpu.memory_space<vmem>>) target(%dma_start3A_1754 : memref<4096xf32, #tpu.memory_space<hbm>>) target_semaphore(%run_scoped3A : memref<!tpu.dma_semaphore, #tpu.memory_space<semaphore_mem>>)
      %dma_wait3A = arith.constant 0 : i32
      %dma_wait3A_1755 = tpu.memref_slice %arg4[%add3A_856, %dma_wait3A] : memref<832x4096xf32, #tpu.memory_space<hbm>> -> memref<1x4096xf32, #tpu.memory_space<hbm>>
      %dma_wait3A_1756 = tpu.memref_squeeze %dma_wait3A_1755 : memref<1x4096xf32, #tpu.memory_space<hbm>> -> memref<4096xf32, #tpu.memory_space<hbm>>
      %dma_wait3A_1757 = arith.constant 0 : i32
      %dma_wait3A_1758 = tpu.memref_slice %arg4[%add3A_856, %dma_wait3A_1757] : memref<832x4096xf32, #tpu.memory_space<hbm>> -> memref<1x4096xf32, #tpu.memory_space<hbm>>
      %dma_wait3A_1759 = tpu.memref_squeeze %dma_wait3A_1758 : memref<1x4096xf32, #tpu.memory_space<hbm>> -> memref<4096xf32, #tpu.memory_space<hbm>>
      tpu.wait_dma2 semaphore(%run_scoped3A : memref<!tpu.dma_semaphore, #tpu.memory_space<semaphore_mem>>) src(%arg7 : memref<4096xf32, #tpu.memory_space<vmem>>) dst(%dma_wait3A_1759 : memref<4096xf32, #tpu.memory_space<hbm>>)
      tpu.yield
    }) : () -> ()
    %mul3A_922 = arith.constant 26 : i32
    %mul3A_923 = arith.muli %add3A, %mul3A_922 : i32
    %add3A_924 = arith.constant 14 : i32
    %add3A_925 = arith.addi %mul3A_923, %add3A_924 : i32
    %jit3A_926 = arith.constant 32 : i32
    %div3A_927 = arith.divsi %add3A_925, %jit3A_926 : i32
    %sign3A_928 = arith.constant 0 : i32
    %sign3A_929 = arith.cmpi sgt, %add3A_925, %sign3A_928 : i32
    %sign3A_930 = arith.extui %sign3A_929 : i1 to i32
    %sign3A_931 = arith.constant 0 : i32
    %sign3A_932 = arith.cmpi slt, %add3A_925, %sign3A_931 : i32
    %sign3A_933 = arith.extui %sign3A_932 : i1 to i32
    %sign3A_934 = arith.subi %sign3A_930, %sign3A_933 : i32
    %sign3A_935 = arith.constant 0 : i32
    %sign3A_936 = arith.cmpi sgt, %jit3A_926, %sign3A_935 : i32
    %sign3A_937 = arith.extui %sign3A_936 : i1 to i32
    %sign3A_938 = arith.constant 0 : i32
    %sign3A_939 = arith.cmpi slt, %jit3A_926, %sign3A_938 : i32
    %sign3A_940 = arith.extui %sign3A_939 : i1 to i32
    %sign3A_941 = arith.subi %sign3A_937, %sign3A_940 : i32
    %ne3A_942 = arith.cmpi ne, %sign3A_934, %sign3A_941 : i32
    %rem3A_943 = arith.remsi %add3A_925, %jit3A_926 : i32
    %ne3A_944 = arith.constant 0 : i32
    %ne3A_945 = arith.cmpi ne, %rem3A_943, %ne3A_944 : i32
    %and3A_946 = arith.andi %ne3A_942, %ne3A_945 : i1
    %sub3A_947 = arith.constant 1 : i32
    %sub3A_948 = arith.subi %div3A_927, %sub3A_947 : i32
    %select_n3A_949 = arith.select %and3A_946, %sub3A_948, %div3A_927 : i32
    %mul3A_950 = arith.constant 26 : i32
    %mul3A_951 = arith.muli %add3A, %mul3A_950 : i32
    %add3A_952 = arith.constant 14 : i32
    %add3A_953 = arith.addi %mul3A_951, %add3A_952 : i32
    %sub3A_954 = arith.constant 1 : i32
    %sub3A_955 = arith.subi %add3A_953, %sub3A_954 : i32
    %jit3A_956 = arith.constant 32 : i32
    %div3A_957 = arith.divsi %sub3A_955, %jit3A_956 : i32
    %sign3A_958 = arith.constant 0 : i32
    %sign3A_959 = arith.cmpi sgt, %sub3A_955, %sign3A_958 : i32
    %sign3A_960 = arith.extui %sign3A_959 : i1 to i32
    %sign3A_961 = arith.constant 0 : i32
    %sign3A_962 = arith.cmpi slt, %sub3A_955, %sign3A_961 : i32
    %sign3A_963 = arith.extui %sign3A_962 : i1 to i32
    %sign3A_964 = arith.subi %sign3A_960, %sign3A_963 : i32
    %sign3A_965 = arith.constant 0 : i32
    %sign3A_966 = arith.cmpi sgt, %jit3A_956, %sign3A_965 : i32
    %sign3A_967 = arith.extui %sign3A_966 : i1 to i32
    %sign3A_968 = arith.constant 0 : i32
    %sign3A_969 = arith.cmpi slt, %jit3A_956, %sign3A_968 : i32
    %sign3A_970 = arith.extui %sign3A_969 : i1 to i32
    %sign3A_971 = arith.subi %sign3A_967, %sign3A_970 : i32
    %ne3A_972 = arith.cmpi ne, %sign3A_964, %sign3A_971 : i32
    %rem3A_973 = arith.remsi %sub3A_955, %jit3A_956 : i32
    %ne3A_974 = arith.constant 0 : i32
    %ne3A_975 = arith.cmpi ne, %rem3A_973, %ne3A_974 : i32
    %and3A_976 = arith.andi %ne3A_972, %ne3A_975 : i1
    %sub3A_977 = arith.constant 1 : i32
    %sub3A_978 = arith.subi %div3A_957, %sub3A_977 : i32
    %select_n3A_979 = arith.select %and3A_976, %sub3A_978, %div3A_957 : i32
    %ne3A_980 = arith.cmpi ne, %select_n3A_949, %select_n3A_979 : i32
    %convert_element_type3A_981 = arith.extui %ne3A_980 : i1 to i32
    %cond3A_982 = arith.constant 0 : i32
    %cond3A_983 = arith.cmpi ne, %convert_element_type3A_981, %cond3A_982 : i32
    scf.if %cond3A_983 {
      "tpu.region"() ({
        %run_scoped3A = tpu.sem_alloc : memref<!tpu.dma_semaphore, #tpu.memory_space<semaphore_mem>>
        %dma_start3A = arith.constant 0 : i32
        %dma_start3A_1750 = tpu.memref_slice %arg2[%select_n3A_949, %dma_start3A] : memref<26x4096xi32, #tpu.memory_space<hbm>> -> memref<1x4096xi32, #tpu.memory_space<hbm>>
        %dma_start3A_1751 = tpu.memref_squeeze %dma_start3A_1750 : memref<1x4096xi32, #tpu.memory_space<hbm>> -> memref<4096xi32, #tpu.memory_space<hbm>>
        %dma_start3A_1752 = arith.constant 0 : i32
        %dma_start3A_1753 = tpu.memref_slice %arg2[%select_n3A_949, %dma_start3A_1752] : memref<26x4096xi32, #tpu.memory_space<hbm>> -> memref<1x4096xi32, #tpu.memory_space<hbm>>
        %dma_start3A_1754 = tpu.memref_squeeze %dma_start3A_1753 : memref<1x4096xi32, #tpu.memory_space<hbm>> -> memref<4096xi32, #tpu.memory_space<hbm>>
        tpu.enqueue_dma source(%dma_start3A_1754 : memref<4096xi32, #tpu.memory_space<hbm>>) target(%arg6 : memref<4096xi32, #tpu.memory_space<vmem>>) target_semaphore(%run_scoped3A : memref<!tpu.dma_semaphore, #tpu.memory_space<semaphore_mem>>)
        %dma_wait3A = arith.constant 0 : i32
        %dma_wait3A_1755 = tpu.memref_slice %arg2[%select_n3A_949, %dma_wait3A] : memref<26x4096xi32, #tpu.memory_space<hbm>> -> memref<1x4096xi32, #tpu.memory_space<hbm>>
        %dma_wait3A_1756 = tpu.memref_squeeze %dma_wait3A_1755 : memref<1x4096xi32, #tpu.memory_space<hbm>> -> memref<4096xi32, #tpu.memory_space<hbm>>
        %dma_wait3A_1757 = arith.constant 0 : i32
        %dma_wait3A_1758 = tpu.memref_slice %arg2[%select_n3A_949, %dma_wait3A_1757] : memref<26x4096xi32, #tpu.memory_space<hbm>> -> memref<1x4096xi32, #tpu.memory_space<hbm>>
        %dma_wait3A_1759 = tpu.memref_squeeze %dma_wait3A_1758 : memref<1x4096xi32, #tpu.memory_space<hbm>> -> memref<4096xi32, #tpu.memory_space<hbm>>
        tpu.wait_dma2 semaphore(%run_scoped3A : memref<!tpu.dma_semaphore, #tpu.memory_space<semaphore_mem>>) src(%dma_wait3A_1759 : memref<4096xi32, #tpu.memory_space<hbm>>) dst(%arg6 : memref<4096xi32, #tpu.memory_space<vmem>>)
        tpu.yield
      }) : () -> ()
    } else {
    }
    "tpu.region"() ({
      %run_scoped3A = tpu.sem_alloc : memref<!tpu.dma_semaphore, #tpu.memory_space<semaphore_mem>>
      %dma_start3A = arith.constant 0 : i32
      %dma_start3A_1750 = tpu.memref_slice %arg3[%add3A_925, %dma_start3A] : memref<832x100000xf32, #tpu.memory_space<hbm>> -> memref<1x100000xf32, #tpu.memory_space<hbm>>
      %dma_start3A_1751 = tpu.memref_squeeze %dma_start3A_1750 : memref<1x100000xf32, #tpu.memory_space<hbm>> -> memref<100000xf32, #tpu.memory_space<hbm>>
      %dma_start3A_1752 = arith.constant 0 : i32
      %dma_start3A_1753 = tpu.memref_slice %arg3[%add3A_925, %dma_start3A_1752] : memref<832x100000xf32, #tpu.memory_space<hbm>> -> memref<1x100000xf32, #tpu.memory_space<hbm>>
      %dma_start3A_1754 = tpu.memref_squeeze %dma_start3A_1753 : memref<1x100000xf32, #tpu.memory_space<hbm>> -> memref<100000xf32, #tpu.memory_space<hbm>>
      tpu.enqueue_dma source(%dma_start3A_1754 : memref<100000xf32, #tpu.memory_space<hbm>>) target(%arg5 : memref<100000xf32, #tpu.memory_space<vmem>>) target_semaphore(%run_scoped3A : memref<!tpu.dma_semaphore, #tpu.memory_space<semaphore_mem>>)
      %dma_wait3A = arith.constant 0 : i32
      %dma_wait3A_1755 = tpu.memref_slice %arg3[%add3A_925, %dma_wait3A] : memref<832x100000xf32, #tpu.memory_space<hbm>> -> memref<1x100000xf32, #tpu.memory_space<hbm>>
      %dma_wait3A_1756 = tpu.memref_squeeze %dma_wait3A_1755 : memref<1x100000xf32, #tpu.memory_space<hbm>> -> memref<100000xf32, #tpu.memory_space<hbm>>
      %dma_wait3A_1757 = arith.constant 0 : i32
      %dma_wait3A_1758 = tpu.memref_slice %arg3[%add3A_925, %dma_wait3A_1757] : memref<832x100000xf32, #tpu.memory_space<hbm>> -> memref<1x100000xf32, #tpu.memory_space<hbm>>
      %dma_wait3A_1759 = tpu.memref_squeeze %dma_wait3A_1758 : memref<1x100000xf32, #tpu.memory_space<hbm>> -> memref<100000xf32, #tpu.memory_space<hbm>>
      tpu.wait_dma2 semaphore(%run_scoped3A : memref<!tpu.dma_semaphore, #tpu.memory_space<semaphore_mem>>) src(%dma_wait3A_1759 : memref<100000xf32, #tpu.memory_space<hbm>>) dst(%arg5 : memref<100000xf32, #tpu.memory_space<vmem>>)
      tpu.yield
    }) : () -> ()
    %scan3A_984 = arith.constant 0 : i32
    %scan3A_985 = arith.constant 0 : i32
    %scan3A_986 = arith.constant 256 : i32
    %scan3A_987 = arith.addi %scan3A_985, %scan3A_986 : i32
    %scan3A_988 = arith.constant 1 : i32
    %scan3A_989 = scf.for %scan3A_1750 = %scan3A_985 to %scan3A_987 step %scan3A_988 iter_args(%scan3A_1751 = %scan3A_984) -> (i32)  : i32 {
      %mul3A_1752 = arith.constant 16 : i32
      %mul3A_1753 = arith.muli %scan3A_1750, %mul3A_1752 : i32
      %get3A = arith.index_cast %mul3A_1753 : i32 to index
      %get3A_1754 = tpu.vector_load %arg6[%get3A] {strides = array<i32>} : memref<4096xi32, #tpu.memory_space<vmem>>, vector<16xi32>,
      %gather3A = tpu.vector_load_idx %arg5[%get3A_1754] : memref<100000xf32, #tpu.memory_space<vmem>>[vector<16xi32>], vector<16xf32>,
      %mul3A_1755 = arith.constant 16 : i32
      %mul3A_1756 = arith.muli %scan3A_1750, %mul3A_1755 : i32
      %swap3A = arith.index_cast %mul3A_1756 : i32 to index
      %swap3A_1757 = tpu.vector_load %arg7[%swap3A] {strides = array<i32>} : memref<4096xf32, #tpu.memory_space<vmem>>, vector<16xf32>,
      tpu.vector_store %arg7[%swap3A], %gather3A {strides = array<i32>} : memref<4096xf32, #tpu.memory_space<vmem>>, vector<16xf32>,
      %scan3A_1758 = arith.constant 0 : i32
      scf.yield %scan3A_1758 : i32
    }
    %scan3A_990 = arith.constant 256 : i32
    "tpu.region"() ({
      %run_scoped3A = tpu.sem_alloc : memref<!tpu.dma_semaphore, #tpu.memory_space<semaphore_mem>>
      %dma_start3A = arith.constant 0 : i32
      %dma_start3A_1750 = tpu.memref_slice %arg4[%add3A_925, %dma_start3A] : memref<832x4096xf32, #tpu.memory_space<hbm>> -> memref<1x4096xf32, #tpu.memory_space<hbm>>
      %dma_start3A_1751 = tpu.memref_squeeze %dma_start3A_1750 : memref<1x4096xf32, #tpu.memory_space<hbm>> -> memref<4096xf32, #tpu.memory_space<hbm>>
      %dma_start3A_1752 = arith.constant 0 : i32
      %dma_start3A_1753 = tpu.memref_slice %arg4[%add3A_925, %dma_start3A_1752] : memref<832x4096xf32, #tpu.memory_space<hbm>> -> memref<1x4096xf32, #tpu.memory_space<hbm>>
      %dma_start3A_1754 = tpu.memref_squeeze %dma_start3A_1753 : memref<1x4096xf32, #tpu.memory_space<hbm>> -> memref<4096xf32, #tpu.memory_space<hbm>>
      tpu.enqueue_dma source(%arg7 : memref<4096xf32, #tpu.memory_space<vmem>>) target(%dma_start3A_1754 : memref<4096xf32, #tpu.memory_space<hbm>>) target_semaphore(%run_scoped3A : memref<!tpu.dma_semaphore, #tpu.memory_space<semaphore_mem>>)
      %dma_wait3A = arith.constant 0 : i32
      %dma_wait3A_1755 = tpu.memref_slice %arg4[%add3A_925, %dma_wait3A] : memref<832x4096xf32, #tpu.memory_space<hbm>> -> memref<1x4096xf32, #tpu.memory_space<hbm>>
      %dma_wait3A_1756 = tpu.memref_squeeze %dma_wait3A_1755 : memref<1x4096xf32, #tpu.memory_space<hbm>> -> memref<4096xf32, #tpu.memory_space<hbm>>
      %dma_wait3A_1757 = arith.constant 0 : i32
      %dma_wait3A_1758 = tpu.memref_slice %arg4[%add3A_925, %dma_wait3A_1757] : memref<832x4096xf32, #tpu.memory_space<hbm>> -> memref<1x4096xf32, #tpu.memory_space<hbm>>
      %dma_wait3A_1759 = tpu.memref_squeeze %dma_wait3A_1758 : memref<1x4096xf32, #tpu.memory_space<hbm>> -> memref<4096xf32, #tpu.memory_space<hbm>>
      tpu.wait_dma2 semaphore(%run_scoped3A : memref<!tpu.dma_semaphore, #tpu.memory_space<semaphore_mem>>) src(%arg7 : memref<4096xf32, #tpu.memory_space<vmem>>) dst(%dma_wait3A_1759 : memref<4096xf32, #tpu.memory_space<hbm>>)
      tpu.yield
    }) : () -> ()
    %mul3A_991 = arith.constant 26 : i32
    %mul3A_992 = arith.muli %add3A, %mul3A_991 : i32
    %add3A_993 = arith.constant 15 : i32
    %add3A_994 = arith.addi %mul3A_992, %add3A_993 : i32
    %jit3A_995 = arith.constant 32 : i32
    %div3A_996 = arith.divsi %add3A_994, %jit3A_995 : i32
    %sign3A_997 = arith.constant 0 : i32
    %sign3A_998 = arith.cmpi sgt, %add3A_994, %sign3A_997 : i32
    %sign3A_999 = arith.extui %sign3A_998 : i1 to i32
    %sign3A_1000 = arith.constant 0 : i32
    %sign3A_1001 = arith.cmpi slt, %add3A_994, %sign3A_1000 : i32
    %sign3A_1002 = arith.extui %sign3A_1001 : i1 to i32
    %sign3A_1003 = arith.subi %sign3A_999, %sign3A_1002 : i32
    %sign3A_1004 = arith.constant 0 : i32
    %sign3A_1005 = arith.cmpi sgt, %jit3A_995, %sign3A_1004 : i32
    %sign3A_1006 = arith.extui %sign3A_1005 : i1 to i32
    %sign3A_1007 = arith.constant 0 : i32
    %sign3A_1008 = arith.cmpi slt, %jit3A_995, %sign3A_1007 : i32
    %sign3A_1009 = arith.extui %sign3A_1008 : i1 to i32
    %sign3A_1010 = arith.subi %sign3A_1006, %sign3A_1009 : i32
    %ne3A_1011 = arith.cmpi ne, %sign3A_1003, %sign3A_1010 : i32
    %rem3A_1012 = arith.remsi %add3A_994, %jit3A_995 : i32
    %ne3A_1013 = arith.constant 0 : i32
    %ne3A_1014 = arith.cmpi ne, %rem3A_1012, %ne3A_1013 : i32
    %and3A_1015 = arith.andi %ne3A_1011, %ne3A_1014 : i1
    %sub3A_1016 = arith.constant 1 : i32
    %sub3A_1017 = arith.subi %div3A_996, %sub3A_1016 : i32
    %select_n3A_1018 = arith.select %and3A_1015, %sub3A_1017, %div3A_996 : i32
    %mul3A_1019 = arith.constant 26 : i32
    %mul3A_1020 = arith.muli %add3A, %mul3A_1019 : i32
    %add3A_1021 = arith.constant 15 : i32
    %add3A_1022 = arith.addi %mul3A_1020, %add3A_1021 : i32
    %sub3A_1023 = arith.constant 1 : i32
    %sub3A_1024 = arith.subi %add3A_1022, %sub3A_1023 : i32
    %jit3A_1025 = arith.constant 32 : i32
    %div3A_1026 = arith.divsi %sub3A_1024, %jit3A_1025 : i32
    %sign3A_1027 = arith.constant 0 : i32
    %sign3A_1028 = arith.cmpi sgt, %sub3A_1024, %sign3A_1027 : i32
    %sign3A_1029 = arith.extui %sign3A_1028 : i1 to i32
    %sign3A_1030 = arith.constant 0 : i32
    %sign3A_1031 = arith.cmpi slt, %sub3A_1024, %sign3A_1030 : i32
    %sign3A_1032 = arith.extui %sign3A_1031 : i1 to i32
    %sign3A_1033 = arith.subi %sign3A_1029, %sign3A_1032 : i32
    %sign3A_1034 = arith.constant 0 : i32
    %sign3A_1035 = arith.cmpi sgt, %jit3A_1025, %sign3A_1034 : i32
    %sign3A_1036 = arith.extui %sign3A_1035 : i1 to i32
    %sign3A_1037 = arith.constant 0 : i32
    %sign3A_1038 = arith.cmpi slt, %jit3A_1025, %sign3A_1037 : i32
    %sign3A_1039 = arith.extui %sign3A_1038 : i1 to i32
    %sign3A_1040 = arith.subi %sign3A_1036, %sign3A_1039 : i32
    %ne3A_1041 = arith.cmpi ne, %sign3A_1033, %sign3A_1040 : i32
    %rem3A_1042 = arith.remsi %sub3A_1024, %jit3A_1025 : i32
    %ne3A_1043 = arith.constant 0 : i32
    %ne3A_1044 = arith.cmpi ne, %rem3A_1042, %ne3A_1043 : i32
    %and3A_1045 = arith.andi %ne3A_1041, %ne3A_1044 : i1
    %sub3A_1046 = arith.constant 1 : i32
    %sub3A_1047 = arith.subi %div3A_1026, %sub3A_1046 : i32
    %select_n3A_1048 = arith.select %and3A_1045, %sub3A_1047, %div3A_1026 : i32
    %ne3A_1049 = arith.cmpi ne, %select_n3A_1018, %select_n3A_1048 : i32
    %convert_element_type3A_1050 = arith.extui %ne3A_1049 : i1 to i32
    %cond3A_1051 = arith.constant 0 : i32
    %cond3A_1052 = arith.cmpi ne, %convert_element_type3A_1050, %cond3A_1051 : i32
    scf.if %cond3A_1052 {
      "tpu.region"() ({
        %run_scoped3A = tpu.sem_alloc : memref<!tpu.dma_semaphore, #tpu.memory_space<semaphore_mem>>
        %dma_start3A = arith.constant 0 : i32
        %dma_start3A_1750 = tpu.memref_slice %arg2[%select_n3A_1018, %dma_start3A] : memref<26x4096xi32, #tpu.memory_space<hbm>> -> memref<1x4096xi32, #tpu.memory_space<hbm>>
        %dma_start3A_1751 = tpu.memref_squeeze %dma_start3A_1750 : memref<1x4096xi32, #tpu.memory_space<hbm>> -> memref<4096xi32, #tpu.memory_space<hbm>>
        %dma_start3A_1752 = arith.constant 0 : i32
        %dma_start3A_1753 = tpu.memref_slice %arg2[%select_n3A_1018, %dma_start3A_1752] : memref<26x4096xi32, #tpu.memory_space<hbm>> -> memref<1x4096xi32, #tpu.memory_space<hbm>>
        %dma_start3A_1754 = tpu.memref_squeeze %dma_start3A_1753 : memref<1x4096xi32, #tpu.memory_space<hbm>> -> memref<4096xi32, #tpu.memory_space<hbm>>
        tpu.enqueue_dma source(%dma_start3A_1754 : memref<4096xi32, #tpu.memory_space<hbm>>) target(%arg6 : memref<4096xi32, #tpu.memory_space<vmem>>) target_semaphore(%run_scoped3A : memref<!tpu.dma_semaphore, #tpu.memory_space<semaphore_mem>>)
        %dma_wait3A = arith.constant 0 : i32
        %dma_wait3A_1755 = tpu.memref_slice %arg2[%select_n3A_1018, %dma_wait3A] : memref<26x4096xi32, #tpu.memory_space<hbm>> -> memref<1x4096xi32, #tpu.memory_space<hbm>>
        %dma_wait3A_1756 = tpu.memref_squeeze %dma_wait3A_1755 : memref<1x4096xi32, #tpu.memory_space<hbm>> -> memref<4096xi32, #tpu.memory_space<hbm>>
        %dma_wait3A_1757 = arith.constant 0 : i32
        %dma_wait3A_1758 = tpu.memref_slice %arg2[%select_n3A_1018, %dma_wait3A_1757] : memref<26x4096xi32, #tpu.memory_space<hbm>> -> memref<1x4096xi32, #tpu.memory_space<hbm>>
        %dma_wait3A_1759 = tpu.memref_squeeze %dma_wait3A_1758 : memref<1x4096xi32, #tpu.memory_space<hbm>> -> memref<4096xi32, #tpu.memory_space<hbm>>
        tpu.wait_dma2 semaphore(%run_scoped3A : memref<!tpu.dma_semaphore, #tpu.memory_space<semaphore_mem>>) src(%dma_wait3A_1759 : memref<4096xi32, #tpu.memory_space<hbm>>) dst(%arg6 : memref<4096xi32, #tpu.memory_space<vmem>>)
        tpu.yield
      }) : () -> ()
    } else {
    }
    "tpu.region"() ({
      %run_scoped3A = tpu.sem_alloc : memref<!tpu.dma_semaphore, #tpu.memory_space<semaphore_mem>>
      %dma_start3A = arith.constant 0 : i32
      %dma_start3A_1750 = tpu.memref_slice %arg3[%add3A_994, %dma_start3A] : memref<832x100000xf32, #tpu.memory_space<hbm>> -> memref<1x100000xf32, #tpu.memory_space<hbm>>
      %dma_start3A_1751 = tpu.memref_squeeze %dma_start3A_1750 : memref<1x100000xf32, #tpu.memory_space<hbm>> -> memref<100000xf32, #tpu.memory_space<hbm>>
      %dma_start3A_1752 = arith.constant 0 : i32
      %dma_start3A_1753 = tpu.memref_slice %arg3[%add3A_994, %dma_start3A_1752] : memref<832x100000xf32, #tpu.memory_space<hbm>> -> memref<1x100000xf32, #tpu.memory_space<hbm>>
      %dma_start3A_1754 = tpu.memref_squeeze %dma_start3A_1753 : memref<1x100000xf32, #tpu.memory_space<hbm>> -> memref<100000xf32, #tpu.memory_space<hbm>>
      tpu.enqueue_dma source(%dma_start3A_1754 : memref<100000xf32, #tpu.memory_space<hbm>>) target(%arg5 : memref<100000xf32, #tpu.memory_space<vmem>>) target_semaphore(%run_scoped3A : memref<!tpu.dma_semaphore, #tpu.memory_space<semaphore_mem>>)
      %dma_wait3A = arith.constant 0 : i32
      %dma_wait3A_1755 = tpu.memref_slice %arg3[%add3A_994, %dma_wait3A] : memref<832x100000xf32, #tpu.memory_space<hbm>> -> memref<1x100000xf32, #tpu.memory_space<hbm>>
      %dma_wait3A_1756 = tpu.memref_squeeze %dma_wait3A_1755 : memref<1x100000xf32, #tpu.memory_space<hbm>> -> memref<100000xf32, #tpu.memory_space<hbm>>
      %dma_wait3A_1757 = arith.constant 0 : i32
      %dma_wait3A_1758 = tpu.memref_slice %arg3[%add3A_994, %dma_wait3A_1757] : memref<832x100000xf32, #tpu.memory_space<hbm>> -> memref<1x100000xf32, #tpu.memory_space<hbm>>
      %dma_wait3A_1759 = tpu.memref_squeeze %dma_wait3A_1758 : memref<1x100000xf32, #tpu.memory_space<hbm>> -> memref<100000xf32, #tpu.memory_space<hbm>>
      tpu.wait_dma2 semaphore(%run_scoped3A : memref<!tpu.dma_semaphore, #tpu.memory_space<semaphore_mem>>) src(%dma_wait3A_1759 : memref<100000xf32, #tpu.memory_space<hbm>>) dst(%arg5 : memref<100000xf32, #tpu.memory_space<vmem>>)
      tpu.yield
    }) : () -> ()
    %scan3A_1053 = arith.constant 0 : i32
    %scan3A_1054 = arith.constant 0 : i32
    %scan3A_1055 = arith.constant 256 : i32
    %scan3A_1056 = arith.addi %scan3A_1054, %scan3A_1055 : i32
    %scan3A_1057 = arith.constant 1 : i32
    %scan3A_1058 = scf.for %scan3A_1750 = %scan3A_1054 to %scan3A_1056 step %scan3A_1057 iter_args(%scan3A_1751 = %scan3A_1053) -> (i32)  : i32 {
      %mul3A_1752 = arith.constant 16 : i32
      %mul3A_1753 = arith.muli %scan3A_1750, %mul3A_1752 : i32
      %get3A = arith.index_cast %mul3A_1753 : i32 to index
      %get3A_1754 = tpu.vector_load %arg6[%get3A] {strides = array<i32>} : memref<4096xi32, #tpu.memory_space<vmem>>, vector<16xi32>,
      %gather3A = tpu.vector_load_idx %arg5[%get3A_1754] : memref<100000xf32, #tpu.memory_space<vmem>>[vector<16xi32>], vector<16xf32>,
      %mul3A_1755 = arith.constant 16 : i32
      %mul3A_1756 = arith.muli %scan3A_1750, %mul3A_1755 : i32
      %swap3A = arith.index_cast %mul3A_1756 : i32 to index
      %swap3A_1757 = tpu.vector_load %arg7[%swap3A] {strides = array<i32>} : memref<4096xf32, #tpu.memory_space<vmem>>, vector<16xf32>,
      tpu.vector_store %arg7[%swap3A], %gather3A {strides = array<i32>} : memref<4096xf32, #tpu.memory_space<vmem>>, vector<16xf32>,
      %scan3A_1758 = arith.constant 0 : i32
      scf.yield %scan3A_1758 : i32
    }
    %scan3A_1059 = arith.constant 256 : i32
    "tpu.region"() ({
      %run_scoped3A = tpu.sem_alloc : memref<!tpu.dma_semaphore, #tpu.memory_space<semaphore_mem>>
      %dma_start3A = arith.constant 0 : i32
      %dma_start3A_1750 = tpu.memref_slice %arg4[%add3A_994, %dma_start3A] : memref<832x4096xf32, #tpu.memory_space<hbm>> -> memref<1x4096xf32, #tpu.memory_space<hbm>>
      %dma_start3A_1751 = tpu.memref_squeeze %dma_start3A_1750 : memref<1x4096xf32, #tpu.memory_space<hbm>> -> memref<4096xf32, #tpu.memory_space<hbm>>
      %dma_start3A_1752 = arith.constant 0 : i32
      %dma_start3A_1753 = tpu.memref_slice %arg4[%add3A_994, %dma_start3A_1752] : memref<832x4096xf32, #tpu.memory_space<hbm>> -> memref<1x4096xf32, #tpu.memory_space<hbm>>
      %dma_start3A_1754 = tpu.memref_squeeze %dma_start3A_1753 : memref<1x4096xf32, #tpu.memory_space<hbm>> -> memref<4096xf32, #tpu.memory_space<hbm>>
      tpu.enqueue_dma source(%arg7 : memref<4096xf32, #tpu.memory_space<vmem>>) target(%dma_start3A_1754 : memref<4096xf32, #tpu.memory_space<hbm>>) target_semaphore(%run_scoped3A : memref<!tpu.dma_semaphore, #tpu.memory_space<semaphore_mem>>)
      %dma_wait3A = arith.constant 0 : i32
      %dma_wait3A_1755 = tpu.memref_slice %arg4[%add3A_994, %dma_wait3A] : memref<832x4096xf32, #tpu.memory_space<hbm>> -> memref<1x4096xf32, #tpu.memory_space<hbm>>
      %dma_wait3A_1756 = tpu.memref_squeeze %dma_wait3A_1755 : memref<1x4096xf32, #tpu.memory_space<hbm>> -> memref<4096xf32, #tpu.memory_space<hbm>>
      %dma_wait3A_1757 = arith.constant 0 : i32
      %dma_wait3A_1758 = tpu.memref_slice %arg4[%add3A_994, %dma_wait3A_1757] : memref<832x4096xf32, #tpu.memory_space<hbm>> -> memref<1x4096xf32, #tpu.memory_space<hbm>>
      %dma_wait3A_1759 = tpu.memref_squeeze %dma_wait3A_1758 : memref<1x4096xf32, #tpu.memory_space<hbm>> -> memref<4096xf32, #tpu.memory_space<hbm>>
      tpu.wait_dma2 semaphore(%run_scoped3A : memref<!tpu.dma_semaphore, #tpu.memory_space<semaphore_mem>>) src(%arg7 : memref<4096xf32, #tpu.memory_space<vmem>>) dst(%dma_wait3A_1759 : memref<4096xf32, #tpu.memory_space<hbm>>)
      tpu.yield
    }) : () -> ()
    %mul3A_1060 = arith.constant 26 : i32
    %mul3A_1061 = arith.muli %add3A, %mul3A_1060 : i32
    %add3A_1062 = arith.constant 16 : i32
    %add3A_1063 = arith.addi %mul3A_1061, %add3A_1062 : i32
    %jit3A_1064 = arith.constant 32 : i32
    %div3A_1065 = arith.divsi %add3A_1063, %jit3A_1064 : i32
    %sign3A_1066 = arith.constant 0 : i32
    %sign3A_1067 = arith.cmpi sgt, %add3A_1063, %sign3A_1066 : i32
    %sign3A_1068 = arith.extui %sign3A_1067 : i1 to i32
    %sign3A_1069 = arith.constant 0 : i32
    %sign3A_1070 = arith.cmpi slt, %add3A_1063, %sign3A_1069 : i32
    %sign3A_1071 = arith.extui %sign3A_1070 : i1 to i32
    %sign3A_1072 = arith.subi %sign3A_1068, %sign3A_1071 : i32
    %sign3A_1073 = arith.constant 0 : i32
    %sign3A_1074 = arith.cmpi sgt, %jit3A_1064, %sign3A_1073 : i32
    %sign3A_1075 = arith.extui %sign3A_1074 : i1 to i32
    %sign3A_1076 = arith.constant 0 : i32
    %sign3A_1077 = arith.cmpi slt, %jit3A_1064, %sign3A_1076 : i32
    %sign3A_1078 = arith.extui %sign3A_1077 : i1 to i32
    %sign3A_1079 = arith.subi %sign3A_1075, %sign3A_1078 : i32
    %ne3A_1080 = arith.cmpi ne, %sign3A_1072, %sign3A_1079 : i32
    %rem3A_1081 = arith.remsi %add3A_1063, %jit3A_1064 : i32
    %ne3A_1082 = arith.constant 0 : i32
    %ne3A_1083 = arith.cmpi ne, %rem3A_1081, %ne3A_1082 : i32
    %and3A_1084 = arith.andi %ne3A_1080, %ne3A_1083 : i1
    %sub3A_1085 = arith.constant 1 : i32
    %sub3A_1086 = arith.subi %div3A_1065, %sub3A_1085 : i32
    %select_n3A_1087 = arith.select %and3A_1084, %sub3A_1086, %div3A_1065 : i32
    %mul3A_1088 = arith.constant 26 : i32
    %mul3A_1089 = arith.muli %add3A, %mul3A_1088 : i32
    %add3A_1090 = arith.constant 16 : i32
    %add3A_1091 = arith.addi %mul3A_1089, %add3A_1090 : i32
    %sub3A_1092 = arith.constant 1 : i32
    %sub3A_1093 = arith.subi %add3A_1091, %sub3A_1092 : i32
    %jit3A_1094 = arith.constant 32 : i32
    %div3A_1095 = arith.divsi %sub3A_1093, %jit3A_1094 : i32
    %sign3A_1096 = arith.constant 0 : i32
    %sign3A_1097 = arith.cmpi sgt, %sub3A_1093, %sign3A_1096 : i32
    %sign3A_1098 = arith.extui %sign3A_1097 : i1 to i32
    %sign3A_1099 = arith.constant 0 : i32
    %sign3A_1100 = arith.cmpi slt, %sub3A_1093, %sign3A_1099 : i32
    %sign3A_1101 = arith.extui %sign3A_1100 : i1 to i32
    %sign3A_1102 = arith.subi %sign3A_1098, %sign3A_1101 : i32
    %sign3A_1103 = arith.constant 0 : i32
    %sign3A_1104 = arith.cmpi sgt, %jit3A_1094, %sign3A_1103 : i32
    %sign3A_1105 = arith.extui %sign3A_1104 : i1 to i32
    %sign3A_1106 = arith.constant 0 : i32
    %sign3A_1107 = arith.cmpi slt, %jit3A_1094, %sign3A_1106 : i32
    %sign3A_1108 = arith.extui %sign3A_1107 : i1 to i32
    %sign3A_1109 = arith.subi %sign3A_1105, %sign3A_1108 : i32
    %ne3A_1110 = arith.cmpi ne, %sign3A_1102, %sign3A_1109 : i32
    %rem3A_1111 = arith.remsi %sub3A_1093, %jit3A_1094 : i32
    %ne3A_1112 = arith.constant 0 : i32
    %ne3A_1113 = arith.cmpi ne, %rem3A_1111, %ne3A_1112 : i32
    %and3A_1114 = arith.andi %ne3A_1110, %ne3A_1113 : i1
    %sub3A_1115 = arith.constant 1 : i32
    %sub3A_1116 = arith.subi %div3A_1095, %sub3A_1115 : i32
    %select_n3A_1117 = arith.select %and3A_1114, %sub3A_1116, %div3A_1095 : i32
    %ne3A_1118 = arith.cmpi ne, %select_n3A_1087, %select_n3A_1117 : i32
    %convert_element_type3A_1119 = arith.extui %ne3A_1118 : i1 to i32
    %cond3A_1120 = arith.constant 0 : i32
    %cond3A_1121 = arith.cmpi ne, %convert_element_type3A_1119, %cond3A_1120 : i32
    scf.if %cond3A_1121 {
      "tpu.region"() ({
        %run_scoped3A = tpu.sem_alloc : memref<!tpu.dma_semaphore, #tpu.memory_space<semaphore_mem>>
        %dma_start3A = arith.constant 0 : i32
        %dma_start3A_1750 = tpu.memref_slice %arg2[%select_n3A_1087, %dma_start3A] : memref<26x4096xi32, #tpu.memory_space<hbm>> -> memref<1x4096xi32, #tpu.memory_space<hbm>>
        %dma_start3A_1751 = tpu.memref_squeeze %dma_start3A_1750 : memref<1x4096xi32, #tpu.memory_space<hbm>> -> memref<4096xi32, #tpu.memory_space<hbm>>
        %dma_start3A_1752 = arith.constant 0 : i32
        %dma_start3A_1753 = tpu.memref_slice %arg2[%select_n3A_1087, %dma_start3A_1752] : memref<26x4096xi32, #tpu.memory_space<hbm>> -> memref<1x4096xi32, #tpu.memory_space<hbm>>
        %dma_start3A_1754 = tpu.memref_squeeze %dma_start3A_1753 : memref<1x4096xi32, #tpu.memory_space<hbm>> -> memref<4096xi32, #tpu.memory_space<hbm>>
        tpu.enqueue_dma source(%dma_start3A_1754 : memref<4096xi32, #tpu.memory_space<hbm>>) target(%arg6 : memref<4096xi32, #tpu.memory_space<vmem>>) target_semaphore(%run_scoped3A : memref<!tpu.dma_semaphore, #tpu.memory_space<semaphore_mem>>)
        %dma_wait3A = arith.constant 0 : i32
        %dma_wait3A_1755 = tpu.memref_slice %arg2[%select_n3A_1087, %dma_wait3A] : memref<26x4096xi32, #tpu.memory_space<hbm>> -> memref<1x4096xi32, #tpu.memory_space<hbm>>
        %dma_wait3A_1756 = tpu.memref_squeeze %dma_wait3A_1755 : memref<1x4096xi32, #tpu.memory_space<hbm>> -> memref<4096xi32, #tpu.memory_space<hbm>>
        %dma_wait3A_1757 = arith.constant 0 : i32
        %dma_wait3A_1758 = tpu.memref_slice %arg2[%select_n3A_1087, %dma_wait3A_1757] : memref<26x4096xi32, #tpu.memory_space<hbm>> -> memref<1x4096xi32, #tpu.memory_space<hbm>>
        %dma_wait3A_1759 = tpu.memref_squeeze %dma_wait3A_1758 : memref<1x4096xi32, #tpu.memory_space<hbm>> -> memref<4096xi32, #tpu.memory_space<hbm>>
        tpu.wait_dma2 semaphore(%run_scoped3A : memref<!tpu.dma_semaphore, #tpu.memory_space<semaphore_mem>>) src(%dma_wait3A_1759 : memref<4096xi32, #tpu.memory_space<hbm>>) dst(%arg6 : memref<4096xi32, #tpu.memory_space<vmem>>)
        tpu.yield
      }) : () -> ()
    } else {
    }
    "tpu.region"() ({
      %run_scoped3A = tpu.sem_alloc : memref<!tpu.dma_semaphore, #tpu.memory_space<semaphore_mem>>
      %dma_start3A = arith.constant 0 : i32
      %dma_start3A_1750 = tpu.memref_slice %arg3[%add3A_1063, %dma_start3A] : memref<832x100000xf32, #tpu.memory_space<hbm>> -> memref<1x100000xf32, #tpu.memory_space<hbm>>
      %dma_start3A_1751 = tpu.memref_squeeze %dma_start3A_1750 : memref<1x100000xf32, #tpu.memory_space<hbm>> -> memref<100000xf32, #tpu.memory_space<hbm>>
      %dma_start3A_1752 = arith.constant 0 : i32
      %dma_start3A_1753 = tpu.memref_slice %arg3[%add3A_1063, %dma_start3A_1752] : memref<832x100000xf32, #tpu.memory_space<hbm>> -> memref<1x100000xf32, #tpu.memory_space<hbm>>
      %dma_start3A_1754 = tpu.memref_squeeze %dma_start3A_1753 : memref<1x100000xf32, #tpu.memory_space<hbm>> -> memref<100000xf32, #tpu.memory_space<hbm>>
      tpu.enqueue_dma source(%dma_start3A_1754 : memref<100000xf32, #tpu.memory_space<hbm>>) target(%arg5 : memref<100000xf32, #tpu.memory_space<vmem>>) target_semaphore(%run_scoped3A : memref<!tpu.dma_semaphore, #tpu.memory_space<semaphore_mem>>)
      %dma_wait3A = arith.constant 0 : i32
      %dma_wait3A_1755 = tpu.memref_slice %arg3[%add3A_1063, %dma_wait3A] : memref<832x100000xf32, #tpu.memory_space<hbm>> -> memref<1x100000xf32, #tpu.memory_space<hbm>>
      %dma_wait3A_1756 = tpu.memref_squeeze %dma_wait3A_1755 : memref<1x100000xf32, #tpu.memory_space<hbm>> -> memref<100000xf32, #tpu.memory_space<hbm>>
      %dma_wait3A_1757 = arith.constant 0 : i32
      %dma_wait3A_1758 = tpu.memref_slice %arg3[%add3A_1063, %dma_wait3A_1757] : memref<832x100000xf32, #tpu.memory_space<hbm>> -> memref<1x100000xf32, #tpu.memory_space<hbm>>
      %dma_wait3A_1759 = tpu.memref_squeeze %dma_wait3A_1758 : memref<1x100000xf32, #tpu.memory_space<hbm>> -> memref<100000xf32, #tpu.memory_space<hbm>>
      tpu.wait_dma2 semaphore(%run_scoped3A : memref<!tpu.dma_semaphore, #tpu.memory_space<semaphore_mem>>) src(%dma_wait3A_1759 : memref<100000xf32, #tpu.memory_space<hbm>>) dst(%arg5 : memref<100000xf32, #tpu.memory_space<vmem>>)
      tpu.yield
    }) : () -> ()
    %scan3A_1122 = arith.constant 0 : i32
    %scan3A_1123 = arith.constant 0 : i32
    %scan3A_1124 = arith.constant 256 : i32
    %scan3A_1125 = arith.addi %scan3A_1123, %scan3A_1124 : i32
    %scan3A_1126 = arith.constant 1 : i32
    %scan3A_1127 = scf.for %scan3A_1750 = %scan3A_1123 to %scan3A_1125 step %scan3A_1126 iter_args(%scan3A_1751 = %scan3A_1122) -> (i32)  : i32 {
      %mul3A_1752 = arith.constant 16 : i32
      %mul3A_1753 = arith.muli %scan3A_1750, %mul3A_1752 : i32
      %get3A = arith.index_cast %mul3A_1753 : i32 to index
      %get3A_1754 = tpu.vector_load %arg6[%get3A] {strides = array<i32>} : memref<4096xi32, #tpu.memory_space<vmem>>, vector<16xi32>,
      %gather3A = tpu.vector_load_idx %arg5[%get3A_1754] : memref<100000xf32, #tpu.memory_space<vmem>>[vector<16xi32>], vector<16xf32>,
      %mul3A_1755 = arith.constant 16 : i32
      %mul3A_1756 = arith.muli %scan3A_1750, %mul3A_1755 : i32
      %swap3A = arith.index_cast %mul3A_1756 : i32 to index
      %swap3A_1757 = tpu.vector_load %arg7[%swap3A] {strides = array<i32>} : memref<4096xf32, #tpu.memory_space<vmem>>, vector<16xf32>,
      tpu.vector_store %arg7[%swap3A], %gather3A {strides = array<i32>} : memref<4096xf32, #tpu.memory_space<vmem>>, vector<16xf32>,
      %scan3A_1758 = arith.constant 0 : i32
      scf.yield %scan3A_1758 : i32
    }
    %scan3A_1128 = arith.constant 256 : i32
    "tpu.region"() ({
      %run_scoped3A = tpu.sem_alloc : memref<!tpu.dma_semaphore, #tpu.memory_space<semaphore_mem>>
      %dma_start3A = arith.constant 0 : i32
      %dma_start3A_1750 = tpu.memref_slice %arg4[%add3A_1063, %dma_start3A] : memref<832x4096xf32, #tpu.memory_space<hbm>> -> memref<1x4096xf32, #tpu.memory_space<hbm>>
      %dma_start3A_1751 = tpu.memref_squeeze %dma_start3A_1750 : memref<1x4096xf32, #tpu.memory_space<hbm>> -> memref<4096xf32, #tpu.memory_space<hbm>>
      %dma_start3A_1752 = arith.constant 0 : i32
      %dma_start3A_1753 = tpu.memref_slice %arg4[%add3A_1063, %dma_start3A_1752] : memref<832x4096xf32, #tpu.memory_space<hbm>> -> memref<1x4096xf32, #tpu.memory_space<hbm>>
      %dma_start3A_1754 = tpu.memref_squeeze %dma_start3A_1753 : memref<1x4096xf32, #tpu.memory_space<hbm>> -> memref<4096xf32, #tpu.memory_space<hbm>>
      tpu.enqueue_dma source(%arg7 : memref<4096xf32, #tpu.memory_space<vmem>>) target(%dma_start3A_1754 : memref<4096xf32, #tpu.memory_space<hbm>>) target_semaphore(%run_scoped3A : memref<!tpu.dma_semaphore, #tpu.memory_space<semaphore_mem>>)
      %dma_wait3A = arith.constant 0 : i32
      %dma_wait3A_1755 = tpu.memref_slice %arg4[%add3A_1063, %dma_wait3A] : memref<832x4096xf32, #tpu.memory_space<hbm>> -> memref<1x4096xf32, #tpu.memory_space<hbm>>
      %dma_wait3A_1756 = tpu.memref_squeeze %dma_wait3A_1755 : memref<1x4096xf32, #tpu.memory_space<hbm>> -> memref<4096xf32, #tpu.memory_space<hbm>>
      %dma_wait3A_1757 = arith.constant 0 : i32
      %dma_wait3A_1758 = tpu.memref_slice %arg4[%add3A_1063, %dma_wait3A_1757] : memref<832x4096xf32, #tpu.memory_space<hbm>> -> memref<1x4096xf32, #tpu.memory_space<hbm>>
      %dma_wait3A_1759 = tpu.memref_squeeze %dma_wait3A_1758 : memref<1x4096xf32, #tpu.memory_space<hbm>> -> memref<4096xf32, #tpu.memory_space<hbm>>
      tpu.wait_dma2 semaphore(%run_scoped3A : memref<!tpu.dma_semaphore, #tpu.memory_space<semaphore_mem>>) src(%arg7 : memref<4096xf32, #tpu.memory_space<vmem>>) dst(%dma_wait3A_1759 : memref<4096xf32, #tpu.memory_space<hbm>>)
      tpu.yield
    }) : () -> ()
    %mul3A_1129 = arith.constant 26 : i32
    %mul3A_1130 = arith.muli %add3A, %mul3A_1129 : i32
    %add3A_1131 = arith.constant 17 : i32
    %add3A_1132 = arith.addi %mul3A_1130, %add3A_1131 : i32
    %jit3A_1133 = arith.constant 32 : i32
    %div3A_1134 = arith.divsi %add3A_1132, %jit3A_1133 : i32
    %sign3A_1135 = arith.constant 0 : i32
    %sign3A_1136 = arith.cmpi sgt, %add3A_1132, %sign3A_1135 : i32
    %sign3A_1137 = arith.extui %sign3A_1136 : i1 to i32
    %sign3A_1138 = arith.constant 0 : i32
    %sign3A_1139 = arith.cmpi slt, %add3A_1132, %sign3A_1138 : i32
    %sign3A_1140 = arith.extui %sign3A_1139 : i1 to i32
    %sign3A_1141 = arith.subi %sign3A_1137, %sign3A_1140 : i32
    %sign3A_1142 = arith.constant 0 : i32
    %sign3A_1143 = arith.cmpi sgt, %jit3A_1133, %sign3A_1142 : i32
    %sign3A_1144 = arith.extui %sign3A_1143 : i1 to i32
    %sign3A_1145 = arith.constant 0 : i32
    %sign3A_1146 = arith.cmpi slt, %jit3A_1133, %sign3A_1145 : i32
    %sign3A_1147 = arith.extui %sign3A_1146 : i1 to i32
    %sign3A_1148 = arith.subi %sign3A_1144, %sign3A_1147 : i32
    %ne3A_1149 = arith.cmpi ne, %sign3A_1141, %sign3A_1148 : i32
    %rem3A_1150 = arith.remsi %add3A_1132, %jit3A_1133 : i32
    %ne3A_1151 = arith.constant 0 : i32
    %ne3A_1152 = arith.cmpi ne, %rem3A_1150, %ne3A_1151 : i32
    %and3A_1153 = arith.andi %ne3A_1149, %ne3A_1152 : i1
    %sub3A_1154 = arith.constant 1 : i32
    %sub3A_1155 = arith.subi %div3A_1134, %sub3A_1154 : i32
    %select_n3A_1156 = arith.select %and3A_1153, %sub3A_1155, %div3A_1134 : i32
    %mul3A_1157 = arith.constant 26 : i32
    %mul3A_1158 = arith.muli %add3A, %mul3A_1157 : i32
    %add3A_1159 = arith.constant 17 : i32
    %add3A_1160 = arith.addi %mul3A_1158, %add3A_1159 : i32
    %sub3A_1161 = arith.constant 1 : i32
    %sub3A_1162 = arith.subi %add3A_1160, %sub3A_1161 : i32
    %jit3A_1163 = arith.constant 32 : i32
    %div3A_1164 = arith.divsi %sub3A_1162, %jit3A_1163 : i32
    %sign3A_1165 = arith.constant 0 : i32
    %sign3A_1166 = arith.cmpi sgt, %sub3A_1162, %sign3A_1165 : i32
    %sign3A_1167 = arith.extui %sign3A_1166 : i1 to i32
    %sign3A_1168 = arith.constant 0 : i32
    %sign3A_1169 = arith.cmpi slt, %sub3A_1162, %sign3A_1168 : i32
    %sign3A_1170 = arith.extui %sign3A_1169 : i1 to i32
    %sign3A_1171 = arith.subi %sign3A_1167, %sign3A_1170 : i32
    %sign3A_1172 = arith.constant 0 : i32
    %sign3A_1173 = arith.cmpi sgt, %jit3A_1163, %sign3A_1172 : i32
    %sign3A_1174 = arith.extui %sign3A_1173 : i1 to i32
    %sign3A_1175 = arith.constant 0 : i32
    %sign3A_1176 = arith.cmpi slt, %jit3A_1163, %sign3A_1175 : i32
    %sign3A_1177 = arith.extui %sign3A_1176 : i1 to i32
    %sign3A_1178 = arith.subi %sign3A_1174, %sign3A_1177 : i32
    %ne3A_1179 = arith.cmpi ne, %sign3A_1171, %sign3A_1178 : i32
    %rem3A_1180 = arith.remsi %sub3A_1162, %jit3A_1163 : i32
    %ne3A_1181 = arith.constant 0 : i32
    %ne3A_1182 = arith.cmpi ne, %rem3A_1180, %ne3A_1181 : i32
    %and3A_1183 = arith.andi %ne3A_1179, %ne3A_1182 : i1
    %sub3A_1184 = arith.constant 1 : i32
    %sub3A_1185 = arith.subi %div3A_1164, %sub3A_1184 : i32
    %select_n3A_1186 = arith.select %and3A_1183, %sub3A_1185, %div3A_1164 : i32
    %ne3A_1187 = arith.cmpi ne, %select_n3A_1156, %select_n3A_1186 : i32
    %convert_element_type3A_1188 = arith.extui %ne3A_1187 : i1 to i32
    %cond3A_1189 = arith.constant 0 : i32
    %cond3A_1190 = arith.cmpi ne, %convert_element_type3A_1188, %cond3A_1189 : i32
    scf.if %cond3A_1190 {
      "tpu.region"() ({
        %run_scoped3A = tpu.sem_alloc : memref<!tpu.dma_semaphore, #tpu.memory_space<semaphore_mem>>
        %dma_start3A = arith.constant 0 : i32
        %dma_start3A_1750 = tpu.memref_slice %arg2[%select_n3A_1156, %dma_start3A] : memref<26x4096xi32, #tpu.memory_space<hbm>> -> memref<1x4096xi32, #tpu.memory_space<hbm>>
        %dma_start3A_1751 = tpu.memref_squeeze %dma_start3A_1750 : memref<1x4096xi32, #tpu.memory_space<hbm>> -> memref<4096xi32, #tpu.memory_space<hbm>>
        %dma_start3A_1752 = arith.constant 0 : i32
        %dma_start3A_1753 = tpu.memref_slice %arg2[%select_n3A_1156, %dma_start3A_1752] : memref<26x4096xi32, #tpu.memory_space<hbm>> -> memref<1x4096xi32, #tpu.memory_space<hbm>>
        %dma_start3A_1754 = tpu.memref_squeeze %dma_start3A_1753 : memref<1x4096xi32, #tpu.memory_space<hbm>> -> memref<4096xi32, #tpu.memory_space<hbm>>
        tpu.enqueue_dma source(%dma_start3A_1754 : memref<4096xi32, #tpu.memory_space<hbm>>) target(%arg6 : memref<4096xi32, #tpu.memory_space<vmem>>) target_semaphore(%run_scoped3A : memref<!tpu.dma_semaphore, #tpu.memory_space<semaphore_mem>>)
        %dma_wait3A = arith.constant 0 : i32
        %dma_wait3A_1755 = tpu.memref_slice %arg2[%select_n3A_1156, %dma_wait3A] : memref<26x4096xi32, #tpu.memory_space<hbm>> -> memref<1x4096xi32, #tpu.memory_space<hbm>>
        %dma_wait3A_1756 = tpu.memref_squeeze %dma_wait3A_1755 : memref<1x4096xi32, #tpu.memory_space<hbm>> -> memref<4096xi32, #tpu.memory_space<hbm>>
        %dma_wait3A_1757 = arith.constant 0 : i32
        %dma_wait3A_1758 = tpu.memref_slice %arg2[%select_n3A_1156, %dma_wait3A_1757] : memref<26x4096xi32, #tpu.memory_space<hbm>> -> memref<1x4096xi32, #tpu.memory_space<hbm>>
        %dma_wait3A_1759 = tpu.memref_squeeze %dma_wait3A_1758 : memref<1x4096xi32, #tpu.memory_space<hbm>> -> memref<4096xi32, #tpu.memory_space<hbm>>
        tpu.wait_dma2 semaphore(%run_scoped3A : memref<!tpu.dma_semaphore, #tpu.memory_space<semaphore_mem>>) src(%dma_wait3A_1759 : memref<4096xi32, #tpu.memory_space<hbm>>) dst(%arg6 : memref<4096xi32, #tpu.memory_space<vmem>>)
        tpu.yield
      }) : () -> ()
    } else {
    }
    "tpu.region"() ({
      %run_scoped3A = tpu.sem_alloc : memref<!tpu.dma_semaphore, #tpu.memory_space<semaphore_mem>>
      %dma_start3A = arith.constant 0 : i32
      %dma_start3A_1750 = tpu.memref_slice %arg3[%add3A_1132, %dma_start3A] : memref<832x100000xf32, #tpu.memory_space<hbm>> -> memref<1x100000xf32, #tpu.memory_space<hbm>>
      %dma_start3A_1751 = tpu.memref_squeeze %dma_start3A_1750 : memref<1x100000xf32, #tpu.memory_space<hbm>> -> memref<100000xf32, #tpu.memory_space<hbm>>
      %dma_start3A_1752 = arith.constant 0 : i32
      %dma_start3A_1753 = tpu.memref_slice %arg3[%add3A_1132, %dma_start3A_1752] : memref<832x100000xf32, #tpu.memory_space<hbm>> -> memref<1x100000xf32, #tpu.memory_space<hbm>>
      %dma_start3A_1754 = tpu.memref_squeeze %dma_start3A_1753 : memref<1x100000xf32, #tpu.memory_space<hbm>> -> memref<100000xf32, #tpu.memory_space<hbm>>
      tpu.enqueue_dma source(%dma_start3A_1754 : memref<100000xf32, #tpu.memory_space<hbm>>) target(%arg5 : memref<100000xf32, #tpu.memory_space<vmem>>) target_semaphore(%run_scoped3A : memref<!tpu.dma_semaphore, #tpu.memory_space<semaphore_mem>>)
      %dma_wait3A = arith.constant 0 : i32
      %dma_wait3A_1755 = tpu.memref_slice %arg3[%add3A_1132, %dma_wait3A] : memref<832x100000xf32, #tpu.memory_space<hbm>> -> memref<1x100000xf32, #tpu.memory_space<hbm>>
      %dma_wait3A_1756 = tpu.memref_squeeze %dma_wait3A_1755 : memref<1x100000xf32, #tpu.memory_space<hbm>> -> memref<100000xf32, #tpu.memory_space<hbm>>
      %dma_wait3A_1757 = arith.constant 0 : i32
      %dma_wait3A_1758 = tpu.memref_slice %arg3[%add3A_1132, %dma_wait3A_1757] : memref<832x100000xf32, #tpu.memory_space<hbm>> -> memref<1x100000xf32, #tpu.memory_space<hbm>>
      %dma_wait3A_1759 = tpu.memref_squeeze %dma_wait3A_1758 : memref<1x100000xf32, #tpu.memory_space<hbm>> -> memref<100000xf32, #tpu.memory_space<hbm>>
      tpu.wait_dma2 semaphore(%run_scoped3A : memref<!tpu.dma_semaphore, #tpu.memory_space<semaphore_mem>>) src(%dma_wait3A_1759 : memref<100000xf32, #tpu.memory_space<hbm>>) dst(%arg5 : memref<100000xf32, #tpu.memory_space<vmem>>)
      tpu.yield
    }) : () -> ()
    %scan3A_1191 = arith.constant 0 : i32
    %scan3A_1192 = arith.constant 0 : i32
    %scan3A_1193 = arith.constant 256 : i32
    %scan3A_1194 = arith.addi %scan3A_1192, %scan3A_1193 : i32
    %scan3A_1195 = arith.constant 1 : i32
    %scan3A_1196 = scf.for %scan3A_1750 = %scan3A_1192 to %scan3A_1194 step %scan3A_1195 iter_args(%scan3A_1751 = %scan3A_1191) -> (i32)  : i32 {
      %mul3A_1752 = arith.constant 16 : i32
      %mul3A_1753 = arith.muli %scan3A_1750, %mul3A_1752 : i32
      %get3A = arith.index_cast %mul3A_1753 : i32 to index
      %get3A_1754 = tpu.vector_load %arg6[%get3A] {strides = array<i32>} : memref<4096xi32, #tpu.memory_space<vmem>>, vector<16xi32>,
      %gather3A = tpu.vector_load_idx %arg5[%get3A_1754] : memref<100000xf32, #tpu.memory_space<vmem>>[vector<16xi32>], vector<16xf32>,
      %mul3A_1755 = arith.constant 16 : i32
      %mul3A_1756 = arith.muli %scan3A_1750, %mul3A_1755 : i32
      %swap3A = arith.index_cast %mul3A_1756 : i32 to index
      %swap3A_1757 = tpu.vector_load %arg7[%swap3A] {strides = array<i32>} : memref<4096xf32, #tpu.memory_space<vmem>>, vector<16xf32>,
      tpu.vector_store %arg7[%swap3A], %gather3A {strides = array<i32>} : memref<4096xf32, #tpu.memory_space<vmem>>, vector<16xf32>,
      %scan3A_1758 = arith.constant 0 : i32
      scf.yield %scan3A_1758 : i32
    }
    %scan3A_1197 = arith.constant 256 : i32
    "tpu.region"() ({
      %run_scoped3A = tpu.sem_alloc : memref<!tpu.dma_semaphore, #tpu.memory_space<semaphore_mem>>
      %dma_start3A = arith.constant 0 : i32
      %dma_start3A_1750 = tpu.memref_slice %arg4[%add3A_1132, %dma_start3A] : memref<832x4096xf32, #tpu.memory_space<hbm>> -> memref<1x4096xf32, #tpu.memory_space<hbm>>
      %dma_start3A_1751 = tpu.memref_squeeze %dma_start3A_1750 : memref<1x4096xf32, #tpu.memory_space<hbm>> -> memref<4096xf32, #tpu.memory_space<hbm>>
      %dma_start3A_1752 = arith.constant 0 : i32
      %dma_start3A_1753 = tpu.memref_slice %arg4[%add3A_1132, %dma_start3A_1752] : memref<832x4096xf32, #tpu.memory_space<hbm>> -> memref<1x4096xf32, #tpu.memory_space<hbm>>
      %dma_start3A_1754 = tpu.memref_squeeze %dma_start3A_1753 : memref<1x4096xf32, #tpu.memory_space<hbm>> -> memref<4096xf32, #tpu.memory_space<hbm>>
      tpu.enqueue_dma source(%arg7 : memref<4096xf32, #tpu.memory_space<vmem>>) target(%dma_start3A_1754 : memref<4096xf32, #tpu.memory_space<hbm>>) target_semaphore(%run_scoped3A : memref<!tpu.dma_semaphore, #tpu.memory_space<semaphore_mem>>)
      %dma_wait3A = arith.constant 0 : i32
      %dma_wait3A_1755 = tpu.memref_slice %arg4[%add3A_1132, %dma_wait3A] : memref<832x4096xf32, #tpu.memory_space<hbm>> -> memref<1x4096xf32, #tpu.memory_space<hbm>>
      %dma_wait3A_1756 = tpu.memref_squeeze %dma_wait3A_1755 : memref<1x4096xf32, #tpu.memory_space<hbm>> -> memref<4096xf32, #tpu.memory_space<hbm>>
      %dma_wait3A_1757 = arith.constant 0 : i32
      %dma_wait3A_1758 = tpu.memref_slice %arg4[%add3A_1132, %dma_wait3A_1757] : memref<832x4096xf32, #tpu.memory_space<hbm>> -> memref<1x4096xf32, #tpu.memory_space<hbm>>
      %dma_wait3A_1759 = tpu.memref_squeeze %dma_wait3A_1758 : memref<1x4096xf32, #tpu.memory_space<hbm>> -> memref<4096xf32, #tpu.memory_space<hbm>>
      tpu.wait_dma2 semaphore(%run_scoped3A : memref<!tpu.dma_semaphore, #tpu.memory_space<semaphore_mem>>) src(%arg7 : memref<4096xf32, #tpu.memory_space<vmem>>) dst(%dma_wait3A_1759 : memref<4096xf32, #tpu.memory_space<hbm>>)
      tpu.yield
    }) : () -> ()
    %mul3A_1198 = arith.constant 26 : i32
    %mul3A_1199 = arith.muli %add3A, %mul3A_1198 : i32
    %add3A_1200 = arith.constant 18 : i32
    %add3A_1201 = arith.addi %mul3A_1199, %add3A_1200 : i32
    %jit3A_1202 = arith.constant 32 : i32
    %div3A_1203 = arith.divsi %add3A_1201, %jit3A_1202 : i32
    %sign3A_1204 = arith.constant 0 : i32
    %sign3A_1205 = arith.cmpi sgt, %add3A_1201, %sign3A_1204 : i32
    %sign3A_1206 = arith.extui %sign3A_1205 : i1 to i32
    %sign3A_1207 = arith.constant 0 : i32
    %sign3A_1208 = arith.cmpi slt, %add3A_1201, %sign3A_1207 : i32
    %sign3A_1209 = arith.extui %sign3A_1208 : i1 to i32
    %sign3A_1210 = arith.subi %sign3A_1206, %sign3A_1209 : i32
    %sign3A_1211 = arith.constant 0 : i32
    %sign3A_1212 = arith.cmpi sgt, %jit3A_1202, %sign3A_1211 : i32
    %sign3A_1213 = arith.extui %sign3A_1212 : i1 to i32
    %sign3A_1214 = arith.constant 0 : i32
    %sign3A_1215 = arith.cmpi slt, %jit3A_1202, %sign3A_1214 : i32
    %sign3A_1216 = arith.extui %sign3A_1215 : i1 to i32
    %sign3A_1217 = arith.subi %sign3A_1213, %sign3A_1216 : i32
    %ne3A_1218 = arith.cmpi ne, %sign3A_1210, %sign3A_1217 : i32
    %rem3A_1219 = arith.remsi %add3A_1201, %jit3A_1202 : i32
    %ne3A_1220 = arith.constant 0 : i32
    %ne3A_1221 = arith.cmpi ne, %rem3A_1219, %ne3A_1220 : i32
    %and3A_1222 = arith.andi %ne3A_1218, %ne3A_1221 : i1
    %sub3A_1223 = arith.constant 1 : i32
    %sub3A_1224 = arith.subi %div3A_1203, %sub3A_1223 : i32
    %select_n3A_1225 = arith.select %and3A_1222, %sub3A_1224, %div3A_1203 : i32
    %mul3A_1226 = arith.constant 26 : i32
    %mul3A_1227 = arith.muli %add3A, %mul3A_1226 : i32
    %add3A_1228 = arith.constant 18 : i32
    %add3A_1229 = arith.addi %mul3A_1227, %add3A_1228 : i32
    %sub3A_1230 = arith.constant 1 : i32
    %sub3A_1231 = arith.subi %add3A_1229, %sub3A_1230 : i32
    %jit3A_1232 = arith.constant 32 : i32
    %div3A_1233 = arith.divsi %sub3A_1231, %jit3A_1232 : i32
    %sign3A_1234 = arith.constant 0 : i32
    %sign3A_1235 = arith.cmpi sgt, %sub3A_1231, %sign3A_1234 : i32
    %sign3A_1236 = arith.extui %sign3A_1235 : i1 to i32
    %sign3A_1237 = arith.constant 0 : i32
    %sign3A_1238 = arith.cmpi slt, %sub3A_1231, %sign3A_1237 : i32
    %sign3A_1239 = arith.extui %sign3A_1238 : i1 to i32
    %sign3A_1240 = arith.subi %sign3A_1236, %sign3A_1239 : i32
    %sign3A_1241 = arith.constant 0 : i32
    %sign3A_1242 = arith.cmpi sgt, %jit3A_1232, %sign3A_1241 : i32
    %sign3A_1243 = arith.extui %sign3A_1242 : i1 to i32
    %sign3A_1244 = arith.constant 0 : i32
    %sign3A_1245 = arith.cmpi slt, %jit3A_1232, %sign3A_1244 : i32
    %sign3A_1246 = arith.extui %sign3A_1245 : i1 to i32
    %sign3A_1247 = arith.subi %sign3A_1243, %sign3A_1246 : i32
    %ne3A_1248 = arith.cmpi ne, %sign3A_1240, %sign3A_1247 : i32
    %rem3A_1249 = arith.remsi %sub3A_1231, %jit3A_1232 : i32
    %ne3A_1250 = arith.constant 0 : i32
    %ne3A_1251 = arith.cmpi ne, %rem3A_1249, %ne3A_1250 : i32
    %and3A_1252 = arith.andi %ne3A_1248, %ne3A_1251 : i1
    %sub3A_1253 = arith.constant 1 : i32
    %sub3A_1254 = arith.subi %div3A_1233, %sub3A_1253 : i32
    %select_n3A_1255 = arith.select %and3A_1252, %sub3A_1254, %div3A_1233 : i32
    %ne3A_1256 = arith.cmpi ne, %select_n3A_1225, %select_n3A_1255 : i32
    %convert_element_type3A_1257 = arith.extui %ne3A_1256 : i1 to i32
    %cond3A_1258 = arith.constant 0 : i32
    %cond3A_1259 = arith.cmpi ne, %convert_element_type3A_1257, %cond3A_1258 : i32
    scf.if %cond3A_1259 {
      "tpu.region"() ({
        %run_scoped3A = tpu.sem_alloc : memref<!tpu.dma_semaphore, #tpu.memory_space<semaphore_mem>>
        %dma_start3A = arith.constant 0 : i32
        %dma_start3A_1750 = tpu.memref_slice %arg2[%select_n3A_1225, %dma_start3A] : memref<26x4096xi32, #tpu.memory_space<hbm>> -> memref<1x4096xi32, #tpu.memory_space<hbm>>
        %dma_start3A_1751 = tpu.memref_squeeze %dma_start3A_1750 : memref<1x4096xi32, #tpu.memory_space<hbm>> -> memref<4096xi32, #tpu.memory_space<hbm>>
        %dma_start3A_1752 = arith.constant 0 : i32
        %dma_start3A_1753 = tpu.memref_slice %arg2[%select_n3A_1225, %dma_start3A_1752] : memref<26x4096xi32, #tpu.memory_space<hbm>> -> memref<1x4096xi32, #tpu.memory_space<hbm>>
        %dma_start3A_1754 = tpu.memref_squeeze %dma_start3A_1753 : memref<1x4096xi32, #tpu.memory_space<hbm>> -> memref<4096xi32, #tpu.memory_space<hbm>>
        tpu.enqueue_dma source(%dma_start3A_1754 : memref<4096xi32, #tpu.memory_space<hbm>>) target(%arg6 : memref<4096xi32, #tpu.memory_space<vmem>>) target_semaphore(%run_scoped3A : memref<!tpu.dma_semaphore, #tpu.memory_space<semaphore_mem>>)
        %dma_wait3A = arith.constant 0 : i32
        %dma_wait3A_1755 = tpu.memref_slice %arg2[%select_n3A_1225, %dma_wait3A] : memref<26x4096xi32, #tpu.memory_space<hbm>> -> memref<1x4096xi32, #tpu.memory_space<hbm>>
        %dma_wait3A_1756 = tpu.memref_squeeze %dma_wait3A_1755 : memref<1x4096xi32, #tpu.memory_space<hbm>> -> memref<4096xi32, #tpu.memory_space<hbm>>
        %dma_wait3A_1757 = arith.constant 0 : i32
        %dma_wait3A_1758 = tpu.memref_slice %arg2[%select_n3A_1225, %dma_wait3A_1757] : memref<26x4096xi32, #tpu.memory_space<hbm>> -> memref<1x4096xi32, #tpu.memory_space<hbm>>
        %dma_wait3A_1759 = tpu.memref_squeeze %dma_wait3A_1758 : memref<1x4096xi32, #tpu.memory_space<hbm>> -> memref<4096xi32, #tpu.memory_space<hbm>>
        tpu.wait_dma2 semaphore(%run_scoped3A : memref<!tpu.dma_semaphore, #tpu.memory_space<semaphore_mem>>) src(%dma_wait3A_1759 : memref<4096xi32, #tpu.memory_space<hbm>>) dst(%arg6 : memref<4096xi32, #tpu.memory_space<vmem>>)
        tpu.yield
      }) : () -> ()
    } else {
    }
    "tpu.region"() ({
      %run_scoped3A = tpu.sem_alloc : memref<!tpu.dma_semaphore, #tpu.memory_space<semaphore_mem>>
      %dma_start3A = arith.constant 0 : i32
      %dma_start3A_1750 = tpu.memref_slice %arg3[%add3A_1201, %dma_start3A] : memref<832x100000xf32, #tpu.memory_space<hbm>> -> memref<1x100000xf32, #tpu.memory_space<hbm>>
      %dma_start3A_1751 = tpu.memref_squeeze %dma_start3A_1750 : memref<1x100000xf32, #tpu.memory_space<hbm>> -> memref<100000xf32, #tpu.memory_space<hbm>>
      %dma_start3A_1752 = arith.constant 0 : i32
      %dma_start3A_1753 = tpu.memref_slice %arg3[%add3A_1201, %dma_start3A_1752] : memref<832x100000xf32, #tpu.memory_space<hbm>> -> memref<1x100000xf32, #tpu.memory_space<hbm>>
      %dma_start3A_1754 = tpu.memref_squeeze %dma_start3A_1753 : memref<1x100000xf32, #tpu.memory_space<hbm>> -> memref<100000xf32, #tpu.memory_space<hbm>>
      tpu.enqueue_dma source(%dma_start3A_1754 : memref<100000xf32, #tpu.memory_space<hbm>>) target(%arg5 : memref<100000xf32, #tpu.memory_space<vmem>>) target_semaphore(%run_scoped3A : memref<!tpu.dma_semaphore, #tpu.memory_space<semaphore_mem>>)
      %dma_wait3A = arith.constant 0 : i32
      %dma_wait3A_1755 = tpu.memref_slice %arg3[%add3A_1201, %dma_wait3A] : memref<832x100000xf32, #tpu.memory_space<hbm>> -> memref<1x100000xf32, #tpu.memory_space<hbm>>
      %dma_wait3A_1756 = tpu.memref_squeeze %dma_wait3A_1755 : memref<1x100000xf32, #tpu.memory_space<hbm>> -> memref<100000xf32, #tpu.memory_space<hbm>>
      %dma_wait3A_1757 = arith.constant 0 : i32
      %dma_wait3A_1758 = tpu.memref_slice %arg3[%add3A_1201, %dma_wait3A_1757] : memref<832x100000xf32, #tpu.memory_space<hbm>> -> memref<1x100000xf32, #tpu.memory_space<hbm>>
      %dma_wait3A_1759 = tpu.memref_squeeze %dma_wait3A_1758 : memref<1x100000xf32, #tpu.memory_space<hbm>> -> memref<100000xf32, #tpu.memory_space<hbm>>
      tpu.wait_dma2 semaphore(%run_scoped3A : memref<!tpu.dma_semaphore, #tpu.memory_space<semaphore_mem>>) src(%dma_wait3A_1759 : memref<100000xf32, #tpu.memory_space<hbm>>) dst(%arg5 : memref<100000xf32, #tpu.memory_space<vmem>>)
      tpu.yield
    }) : () -> ()
    %scan3A_1260 = arith.constant 0 : i32
    %scan3A_1261 = arith.constant 0 : i32
    %scan3A_1262 = arith.constant 256 : i32
    %scan3A_1263 = arith.addi %scan3A_1261, %scan3A_1262 : i32
    %scan3A_1264 = arith.constant 1 : i32
    %scan3A_1265 = scf.for %scan3A_1750 = %scan3A_1261 to %scan3A_1263 step %scan3A_1264 iter_args(%scan3A_1751 = %scan3A_1260) -> (i32)  : i32 {
      %mul3A_1752 = arith.constant 16 : i32
      %mul3A_1753 = arith.muli %scan3A_1750, %mul3A_1752 : i32
      %get3A = arith.index_cast %mul3A_1753 : i32 to index
      %get3A_1754 = tpu.vector_load %arg6[%get3A] {strides = array<i32>} : memref<4096xi32, #tpu.memory_space<vmem>>, vector<16xi32>,
      %gather3A = tpu.vector_load_idx %arg5[%get3A_1754] : memref<100000xf32, #tpu.memory_space<vmem>>[vector<16xi32>], vector<16xf32>,
      %mul3A_1755 = arith.constant 16 : i32
      %mul3A_1756 = arith.muli %scan3A_1750, %mul3A_1755 : i32
      %swap3A = arith.index_cast %mul3A_1756 : i32 to index
      %swap3A_1757 = tpu.vector_load %arg7[%swap3A] {strides = array<i32>} : memref<4096xf32, #tpu.memory_space<vmem>>, vector<16xf32>,
      tpu.vector_store %arg7[%swap3A], %gather3A {strides = array<i32>} : memref<4096xf32, #tpu.memory_space<vmem>>, vector<16xf32>,
      %scan3A_1758 = arith.constant 0 : i32
      scf.yield %scan3A_1758 : i32
    }
    %scan3A_1266 = arith.constant 256 : i32
    "tpu.region"() ({
      %run_scoped3A = tpu.sem_alloc : memref<!tpu.dma_semaphore, #tpu.memory_space<semaphore_mem>>
      %dma_start3A = arith.constant 0 : i32
      %dma_start3A_1750 = tpu.memref_slice %arg4[%add3A_1201, %dma_start3A] : memref<832x4096xf32, #tpu.memory_space<hbm>> -> memref<1x4096xf32, #tpu.memory_space<hbm>>
      %dma_start3A_1751 = tpu.memref_squeeze %dma_start3A_1750 : memref<1x4096xf32, #tpu.memory_space<hbm>> -> memref<4096xf32, #tpu.memory_space<hbm>>
      %dma_start3A_1752 = arith.constant 0 : i32
      %dma_start3A_1753 = tpu.memref_slice %arg4[%add3A_1201, %dma_start3A_1752] : memref<832x4096xf32, #tpu.memory_space<hbm>> -> memref<1x4096xf32, #tpu.memory_space<hbm>>
      %dma_start3A_1754 = tpu.memref_squeeze %dma_start3A_1753 : memref<1x4096xf32, #tpu.memory_space<hbm>> -> memref<4096xf32, #tpu.memory_space<hbm>>
      tpu.enqueue_dma source(%arg7 : memref<4096xf32, #tpu.memory_space<vmem>>) target(%dma_start3A_1754 : memref<4096xf32, #tpu.memory_space<hbm>>) target_semaphore(%run_scoped3A : memref<!tpu.dma_semaphore, #tpu.memory_space<semaphore_mem>>)
      %dma_wait3A = arith.constant 0 : i32
      %dma_wait3A_1755 = tpu.memref_slice %arg4[%add3A_1201, %dma_wait3A] : memref<832x4096xf32, #tpu.memory_space<hbm>> -> memref<1x4096xf32, #tpu.memory_space<hbm>>
      %dma_wait3A_1756 = tpu.memref_squeeze %dma_wait3A_1755 : memref<1x4096xf32, #tpu.memory_space<hbm>> -> memref<4096xf32, #tpu.memory_space<hbm>>
      %dma_wait3A_1757 = arith.constant 0 : i32
      %dma_wait3A_1758 = tpu.memref_slice %arg4[%add3A_1201, %dma_wait3A_1757] : memref<832x4096xf32, #tpu.memory_space<hbm>> -> memref<1x4096xf32, #tpu.memory_space<hbm>>
      %dma_wait3A_1759 = tpu.memref_squeeze %dma_wait3A_1758 : memref<1x4096xf32, #tpu.memory_space<hbm>> -> memref<4096xf32, #tpu.memory_space<hbm>>
      tpu.wait_dma2 semaphore(%run_scoped3A : memref<!tpu.dma_semaphore, #tpu.memory_space<semaphore_mem>>) src(%arg7 : memref<4096xf32, #tpu.memory_space<vmem>>) dst(%dma_wait3A_1759 : memref<4096xf32, #tpu.memory_space<hbm>>)
      tpu.yield
    }) : () -> ()
    %mul3A_1267 = arith.constant 26 : i32
    %mul3A_1268 = arith.muli %add3A, %mul3A_1267 : i32
    %add3A_1269 = arith.constant 19 : i32
    %add3A_1270 = arith.addi %mul3A_1268, %add3A_1269 : i32
    %jit3A_1271 = arith.constant 32 : i32
    %div3A_1272 = arith.divsi %add3A_1270, %jit3A_1271 : i32
    %sign3A_1273 = arith.constant 0 : i32
    %sign3A_1274 = arith.cmpi sgt, %add3A_1270, %sign3A_1273 : i32
    %sign3A_1275 = arith.extui %sign3A_1274 : i1 to i32
    %sign3A_1276 = arith.constant 0 : i32
    %sign3A_1277 = arith.cmpi slt, %add3A_1270, %sign3A_1276 : i32
    %sign3A_1278 = arith.extui %sign3A_1277 : i1 to i32
    %sign3A_1279 = arith.subi %sign3A_1275, %sign3A_1278 : i32
    %sign3A_1280 = arith.constant 0 : i32
    %sign3A_1281 = arith.cmpi sgt, %jit3A_1271, %sign3A_1280 : i32
    %sign3A_1282 = arith.extui %sign3A_1281 : i1 to i32
    %sign3A_1283 = arith.constant 0 : i32
    %sign3A_1284 = arith.cmpi slt, %jit3A_1271, %sign3A_1283 : i32
    %sign3A_1285 = arith.extui %sign3A_1284 : i1 to i32
    %sign3A_1286 = arith.subi %sign3A_1282, %sign3A_1285 : i32
    %ne3A_1287 = arith.cmpi ne, %sign3A_1279, %sign3A_1286 : i32
    %rem3A_1288 = arith.remsi %add3A_1270, %jit3A_1271 : i32
    %ne3A_1289 = arith.constant 0 : i32
    %ne3A_1290 = arith.cmpi ne, %rem3A_1288, %ne3A_1289 : i32
    %and3A_1291 = arith.andi %ne3A_1287, %ne3A_1290 : i1
    %sub3A_1292 = arith.constant 1 : i32
    %sub3A_1293 = arith.subi %div3A_1272, %sub3A_1292 : i32
    %select_n3A_1294 = arith.select %and3A_1291, %sub3A_1293, %div3A_1272 : i32
    %mul3A_1295 = arith.constant 26 : i32
    %mul3A_1296 = arith.muli %add3A, %mul3A_1295 : i32
    %add3A_1297 = arith.constant 19 : i32
    %add3A_1298 = arith.addi %mul3A_1296, %add3A_1297 : i32
    %sub3A_1299 = arith.constant 1 : i32
    %sub3A_1300 = arith.subi %add3A_1298, %sub3A_1299 : i32
    %jit3A_1301 = arith.constant 32 : i32
    %div3A_1302 = arith.divsi %sub3A_1300, %jit3A_1301 : i32
    %sign3A_1303 = arith.constant 0 : i32
    %sign3A_1304 = arith.cmpi sgt, %sub3A_1300, %sign3A_1303 : i32
    %sign3A_1305 = arith.extui %sign3A_1304 : i1 to i32
    %sign3A_1306 = arith.constant 0 : i32
    %sign3A_1307 = arith.cmpi slt, %sub3A_1300, %sign3A_1306 : i32
    %sign3A_1308 = arith.extui %sign3A_1307 : i1 to i32
    %sign3A_1309 = arith.subi %sign3A_1305, %sign3A_1308 : i32
    %sign3A_1310 = arith.constant 0 : i32
    %sign3A_1311 = arith.cmpi sgt, %jit3A_1301, %sign3A_1310 : i32
    %sign3A_1312 = arith.extui %sign3A_1311 : i1 to i32
    %sign3A_1313 = arith.constant 0 : i32
    %sign3A_1314 = arith.cmpi slt, %jit3A_1301, %sign3A_1313 : i32
    %sign3A_1315 = arith.extui %sign3A_1314 : i1 to i32
    %sign3A_1316 = arith.subi %sign3A_1312, %sign3A_1315 : i32
    %ne3A_1317 = arith.cmpi ne, %sign3A_1309, %sign3A_1316 : i32
    %rem3A_1318 = arith.remsi %sub3A_1300, %jit3A_1301 : i32
    %ne3A_1319 = arith.constant 0 : i32
    %ne3A_1320 = arith.cmpi ne, %rem3A_1318, %ne3A_1319 : i32
    %and3A_1321 = arith.andi %ne3A_1317, %ne3A_1320 : i1
    %sub3A_1322 = arith.constant 1 : i32
    %sub3A_1323 = arith.subi %div3A_1302, %sub3A_1322 : i32
    %select_n3A_1324 = arith.select %and3A_1321, %sub3A_1323, %div3A_1302 : i32
    %ne3A_1325 = arith.cmpi ne, %select_n3A_1294, %select_n3A_1324 : i32
    %convert_element_type3A_1326 = arith.extui %ne3A_1325 : i1 to i32
    %cond3A_1327 = arith.constant 0 : i32
    %cond3A_1328 = arith.cmpi ne, %convert_element_type3A_1326, %cond3A_1327 : i32
    scf.if %cond3A_1328 {
      "tpu.region"() ({
        %run_scoped3A = tpu.sem_alloc : memref<!tpu.dma_semaphore, #tpu.memory_space<semaphore_mem>>
        %dma_start3A = arith.constant 0 : i32
        %dma_start3A_1750 = tpu.memref_slice %arg2[%select_n3A_1294, %dma_start3A] : memref<26x4096xi32, #tpu.memory_space<hbm>> -> memref<1x4096xi32, #tpu.memory_space<hbm>>
        %dma_start3A_1751 = tpu.memref_squeeze %dma_start3A_1750 : memref<1x4096xi32, #tpu.memory_space<hbm>> -> memref<4096xi32, #tpu.memory_space<hbm>>
        %dma_start3A_1752 = arith.constant 0 : i32
        %dma_start3A_1753 = tpu.memref_slice %arg2[%select_n3A_1294, %dma_start3A_1752] : memref<26x4096xi32, #tpu.memory_space<hbm>> -> memref<1x4096xi32, #tpu.memory_space<hbm>>
        %dma_start3A_1754 = tpu.memref_squeeze %dma_start3A_1753 : memref<1x4096xi32, #tpu.memory_space<hbm>> -> memref<4096xi32, #tpu.memory_space<hbm>>
        tpu.enqueue_dma source(%dma_start3A_1754 : memref<4096xi32, #tpu.memory_space<hbm>>) target(%arg6 : memref<4096xi32, #tpu.memory_space<vmem>>) target_semaphore(%run_scoped3A : memref<!tpu.dma_semaphore, #tpu.memory_space<semaphore_mem>>)
        %dma_wait3A = arith.constant 0 : i32
        %dma_wait3A_1755 = tpu.memref_slice %arg2[%select_n3A_1294, %dma_wait3A] : memref<26x4096xi32, #tpu.memory_space<hbm>> -> memref<1x4096xi32, #tpu.memory_space<hbm>>
        %dma_wait3A_1756 = tpu.memref_squeeze %dma_wait3A_1755 : memref<1x4096xi32, #tpu.memory_space<hbm>> -> memref<4096xi32, #tpu.memory_space<hbm>>
        %dma_wait3A_1757 = arith.constant 0 : i32
        %dma_wait3A_1758 = tpu.memref_slice %arg2[%select_n3A_1294, %dma_wait3A_1757] : memref<26x4096xi32, #tpu.memory_space<hbm>> -> memref<1x4096xi32, #tpu.memory_space<hbm>>
        %dma_wait3A_1759 = tpu.memref_squeeze %dma_wait3A_1758 : memref<1x4096xi32, #tpu.memory_space<hbm>> -> memref<4096xi32, #tpu.memory_space<hbm>>
        tpu.wait_dma2 semaphore(%run_scoped3A : memref<!tpu.dma_semaphore, #tpu.memory_space<semaphore_mem>>) src(%dma_wait3A_1759 : memref<4096xi32, #tpu.memory_space<hbm>>) dst(%arg6 : memref<4096xi32, #tpu.memory_space<vmem>>)
        tpu.yield
      }) : () -> ()
    } else {
    }
    "tpu.region"() ({
      %run_scoped3A = tpu.sem_alloc : memref<!tpu.dma_semaphore, #tpu.memory_space<semaphore_mem>>
      %dma_start3A = arith.constant 0 : i32
      %dma_start3A_1750 = tpu.memref_slice %arg3[%add3A_1270, %dma_start3A] : memref<832x100000xf32, #tpu.memory_space<hbm>> -> memref<1x100000xf32, #tpu.memory_space<hbm>>
      %dma_start3A_1751 = tpu.memref_squeeze %dma_start3A_1750 : memref<1x100000xf32, #tpu.memory_space<hbm>> -> memref<100000xf32, #tpu.memory_space<hbm>>
      %dma_start3A_1752 = arith.constant 0 : i32
      %dma_start3A_1753 = tpu.memref_slice %arg3[%add3A_1270, %dma_start3A_1752] : memref<832x100000xf32, #tpu.memory_space<hbm>> -> memref<1x100000xf32, #tpu.memory_space<hbm>>
      %dma_start3A_1754 = tpu.memref_squeeze %dma_start3A_1753 : memref<1x100000xf32, #tpu.memory_space<hbm>> -> memref<100000xf32, #tpu.memory_space<hbm>>
      tpu.enqueue_dma source(%dma_start3A_1754 : memref<100000xf32, #tpu.memory_space<hbm>>) target(%arg5 : memref<100000xf32, #tpu.memory_space<vmem>>) target_semaphore(%run_scoped3A : memref<!tpu.dma_semaphore, #tpu.memory_space<semaphore_mem>>)
      %dma_wait3A = arith.constant 0 : i32
      %dma_wait3A_1755 = tpu.memref_slice %arg3[%add3A_1270, %dma_wait3A] : memref<832x100000xf32, #tpu.memory_space<hbm>> -> memref<1x100000xf32, #tpu.memory_space<hbm>>
      %dma_wait3A_1756 = tpu.memref_squeeze %dma_wait3A_1755 : memref<1x100000xf32, #tpu.memory_space<hbm>> -> memref<100000xf32, #tpu.memory_space<hbm>>
      %dma_wait3A_1757 = arith.constant 0 : i32
      %dma_wait3A_1758 = tpu.memref_slice %arg3[%add3A_1270, %dma_wait3A_1757] : memref<832x100000xf32, #tpu.memory_space<hbm>> -> memref<1x100000xf32, #tpu.memory_space<hbm>>
      %dma_wait3A_1759 = tpu.memref_squeeze %dma_wait3A_1758 : memref<1x100000xf32, #tpu.memory_space<hbm>> -> memref<100000xf32, #tpu.memory_space<hbm>>
      tpu.wait_dma2 semaphore(%run_scoped3A : memref<!tpu.dma_semaphore, #tpu.memory_space<semaphore_mem>>) src(%dma_wait3A_1759 : memref<100000xf32, #tpu.memory_space<hbm>>) dst(%arg5 : memref<100000xf32, #tpu.memory_space<vmem>>)
      tpu.yield
    }) : () -> ()
    %scan3A_1329 = arith.constant 0 : i32
    %scan3A_1330 = arith.constant 0 : i32
    %scan3A_1331 = arith.constant 256 : i32
    %scan3A_1332 = arith.addi %scan3A_1330, %scan3A_1331 : i32
    %scan3A_1333 = arith.constant 1 : i32
    %scan3A_1334 = scf.for %scan3A_1750 = %scan3A_1330 to %scan3A_1332 step %scan3A_1333 iter_args(%scan3A_1751 = %scan3A_1329) -> (i32)  : i32 {
      %mul3A_1752 = arith.constant 16 : i32
      %mul3A_1753 = arith.muli %scan3A_1750, %mul3A_1752 : i32
      %get3A = arith.index_cast %mul3A_1753 : i32 to index
      %get3A_1754 = tpu.vector_load %arg6[%get3A] {strides = array<i32>} : memref<4096xi32, #tpu.memory_space<vmem>>, vector<16xi32>,
      %gather3A = tpu.vector_load_idx %arg5[%get3A_1754] : memref<100000xf32, #tpu.memory_space<vmem>>[vector<16xi32>], vector<16xf32>,
      %mul3A_1755 = arith.constant 16 : i32
      %mul3A_1756 = arith.muli %scan3A_1750, %mul3A_1755 : i32
      %swap3A = arith.index_cast %mul3A_1756 : i32 to index
      %swap3A_1757 = tpu.vector_load %arg7[%swap3A] {strides = array<i32>} : memref<4096xf32, #tpu.memory_space<vmem>>, vector<16xf32>,
      tpu.vector_store %arg7[%swap3A], %gather3A {strides = array<i32>} : memref<4096xf32, #tpu.memory_space<vmem>>, vector<16xf32>,
      %scan3A_1758 = arith.constant 0 : i32
      scf.yield %scan3A_1758 : i32
    }
    %scan3A_1335 = arith.constant 256 : i32
    "tpu.region"() ({
      %run_scoped3A = tpu.sem_alloc : memref<!tpu.dma_semaphore, #tpu.memory_space<semaphore_mem>>
      %dma_start3A = arith.constant 0 : i32
      %dma_start3A_1750 = tpu.memref_slice %arg4[%add3A_1270, %dma_start3A] : memref<832x4096xf32, #tpu.memory_space<hbm>> -> memref<1x4096xf32, #tpu.memory_space<hbm>>
      %dma_start3A_1751 = tpu.memref_squeeze %dma_start3A_1750 : memref<1x4096xf32, #tpu.memory_space<hbm>> -> memref<4096xf32, #tpu.memory_space<hbm>>
      %dma_start3A_1752 = arith.constant 0 : i32
      %dma_start3A_1753 = tpu.memref_slice %arg4[%add3A_1270, %dma_start3A_1752] : memref<832x4096xf32, #tpu.memory_space<hbm>> -> memref<1x4096xf32, #tpu.memory_space<hbm>>
      %dma_start3A_1754 = tpu.memref_squeeze %dma_start3A_1753 : memref<1x4096xf32, #tpu.memory_space<hbm>> -> memref<4096xf32, #tpu.memory_space<hbm>>
      tpu.enqueue_dma source(%arg7 : memref<4096xf32, #tpu.memory_space<vmem>>) target(%dma_start3A_1754 : memref<4096xf32, #tpu.memory_space<hbm>>) target_semaphore(%run_scoped3A : memref<!tpu.dma_semaphore, #tpu.memory_space<semaphore_mem>>)
      %dma_wait3A = arith.constant 0 : i32
      %dma_wait3A_1755 = tpu.memref_slice %arg4[%add3A_1270, %dma_wait3A] : memref<832x4096xf32, #tpu.memory_space<hbm>> -> memref<1x4096xf32, #tpu.memory_space<hbm>>
      %dma_wait3A_1756 = tpu.memref_squeeze %dma_wait3A_1755 : memref<1x4096xf32, #tpu.memory_space<hbm>> -> memref<4096xf32, #tpu.memory_space<hbm>>
      %dma_wait3A_1757 = arith.constant 0 : i32
      %dma_wait3A_1758 = tpu.memref_slice %arg4[%add3A_1270, %dma_wait3A_1757] : memref<832x4096xf32, #tpu.memory_space<hbm>> -> memref<1x4096xf32, #tpu.memory_space<hbm>>
      %dma_wait3A_1759 = tpu.memref_squeeze %dma_wait3A_1758 : memref<1x4096xf32, #tpu.memory_space<hbm>> -> memref<4096xf32, #tpu.memory_space<hbm>>
      tpu.wait_dma2 semaphore(%run_scoped3A : memref<!tpu.dma_semaphore, #tpu.memory_space<semaphore_mem>>) src(%arg7 : memref<4096xf32, #tpu.memory_space<vmem>>) dst(%dma_wait3A_1759 : memref<4096xf32, #tpu.memory_space<hbm>>)
      tpu.yield
    }) : () -> ()
    %mul3A_1336 = arith.constant 26 : i32
    %mul3A_1337 = arith.muli %add3A, %mul3A_1336 : i32
    %add3A_1338 = arith.constant 20 : i32
    %add3A_1339 = arith.addi %mul3A_1337, %add3A_1338 : i32
    %jit3A_1340 = arith.constant 32 : i32
    %div3A_1341 = arith.divsi %add3A_1339, %jit3A_1340 : i32
    %sign3A_1342 = arith.constant 0 : i32
    %sign3A_1343 = arith.cmpi sgt, %add3A_1339, %sign3A_1342 : i32
    %sign3A_1344 = arith.extui %sign3A_1343 : i1 to i32
    %sign3A_1345 = arith.constant 0 : i32
    %sign3A_1346 = arith.cmpi slt, %add3A_1339, %sign3A_1345 : i32
    %sign3A_1347 = arith.extui %sign3A_1346 : i1 to i32
    %sign3A_1348 = arith.subi %sign3A_1344, %sign3A_1347 : i32
    %sign3A_1349 = arith.constant 0 : i32
    %sign3A_1350 = arith.cmpi sgt, %jit3A_1340, %sign3A_1349 : i32
    %sign3A_1351 = arith.extui %sign3A_1350 : i1 to i32
    %sign3A_1352 = arith.constant 0 : i32
    %sign3A_1353 = arith.cmpi slt, %jit3A_1340, %sign3A_1352 : i32
    %sign3A_1354 = arith.extui %sign3A_1353 : i1 to i32
    %sign3A_1355 = arith.subi %sign3A_1351, %sign3A_1354 : i32
    %ne3A_1356 = arith.cmpi ne, %sign3A_1348, %sign3A_1355 : i32
    %rem3A_1357 = arith.remsi %add3A_1339, %jit3A_1340 : i32
    %ne3A_1358 = arith.constant 0 : i32
    %ne3A_1359 = arith.cmpi ne, %rem3A_1357, %ne3A_1358 : i32
    %and3A_1360 = arith.andi %ne3A_1356, %ne3A_1359 : i1
    %sub3A_1361 = arith.constant 1 : i32
    %sub3A_1362 = arith.subi %div3A_1341, %sub3A_1361 : i32
    %select_n3A_1363 = arith.select %and3A_1360, %sub3A_1362, %div3A_1341 : i32
    %mul3A_1364 = arith.constant 26 : i32
    %mul3A_1365 = arith.muli %add3A, %mul3A_1364 : i32
    %add3A_1366 = arith.constant 20 : i32
    %add3A_1367 = arith.addi %mul3A_1365, %add3A_1366 : i32
    %sub3A_1368 = arith.constant 1 : i32
    %sub3A_1369 = arith.subi %add3A_1367, %sub3A_1368 : i32
    %jit3A_1370 = arith.constant 32 : i32
    %div3A_1371 = arith.divsi %sub3A_1369, %jit3A_1370 : i32
    %sign3A_1372 = arith.constant 0 : i32
    %sign3A_1373 = arith.cmpi sgt, %sub3A_1369, %sign3A_1372 : i32
    %sign3A_1374 = arith.extui %sign3A_1373 : i1 to i32
    %sign3A_1375 = arith.constant 0 : i32
    %sign3A_1376 = arith.cmpi slt, %sub3A_1369, %sign3A_1375 : i32
    %sign3A_1377 = arith.extui %sign3A_1376 : i1 to i32
    %sign3A_1378 = arith.subi %sign3A_1374, %sign3A_1377 : i32
    %sign3A_1379 = arith.constant 0 : i32
    %sign3A_1380 = arith.cmpi sgt, %jit3A_1370, %sign3A_1379 : i32
    %sign3A_1381 = arith.extui %sign3A_1380 : i1 to i32
    %sign3A_1382 = arith.constant 0 : i32
    %sign3A_1383 = arith.cmpi slt, %jit3A_1370, %sign3A_1382 : i32
    %sign3A_1384 = arith.extui %sign3A_1383 : i1 to i32
    %sign3A_1385 = arith.subi %sign3A_1381, %sign3A_1384 : i32
    %ne3A_1386 = arith.cmpi ne, %sign3A_1378, %sign3A_1385 : i32
    %rem3A_1387 = arith.remsi %sub3A_1369, %jit3A_1370 : i32
    %ne3A_1388 = arith.constant 0 : i32
    %ne3A_1389 = arith.cmpi ne, %rem3A_1387, %ne3A_1388 : i32
    %and3A_1390 = arith.andi %ne3A_1386, %ne3A_1389 : i1
    %sub3A_1391 = arith.constant 1 : i32
    %sub3A_1392 = arith.subi %div3A_1371, %sub3A_1391 : i32
    %select_n3A_1393 = arith.select %and3A_1390, %sub3A_1392, %div3A_1371 : i32
    %ne3A_1394 = arith.cmpi ne, %select_n3A_1363, %select_n3A_1393 : i32
    %convert_element_type3A_1395 = arith.extui %ne3A_1394 : i1 to i32
    %cond3A_1396 = arith.constant 0 : i32
    %cond3A_1397 = arith.cmpi ne, %convert_element_type3A_1395, %cond3A_1396 : i32
    scf.if %cond3A_1397 {
      "tpu.region"() ({
        %run_scoped3A = tpu.sem_alloc : memref<!tpu.dma_semaphore, #tpu.memory_space<semaphore_mem>>
        %dma_start3A = arith.constant 0 : i32
        %dma_start3A_1750 = tpu.memref_slice %arg2[%select_n3A_1363, %dma_start3A] : memref<26x4096xi32, #tpu.memory_space<hbm>> -> memref<1x4096xi32, #tpu.memory_space<hbm>>
        %dma_start3A_1751 = tpu.memref_squeeze %dma_start3A_1750 : memref<1x4096xi32, #tpu.memory_space<hbm>> -> memref<4096xi32, #tpu.memory_space<hbm>>
        %dma_start3A_1752 = arith.constant 0 : i32
        %dma_start3A_1753 = tpu.memref_slice %arg2[%select_n3A_1363, %dma_start3A_1752] : memref<26x4096xi32, #tpu.memory_space<hbm>> -> memref<1x4096xi32, #tpu.memory_space<hbm>>
        %dma_start3A_1754 = tpu.memref_squeeze %dma_start3A_1753 : memref<1x4096xi32, #tpu.memory_space<hbm>> -> memref<4096xi32, #tpu.memory_space<hbm>>
        tpu.enqueue_dma source(%dma_start3A_1754 : memref<4096xi32, #tpu.memory_space<hbm>>) target(%arg6 : memref<4096xi32, #tpu.memory_space<vmem>>) target_semaphore(%run_scoped3A : memref<!tpu.dma_semaphore, #tpu.memory_space<semaphore_mem>>)
        %dma_wait3A = arith.constant 0 : i32
        %dma_wait3A_1755 = tpu.memref_slice %arg2[%select_n3A_1363, %dma_wait3A] : memref<26x4096xi32, #tpu.memory_space<hbm>> -> memref<1x4096xi32, #tpu.memory_space<hbm>>
        %dma_wait3A_1756 = tpu.memref_squeeze %dma_wait3A_1755 : memref<1x4096xi32, #tpu.memory_space<hbm>> -> memref<4096xi32, #tpu.memory_space<hbm>>
        %dma_wait3A_1757 = arith.constant 0 : i32
        %dma_wait3A_1758 = tpu.memref_slice %arg2[%select_n3A_1363, %dma_wait3A_1757] : memref<26x4096xi32, #tpu.memory_space<hbm>> -> memref<1x4096xi32, #tpu.memory_space<hbm>>
        %dma_wait3A_1759 = tpu.memref_squeeze %dma_wait3A_1758 : memref<1x4096xi32, #tpu.memory_space<hbm>> -> memref<4096xi32, #tpu.memory_space<hbm>>
        tpu.wait_dma2 semaphore(%run_scoped3A : memref<!tpu.dma_semaphore, #tpu.memory_space<semaphore_mem>>) src(%dma_wait3A_1759 : memref<4096xi32, #tpu.memory_space<hbm>>) dst(%arg6 : memref<4096xi32, #tpu.memory_space<vmem>>)
        tpu.yield
      }) : () -> ()
    } else {
    }
    "tpu.region"() ({
      %run_scoped3A = tpu.sem_alloc : memref<!tpu.dma_semaphore, #tpu.memory_space<semaphore_mem>>
      %dma_start3A = arith.constant 0 : i32
      %dma_start3A_1750 = tpu.memref_slice %arg3[%add3A_1339, %dma_start3A] : memref<832x100000xf32, #tpu.memory_space<hbm>> -> memref<1x100000xf32, #tpu.memory_space<hbm>>
      %dma_start3A_1751 = tpu.memref_squeeze %dma_start3A_1750 : memref<1x100000xf32, #tpu.memory_space<hbm>> -> memref<100000xf32, #tpu.memory_space<hbm>>
      %dma_start3A_1752 = arith.constant 0 : i32
      %dma_start3A_1753 = tpu.memref_slice %arg3[%add3A_1339, %dma_start3A_1752] : memref<832x100000xf32, #tpu.memory_space<hbm>> -> memref<1x100000xf32, #tpu.memory_space<hbm>>
      %dma_start3A_1754 = tpu.memref_squeeze %dma_start3A_1753 : memref<1x100000xf32, #tpu.memory_space<hbm>> -> memref<100000xf32, #tpu.memory_space<hbm>>
      tpu.enqueue_dma source(%dma_start3A_1754 : memref<100000xf32, #tpu.memory_space<hbm>>) target(%arg5 : memref<100000xf32, #tpu.memory_space<vmem>>) target_semaphore(%run_scoped3A : memref<!tpu.dma_semaphore, #tpu.memory_space<semaphore_mem>>)
      %dma_wait3A = arith.constant 0 : i32
      %dma_wait3A_1755 = tpu.memref_slice %arg3[%add3A_1339, %dma_wait3A] : memref<832x100000xf32, #tpu.memory_space<hbm>> -> memref<1x100000xf32, #tpu.memory_space<hbm>>
      %dma_wait3A_1756 = tpu.memref_squeeze %dma_wait3A_1755 : memref<1x100000xf32, #tpu.memory_space<hbm>> -> memref<100000xf32, #tpu.memory_space<hbm>>
      %dma_wait3A_1757 = arith.constant 0 : i32
      %dma_wait3A_1758 = tpu.memref_slice %arg3[%add3A_1339, %dma_wait3A_1757] : memref<832x100000xf32, #tpu.memory_space<hbm>> -> memref<1x100000xf32, #tpu.memory_space<hbm>>
      %dma_wait3A_1759 = tpu.memref_squeeze %dma_wait3A_1758 : memref<1x100000xf32, #tpu.memory_space<hbm>> -> memref<100000xf32, #tpu.memory_space<hbm>>
      tpu.wait_dma2 semaphore(%run_scoped3A : memref<!tpu.dma_semaphore, #tpu.memory_space<semaphore_mem>>) src(%dma_wait3A_1759 : memref<100000xf32, #tpu.memory_space<hbm>>) dst(%arg5 : memref<100000xf32, #tpu.memory_space<vmem>>)
      tpu.yield
    }) : () -> ()
    %scan3A_1398 = arith.constant 0 : i32
    %scan3A_1399 = arith.constant 0 : i32
    %scan3A_1400 = arith.constant 256 : i32
    %scan3A_1401 = arith.addi %scan3A_1399, %scan3A_1400 : i32
    %scan3A_1402 = arith.constant 1 : i32
    %scan3A_1403 = scf.for %scan3A_1750 = %scan3A_1399 to %scan3A_1401 step %scan3A_1402 iter_args(%scan3A_1751 = %scan3A_1398) -> (i32)  : i32 {
      %mul3A_1752 = arith.constant 16 : i32
      %mul3A_1753 = arith.muli %scan3A_1750, %mul3A_1752 : i32
      %get3A = arith.index_cast %mul3A_1753 : i32 to index
      %get3A_1754 = tpu.vector_load %arg6[%get3A] {strides = array<i32>} : memref<4096xi32, #tpu.memory_space<vmem>>, vector<16xi32>,
      %gather3A = tpu.vector_load_idx %arg5[%get3A_1754] : memref<100000xf32, #tpu.memory_space<vmem>>[vector<16xi32>], vector<16xf32>,
      %mul3A_1755 = arith.constant 16 : i32
      %mul3A_1756 = arith.muli %scan3A_1750, %mul3A_1755 : i32
      %swap3A = arith.index_cast %mul3A_1756 : i32 to index
      %swap3A_1757 = tpu.vector_load %arg7[%swap3A] {strides = array<i32>} : memref<4096xf32, #tpu.memory_space<vmem>>, vector<16xf32>,
      tpu.vector_store %arg7[%swap3A], %gather3A {strides = array<i32>} : memref<4096xf32, #tpu.memory_space<vmem>>, vector<16xf32>,
      %scan3A_1758 = arith.constant 0 : i32
      scf.yield %scan3A_1758 : i32
    }
    %scan3A_1404 = arith.constant 256 : i32
    "tpu.region"() ({
      %run_scoped3A = tpu.sem_alloc : memref<!tpu.dma_semaphore, #tpu.memory_space<semaphore_mem>>
      %dma_start3A = arith.constant 0 : i32
      %dma_start3A_1750 = tpu.memref_slice %arg4[%add3A_1339, %dma_start3A] : memref<832x4096xf32, #tpu.memory_space<hbm>> -> memref<1x4096xf32, #tpu.memory_space<hbm>>
      %dma_start3A_1751 = tpu.memref_squeeze %dma_start3A_1750 : memref<1x4096xf32, #tpu.memory_space<hbm>> -> memref<4096xf32, #tpu.memory_space<hbm>>
      %dma_start3A_1752 = arith.constant 0 : i32
      %dma_start3A_1753 = tpu.memref_slice %arg4[%add3A_1339, %dma_start3A_1752] : memref<832x4096xf32, #tpu.memory_space<hbm>> -> memref<1x4096xf32, #tpu.memory_space<hbm>>
      %dma_start3A_1754 = tpu.memref_squeeze %dma_start3A_1753 : memref<1x4096xf32, #tpu.memory_space<hbm>> -> memref<4096xf32, #tpu.memory_space<hbm>>
      tpu.enqueue_dma source(%arg7 : memref<4096xf32, #tpu.memory_space<vmem>>) target(%dma_start3A_1754 : memref<4096xf32, #tpu.memory_space<hbm>>) target_semaphore(%run_scoped3A : memref<!tpu.dma_semaphore, #tpu.memory_space<semaphore_mem>>)
      %dma_wait3A = arith.constant 0 : i32
      %dma_wait3A_1755 = tpu.memref_slice %arg4[%add3A_1339, %dma_wait3A] : memref<832x4096xf32, #tpu.memory_space<hbm>> -> memref<1x4096xf32, #tpu.memory_space<hbm>>
      %dma_wait3A_1756 = tpu.memref_squeeze %dma_wait3A_1755 : memref<1x4096xf32, #tpu.memory_space<hbm>> -> memref<4096xf32, #tpu.memory_space<hbm>>
      %dma_wait3A_1757 = arith.constant 0 : i32
      %dma_wait3A_1758 = tpu.memref_slice %arg4[%add3A_1339, %dma_wait3A_1757] : memref<832x4096xf32, #tpu.memory_space<hbm>> -> memref<1x4096xf32, #tpu.memory_space<hbm>>
      %dma_wait3A_1759 = tpu.memref_squeeze %dma_wait3A_1758 : memref<1x4096xf32, #tpu.memory_space<hbm>> -> memref<4096xf32, #tpu.memory_space<hbm>>
      tpu.wait_dma2 semaphore(%run_scoped3A : memref<!tpu.dma_semaphore, #tpu.memory_space<semaphore_mem>>) src(%arg7 : memref<4096xf32, #tpu.memory_space<vmem>>) dst(%dma_wait3A_1759 : memref<4096xf32, #tpu.memory_space<hbm>>)
      tpu.yield
    }) : () -> ()
    %mul3A_1405 = arith.constant 26 : i32
    %mul3A_1406 = arith.muli %add3A, %mul3A_1405 : i32
    %add3A_1407 = arith.constant 21 : i32
    %add3A_1408 = arith.addi %mul3A_1406, %add3A_1407 : i32
    %jit3A_1409 = arith.constant 32 : i32
    %div3A_1410 = arith.divsi %add3A_1408, %jit3A_1409 : i32
    %sign3A_1411 = arith.constant 0 : i32
    %sign3A_1412 = arith.cmpi sgt, %add3A_1408, %sign3A_1411 : i32
    %sign3A_1413 = arith.extui %sign3A_1412 : i1 to i32
    %sign3A_1414 = arith.constant 0 : i32
    %sign3A_1415 = arith.cmpi slt, %add3A_1408, %sign3A_1414 : i32
    %sign3A_1416 = arith.extui %sign3A_1415 : i1 to i32
    %sign3A_1417 = arith.subi %sign3A_1413, %sign3A_1416 : i32
    %sign3A_1418 = arith.constant 0 : i32
    %sign3A_1419 = arith.cmpi sgt, %jit3A_1409, %sign3A_1418 : i32
    %sign3A_1420 = arith.extui %sign3A_1419 : i1 to i32
    %sign3A_1421 = arith.constant 0 : i32
    %sign3A_1422 = arith.cmpi slt, %jit3A_1409, %sign3A_1421 : i32
    %sign3A_1423 = arith.extui %sign3A_1422 : i1 to i32
    %sign3A_1424 = arith.subi %sign3A_1420, %sign3A_1423 : i32
    %ne3A_1425 = arith.cmpi ne, %sign3A_1417, %sign3A_1424 : i32
    %rem3A_1426 = arith.remsi %add3A_1408, %jit3A_1409 : i32
    %ne3A_1427 = arith.constant 0 : i32
    %ne3A_1428 = arith.cmpi ne, %rem3A_1426, %ne3A_1427 : i32
    %and3A_1429 = arith.andi %ne3A_1425, %ne3A_1428 : i1
    %sub3A_1430 = arith.constant 1 : i32
    %sub3A_1431 = arith.subi %div3A_1410, %sub3A_1430 : i32
    %select_n3A_1432 = arith.select %and3A_1429, %sub3A_1431, %div3A_1410 : i32
    %mul3A_1433 = arith.constant 26 : i32
    %mul3A_1434 = arith.muli %add3A, %mul3A_1433 : i32
    %add3A_1435 = arith.constant 21 : i32
    %add3A_1436 = arith.addi %mul3A_1434, %add3A_1435 : i32
    %sub3A_1437 = arith.constant 1 : i32
    %sub3A_1438 = arith.subi %add3A_1436, %sub3A_1437 : i32
    %jit3A_1439 = arith.constant 32 : i32
    %div3A_1440 = arith.divsi %sub3A_1438, %jit3A_1439 : i32
    %sign3A_1441 = arith.constant 0 : i32
    %sign3A_1442 = arith.cmpi sgt, %sub3A_1438, %sign3A_1441 : i32
    %sign3A_1443 = arith.extui %sign3A_1442 : i1 to i32
    %sign3A_1444 = arith.constant 0 : i32
    %sign3A_1445 = arith.cmpi slt, %sub3A_1438, %sign3A_1444 : i32
    %sign3A_1446 = arith.extui %sign3A_1445 : i1 to i32
    %sign3A_1447 = arith.subi %sign3A_1443, %sign3A_1446 : i32
    %sign3A_1448 = arith.constant 0 : i32
    %sign3A_1449 = arith.cmpi sgt, %jit3A_1439, %sign3A_1448 : i32
    %sign3A_1450 = arith.extui %sign3A_1449 : i1 to i32
    %sign3A_1451 = arith.constant 0 : i32
    %sign3A_1452 = arith.cmpi slt, %jit3A_1439, %sign3A_1451 : i32
    %sign3A_1453 = arith.extui %sign3A_1452 : i1 to i32
    %sign3A_1454 = arith.subi %sign3A_1450, %sign3A_1453 : i32
    %ne3A_1455 = arith.cmpi ne, %sign3A_1447, %sign3A_1454 : i32
    %rem3A_1456 = arith.remsi %sub3A_1438, %jit3A_1439 : i32
    %ne3A_1457 = arith.constant 0 : i32
    %ne3A_1458 = arith.cmpi ne, %rem3A_1456, %ne3A_1457 : i32
    %and3A_1459 = arith.andi %ne3A_1455, %ne3A_1458 : i1
    %sub3A_1460 = arith.constant 1 : i32
    %sub3A_1461 = arith.subi %div3A_1440, %sub3A_1460 : i32
    %select_n3A_1462 = arith.select %and3A_1459, %sub3A_1461, %div3A_1440 : i32
    %ne3A_1463 = arith.cmpi ne, %select_n3A_1432, %select_n3A_1462 : i32
    %convert_element_type3A_1464 = arith.extui %ne3A_1463 : i1 to i32
    %cond3A_1465 = arith.constant 0 : i32
    %cond3A_1466 = arith.cmpi ne, %convert_element_type3A_1464, %cond3A_1465 : i32
    scf.if %cond3A_1466 {
      "tpu.region"() ({
        %run_scoped3A = tpu.sem_alloc : memref<!tpu.dma_semaphore, #tpu.memory_space<semaphore_mem>>
        %dma_start3A = arith.constant 0 : i32
        %dma_start3A_1750 = tpu.memref_slice %arg2[%select_n3A_1432, %dma_start3A] : memref<26x4096xi32, #tpu.memory_space<hbm>> -> memref<1x4096xi32, #tpu.memory_space<hbm>>
        %dma_start3A_1751 = tpu.memref_squeeze %dma_start3A_1750 : memref<1x4096xi32, #tpu.memory_space<hbm>> -> memref<4096xi32, #tpu.memory_space<hbm>>
        %dma_start3A_1752 = arith.constant 0 : i32
        %dma_start3A_1753 = tpu.memref_slice %arg2[%select_n3A_1432, %dma_start3A_1752] : memref<26x4096xi32, #tpu.memory_space<hbm>> -> memref<1x4096xi32, #tpu.memory_space<hbm>>
        %dma_start3A_1754 = tpu.memref_squeeze %dma_start3A_1753 : memref<1x4096xi32, #tpu.memory_space<hbm>> -> memref<4096xi32, #tpu.memory_space<hbm>>
        tpu.enqueue_dma source(%dma_start3A_1754 : memref<4096xi32, #tpu.memory_space<hbm>>) target(%arg6 : memref<4096xi32, #tpu.memory_space<vmem>>) target_semaphore(%run_scoped3A : memref<!tpu.dma_semaphore, #tpu.memory_space<semaphore_mem>>)
        %dma_wait3A = arith.constant 0 : i32
        %dma_wait3A_1755 = tpu.memref_slice %arg2[%select_n3A_1432, %dma_wait3A] : memref<26x4096xi32, #tpu.memory_space<hbm>> -> memref<1x4096xi32, #tpu.memory_space<hbm>>
        %dma_wait3A_1756 = tpu.memref_squeeze %dma_wait3A_1755 : memref<1x4096xi32, #tpu.memory_space<hbm>> -> memref<4096xi32, #tpu.memory_space<hbm>>
        %dma_wait3A_1757 = arith.constant 0 : i32
        %dma_wait3A_1758 = tpu.memref_slice %arg2[%select_n3A_1432, %dma_wait3A_1757] : memref<26x4096xi32, #tpu.memory_space<hbm>> -> memref<1x4096xi32, #tpu.memory_space<hbm>>
        %dma_wait3A_1759 = tpu.memref_squeeze %dma_wait3A_1758 : memref<1x4096xi32, #tpu.memory_space<hbm>> -> memref<4096xi32, #tpu.memory_space<hbm>>
        tpu.wait_dma2 semaphore(%run_scoped3A : memref<!tpu.dma_semaphore, #tpu.memory_space<semaphore_mem>>) src(%dma_wait3A_1759 : memref<4096xi32, #tpu.memory_space<hbm>>) dst(%arg6 : memref<4096xi32, #tpu.memory_space<vmem>>)
        tpu.yield
      }) : () -> ()
    } else {
    }
    "tpu.region"() ({
      %run_scoped3A = tpu.sem_alloc : memref<!tpu.dma_semaphore, #tpu.memory_space<semaphore_mem>>
      %dma_start3A = arith.constant 0 : i32
      %dma_start3A_1750 = tpu.memref_slice %arg3[%add3A_1408, %dma_start3A] : memref<832x100000xf32, #tpu.memory_space<hbm>> -> memref<1x100000xf32, #tpu.memory_space<hbm>>
      %dma_start3A_1751 = tpu.memref_squeeze %dma_start3A_1750 : memref<1x100000xf32, #tpu.memory_space<hbm>> -> memref<100000xf32, #tpu.memory_space<hbm>>
      %dma_start3A_1752 = arith.constant 0 : i32
      %dma_start3A_1753 = tpu.memref_slice %arg3[%add3A_1408, %dma_start3A_1752] : memref<832x100000xf32, #tpu.memory_space<hbm>> -> memref<1x100000xf32, #tpu.memory_space<hbm>>
      %dma_start3A_1754 = tpu.memref_squeeze %dma_start3A_1753 : memref<1x100000xf32, #tpu.memory_space<hbm>> -> memref<100000xf32, #tpu.memory_space<hbm>>
      tpu.enqueue_dma source(%dma_start3A_1754 : memref<100000xf32, #tpu.memory_space<hbm>>) target(%arg5 : memref<100000xf32, #tpu.memory_space<vmem>>) target_semaphore(%run_scoped3A : memref<!tpu.dma_semaphore, #tpu.memory_space<semaphore_mem>>)
      %dma_wait3A = arith.constant 0 : i32
      %dma_wait3A_1755 = tpu.memref_slice %arg3[%add3A_1408, %dma_wait3A] : memref<832x100000xf32, #tpu.memory_space<hbm>> -> memref<1x100000xf32, #tpu.memory_space<hbm>>
      %dma_wait3A_1756 = tpu.memref_squeeze %dma_wait3A_1755 : memref<1x100000xf32, #tpu.memory_space<hbm>> -> memref<100000xf32, #tpu.memory_space<hbm>>
      %dma_wait3A_1757 = arith.constant 0 : i32
      %dma_wait3A_1758 = tpu.memref_slice %arg3[%add3A_1408, %dma_wait3A_1757] : memref<832x100000xf32, #tpu.memory_space<hbm>> -> memref<1x100000xf32, #tpu.memory_space<hbm>>
      %dma_wait3A_1759 = tpu.memref_squeeze %dma_wait3A_1758 : memref<1x100000xf32, #tpu.memory_space<hbm>> -> memref<100000xf32, #tpu.memory_space<hbm>>
      tpu.wait_dma2 semaphore(%run_scoped3A : memref<!tpu.dma_semaphore, #tpu.memory_space<semaphore_mem>>) src(%dma_wait3A_1759 : memref<100000xf32, #tpu.memory_space<hbm>>) dst(%arg5 : memref<100000xf32, #tpu.memory_space<vmem>>)
      tpu.yield
    }) : () -> ()
    %scan3A_1467 = arith.constant 0 : i32
    %scan3A_1468 = arith.constant 0 : i32
    %scan3A_1469 = arith.constant 256 : i32
    %scan3A_1470 = arith.addi %scan3A_1468, %scan3A_1469 : i32
    %scan3A_1471 = arith.constant 1 : i32
    %scan3A_1472 = scf.for %scan3A_1750 = %scan3A_1468 to %scan3A_1470 step %scan3A_1471 iter_args(%scan3A_1751 = %scan3A_1467) -> (i32)  : i32 {
      %mul3A_1752 = arith.constant 16 : i32
      %mul3A_1753 = arith.muli %scan3A_1750, %mul3A_1752 : i32
      %get3A = arith.index_cast %mul3A_1753 : i32 to index
      %get3A_1754 = tpu.vector_load %arg6[%get3A] {strides = array<i32>} : memref<4096xi32, #tpu.memory_space<vmem>>, vector<16xi32>,
      %gather3A = tpu.vector_load_idx %arg5[%get3A_1754] : memref<100000xf32, #tpu.memory_space<vmem>>[vector<16xi32>], vector<16xf32>,
      %mul3A_1755 = arith.constant 16 : i32
      %mul3A_1756 = arith.muli %scan3A_1750, %mul3A_1755 : i32
      %swap3A = arith.index_cast %mul3A_1756 : i32 to index
      %swap3A_1757 = tpu.vector_load %arg7[%swap3A] {strides = array<i32>} : memref<4096xf32, #tpu.memory_space<vmem>>, vector<16xf32>,
      tpu.vector_store %arg7[%swap3A], %gather3A {strides = array<i32>} : memref<4096xf32, #tpu.memory_space<vmem>>, vector<16xf32>,
      %scan3A_1758 = arith.constant 0 : i32
      scf.yield %scan3A_1758 : i32
    }
    %scan3A_1473 = arith.constant 256 : i32
    "tpu.region"() ({
      %run_scoped3A = tpu.sem_alloc : memref<!tpu.dma_semaphore, #tpu.memory_space<semaphore_mem>>
      %dma_start3A = arith.constant 0 : i32
      %dma_start3A_1750 = tpu.memref_slice %arg4[%add3A_1408, %dma_start3A] : memref<832x4096xf32, #tpu.memory_space<hbm>> -> memref<1x4096xf32, #tpu.memory_space<hbm>>
      %dma_start3A_1751 = tpu.memref_squeeze %dma_start3A_1750 : memref<1x4096xf32, #tpu.memory_space<hbm>> -> memref<4096xf32, #tpu.memory_space<hbm>>
      %dma_start3A_1752 = arith.constant 0 : i32
      %dma_start3A_1753 = tpu.memref_slice %arg4[%add3A_1408, %dma_start3A_1752] : memref<832x4096xf32, #tpu.memory_space<hbm>> -> memref<1x4096xf32, #tpu.memory_space<hbm>>
      %dma_start3A_1754 = tpu.memref_squeeze %dma_start3A_1753 : memref<1x4096xf32, #tpu.memory_space<hbm>> -> memref<4096xf32, #tpu.memory_space<hbm>>
      tpu.enqueue_dma source(%arg7 : memref<4096xf32, #tpu.memory_space<vmem>>) target(%dma_start3A_1754 : memref<4096xf32, #tpu.memory_space<hbm>>) target_semaphore(%run_scoped3A : memref<!tpu.dma_semaphore, #tpu.memory_space<semaphore_mem>>)
      %dma_wait3A = arith.constant 0 : i32
      %dma_wait3A_1755 = tpu.memref_slice %arg4[%add3A_1408, %dma_wait3A] : memref<832x4096xf32, #tpu.memory_space<hbm>> -> memref<1x4096xf32, #tpu.memory_space<hbm>>
      %dma_wait3A_1756 = tpu.memref_squeeze %dma_wait3A_1755 : memref<1x4096xf32, #tpu.memory_space<hbm>> -> memref<4096xf32, #tpu.memory_space<hbm>>
      %dma_wait3A_1757 = arith.constant 0 : i32
      %dma_wait3A_1758 = tpu.memref_slice %arg4[%add3A_1408, %dma_wait3A_1757] : memref<832x4096xf32, #tpu.memory_space<hbm>> -> memref<1x4096xf32, #tpu.memory_space<hbm>>
      %dma_wait3A_1759 = tpu.memref_squeeze %dma_wait3A_1758 : memref<1x4096xf32, #tpu.memory_space<hbm>> -> memref<4096xf32, #tpu.memory_space<hbm>>
      tpu.wait_dma2 semaphore(%run_scoped3A : memref<!tpu.dma_semaphore, #tpu.memory_space<semaphore_mem>>) src(%arg7 : memref<4096xf32, #tpu.memory_space<vmem>>) dst(%dma_wait3A_1759 : memref<4096xf32, #tpu.memory_space<hbm>>)
      tpu.yield
    }) : () -> ()
    %mul3A_1474 = arith.constant 26 : i32
    %mul3A_1475 = arith.muli %add3A, %mul3A_1474 : i32
    %add3A_1476 = arith.constant 22 : i32
    %add3A_1477 = arith.addi %mul3A_1475, %add3A_1476 : i32
    %jit3A_1478 = arith.constant 32 : i32
    %div3A_1479 = arith.divsi %add3A_1477, %jit3A_1478 : i32
    %sign3A_1480 = arith.constant 0 : i32
    %sign3A_1481 = arith.cmpi sgt, %add3A_1477, %sign3A_1480 : i32
    %sign3A_1482 = arith.extui %sign3A_1481 : i1 to i32
    %sign3A_1483 = arith.constant 0 : i32
    %sign3A_1484 = arith.cmpi slt, %add3A_1477, %sign3A_1483 : i32
    %sign3A_1485 = arith.extui %sign3A_1484 : i1 to i32
    %sign3A_1486 = arith.subi %sign3A_1482, %sign3A_1485 : i32
    %sign3A_1487 = arith.constant 0 : i32
    %sign3A_1488 = arith.cmpi sgt, %jit3A_1478, %sign3A_1487 : i32
    %sign3A_1489 = arith.extui %sign3A_1488 : i1 to i32
    %sign3A_1490 = arith.constant 0 : i32
    %sign3A_1491 = arith.cmpi slt, %jit3A_1478, %sign3A_1490 : i32
    %sign3A_1492 = arith.extui %sign3A_1491 : i1 to i32
    %sign3A_1493 = arith.subi %sign3A_1489, %sign3A_1492 : i32
    %ne3A_1494 = arith.cmpi ne, %sign3A_1486, %sign3A_1493 : i32
    %rem3A_1495 = arith.remsi %add3A_1477, %jit3A_1478 : i32
    %ne3A_1496 = arith.constant 0 : i32
    %ne3A_1497 = arith.cmpi ne, %rem3A_1495, %ne3A_1496 : i32
    %and3A_1498 = arith.andi %ne3A_1494, %ne3A_1497 : i1
    %sub3A_1499 = arith.constant 1 : i32
    %sub3A_1500 = arith.subi %div3A_1479, %sub3A_1499 : i32
    %select_n3A_1501 = arith.select %and3A_1498, %sub3A_1500, %div3A_1479 : i32
    %mul3A_1502 = arith.constant 26 : i32
    %mul3A_1503 = arith.muli %add3A, %mul3A_1502 : i32
    %add3A_1504 = arith.constant 22 : i32
    %add3A_1505 = arith.addi %mul3A_1503, %add3A_1504 : i32
    %sub3A_1506 = arith.constant 1 : i32
    %sub3A_1507 = arith.subi %add3A_1505, %sub3A_1506 : i32
    %jit3A_1508 = arith.constant 32 : i32
    %div3A_1509 = arith.divsi %sub3A_1507, %jit3A_1508 : i32
    %sign3A_1510 = arith.constant 0 : i32
    %sign3A_1511 = arith.cmpi sgt, %sub3A_1507, %sign3A_1510 : i32
    %sign3A_1512 = arith.extui %sign3A_1511 : i1 to i32
    %sign3A_1513 = arith.constant 0 : i32
    %sign3A_1514 = arith.cmpi slt, %sub3A_1507, %sign3A_1513 : i32
    %sign3A_1515 = arith.extui %sign3A_1514 : i1 to i32
    %sign3A_1516 = arith.subi %sign3A_1512, %sign3A_1515 : i32
    %sign3A_1517 = arith.constant 0 : i32
    %sign3A_1518 = arith.cmpi sgt, %jit3A_1508, %sign3A_1517 : i32
    %sign3A_1519 = arith.extui %sign3A_1518 : i1 to i32
    %sign3A_1520 = arith.constant 0 : i32
    %sign3A_1521 = arith.cmpi slt, %jit3A_1508, %sign3A_1520 : i32
    %sign3A_1522 = arith.extui %sign3A_1521 : i1 to i32
    %sign3A_1523 = arith.subi %sign3A_1519, %sign3A_1522 : i32
    %ne3A_1524 = arith.cmpi ne, %sign3A_1516, %sign3A_1523 : i32
    %rem3A_1525 = arith.remsi %sub3A_1507, %jit3A_1508 : i32
    %ne3A_1526 = arith.constant 0 : i32
    %ne3A_1527 = arith.cmpi ne, %rem3A_1525, %ne3A_1526 : i32
    %and3A_1528 = arith.andi %ne3A_1524, %ne3A_1527 : i1
    %sub3A_1529 = arith.constant 1 : i32
    %sub3A_1530 = arith.subi %div3A_1509, %sub3A_1529 : i32
    %select_n3A_1531 = arith.select %and3A_1528, %sub3A_1530, %div3A_1509 : i32
    %ne3A_1532 = arith.cmpi ne, %select_n3A_1501, %select_n3A_1531 : i32
    %convert_element_type3A_1533 = arith.extui %ne3A_1532 : i1 to i32
    %cond3A_1534 = arith.constant 0 : i32
    %cond3A_1535 = arith.cmpi ne, %convert_element_type3A_1533, %cond3A_1534 : i32
    scf.if %cond3A_1535 {
      "tpu.region"() ({
        %run_scoped3A = tpu.sem_alloc : memref<!tpu.dma_semaphore, #tpu.memory_space<semaphore_mem>>
        %dma_start3A = arith.constant 0 : i32
        %dma_start3A_1750 = tpu.memref_slice %arg2[%select_n3A_1501, %dma_start3A] : memref<26x4096xi32, #tpu.memory_space<hbm>> -> memref<1x4096xi32, #tpu.memory_space<hbm>>
        %dma_start3A_1751 = tpu.memref_squeeze %dma_start3A_1750 : memref<1x4096xi32, #tpu.memory_space<hbm>> -> memref<4096xi32, #tpu.memory_space<hbm>>
        %dma_start3A_1752 = arith.constant 0 : i32
        %dma_start3A_1753 = tpu.memref_slice %arg2[%select_n3A_1501, %dma_start3A_1752] : memref<26x4096xi32, #tpu.memory_space<hbm>> -> memref<1x4096xi32, #tpu.memory_space<hbm>>
        %dma_start3A_1754 = tpu.memref_squeeze %dma_start3A_1753 : memref<1x4096xi32, #tpu.memory_space<hbm>> -> memref<4096xi32, #tpu.memory_space<hbm>>
        tpu.enqueue_dma source(%dma_start3A_1754 : memref<4096xi32, #tpu.memory_space<hbm>>) target(%arg6 : memref<4096xi32, #tpu.memory_space<vmem>>) target_semaphore(%run_scoped3A : memref<!tpu.dma_semaphore, #tpu.memory_space<semaphore_mem>>)
        %dma_wait3A = arith.constant 0 : i32
        %dma_wait3A_1755 = tpu.memref_slice %arg2[%select_n3A_1501, %dma_wait3A] : memref<26x4096xi32, #tpu.memory_space<hbm>> -> memref<1x4096xi32, #tpu.memory_space<hbm>>
        %dma_wait3A_1756 = tpu.memref_squeeze %dma_wait3A_1755 : memref<1x4096xi32, #tpu.memory_space<hbm>> -> memref<4096xi32, #tpu.memory_space<hbm>>
        %dma_wait3A_1757 = arith.constant 0 : i32
        %dma_wait3A_1758 = tpu.memref_slice %arg2[%select_n3A_1501, %dma_wait3A_1757] : memref<26x4096xi32, #tpu.memory_space<hbm>> -> memref<1x4096xi32, #tpu.memory_space<hbm>>
        %dma_wait3A_1759 = tpu.memref_squeeze %dma_wait3A_1758 : memref<1x4096xi32, #tpu.memory_space<hbm>> -> memref<4096xi32, #tpu.memory_space<hbm>>
        tpu.wait_dma2 semaphore(%run_scoped3A : memref<!tpu.dma_semaphore, #tpu.memory_space<semaphore_mem>>) src(%dma_wait3A_1759 : memref<4096xi32, #tpu.memory_space<hbm>>) dst(%arg6 : memref<4096xi32, #tpu.memory_space<vmem>>)
        tpu.yield
      }) : () -> ()
    } else {
    }
    "tpu.region"() ({
      %run_scoped3A = tpu.sem_alloc : memref<!tpu.dma_semaphore, #tpu.memory_space<semaphore_mem>>
      %dma_start3A = arith.constant 0 : i32
      %dma_start3A_1750 = tpu.memref_slice %arg3[%add3A_1477, %dma_start3A] : memref<832x100000xf32, #tpu.memory_space<hbm>> -> memref<1x100000xf32, #tpu.memory_space<hbm>>
      %dma_start3A_1751 = tpu.memref_squeeze %dma_start3A_1750 : memref<1x100000xf32, #tpu.memory_space<hbm>> -> memref<100000xf32, #tpu.memory_space<hbm>>
      %dma_start3A_1752 = arith.constant 0 : i32
      %dma_start3A_1753 = tpu.memref_slice %arg3[%add3A_1477, %dma_start3A_1752] : memref<832x100000xf32, #tpu.memory_space<hbm>> -> memref<1x100000xf32, #tpu.memory_space<hbm>>
      %dma_start3A_1754 = tpu.memref_squeeze %dma_start3A_1753 : memref<1x100000xf32, #tpu.memory_space<hbm>> -> memref<100000xf32, #tpu.memory_space<hbm>>
      tpu.enqueue_dma source(%dma_start3A_1754 : memref<100000xf32, #tpu.memory_space<hbm>>) target(%arg5 : memref<100000xf32, #tpu.memory_space<vmem>>) target_semaphore(%run_scoped3A : memref<!tpu.dma_semaphore, #tpu.memory_space<semaphore_mem>>)
      %dma_wait3A = arith.constant 0 : i32
      %dma_wait3A_1755 = tpu.memref_slice %arg3[%add3A_1477, %dma_wait3A] : memref<832x100000xf32, #tpu.memory_space<hbm>> -> memref<1x100000xf32, #tpu.memory_space<hbm>>
      %dma_wait3A_1756 = tpu.memref_squeeze %dma_wait3A_1755 : memref<1x100000xf32, #tpu.memory_space<hbm>> -> memref<100000xf32, #tpu.memory_space<hbm>>
      %dma_wait3A_1757 = arith.constant 0 : i32
      %dma_wait3A_1758 = tpu.memref_slice %arg3[%add3A_1477, %dma_wait3A_1757] : memref<832x100000xf32, #tpu.memory_space<hbm>> -> memref<1x100000xf32, #tpu.memory_space<hbm>>
      %dma_wait3A_1759 = tpu.memref_squeeze %dma_wait3A_1758 : memref<1x100000xf32, #tpu.memory_space<hbm>> -> memref<100000xf32, #tpu.memory_space<hbm>>
      tpu.wait_dma2 semaphore(%run_scoped3A : memref<!tpu.dma_semaphore, #tpu.memory_space<semaphore_mem>>) src(%dma_wait3A_1759 : memref<100000xf32, #tpu.memory_space<hbm>>) dst(%arg5 : memref<100000xf32, #tpu.memory_space<vmem>>)
      tpu.yield
    }) : () -> ()
    %scan3A_1536 = arith.constant 0 : i32
    %scan3A_1537 = arith.constant 0 : i32
    %scan3A_1538 = arith.constant 256 : i32
    %scan3A_1539 = arith.addi %scan3A_1537, %scan3A_1538 : i32
    %scan3A_1540 = arith.constant 1 : i32
    %scan3A_1541 = scf.for %scan3A_1750 = %scan3A_1537 to %scan3A_1539 step %scan3A_1540 iter_args(%scan3A_1751 = %scan3A_1536) -> (i32)  : i32 {
      %mul3A_1752 = arith.constant 16 : i32
      %mul3A_1753 = arith.muli %scan3A_1750, %mul3A_1752 : i32
      %get3A = arith.index_cast %mul3A_1753 : i32 to index
      %get3A_1754 = tpu.vector_load %arg6[%get3A] {strides = array<i32>} : memref<4096xi32, #tpu.memory_space<vmem>>, vector<16xi32>,
      %gather3A = tpu.vector_load_idx %arg5[%get3A_1754] : memref<100000xf32, #tpu.memory_space<vmem>>[vector<16xi32>], vector<16xf32>,
      %mul3A_1755 = arith.constant 16 : i32
      %mul3A_1756 = arith.muli %scan3A_1750, %mul3A_1755 : i32
      %swap3A = arith.index_cast %mul3A_1756 : i32 to index
      %swap3A_1757 = tpu.vector_load %arg7[%swap3A] {strides = array<i32>} : memref<4096xf32, #tpu.memory_space<vmem>>, vector<16xf32>,
      tpu.vector_store %arg7[%swap3A], %gather3A {strides = array<i32>} : memref<4096xf32, #tpu.memory_space<vmem>>, vector<16xf32>,
      %scan3A_1758 = arith.constant 0 : i32
      scf.yield %scan3A_1758 : i32
    }
    %scan3A_1542 = arith.constant 256 : i32
    "tpu.region"() ({
      %run_scoped3A = tpu.sem_alloc : memref<!tpu.dma_semaphore, #tpu.memory_space<semaphore_mem>>
      %dma_start3A = arith.constant 0 : i32
      %dma_start3A_1750 = tpu.memref_slice %arg4[%add3A_1477, %dma_start3A] : memref<832x4096xf32, #tpu.memory_space<hbm>> -> memref<1x4096xf32, #tpu.memory_space<hbm>>
      %dma_start3A_1751 = tpu.memref_squeeze %dma_start3A_1750 : memref<1x4096xf32, #tpu.memory_space<hbm>> -> memref<4096xf32, #tpu.memory_space<hbm>>
      %dma_start3A_1752 = arith.constant 0 : i32
      %dma_start3A_1753 = tpu.memref_slice %arg4[%add3A_1477, %dma_start3A_1752] : memref<832x4096xf32, #tpu.memory_space<hbm>> -> memref<1x4096xf32, #tpu.memory_space<hbm>>
      %dma_start3A_1754 = tpu.memref_squeeze %dma_start3A_1753 : memref<1x4096xf32, #tpu.memory_space<hbm>> -> memref<4096xf32, #tpu.memory_space<hbm>>
      tpu.enqueue_dma source(%arg7 : memref<4096xf32, #tpu.memory_space<vmem>>) target(%dma_start3A_1754 : memref<4096xf32, #tpu.memory_space<hbm>>) target_semaphore(%run_scoped3A : memref<!tpu.dma_semaphore, #tpu.memory_space<semaphore_mem>>)
      %dma_wait3A = arith.constant 0 : i32
      %dma_wait3A_1755 = tpu.memref_slice %arg4[%add3A_1477, %dma_wait3A] : memref<832x4096xf32, #tpu.memory_space<hbm>> -> memref<1x4096xf32, #tpu.memory_space<hbm>>
      %dma_wait3A_1756 = tpu.memref_squeeze %dma_wait3A_1755 : memref<1x4096xf32, #tpu.memory_space<hbm>> -> memref<4096xf32, #tpu.memory_space<hbm>>
      %dma_wait3A_1757 = arith.constant 0 : i32
      %dma_wait3A_1758 = tpu.memref_slice %arg4[%add3A_1477, %dma_wait3A_1757] : memref<832x4096xf32, #tpu.memory_space<hbm>> -> memref<1x4096xf32, #tpu.memory_space<hbm>>
      %dma_wait3A_1759 = tpu.memref_squeeze %dma_wait3A_1758 : memref<1x4096xf32, #tpu.memory_space<hbm>> -> memref<4096xf32, #tpu.memory_space<hbm>>
      tpu.wait_dma2 semaphore(%run_scoped3A : memref<!tpu.dma_semaphore, #tpu.memory_space<semaphore_mem>>) src(%arg7 : memref<4096xf32, #tpu.memory_space<vmem>>) dst(%dma_wait3A_1759 : memref<4096xf32, #tpu.memory_space<hbm>>)
      tpu.yield
    }) : () -> ()
    %mul3A_1543 = arith.constant 26 : i32
    %mul3A_1544 = arith.muli %add3A, %mul3A_1543 : i32
    %add3A_1545 = arith.constant 23 : i32
    %add3A_1546 = arith.addi %mul3A_1544, %add3A_1545 : i32
    %jit3A_1547 = arith.constant 32 : i32
    %div3A_1548 = arith.divsi %add3A_1546, %jit3A_1547 : i32
    %sign3A_1549 = arith.constant 0 : i32
    %sign3A_1550 = arith.cmpi sgt, %add3A_1546, %sign3A_1549 : i32
    %sign3A_1551 = arith.extui %sign3A_1550 : i1 to i32
    %sign3A_1552 = arith.constant 0 : i32
    %sign3A_1553 = arith.cmpi slt, %add3A_1546, %sign3A_1552 : i32
    %sign3A_1554 = arith.extui %sign3A_1553 : i1 to i32
    %sign3A_1555 = arith.subi %sign3A_1551, %sign3A_1554 : i32
    %sign3A_1556 = arith.constant 0 : i32
    %sign3A_1557 = arith.cmpi sgt, %jit3A_1547, %sign3A_1556 : i32
    %sign3A_1558 = arith.extui %sign3A_1557 : i1 to i32
    %sign3A_1559 = arith.constant 0 : i32
    %sign3A_1560 = arith.cmpi slt, %jit3A_1547, %sign3A_1559 : i32
    %sign3A_1561 = arith.extui %sign3A_1560 : i1 to i32
    %sign3A_1562 = arith.subi %sign3A_1558, %sign3A_1561 : i32
    %ne3A_1563 = arith.cmpi ne, %sign3A_1555, %sign3A_1562 : i32
    %rem3A_1564 = arith.remsi %add3A_1546, %jit3A_1547 : i32
    %ne3A_1565 = arith.constant 0 : i32
    %ne3A_1566 = arith.cmpi ne, %rem3A_1564, %ne3A_1565 : i32
    %and3A_1567 = arith.andi %ne3A_1563, %ne3A_1566 : i1
    %sub3A_1568 = arith.constant 1 : i32
    %sub3A_1569 = arith.subi %div3A_1548, %sub3A_1568 : i32
    %select_n3A_1570 = arith.select %and3A_1567, %sub3A_1569, %div3A_1548 : i32
    %mul3A_1571 = arith.constant 26 : i32
    %mul3A_1572 = arith.muli %add3A, %mul3A_1571 : i32
    %add3A_1573 = arith.constant 23 : i32
    %add3A_1574 = arith.addi %mul3A_1572, %add3A_1573 : i32
    %sub3A_1575 = arith.constant 1 : i32
    %sub3A_1576 = arith.subi %add3A_1574, %sub3A_1575 : i32
    %jit3A_1577 = arith.constant 32 : i32
    %div3A_1578 = arith.divsi %sub3A_1576, %jit3A_1577 : i32
    %sign3A_1579 = arith.constant 0 : i32
    %sign3A_1580 = arith.cmpi sgt, %sub3A_1576, %sign3A_1579 : i32
    %sign3A_1581 = arith.extui %sign3A_1580 : i1 to i32
    %sign3A_1582 = arith.constant 0 : i32
    %sign3A_1583 = arith.cmpi slt, %sub3A_1576, %sign3A_1582 : i32
    %sign3A_1584 = arith.extui %sign3A_1583 : i1 to i32
    %sign3A_1585 = arith.subi %sign3A_1581, %sign3A_1584 : i32
    %sign3A_1586 = arith.constant 0 : i32
    %sign3A_1587 = arith.cmpi sgt, %jit3A_1577, %sign3A_1586 : i32
    %sign3A_1588 = arith.extui %sign3A_1587 : i1 to i32
    %sign3A_1589 = arith.constant 0 : i32
    %sign3A_1590 = arith.cmpi slt, %jit3A_1577, %sign3A_1589 : i32
    %sign3A_1591 = arith.extui %sign3A_1590 : i1 to i32
    %sign3A_1592 = arith.subi %sign3A_1588, %sign3A_1591 : i32
    %ne3A_1593 = arith.cmpi ne, %sign3A_1585, %sign3A_1592 : i32
    %rem3A_1594 = arith.remsi %sub3A_1576, %jit3A_1577 : i32
    %ne3A_1595 = arith.constant 0 : i32
    %ne3A_1596 = arith.cmpi ne, %rem3A_1594, %ne3A_1595 : i32
    %and3A_1597 = arith.andi %ne3A_1593, %ne3A_1596 : i1
    %sub3A_1598 = arith.constant 1 : i32
    %sub3A_1599 = arith.subi %div3A_1578, %sub3A_1598 : i32
    %select_n3A_1600 = arith.select %and3A_1597, %sub3A_1599, %div3A_1578 : i32
    %ne3A_1601 = arith.cmpi ne, %select_n3A_1570, %select_n3A_1600 : i32
    %convert_element_type3A_1602 = arith.extui %ne3A_1601 : i1 to i32
    %cond3A_1603 = arith.constant 0 : i32
    %cond3A_1604 = arith.cmpi ne, %convert_element_type3A_1602, %cond3A_1603 : i32
    scf.if %cond3A_1604 {
      "tpu.region"() ({
        %run_scoped3A = tpu.sem_alloc : memref<!tpu.dma_semaphore, #tpu.memory_space<semaphore_mem>>
        %dma_start3A = arith.constant 0 : i32
        %dma_start3A_1750 = tpu.memref_slice %arg2[%select_n3A_1570, %dma_start3A] : memref<26x4096xi32, #tpu.memory_space<hbm>> -> memref<1x4096xi32, #tpu.memory_space<hbm>>
        %dma_start3A_1751 = tpu.memref_squeeze %dma_start3A_1750 : memref<1x4096xi32, #tpu.memory_space<hbm>> -> memref<4096xi32, #tpu.memory_space<hbm>>
        %dma_start3A_1752 = arith.constant 0 : i32
        %dma_start3A_1753 = tpu.memref_slice %arg2[%select_n3A_1570, %dma_start3A_1752] : memref<26x4096xi32, #tpu.memory_space<hbm>> -> memref<1x4096xi32, #tpu.memory_space<hbm>>
        %dma_start3A_1754 = tpu.memref_squeeze %dma_start3A_1753 : memref<1x4096xi32, #tpu.memory_space<hbm>> -> memref<4096xi32, #tpu.memory_space<hbm>>
        tpu.enqueue_dma source(%dma_start3A_1754 : memref<4096xi32, #tpu.memory_space<hbm>>) target(%arg6 : memref<4096xi32, #tpu.memory_space<vmem>>) target_semaphore(%run_scoped3A : memref<!tpu.dma_semaphore, #tpu.memory_space<semaphore_mem>>)
        %dma_wait3A = arith.constant 0 : i32
        %dma_wait3A_1755 = tpu.memref_slice %arg2[%select_n3A_1570, %dma_wait3A] : memref<26x4096xi32, #tpu.memory_space<hbm>> -> memref<1x4096xi32, #tpu.memory_space<hbm>>
        %dma_wait3A_1756 = tpu.memref_squeeze %dma_wait3A_1755 : memref<1x4096xi32, #tpu.memory_space<hbm>> -> memref<4096xi32, #tpu.memory_space<hbm>>
        %dma_wait3A_1757 = arith.constant 0 : i32
        %dma_wait3A_1758 = tpu.memref_slice %arg2[%select_n3A_1570, %dma_wait3A_1757] : memref<26x4096xi32, #tpu.memory_space<hbm>> -> memref<1x4096xi32, #tpu.memory_space<hbm>>
        %dma_wait3A_1759 = tpu.memref_squeeze %dma_wait3A_1758 : memref<1x4096xi32, #tpu.memory_space<hbm>> -> memref<4096xi32, #tpu.memory_space<hbm>>
        tpu.wait_dma2 semaphore(%run_scoped3A : memref<!tpu.dma_semaphore, #tpu.memory_space<semaphore_mem>>) src(%dma_wait3A_1759 : memref<4096xi32, #tpu.memory_space<hbm>>) dst(%arg6 : memref<4096xi32, #tpu.memory_space<vmem>>)
        tpu.yield
      }) : () -> ()
    } else {
    }
    "tpu.region"() ({
      %run_scoped3A = tpu.sem_alloc : memref<!tpu.dma_semaphore, #tpu.memory_space<semaphore_mem>>
      %dma_start3A = arith.constant 0 : i32
      %dma_start3A_1750 = tpu.memref_slice %arg3[%add3A_1546, %dma_start3A] : memref<832x100000xf32, #tpu.memory_space<hbm>> -> memref<1x100000xf32, #tpu.memory_space<hbm>>
      %dma_start3A_1751 = tpu.memref_squeeze %dma_start3A_1750 : memref<1x100000xf32, #tpu.memory_space<hbm>> -> memref<100000xf32, #tpu.memory_space<hbm>>
      %dma_start3A_1752 = arith.constant 0 : i32
      %dma_start3A_1753 = tpu.memref_slice %arg3[%add3A_1546, %dma_start3A_1752] : memref<832x100000xf32, #tpu.memory_space<hbm>> -> memref<1x100000xf32, #tpu.memory_space<hbm>>
      %dma_start3A_1754 = tpu.memref_squeeze %dma_start3A_1753 : memref<1x100000xf32, #tpu.memory_space<hbm>> -> memref<100000xf32, #tpu.memory_space<hbm>>
      tpu.enqueue_dma source(%dma_start3A_1754 : memref<100000xf32, #tpu.memory_space<hbm>>) target(%arg5 : memref<100000xf32, #tpu.memory_space<vmem>>) target_semaphore(%run_scoped3A : memref<!tpu.dma_semaphore, #tpu.memory_space<semaphore_mem>>)
      %dma_wait3A = arith.constant 0 : i32
      %dma_wait3A_1755 = tpu.memref_slice %arg3[%add3A_1546, %dma_wait3A] : memref<832x100000xf32, #tpu.memory_space<hbm>> -> memref<1x100000xf32, #tpu.memory_space<hbm>>
      %dma_wait3A_1756 = tpu.memref_squeeze %dma_wait3A_1755 : memref<1x100000xf32, #tpu.memory_space<hbm>> -> memref<100000xf32, #tpu.memory_space<hbm>>
      %dma_wait3A_1757 = arith.constant 0 : i32
      %dma_wait3A_1758 = tpu.memref_slice %arg3[%add3A_1546, %dma_wait3A_1757] : memref<832x100000xf32, #tpu.memory_space<hbm>> -> memref<1x100000xf32, #tpu.memory_space<hbm>>
      %dma_wait3A_1759 = tpu.memref_squeeze %dma_wait3A_1758 : memref<1x100000xf32, #tpu.memory_space<hbm>> -> memref<100000xf32, #tpu.memory_space<hbm>>
      tpu.wait_dma2 semaphore(%run_scoped3A : memref<!tpu.dma_semaphore, #tpu.memory_space<semaphore_mem>>) src(%dma_wait3A_1759 : memref<100000xf32, #tpu.memory_space<hbm>>) dst(%arg5 : memref<100000xf32, #tpu.memory_space<vmem>>)
      tpu.yield
    }) : () -> ()
    %scan3A_1605 = arith.constant 0 : i32
    %scan3A_1606 = arith.constant 0 : i32
    %scan3A_1607 = arith.constant 256 : i32
    %scan3A_1608 = arith.addi %scan3A_1606, %scan3A_1607 : i32
    %scan3A_1609 = arith.constant 1 : i32
    %scan3A_1610 = scf.for %scan3A_1750 = %scan3A_1606 to %scan3A_1608 step %scan3A_1609 iter_args(%scan3A_1751 = %scan3A_1605) -> (i32)  : i32 {
      %mul3A_1752 = arith.constant 16 : i32
      %mul3A_1753 = arith.muli %scan3A_1750, %mul3A_1752 : i32
      %get3A = arith.index_cast %mul3A_1753 : i32 to index
      %get3A_1754 = tpu.vector_load %arg6[%get3A] {strides = array<i32>} : memref<4096xi32, #tpu.memory_space<vmem>>, vector<16xi32>,
      %gather3A = tpu.vector_load_idx %arg5[%get3A_1754] : memref<100000xf32, #tpu.memory_space<vmem>>[vector<16xi32>], vector<16xf32>,
      %mul3A_1755 = arith.constant 16 : i32
      %mul3A_1756 = arith.muli %scan3A_1750, %mul3A_1755 : i32
      %swap3A = arith.index_cast %mul3A_1756 : i32 to index
      %swap3A_1757 = tpu.vector_load %arg7[%swap3A] {strides = array<i32>} : memref<4096xf32, #tpu.memory_space<vmem>>, vector<16xf32>,
      tpu.vector_store %arg7[%swap3A], %gather3A {strides = array<i32>} : memref<4096xf32, #tpu.memory_space<vmem>>, vector<16xf32>,
      %scan3A_1758 = arith.constant 0 : i32
      scf.yield %scan3A_1758 : i32
    }
    %scan3A_1611 = arith.constant 256 : i32
    "tpu.region"() ({
      %run_scoped3A = tpu.sem_alloc : memref<!tpu.dma_semaphore, #tpu.memory_space<semaphore_mem>>
      %dma_start3A = arith.constant 0 : i32
      %dma_start3A_1750 = tpu.memref_slice %arg4[%add3A_1546, %dma_start3A] : memref<832x4096xf32, #tpu.memory_space<hbm>> -> memref<1x4096xf32, #tpu.memory_space<hbm>>
      %dma_start3A_1751 = tpu.memref_squeeze %dma_start3A_1750 : memref<1x4096xf32, #tpu.memory_space<hbm>> -> memref<4096xf32, #tpu.memory_space<hbm>>
      %dma_start3A_1752 = arith.constant 0 : i32
      %dma_start3A_1753 = tpu.memref_slice %arg4[%add3A_1546, %dma_start3A_1752] : memref<832x4096xf32, #tpu.memory_space<hbm>> -> memref<1x4096xf32, #tpu.memory_space<hbm>>
      %dma_start3A_1754 = tpu.memref_squeeze %dma_start3A_1753 : memref<1x4096xf32, #tpu.memory_space<hbm>> -> memref<4096xf32, #tpu.memory_space<hbm>>
      tpu.enqueue_dma source(%arg7 : memref<4096xf32, #tpu.memory_space<vmem>>) target(%dma_start3A_1754 : memref<4096xf32, #tpu.memory_space<hbm>>) target_semaphore(%run_scoped3A : memref<!tpu.dma_semaphore, #tpu.memory_space<semaphore_mem>>)
      %dma_wait3A = arith.constant 0 : i32
      %dma_wait3A_1755 = tpu.memref_slice %arg4[%add3A_1546, %dma_wait3A] : memref<832x4096xf32, #tpu.memory_space<hbm>> -> memref<1x4096xf32, #tpu.memory_space<hbm>>
      %dma_wait3A_1756 = tpu.memref_squeeze %dma_wait3A_1755 : memref<1x4096xf32, #tpu.memory_space<hbm>> -> memref<4096xf32, #tpu.memory_space<hbm>>
      %dma_wait3A_1757 = arith.constant 0 : i32
      %dma_wait3A_1758 = tpu.memref_slice %arg4[%add3A_1546, %dma_wait3A_1757] : memref<832x4096xf32, #tpu.memory_space<hbm>> -> memref<1x4096xf32, #tpu.memory_space<hbm>>
      %dma_wait3A_1759 = tpu.memref_squeeze %dma_wait3A_1758 : memref<1x4096xf32, #tpu.memory_space<hbm>> -> memref<4096xf32, #tpu.memory_space<hbm>>
      tpu.wait_dma2 semaphore(%run_scoped3A : memref<!tpu.dma_semaphore, #tpu.memory_space<semaphore_mem>>) src(%arg7 : memref<4096xf32, #tpu.memory_space<vmem>>) dst(%dma_wait3A_1759 : memref<4096xf32, #tpu.memory_space<hbm>>)
      tpu.yield
    }) : () -> ()
    %mul3A_1612 = arith.constant 26 : i32
    %mul3A_1613 = arith.muli %add3A, %mul3A_1612 : i32
    %add3A_1614 = arith.constant 24 : i32
    %add3A_1615 = arith.addi %mul3A_1613, %add3A_1614 : i32
    %jit3A_1616 = arith.constant 32 : i32
    %div3A_1617 = arith.divsi %add3A_1615, %jit3A_1616 : i32
    %sign3A_1618 = arith.constant 0 : i32
    %sign3A_1619 = arith.cmpi sgt, %add3A_1615, %sign3A_1618 : i32
    %sign3A_1620 = arith.extui %sign3A_1619 : i1 to i32
    %sign3A_1621 = arith.constant 0 : i32
    %sign3A_1622 = arith.cmpi slt, %add3A_1615, %sign3A_1621 : i32
    %sign3A_1623 = arith.extui %sign3A_1622 : i1 to i32
    %sign3A_1624 = arith.subi %sign3A_1620, %sign3A_1623 : i32
    %sign3A_1625 = arith.constant 0 : i32
    %sign3A_1626 = arith.cmpi sgt, %jit3A_1616, %sign3A_1625 : i32
    %sign3A_1627 = arith.extui %sign3A_1626 : i1 to i32
    %sign3A_1628 = arith.constant 0 : i32
    %sign3A_1629 = arith.cmpi slt, %jit3A_1616, %sign3A_1628 : i32
    %sign3A_1630 = arith.extui %sign3A_1629 : i1 to i32
    %sign3A_1631 = arith.subi %sign3A_1627, %sign3A_1630 : i32
    %ne3A_1632 = arith.cmpi ne, %sign3A_1624, %sign3A_1631 : i32
    %rem3A_1633 = arith.remsi %add3A_1615, %jit3A_1616 : i32
    %ne3A_1634 = arith.constant 0 : i32
    %ne3A_1635 = arith.cmpi ne, %rem3A_1633, %ne3A_1634 : i32
    %and3A_1636 = arith.andi %ne3A_1632, %ne3A_1635 : i1
    %sub3A_1637 = arith.constant 1 : i32
    %sub3A_1638 = arith.subi %div3A_1617, %sub3A_1637 : i32
    %select_n3A_1639 = arith.select %and3A_1636, %sub3A_1638, %div3A_1617 : i32
    %mul3A_1640 = arith.constant 26 : i32
    %mul3A_1641 = arith.muli %add3A, %mul3A_1640 : i32
    %add3A_1642 = arith.constant 24 : i32
    %add3A_1643 = arith.addi %mul3A_1641, %add3A_1642 : i32
    %sub3A_1644 = arith.constant 1 : i32
    %sub3A_1645 = arith.subi %add3A_1643, %sub3A_1644 : i32
    %jit3A_1646 = arith.constant 32 : i32
    %div3A_1647 = arith.divsi %sub3A_1645, %jit3A_1646 : i32
    %sign3A_1648 = arith.constant 0 : i32
    %sign3A_1649 = arith.cmpi sgt, %sub3A_1645, %sign3A_1648 : i32
    %sign3A_1650 = arith.extui %sign3A_1649 : i1 to i32
    %sign3A_1651 = arith.constant 0 : i32
    %sign3A_1652 = arith.cmpi slt, %sub3A_1645, %sign3A_1651 : i32
    %sign3A_1653 = arith.extui %sign3A_1652 : i1 to i32
    %sign3A_1654 = arith.subi %sign3A_1650, %sign3A_1653 : i32
    %sign3A_1655 = arith.constant 0 : i32
    %sign3A_1656 = arith.cmpi sgt, %jit3A_1646, %sign3A_1655 : i32
    %sign3A_1657 = arith.extui %sign3A_1656 : i1 to i32
    %sign3A_1658 = arith.constant 0 : i32
    %sign3A_1659 = arith.cmpi slt, %jit3A_1646, %sign3A_1658 : i32
    %sign3A_1660 = arith.extui %sign3A_1659 : i1 to i32
    %sign3A_1661 = arith.subi %sign3A_1657, %sign3A_1660 : i32
    %ne3A_1662 = arith.cmpi ne, %sign3A_1654, %sign3A_1661 : i32
    %rem3A_1663 = arith.remsi %sub3A_1645, %jit3A_1646 : i32
    %ne3A_1664 = arith.constant 0 : i32
    %ne3A_1665 = arith.cmpi ne, %rem3A_1663, %ne3A_1664 : i32
    %and3A_1666 = arith.andi %ne3A_1662, %ne3A_1665 : i1
    %sub3A_1667 = arith.constant 1 : i32
    %sub3A_1668 = arith.subi %div3A_1647, %sub3A_1667 : i32
    %select_n3A_1669 = arith.select %and3A_1666, %sub3A_1668, %div3A_1647 : i32
    %ne3A_1670 = arith.cmpi ne, %select_n3A_1639, %select_n3A_1669 : i32
    %convert_element_type3A_1671 = arith.extui %ne3A_1670 : i1 to i32
    %cond3A_1672 = arith.constant 0 : i32
    %cond3A_1673 = arith.cmpi ne, %convert_element_type3A_1671, %cond3A_1672 : i32
    scf.if %cond3A_1673 {
      "tpu.region"() ({
        %run_scoped3A = tpu.sem_alloc : memref<!tpu.dma_semaphore, #tpu.memory_space<semaphore_mem>>
        %dma_start3A = arith.constant 0 : i32
        %dma_start3A_1750 = tpu.memref_slice %arg2[%select_n3A_1639, %dma_start3A] : memref<26x4096xi32, #tpu.memory_space<hbm>> -> memref<1x4096xi32, #tpu.memory_space<hbm>>
        %dma_start3A_1751 = tpu.memref_squeeze %dma_start3A_1750 : memref<1x4096xi32, #tpu.memory_space<hbm>> -> memref<4096xi32, #tpu.memory_space<hbm>>
        %dma_start3A_1752 = arith.constant 0 : i32
        %dma_start3A_1753 = tpu.memref_slice %arg2[%select_n3A_1639, %dma_start3A_1752] : memref<26x4096xi32, #tpu.memory_space<hbm>> -> memref<1x4096xi32, #tpu.memory_space<hbm>>
        %dma_start3A_1754 = tpu.memref_squeeze %dma_start3A_1753 : memref<1x4096xi32, #tpu.memory_space<hbm>> -> memref<4096xi32, #tpu.memory_space<hbm>>
        tpu.enqueue_dma source(%dma_start3A_1754 : memref<4096xi32, #tpu.memory_space<hbm>>) target(%arg6 : memref<4096xi32, #tpu.memory_space<vmem>>) target_semaphore(%run_scoped3A : memref<!tpu.dma_semaphore, #tpu.memory_space<semaphore_mem>>)
        %dma_wait3A = arith.constant 0 : i32
        %dma_wait3A_1755 = tpu.memref_slice %arg2[%select_n3A_1639, %dma_wait3A] : memref<26x4096xi32, #tpu.memory_space<hbm>> -> memref<1x4096xi32, #tpu.memory_space<hbm>>
        %dma_wait3A_1756 = tpu.memref_squeeze %dma_wait3A_1755 : memref<1x4096xi32, #tpu.memory_space<hbm>> -> memref<4096xi32, #tpu.memory_space<hbm>>
        %dma_wait3A_1757 = arith.constant 0 : i32
        %dma_wait3A_1758 = tpu.memref_slice %arg2[%select_n3A_1639, %dma_wait3A_1757] : memref<26x4096xi32, #tpu.memory_space<hbm>> -> memref<1x4096xi32, #tpu.memory_space<hbm>>
        %dma_wait3A_1759 = tpu.memref_squeeze %dma_wait3A_1758 : memref<1x4096xi32, #tpu.memory_space<hbm>> -> memref<4096xi32, #tpu.memory_space<hbm>>
        tpu.wait_dma2 semaphore(%run_scoped3A : memref<!tpu.dma_semaphore, #tpu.memory_space<semaphore_mem>>) src(%dma_wait3A_1759 : memref<4096xi32, #tpu.memory_space<hbm>>) dst(%arg6 : memref<4096xi32, #tpu.memory_space<vmem>>)
        tpu.yield
      }) : () -> ()
    } else {
    }
    "tpu.region"() ({
      %run_scoped3A = tpu.sem_alloc : memref<!tpu.dma_semaphore, #tpu.memory_space<semaphore_mem>>
      %dma_start3A = arith.constant 0 : i32
      %dma_start3A_1750 = tpu.memref_slice %arg3[%add3A_1615, %dma_start3A] : memref<832x100000xf32, #tpu.memory_space<hbm>> -> memref<1x100000xf32, #tpu.memory_space<hbm>>
      %dma_start3A_1751 = tpu.memref_squeeze %dma_start3A_1750 : memref<1x100000xf32, #tpu.memory_space<hbm>> -> memref<100000xf32, #tpu.memory_space<hbm>>
      %dma_start3A_1752 = arith.constant 0 : i32
      %dma_start3A_1753 = tpu.memref_slice %arg3[%add3A_1615, %dma_start3A_1752] : memref<832x100000xf32, #tpu.memory_space<hbm>> -> memref<1x100000xf32, #tpu.memory_space<hbm>>
      %dma_start3A_1754 = tpu.memref_squeeze %dma_start3A_1753 : memref<1x100000xf32, #tpu.memory_space<hbm>> -> memref<100000xf32, #tpu.memory_space<hbm>>
      tpu.enqueue_dma source(%dma_start3A_1754 : memref<100000xf32, #tpu.memory_space<hbm>>) target(%arg5 : memref<100000xf32, #tpu.memory_space<vmem>>) target_semaphore(%run_scoped3A : memref<!tpu.dma_semaphore, #tpu.memory_space<semaphore_mem>>)
      %dma_wait3A = arith.constant 0 : i32
      %dma_wait3A_1755 = tpu.memref_slice %arg3[%add3A_1615, %dma_wait3A] : memref<832x100000xf32, #tpu.memory_space<hbm>> -> memref<1x100000xf32, #tpu.memory_space<hbm>>
      %dma_wait3A_1756 = tpu.memref_squeeze %dma_wait3A_1755 : memref<1x100000xf32, #tpu.memory_space<hbm>> -> memref<100000xf32, #tpu.memory_space<hbm>>
      %dma_wait3A_1757 = arith.constant 0 : i32
      %dma_wait3A_1758 = tpu.memref_slice %arg3[%add3A_1615, %dma_wait3A_1757] : memref<832x100000xf32, #tpu.memory_space<hbm>> -> memref<1x100000xf32, #tpu.memory_space<hbm>>
      %dma_wait3A_1759 = tpu.memref_squeeze %dma_wait3A_1758 : memref<1x100000xf32, #tpu.memory_space<hbm>> -> memref<100000xf32, #tpu.memory_space<hbm>>
      tpu.wait_dma2 semaphore(%run_scoped3A : memref<!tpu.dma_semaphore, #tpu.memory_space<semaphore_mem>>) src(%dma_wait3A_1759 : memref<100000xf32, #tpu.memory_space<hbm>>) dst(%arg5 : memref<100000xf32, #tpu.memory_space<vmem>>)
      tpu.yield
    }) : () -> ()
    %scan3A_1674 = arith.constant 0 : i32
    %scan3A_1675 = arith.constant 0 : i32
    %scan3A_1676 = arith.constant 256 : i32
    %scan3A_1677 = arith.addi %scan3A_1675, %scan3A_1676 : i32
    %scan3A_1678 = arith.constant 1 : i32
    %scan3A_1679 = scf.for %scan3A_1750 = %scan3A_1675 to %scan3A_1677 step %scan3A_1678 iter_args(%scan3A_1751 = %scan3A_1674) -> (i32)  : i32 {
      %mul3A_1752 = arith.constant 16 : i32
      %mul3A_1753 = arith.muli %scan3A_1750, %mul3A_1752 : i32
      %get3A = arith.index_cast %mul3A_1753 : i32 to index
      %get3A_1754 = tpu.vector_load %arg6[%get3A] {strides = array<i32>} : memref<4096xi32, #tpu.memory_space<vmem>>, vector<16xi32>,
      %gather3A = tpu.vector_load_idx %arg5[%get3A_1754] : memref<100000xf32, #tpu.memory_space<vmem>>[vector<16xi32>], vector<16xf32>,
      %mul3A_1755 = arith.constant 16 : i32
      %mul3A_1756 = arith.muli %scan3A_1750, %mul3A_1755 : i32
      %swap3A = arith.index_cast %mul3A_1756 : i32 to index
      %swap3A_1757 = tpu.vector_load %arg7[%swap3A] {strides = array<i32>} : memref<4096xf32, #tpu.memory_space<vmem>>, vector<16xf32>,
      tpu.vector_store %arg7[%swap3A], %gather3A {strides = array<i32>} : memref<4096xf32, #tpu.memory_space<vmem>>, vector<16xf32>,
      %scan3A_1758 = arith.constant 0 : i32
      scf.yield %scan3A_1758 : i32
    }
    %scan3A_1680 = arith.constant 256 : i32
    "tpu.region"() ({
      %run_scoped3A = tpu.sem_alloc : memref<!tpu.dma_semaphore, #tpu.memory_space<semaphore_mem>>
      %dma_start3A = arith.constant 0 : i32
      %dma_start3A_1750 = tpu.memref_slice %arg4[%add3A_1615, %dma_start3A] : memref<832x4096xf32, #tpu.memory_space<hbm>> -> memref<1x4096xf32, #tpu.memory_space<hbm>>
      %dma_start3A_1751 = tpu.memref_squeeze %dma_start3A_1750 : memref<1x4096xf32, #tpu.memory_space<hbm>> -> memref<4096xf32, #tpu.memory_space<hbm>>
      %dma_start3A_1752 = arith.constant 0 : i32
      %dma_start3A_1753 = tpu.memref_slice %arg4[%add3A_1615, %dma_start3A_1752] : memref<832x4096xf32, #tpu.memory_space<hbm>> -> memref<1x4096xf32, #tpu.memory_space<hbm>>
      %dma_start3A_1754 = tpu.memref_squeeze %dma_start3A_1753 : memref<1x4096xf32, #tpu.memory_space<hbm>> -> memref<4096xf32, #tpu.memory_space<hbm>>
      tpu.enqueue_dma source(%arg7 : memref<4096xf32, #tpu.memory_space<vmem>>) target(%dma_start3A_1754 : memref<4096xf32, #tpu.memory_space<hbm>>) target_semaphore(%run_scoped3A : memref<!tpu.dma_semaphore, #tpu.memory_space<semaphore_mem>>)
      %dma_wait3A = arith.constant 0 : i32
      %dma_wait3A_1755 = tpu.memref_slice %arg4[%add3A_1615, %dma_wait3A] : memref<832x4096xf32, #tpu.memory_space<hbm>> -> memref<1x4096xf32, #tpu.memory_space<hbm>>
      %dma_wait3A_1756 = tpu.memref_squeeze %dma_wait3A_1755 : memref<1x4096xf32, #tpu.memory_space<hbm>> -> memref<4096xf32, #tpu.memory_space<hbm>>
      %dma_wait3A_1757 = arith.constant 0 : i32
      %dma_wait3A_1758 = tpu.memref_slice %arg4[%add3A_1615, %dma_wait3A_1757] : memref<832x4096xf32, #tpu.memory_space<hbm>> -> memref<1x4096xf32, #tpu.memory_space<hbm>>
      %dma_wait3A_1759 = tpu.memref_squeeze %dma_wait3A_1758 : memref<1x4096xf32, #tpu.memory_space<hbm>> -> memref<4096xf32, #tpu.memory_space<hbm>>
      tpu.wait_dma2 semaphore(%run_scoped3A : memref<!tpu.dma_semaphore, #tpu.memory_space<semaphore_mem>>) src(%arg7 : memref<4096xf32, #tpu.memory_space<vmem>>) dst(%dma_wait3A_1759 : memref<4096xf32, #tpu.memory_space<hbm>>)
      tpu.yield
    }) : () -> ()
    %mul3A_1681 = arith.constant 26 : i32
    %mul3A_1682 = arith.muli %add3A, %mul3A_1681 : i32
    %add3A_1683 = arith.constant 25 : i32
    %add3A_1684 = arith.addi %mul3A_1682, %add3A_1683 : i32
    %jit3A_1685 = arith.constant 32 : i32
    %div3A_1686 = arith.divsi %add3A_1684, %jit3A_1685 : i32
    %sign3A_1687 = arith.constant 0 : i32
    %sign3A_1688 = arith.cmpi sgt, %add3A_1684, %sign3A_1687 : i32
    %sign3A_1689 = arith.extui %sign3A_1688 : i1 to i32
    %sign3A_1690 = arith.constant 0 : i32
    %sign3A_1691 = arith.cmpi slt, %add3A_1684, %sign3A_1690 : i32
    %sign3A_1692 = arith.extui %sign3A_1691 : i1 to i32
    %sign3A_1693 = arith.subi %sign3A_1689, %sign3A_1692 : i32
    %sign3A_1694 = arith.constant 0 : i32
    %sign3A_1695 = arith.cmpi sgt, %jit3A_1685, %sign3A_1694 : i32
    %sign3A_1696 = arith.extui %sign3A_1695 : i1 to i32
    %sign3A_1697 = arith.constant 0 : i32
    %sign3A_1698 = arith.cmpi slt, %jit3A_1685, %sign3A_1697 : i32
    %sign3A_1699 = arith.extui %sign3A_1698 : i1 to i32
    %sign3A_1700 = arith.subi %sign3A_1696, %sign3A_1699 : i32
    %ne3A_1701 = arith.cmpi ne, %sign3A_1693, %sign3A_1700 : i32
    %rem3A_1702 = arith.remsi %add3A_1684, %jit3A_1685 : i32
    %ne3A_1703 = arith.constant 0 : i32
    %ne3A_1704 = arith.cmpi ne, %rem3A_1702, %ne3A_1703 : i32
    %and3A_1705 = arith.andi %ne3A_1701, %ne3A_1704 : i1
    %sub3A_1706 = arith.constant 1 : i32
    %sub3A_1707 = arith.subi %div3A_1686, %sub3A_1706 : i32
    %select_n3A_1708 = arith.select %and3A_1705, %sub3A_1707, %div3A_1686 : i32
    %mul3A_1709 = arith.constant 26 : i32
    %mul3A_1710 = arith.muli %add3A, %mul3A_1709 : i32
    %add3A_1711 = arith.constant 25 : i32
    %add3A_1712 = arith.addi %mul3A_1710, %add3A_1711 : i32
    %sub3A_1713 = arith.constant 1 : i32
    %sub3A_1714 = arith.subi %add3A_1712, %sub3A_1713 : i32
    %jit3A_1715 = arith.constant 32 : i32
    %div3A_1716 = arith.divsi %sub3A_1714, %jit3A_1715 : i32
    %sign3A_1717 = arith.constant 0 : i32
    %sign3A_1718 = arith.cmpi sgt, %sub3A_1714, %sign3A_1717 : i32
    %sign3A_1719 = arith.extui %sign3A_1718 : i1 to i32
    %sign3A_1720 = arith.constant 0 : i32
    %sign3A_1721 = arith.cmpi slt, %sub3A_1714, %sign3A_1720 : i32
    %sign3A_1722 = arith.extui %sign3A_1721 : i1 to i32
    %sign3A_1723 = arith.subi %sign3A_1719, %sign3A_1722 : i32
    %sign3A_1724 = arith.constant 0 : i32
    %sign3A_1725 = arith.cmpi sgt, %jit3A_1715, %sign3A_1724 : i32
    %sign3A_1726 = arith.extui %sign3A_1725 : i1 to i32
    %sign3A_1727 = arith.constant 0 : i32
    %sign3A_1728 = arith.cmpi slt, %jit3A_1715, %sign3A_1727 : i32
    %sign3A_1729 = arith.extui %sign3A_1728 : i1 to i32
    %sign3A_1730 = arith.subi %sign3A_1726, %sign3A_1729 : i32
    %ne3A_1731 = arith.cmpi ne, %sign3A_1723, %sign3A_1730 : i32
    %rem3A_1732 = arith.remsi %sub3A_1714, %jit3A_1715 : i32
    %ne3A_1733 = arith.constant 0 : i32
    %ne3A_1734 = arith.cmpi ne, %rem3A_1732, %ne3A_1733 : i32
    %and3A_1735 = arith.andi %ne3A_1731, %ne3A_1734 : i1
    %sub3A_1736 = arith.constant 1 : i32
    %sub3A_1737 = arith.subi %div3A_1716, %sub3A_1736 : i32
    %select_n3A_1738 = arith.select %and3A_1735, %sub3A_1737, %div3A_1716 : i32
    %ne3A_1739 = arith.cmpi ne, %select_n3A_1708, %select_n3A_1738 : i32
    %convert_element_type3A_1740 = arith.extui %ne3A_1739 : i1 to i32
    %cond3A_1741 = arith.constant 0 : i32
    %cond3A_1742 = arith.cmpi ne, %convert_element_type3A_1740, %cond3A_1741 : i32
    scf.if %cond3A_1742 {
      "tpu.region"() ({
        %run_scoped3A = tpu.sem_alloc : memref<!tpu.dma_semaphore, #tpu.memory_space<semaphore_mem>>
        %dma_start3A = arith.constant 0 : i32
        %dma_start3A_1750 = tpu.memref_slice %arg2[%select_n3A_1708, %dma_start3A] : memref<26x4096xi32, #tpu.memory_space<hbm>> -> memref<1x4096xi32, #tpu.memory_space<hbm>>
        %dma_start3A_1751 = tpu.memref_squeeze %dma_start3A_1750 : memref<1x4096xi32, #tpu.memory_space<hbm>> -> memref<4096xi32, #tpu.memory_space<hbm>>
        %dma_start3A_1752 = arith.constant 0 : i32
        %dma_start3A_1753 = tpu.memref_slice %arg2[%select_n3A_1708, %dma_start3A_1752] : memref<26x4096xi32, #tpu.memory_space<hbm>> -> memref<1x4096xi32, #tpu.memory_space<hbm>>
        %dma_start3A_1754 = tpu.memref_squeeze %dma_start3A_1753 : memref<1x4096xi32, #tpu.memory_space<hbm>> -> memref<4096xi32, #tpu.memory_space<hbm>>
        tpu.enqueue_dma source(%dma_start3A_1754 : memref<4096xi32, #tpu.memory_space<hbm>>) target(%arg6 : memref<4096xi32, #tpu.memory_space<vmem>>) target_semaphore(%run_scoped3A : memref<!tpu.dma_semaphore, #tpu.memory_space<semaphore_mem>>)
        %dma_wait3A = arith.constant 0 : i32
        %dma_wait3A_1755 = tpu.memref_slice %arg2[%select_n3A_1708, %dma_wait3A] : memref<26x4096xi32, #tpu.memory_space<hbm>> -> memref<1x4096xi32, #tpu.memory_space<hbm>>
        %dma_wait3A_1756 = tpu.memref_squeeze %dma_wait3A_1755 : memref<1x4096xi32, #tpu.memory_space<hbm>> -> memref<4096xi32, #tpu.memory_space<hbm>>
        %dma_wait3A_1757 = arith.constant 0 : i32
        %dma_wait3A_1758 = tpu.memref_slice %arg2[%select_n3A_1708, %dma_wait3A_1757] : memref<26x4096xi32, #tpu.memory_space<hbm>> -> memref<1x4096xi32, #tpu.memory_space<hbm>>
        %dma_wait3A_1759 = tpu.memref_squeeze %dma_wait3A_1758 : memref<1x4096xi32, #tpu.memory_space<hbm>> -> memref<4096xi32, #tpu.memory_space<hbm>>
        tpu.wait_dma2 semaphore(%run_scoped3A : memref<!tpu.dma_semaphore, #tpu.memory_space<semaphore_mem>>) src(%dma_wait3A_1759 : memref<4096xi32, #tpu.memory_space<hbm>>) dst(%arg6 : memref<4096xi32, #tpu.memory_space<vmem>>)
        tpu.yield
      }) : () -> ()
    } else {
    }
    "tpu.region"() ({
      %run_scoped3A = tpu.sem_alloc : memref<!tpu.dma_semaphore, #tpu.memory_space<semaphore_mem>>
      %dma_start3A = arith.constant 0 : i32
      %dma_start3A_1750 = tpu.memref_slice %arg3[%add3A_1684, %dma_start3A] : memref<832x100000xf32, #tpu.memory_space<hbm>> -> memref<1x100000xf32, #tpu.memory_space<hbm>>
      %dma_start3A_1751 = tpu.memref_squeeze %dma_start3A_1750 : memref<1x100000xf32, #tpu.memory_space<hbm>> -> memref<100000xf32, #tpu.memory_space<hbm>>
      %dma_start3A_1752 = arith.constant 0 : i32
      %dma_start3A_1753 = tpu.memref_slice %arg3[%add3A_1684, %dma_start3A_1752] : memref<832x100000xf32, #tpu.memory_space<hbm>> -> memref<1x100000xf32, #tpu.memory_space<hbm>>
      %dma_start3A_1754 = tpu.memref_squeeze %dma_start3A_1753 : memref<1x100000xf32, #tpu.memory_space<hbm>> -> memref<100000xf32, #tpu.memory_space<hbm>>
      tpu.enqueue_dma source(%dma_start3A_1754 : memref<100000xf32, #tpu.memory_space<hbm>>) target(%arg5 : memref<100000xf32, #tpu.memory_space<vmem>>) target_semaphore(%run_scoped3A : memref<!tpu.dma_semaphore, #tpu.memory_space<semaphore_mem>>)
      %dma_wait3A = arith.constant 0 : i32
      %dma_wait3A_1755 = tpu.memref_slice %arg3[%add3A_1684, %dma_wait3A] : memref<832x100000xf32, #tpu.memory_space<hbm>> -> memref<1x100000xf32, #tpu.memory_space<hbm>>
      %dma_wait3A_1756 = tpu.memref_squeeze %dma_wait3A_1755 : memref<1x100000xf32, #tpu.memory_space<hbm>> -> memref<100000xf32, #tpu.memory_space<hbm>>
      %dma_wait3A_1757 = arith.constant 0 : i32
      %dma_wait3A_1758 = tpu.memref_slice %arg3[%add3A_1684, %dma_wait3A_1757] : memref<832x100000xf32, #tpu.memory_space<hbm>> -> memref<1x100000xf32, #tpu.memory_space<hbm>>
      %dma_wait3A_1759 = tpu.memref_squeeze %dma_wait3A_1758 : memref<1x100000xf32, #tpu.memory_space<hbm>> -> memref<100000xf32, #tpu.memory_space<hbm>>
      tpu.wait_dma2 semaphore(%run_scoped3A : memref<!tpu.dma_semaphore, #tpu.memory_space<semaphore_mem>>) src(%dma_wait3A_1759 : memref<100000xf32, #tpu.memory_space<hbm>>) dst(%arg5 : memref<100000xf32, #tpu.memory_space<vmem>>)
      tpu.yield
    }) : () -> ()
    %scan3A_1743 = arith.constant 0 : i32
    %scan3A_1744 = arith.constant 0 : i32
    %scan3A_1745 = arith.constant 256 : i32
    %scan3A_1746 = arith.addi %scan3A_1744, %scan3A_1745 : i32
    %scan3A_1747 = arith.constant 1 : i32
    %scan3A_1748 = scf.for %scan3A_1750 = %scan3A_1744 to %scan3A_1746 step %scan3A_1747 iter_args(%scan3A_1751 = %scan3A_1743) -> (i32)  : i32 {
      %mul3A_1752 = arith.constant 16 : i32
      %mul3A_1753 = arith.muli %scan3A_1750, %mul3A_1752 : i32
      %get3A = arith.index_cast %mul3A_1753 : i32 to index
      %get3A_1754 = tpu.vector_load %arg6[%get3A] {strides = array<i32>} : memref<4096xi32, #tpu.memory_space<vmem>>, vector<16xi32>,
      %gather3A = tpu.vector_load_idx %arg5[%get3A_1754] : memref<100000xf32, #tpu.memory_space<vmem>>[vector<16xi32>], vector<16xf32>,
      %mul3A_1755 = arith.constant 16 : i32
      %mul3A_1756 = arith.muli %scan3A_1750, %mul3A_1755 : i32
      %swap3A = arith.index_cast %mul3A_1756 : i32 to index
      %swap3A_1757 = tpu.vector_load %arg7[%swap3A] {strides = array<i32>} : memref<4096xf32, #tpu.memory_space<vmem>>, vector<16xf32>,
      tpu.vector_store %arg7[%swap3A], %gather3A {strides = array<i32>} : memref<4096xf32, #tpu.memory_space<vmem>>, vector<16xf32>,
      %scan3A_1758 = arith.constant 0 : i32
      scf.yield %scan3A_1758 : i32
    }
    %scan3A_1749 = arith.constant 256 : i32
    "tpu.region"() ({
      %run_scoped3A = tpu.sem_alloc : memref<!tpu.dma_semaphore, #tpu.memory_space<semaphore_mem>>
      %dma_start3A = arith.constant 0 : i32
      %dma_start3A_1750 = tpu.memref_slice %arg4[%add3A_1684, %dma_start3A] : memref<832x4096xf32, #tpu.memory_space<hbm>> -> memref<1x4096xf32, #tpu.memory_space<hbm>>
      %dma_start3A_1751 = tpu.memref_squeeze %dma_start3A_1750 : memref<1x4096xf32, #tpu.memory_space<hbm>> -> memref<4096xf32, #tpu.memory_space<hbm>>
      %dma_start3A_1752 = arith.constant 0 : i32
      %dma_start3A_1753 = tpu.memref_slice %arg4[%add3A_1684, %dma_start3A_1752] : memref<832x4096xf32, #tpu.memory_space<hbm>> -> memref<1x4096xf32, #tpu.memory_space<hbm>>
      %dma_start3A_1754 = tpu.memref_squeeze %dma_start3A_1753 : memref<1x4096xf32, #tpu.memory_space<hbm>> -> memref<4096xf32, #tpu.memory_space<hbm>>
      tpu.enqueue_dma source(%arg7 : memref<4096xf32, #tpu.memory_space<vmem>>) target(%dma_start3A_1754 : memref<4096xf32, #tpu.memory_space<hbm>>) target_semaphore(%run_scoped3A : memref<!tpu.dma_semaphore, #tpu.memory_space<semaphore_mem>>)
      %dma_wait3A = arith.constant 0 : i32
      %dma_wait3A_1755 = tpu.memref_slice %arg4[%add3A_1684, %dma_wait3A] : memref<832x4096xf32, #tpu.memory_space<hbm>> -> memref<1x4096xf32, #tpu.memory_space<hbm>>
      %dma_wait3A_1756 = tpu.memref_squeeze %dma_wait3A_1755 : memref<1x4096xf32, #tpu.memory_space<hbm>> -> memref<4096xf32, #tpu.memory_space<hbm>>
      %dma_wait3A_1757 = arith.constant 0 : i32
      %dma_wait3A_1758 = tpu.memref_slice %arg4[%add3A_1684, %dma_wait3A_1757] : memref<832x4096xf32, #tpu.memory_space<hbm>> -> memref<1x4096xf32, #tpu.memory_space<hbm>>
      %dma_wait3A_1759 = tpu.memref_squeeze %dma_wait3A_1758 : memref<1x4096xf32, #tpu.memory_space<hbm>> -> memref<4096xf32, #tpu.memory_space<hbm>>
      tpu.wait_dma2 semaphore(%run_scoped3A : memref<!tpu.dma_semaphore, #tpu.memory_space<semaphore_mem>>) src(%arg7 : memref<4096xf32, #tpu.memory_space<vmem>>) dst(%dma_wait3A_1759 : memref<4096xf32, #tpu.memory_space<hbm>>)
      tpu.yield
    }) : () -> ()
    return
  }
}

module attributes {stable_mosaic.version = 14 : i64} {
  func.func @body(%arg0: i32, %arg1: memref<832x2048xf32, #tpu.memory_space<vmem>>, %arg2: memref<960x256xf32, #tpu.memory_space<vmem>>, %arg3: memref<256xf32, #tpu.memory_space<vmem>>, %arg4: memref<256x32xf32, #tpu.memory_space<vmem>>, %arg5: memref<32xf32, #tpu.memory_space<vmem>>, %arg6: memref<2x832x512xf32, #tpu.memory_space<vmem>>, %arg7: memref<2x512xf32, #tpu.memory_space<vmem>>, %arg8: memref<2x512x128xf32, #tpu.memory_space<vmem>>, %arg9: memref<2x128xf32, #tpu.memory_space<vmem>>, %arg10: memref<2x128x1xf32, #tpu.memory_space<vmem>>, %arg11: memref<2x1xf32, #tpu.memory_space<vmem>>, %arg12: memref<2048x2xf32, #tpu.memory_space<vmem>>) attributes {dimension_semantics = [#tpu.dimension_semantics<arbitrary>], iteration_bounds = array<i64: 2>, scalar_prefetch = 0 : i64, scratch_operands = 0 : i64, tpu.core_type = #tpu.core_type<tc>, window_params = [{transform_indices = @transform_0, window_bounds = array<i64: 832, 2048>}, {pipeline_mode = #tpu.pipeline_mode<synchronous>, transform_indices = @transform_1, window_bounds = array<i64: 960, 256>}, {pipeline_mode = #tpu.pipeline_mode<synchronous>, transform_indices = @transform_2, window_bounds = array<i64: 256>}, {pipeline_mode = #tpu.pipeline_mode<synchronous>, transform_indices = @transform_3, window_bounds = array<i64: 256, 32>}, {pipeline_mode = #tpu.pipeline_mode<synchronous>, transform_indices = @transform_4, window_bounds = array<i64: 32>}, {pipeline_mode = #tpu.pipeline_mode<synchronous>, transform_indices = @transform_5, window_bounds = array<i64: 2, 832, 512>}, {pipeline_mode = #tpu.pipeline_mode<synchronous>, transform_indices = @transform_6, window_bounds = array<i64: 2, 512>}, {pipeline_mode = #tpu.pipeline_mode<synchronous>, transform_indices = @transform_7, window_bounds = array<i64: 2, 512, 128>}, {pipeline_mode = #tpu.pipeline_mode<synchronous>, transform_indices = @transform_8, window_bounds = array<i64: 2, 128>}, {pipeline_mode = #tpu.pipeline_mode<synchronous>, transform_indices = @transform_9, window_bounds = array<i64: 2, 128, 1>}, {pipeline_mode = #tpu.pipeline_mode<synchronous>, transform_indices = @transform_10, window_bounds = array<i64: 2, 1>}, {transform_indices = @transform_11, window_bounds = array<i64: 2048, 2>}]} {
    %get3A = arith.constant 0 : index
    %get3A_0 = arith.constant 0 : index
    %get3A_1 = vector.load %arg1[%get3A, %get3A_0] : memref<832x2048xf32, #tpu.memory_space<vmem>>, vector<832x2048xf32>
    %get3A_2 = arith.constant 0 : index
    %get3A_3 = arith.constant 0 : index
    %get3A_4 = vector.load %arg2[%get3A_2, %get3A_3] : memref<960x256xf32, #tpu.memory_space<vmem>>, vector<128x256xf32>
    %slice3A = vector.extract_strided_slice %get3A_1 {offsets = [0, 0], sizes = [128, 2048], strides = [1, 1]} : vector<832x2048xf32> to vector<128x2048xf32>
    %dot_general3A = arith.constant dense<0.000000e+00> : vector<256x2048xf32>
    %dot_general3A_5 = tpu.matmul %get3A_4, %slice3A, %dot_general3A {dimension_numbers = #tpu.dot_dimension_numbers<[0], [0], [1], [1], [0, 1, 1, 1], [], []>, transpose_lhs_hint = false} : vector<128x256xf32>, vector<128x2048xf32>, vector<256x2048xf32> -> vector<256x2048xf32>
    %get3A_6 = arith.constant 128 : index
    %get3A_7 = arith.constant 0 : index
    %get3A_8 = vector.load %arg2[%get3A_6, %get3A_7] : memref<960x256xf32, #tpu.memory_space<vmem>>, vector<832x256xf32>
    %dot_general3A_9 = arith.constant dense<0.000000e+00> : vector<256x2048xf32>
    %dot_general3A_10 = tpu.matmul %get3A_8, %get3A_1, %dot_general3A_9 {dimension_numbers = #tpu.dot_dimension_numbers<[0], [0], [1], [1], [0, 1, 1, 1], [], []>, transpose_lhs_hint = false} : vector<832x256xf32>, vector<832x2048xf32>, vector<256x2048xf32> -> vector<256x2048xf32>
    %add3A = arith.addf %dot_general3A_5, %dot_general3A_10 : vector<256x2048xf32>
    %get3A_11 = arith.constant 0 : index
    %get3A_12 = vector.load %arg3[%get3A_11] : memref<256xf32, #tpu.memory_space<vmem>>, vector<256xf32>
    %broadcast_in_dim3A = vector.shape_cast %get3A_12 : vector<256xf32> to vector<256x1xf32>
    %broadcast_in_dim3A_13 = vector.broadcast %broadcast_in_dim3A : vector<256x1xf32> to vector<256x2048xf32>
    %add3A_14 = arith.addf %add3A, %broadcast_in_dim3A_13 : vector<256x2048xf32>
    %max3A = arith.constant 0.000000e+00 : f32
    %max3A_15 = vector.broadcast %max3A : f32 to vector<256x2048xf32>
    %max3A_16 = arith.maximumf %add3A_14, %max3A_15 : vector<256x2048xf32>
    %get3A_17 = arith.constant 0 : index
    %get3A_18 = arith.constant 0 : index
    %get3A_19 = vector.load %arg4[%get3A_17, %get3A_18] : memref<256x32xf32, #tpu.memory_space<vmem>>, vector<256x32xf32>
    %dot_general3A_20 = arith.constant dense<0.000000e+00> : vector<32x2048xf32>
    %dot_general3A_21 = tpu.matmul %get3A_19, %max3A_16, %dot_general3A_20 {dimension_numbers = #tpu.dot_dimension_numbers<[0], [0], [1], [1], [0, 1, 1, 1], [], []>, transpose_lhs_hint = false} : vector<256x32xf32>, vector<256x2048xf32>, vector<32x2048xf32> -> vector<32x2048xf32>
    %get3A_22 = arith.constant 0 : index
    %get3A_23 = vector.load %arg5[%get3A_22] : memref<32xf32, #tpu.memory_space<vmem>>, vector<32xf32>
    %broadcast_in_dim3A_24 = vector.shape_cast %get3A_23 : vector<32xf32> to vector<32x1xf32>
    %broadcast_in_dim3A_25 = vector.broadcast %broadcast_in_dim3A_24 : vector<32x1xf32> to vector<32x2048xf32>
    %add3A_26 = arith.addf %dot_general3A_21, %broadcast_in_dim3A_25 : vector<32x2048xf32>
    %logistic3A = arith.negf %add3A_26 : vector<32x2048xf32>
    %logistic3A_27 = math.exp %logistic3A : vector<32x2048xf32>
    %logistic3A_28 = arith.constant 1.000000e+00 : f32
    %logistic3A_29 = vector.broadcast %logistic3A_28 : f32 to vector<32x2048xf32>
    %logistic3A_30 = arith.addf %logistic3A_29, %logistic3A_27 : vector<32x2048xf32>
    %logistic3A_31 = arith.divf %logistic3A_29, %logistic3A_30 : vector<32x2048xf32>
    %mul3A = arith.constant 2.000000e+00 : f32
    %mul3A_32 = vector.broadcast %mul3A : f32 to vector<32x2048xf32>
    %mul3A_33 = arith.mulf %mul3A_32, %logistic3A_31 : vector<32x2048xf32>
    %tile3A = tpu.concatenate %mul3A_33, %mul3A_33, %mul3A_33, %mul3A_33, %mul3A_33, %mul3A_33, %mul3A_33, %mul3A_33, %mul3A_33, %mul3A_33, %mul3A_33, %mul3A_33, %mul3A_33, %mul3A_33, %mul3A_33, %mul3A_33, %mul3A_33, %mul3A_33, %mul3A_33, %mul3A_33, %mul3A_33, %mul3A_33, %mul3A_33, %mul3A_33, %mul3A_33, %mul3A_33 in 0 : vector<32x2048xf32>, vector<32x2048xf32>, vector<32x2048xf32>, vector<32x2048xf32>, vector<32x2048xf32>, vector<32x2048xf32>, vector<32x2048xf32>, vector<32x2048xf32>, vector<32x2048xf32>, vector<32x2048xf32>, vector<32x2048xf32>, vector<32x2048xf32>, vector<32x2048xf32>, vector<32x2048xf32>, vector<32x2048xf32>, vector<32x2048xf32>, vector<32x2048xf32>, vector<32x2048xf32>, vector<32x2048xf32>, vector<32x2048xf32>, vector<32x2048xf32>, vector<32x2048xf32>, vector<32x2048xf32>, vector<32x2048xf32>, vector<32x2048xf32>, vector<32x2048xf32> -> vector<832x2048xf32>
    %mul3A_34 = arith.mulf %tile3A, %get3A_1 : vector<832x2048xf32>
    %get3A_35 = arith.constant 0 : index
    %get3A_36 = arith.constant 0 : index
    %get3A_37 = arith.constant 0 : index
    %get3A_38 = vector.load %arg6[%get3A_35, %get3A_36, %get3A_37] : memref<2x832x512xf32, #tpu.memory_space<vmem>>, vector<1x832x512xf32>
    %get3A_39 = vector.shape_cast %get3A_38 : vector<1x832x512xf32> to vector<832x512xf32>
    %dot_general3A_40 = arith.constant dense<0.000000e+00> : vector<512x2048xf32>
    %dot_general3A_41 = tpu.matmul %get3A_39, %mul3A_34, %dot_general3A_40 {dimension_numbers = #tpu.dot_dimension_numbers<[0], [0], [1], [1], [0, 1, 1, 1], [], []>, transpose_lhs_hint = false} : vector<832x512xf32>, vector<832x2048xf32>, vector<512x2048xf32> -> vector<512x2048xf32>
    %get3A_42 = arith.constant 0 : index
    %get3A_43 = arith.constant 0 : index
    %get3A_44 = vector.load %arg7[%get3A_42, %get3A_43] : memref<2x512xf32, #tpu.memory_space<vmem>>, vector<1x512xf32>
    %get3A_45 = vector.shape_cast %get3A_44 : vector<1x512xf32> to vector<512xf32>
    %broadcast_in_dim3A_46 = vector.shape_cast %get3A_45 : vector<512xf32> to vector<512x1xf32>
    %broadcast_in_dim3A_47 = vector.broadcast %broadcast_in_dim3A_46 : vector<512x1xf32> to vector<512x2048xf32>
    %add3A_48 = arith.addf %dot_general3A_41, %broadcast_in_dim3A_47 : vector<512x2048xf32>
    %max3A_49 = arith.constant 0.000000e+00 : f32
    %max3A_50 = vector.broadcast %max3A_49 : f32 to vector<512x2048xf32>
    %max3A_51 = arith.maximumf %add3A_48, %max3A_50 : vector<512x2048xf32>
    %get3A_52 = arith.constant 0 : index
    %get3A_53 = arith.constant 0 : index
    %get3A_54 = arith.constant 0 : index
    %get3A_55 = vector.load %arg8[%get3A_52, %get3A_53, %get3A_54] : memref<2x512x128xf32, #tpu.memory_space<vmem>>, vector<1x512x128xf32>
    %get3A_56 = vector.shape_cast %get3A_55 : vector<1x512x128xf32> to vector<512x128xf32>
    %dot_general3A_57 = arith.constant dense<0.000000e+00> : vector<128x2048xf32>
    %dot_general3A_58 = tpu.matmul %get3A_56, %max3A_51, %dot_general3A_57 {dimension_numbers = #tpu.dot_dimension_numbers<[0], [0], [1], [1], [0, 1, 1, 1], [], []>, transpose_lhs_hint = false} : vector<512x128xf32>, vector<512x2048xf32>, vector<128x2048xf32> -> vector<128x2048xf32>
    %get3A_59 = arith.constant 0 : index
    %get3A_60 = arith.constant 0 : index
    %get3A_61 = vector.load %arg9[%get3A_59, %get3A_60] : memref<2x128xf32, #tpu.memory_space<vmem>>, vector<1x128xf32>
    %get3A_62 = vector.shape_cast %get3A_61 : vector<1x128xf32> to vector<128xf32>
    %broadcast_in_dim3A_63 = vector.shape_cast %get3A_62 : vector<128xf32> to vector<128x1xf32>
    %broadcast_in_dim3A_64 = vector.broadcast %broadcast_in_dim3A_63 : vector<128x1xf32> to vector<128x2048xf32>
    %add3A_65 = arith.addf %dot_general3A_58, %broadcast_in_dim3A_64 : vector<128x2048xf32>
    %max3A_66 = arith.constant 0.000000e+00 : f32
    %max3A_67 = vector.broadcast %max3A_66 : f32 to vector<128x2048xf32>
    %max3A_68 = arith.maximumf %add3A_65, %max3A_67 : vector<128x2048xf32>
    %get3A_69 = arith.constant 0 : index
    %get3A_70 = arith.constant 0 : index
    %get3A_71 = arith.constant 0 : index
    %get3A_72 = vector.load %arg10[%get3A_69, %get3A_70, %get3A_71] : memref<2x128x1xf32, #tpu.memory_space<vmem>>, vector<1x128x1xf32>
    %get3A_73 = vector.shape_cast %get3A_72 : vector<1x128x1xf32> to vector<128x1xf32>
    %dot_general3A_74 = arith.constant dense<0.000000e+00> : vector<2048x1xf32>
    %dot_general3A_75 = tpu.matmul %max3A_68, %get3A_73, %dot_general3A_74 {dimension_numbers = #tpu.dot_dimension_numbers<[0], [0], [1], [1], [0, 1, 1, 1], [], []>, transpose_lhs_hint = false} : vector<128x2048xf32>, vector<128x1xf32>, vector<2048x1xf32> -> vector<2048x1xf32>
    %get3A_76 = arith.constant 0 : index
    %get3A_77 = arith.constant 0 : index
    %get3A_78 = vector.load %arg11[%get3A_76, %get3A_77] : memref<2x1xf32, #tpu.memory_space<vmem>>, vector<1x1xf32>
    %get3A_79 = vector.shape_cast %get3A_78 : vector<1x1xf32> to vector<1xf32>
    %broadcast_in_dim3A_80 = vector.shape_cast %get3A_79 : vector<1xf32> to vector<1x1xf32>
    %add3A_81 = vector.broadcast %broadcast_in_dim3A_80 : vector<1x1xf32> to vector<2048x1xf32>
    %add3A_82 = arith.addf %dot_general3A_75, %add3A_81 : vector<2048x1xf32>
    %get3A_83 = arith.constant 1 : index
    %get3A_84 = arith.constant 0 : index
    %get3A_85 = arith.constant 0 : index
    %get3A_86 = vector.load %arg6[%get3A_83, %get3A_84, %get3A_85] : memref<2x832x512xf32, #tpu.memory_space<vmem>>, vector<1x832x512xf32>
    %get3A_87 = vector.shape_cast %get3A_86 : vector<1x832x512xf32> to vector<832x512xf32>
    %dot_general3A_88 = arith.constant dense<0.000000e+00> : vector<512x2048xf32>
    %dot_general3A_89 = tpu.matmul %get3A_87, %mul3A_34, %dot_general3A_88 {dimension_numbers = #tpu.dot_dimension_numbers<[0], [0], [1], [1], [0, 1, 1, 1], [], []>, transpose_lhs_hint = false} : vector<832x512xf32>, vector<832x2048xf32>, vector<512x2048xf32> -> vector<512x2048xf32>
    %get3A_90 = arith.constant 1 : index
    %get3A_91 = arith.constant 0 : index
    %get3A_92 = vector.load %arg7[%get3A_90, %get3A_91] : memref<2x512xf32, #tpu.memory_space<vmem>>, vector<1x512xf32>
    %get3A_93 = vector.shape_cast %get3A_92 : vector<1x512xf32> to vector<512xf32>
    %broadcast_in_dim3A_94 = vector.shape_cast %get3A_93 : vector<512xf32> to vector<512x1xf32>
    %broadcast_in_dim3A_95 = vector.broadcast %broadcast_in_dim3A_94 : vector<512x1xf32> to vector<512x2048xf32>
    %add3A_96 = arith.addf %dot_general3A_89, %broadcast_in_dim3A_95 : vector<512x2048xf32>
    %max3A_97 = arith.constant 0.000000e+00 : f32
    %max3A_98 = vector.broadcast %max3A_97 : f32 to vector<512x2048xf32>
    %max3A_99 = arith.maximumf %add3A_96, %max3A_98 : vector<512x2048xf32>
    %get3A_100 = arith.constant 1 : index
    %get3A_101 = arith.constant 0 : index
    %get3A_102 = arith.constant 0 : index
    %get3A_103 = vector.load %arg8[%get3A_100, %get3A_101, %get3A_102] : memref<2x512x128xf32, #tpu.memory_space<vmem>>, vector<1x512x128xf32>
    %get3A_104 = vector.shape_cast %get3A_103 : vector<1x512x128xf32> to vector<512x128xf32>
    %dot_general3A_105 = arith.constant dense<0.000000e+00> : vector<128x2048xf32>
    %dot_general3A_106 = tpu.matmul %get3A_104, %max3A_99, %dot_general3A_105 {dimension_numbers = #tpu.dot_dimension_numbers<[0], [0], [1], [1], [0, 1, 1, 1], [], []>, transpose_lhs_hint = false} : vector<512x128xf32>, vector<512x2048xf32>, vector<128x2048xf32> -> vector<128x2048xf32>
    %get3A_107 = arith.constant 1 : index
    %get3A_108 = arith.constant 0 : index
    %get3A_109 = vector.load %arg9[%get3A_107, %get3A_108] : memref<2x128xf32, #tpu.memory_space<vmem>>, vector<1x128xf32>
    %get3A_110 = vector.shape_cast %get3A_109 : vector<1x128xf32> to vector<128xf32>
    %broadcast_in_dim3A_111 = vector.shape_cast %get3A_110 : vector<128xf32> to vector<128x1xf32>
    %broadcast_in_dim3A_112 = vector.broadcast %broadcast_in_dim3A_111 : vector<128x1xf32> to vector<128x2048xf32>
    %add3A_113 = arith.addf %dot_general3A_106, %broadcast_in_dim3A_112 : vector<128x2048xf32>
    %max3A_114 = arith.constant 0.000000e+00 : f32
    %max3A_115 = vector.broadcast %max3A_114 : f32 to vector<128x2048xf32>
    %max3A_116 = arith.maximumf %add3A_113, %max3A_115 : vector<128x2048xf32>
    %get3A_117 = arith.constant 1 : index
    %get3A_118 = arith.constant 0 : index
    %get3A_119 = arith.constant 0 : index
    %get3A_120 = vector.load %arg10[%get3A_117, %get3A_118, %get3A_119] : memref<2x128x1xf32, #tpu.memory_space<vmem>>, vector<1x128x1xf32>
    %get3A_121 = vector.shape_cast %get3A_120 : vector<1x128x1xf32> to vector<128x1xf32>
    %dot_general3A_122 = arith.constant dense<0.000000e+00> : vector<2048x1xf32>
    %dot_general3A_123 = tpu.matmul %max3A_116, %get3A_121, %dot_general3A_122 {dimension_numbers = #tpu.dot_dimension_numbers<[0], [0], [1], [1], [0, 1, 1, 1], [], []>, transpose_lhs_hint = false} : vector<128x2048xf32>, vector<128x1xf32>, vector<2048x1xf32> -> vector<2048x1xf32>
    %get3A_124 = arith.constant 1 : index
    %get3A_125 = arith.constant 0 : index
    %get3A_126 = vector.load %arg11[%get3A_124, %get3A_125] : memref<2x1xf32, #tpu.memory_space<vmem>>, vector<1x1xf32>
    %get3A_127 = vector.shape_cast %get3A_126 : vector<1x1xf32> to vector<1xf32>
    %broadcast_in_dim3A_128 = vector.shape_cast %get3A_127 : vector<1xf32> to vector<1x1xf32>
    %add3A_129 = vector.broadcast %broadcast_in_dim3A_128 : vector<1x1xf32> to vector<2048x1xf32>
    %add3A_130 = arith.addf %dot_general3A_123, %add3A_129 : vector<2048x1xf32>
    %concatenate3A = tpu.concatenate %add3A_82, %add3A_130 in 1 : vector<2048x1xf32>, vector<2048x1xf32> -> vector<2048x2xf32>
    %swap3A = arith.constant 0 : index
    %swap3A_131 = arith.constant 0 : index
    %swap3A_132 = vector.load %arg12[%swap3A, %swap3A_131] : memref<2048x2xf32, #tpu.memory_space<vmem>>, vector<2048x2xf32>
    tpu.vector_store %arg12[%swap3A, %swap3A_131], %concatenate3A {strides = array<i32>} : memref<2048x2xf32, #tpu.memory_space<vmem>>, vector<2048x2xf32>,
    return
  }
  func.func @transform_0(%arg0: i32) -> (i32, i32) {
    %c0_i32 = arith.constant 0 : i32
    %c0_i32_0 = arith.constant 0 : i32
    return %c0_i32, %arg0 : i32, i32
  }
  func.func @transform_1(%arg0: i32) -> (i32, i32) {
    %c0_i32 = arith.constant 0 : i32
    %c0_i32_0 = arith.constant 0 : i32
    %c0_i32_1 = arith.constant 0 : i32
    return %c0_i32, %c0_i32_0 : i32, i32
  }
  func.func @transform_2(%arg0: i32) -> i32 {
    %c0_i32 = arith.constant 0 : i32
    %c0_i32_0 = arith.constant 0 : i32
    return %c0_i32 : i32
  }
  func.func @transform_3(%arg0: i32) -> (i32, i32) {
    %c0_i32 = arith.constant 0 : i32
    %c0_i32_0 = arith.constant 0 : i32
    %c0_i32_1 = arith.constant 0 : i32
    return %c0_i32, %c0_i32_0 : i32, i32
  }
  func.func @transform_4(%arg0: i32) -> i32 {
    %c0_i32 = arith.constant 0 : i32
    %c0_i32_0 = arith.constant 0 : i32
    return %c0_i32 : i32
  }
  func.func @transform_5(%arg0: i32) -> (i32, i32, i32) {
    %c0_i32 = arith.constant 0 : i32
    %c0_i32_0 = arith.constant 0 : i32
    %c0_i32_1 = arith.constant 0 : i32
    %c0_i32_2 = arith.constant 0 : i32
    return %c0_i32, %c0_i32_0, %c0_i32_1 : i32, i32, i32
  }
  func.func @transform_6(%arg0: i32) -> (i32, i32) {
    %c0_i32 = arith.constant 0 : i32
    %c0_i32_0 = arith.constant 0 : i32
    %c0_i32_1 = arith.constant 0 : i32
    return %c0_i32, %c0_i32_0 : i32, i32
  }
  func.func @transform_7(%arg0: i32) -> (i32, i32, i32) {
    %c0_i32 = arith.constant 0 : i32
    %c0_i32_0 = arith.constant 0 : i32
    %c0_i32_1 = arith.constant 0 : i32
    %c0_i32_2 = arith.constant 0 : i32
    return %c0_i32, %c0_i32_0, %c0_i32_1 : i32, i32, i32
  }
  func.func @transform_8(%arg0: i32) -> (i32, i32) {
    %c0_i32 = arith.constant 0 : i32
    %c0_i32_0 = arith.constant 0 : i32
    %c0_i32_1 = arith.constant 0 : i32
    return %c0_i32, %c0_i32_0 : i32, i32
  }
  func.func @transform_9(%arg0: i32) -> (i32, i32, i32) {
    %c0_i32 = arith.constant 0 : i32
    %c0_i32_0 = arith.constant 0 : i32
    %c0_i32_1 = arith.constant 0 : i32
    %c0_i32_2 = arith.constant 0 : i32
    return %c0_i32, %c0_i32_0, %c0_i32_1 : i32, i32, i32
  }
  func.func @transform_10(%arg0: i32) -> (i32, i32) {
    %c0_i32 = arith.constant 0 : i32
    %c0_i32_0 = arith.constant 0 : i32
    %c0_i32_1 = arith.constant 0 : i32
    return %c0_i32, %c0_i32_0 : i32, i32
  }
  func.func @transform_11(%arg0: i32) -> (i32, i32) {
    %c0_i32 = arith.constant 0 : i32
    %c0_i32_0 = arith.constant 0 : i32
    return %arg0, %c0_i32 : i32, i32
  }
}

</mosaic_0001>

<sc_bundles>
// kernel: kernel.4.cloned.1.call-start
scs
__scs_entry_jumppad:
0x0: {  	(pc) =	sbr.rel $0x88, $3  }
0x1: {  	(tag) =	ssettag $0x0;
	lr =	simm.s32 $0x1  }
0x2: {  	[smem:$0x3F95] =	sst lr;
	_ =	strace $0xD0000000  }
0x3: {  	_ = 	snop  }
0x4: {  	_ = 	snop  }
0x5: {  	_ = 	snop  }
0x6: {  	_ = 	snop  }
0x7: {  	_ = 	snop  }
__scs_overlays_trampoline_lowered:
0x8: {  	[smem:$0x3FA4] =	sst s0  }
0x9: {  	[smem:$0x3FA5] =	sst s1  }
0xa: {  	[smem:$0x3FA6] =	sst s2  }
0xb: {  	[smem:$0x3FA7] =	sst s3  }
0xc: {  	[smem:$0x3FA8] =	sst s4  }
0xd: {  	[smem:$0x3FA9] =	sst s5  }
0xe: {  	[smem:$0x3FAA] =	sst s6  }
0xf: {  	[smem:$0x3FAB] =	sst s7  }
0x10: {  	[smem:$0x3FAC] =	sst s8  }
0x11: {  	[smem:$0x3FAD] =	sst s9;
	s0 =	simm.s32 @!p0 $0x0  }
0x12: {  	s1 =	sld [smem:$0x3F93];
	s0 =	simm.s32 @p0 $0x1  }
0x13: {  	[smem:$0x3FAE] =	sst s0;
	s0 =	simm.s32 @!p1 $0x0  }
0x14: {  	s2 =	sld [smem:$0x3F92];
	s0 =	simm.s32 @p1 $0x1  }
0x15: {  	[smem:$0x3FAF] =	sst s0;
	s0 =	simm.s32 @!p2 $0x0  }
0x16: {  	s3 =	sld [smem:$0x3FDB];
	s0 =	simm.s32 @p2 $0x1  }
0x17: {  	s4 =	simm.s32 $0x1BF5;
	[smem:$0x3FB1] =	sst s0  }
0x18: {  	s0 =	sld [smem:$0x3F94];
	_ =	swait.ge [sflag:s4], $0x0  }
0x19: {  	s7 =	sld [smem:$0x3F95]  }
0x1a: {  	s8 =	sadd.s32 $0xFFFFE003, lr  }
0x1b: {  	s9 =	sadd.s32 $0xFFFFFEF7, lr;
	s5 =	simm.s32 $0xFFFFFFFF;
	p2 =	slt.u32 s8, $0xFFFFF086  }
0x1c: {  	p1 =	slt.u32 s9, $0xF7A;
	s5 =	simm.s32 @!p2 $0x0  }
0x1d: {  	s5 =	simm.s32 @p1 $0x1;
	p0 =	seq.s32 s7, s2  }
0x1e: {  	s7 =	smul.u32 @!p0 $0xF7A, s2;
	p2 =	seq.s32 @!p0 s5, $0x0  }
0x1f: {  	s9 =	smul.u32 $0xF7A, s1;
	s8 =	simm.s32 @!p0 $0x1BF5;
	p2 =	por !p2, p0  }
0x20: {  	[sflag:s8] =	ssyncset.s32 @!p0 $0xFFFFF086;
	s6 =	sadd.s32 @!p0 s3, s7;
	s7 =	simm.s32 @!p0 $0x108  }
0x21: {  	s3 =	sadd.s32 s3, s9;
	s6 =	sadd.s32 @!p0 $0x88, s6;
	s7 =	simm.s32 @p2 $0x1082  }
0x22: {  	[simem:s7], [sflag:s8] =	dma.local @!p0 [hbm:s6], $0xF7A  }
0x23: {  	s9 =	sor.u32 $0xD0000000, s2;
	s6 =	simm.s32 $0x108;
	_ =	swait.ge @!p0 [sflag:s8], $0x0  }
0x24: {  	s3 =	sadd.s32 $0x88, s3;
	s6 =	simm.s32 @!p1 $0x1082;
	[sflag:s4] =	ssyncset.s32 $0xFFFFF086  }
0x25: {  	[simem:s6], [sflag:s4] =	dma.local [hbm:s3], $0xF7A  }
0x26: {  	[smem:$0x3F95] =	sst s1;
	(tag) =	ssettag s2;
	_ =	strace s9  }
0x27: {  	s1 =	sld [smem:$0x3FA5]  }
0x28: {  	s2 =	sld [smem:$0x3FA6]  }
0x29: {  	s4 =	sld [smem:$0x3FA8]  }
0x2a: {  	p0 =	seq.s32 s5, $0x0;
	s5 =	sld [smem:$0x3FA9]  }
0x2b: {  	s6 =	sld [smem:$0x3FAA]  }
0x2c: {  	s7 =	sld [smem:$0x3FAB]  }
0x2d: {  	s3 =	simm.s32 $0x108;
	s8 =	sld [smem:$0x3FAC]  }
0x2e: {  	s3 =	simm.s32 @!p0 $0x1082;
	s9 =	sld [smem:$0x3FAD]  }
0x2f: {  	lr =	sadd.s32 s0, s3;
	s0 =	sld [smem:$0x3FA4]  }
0x30: {  	s3 =	sld [smem:$0x3FA7]  }
0x31: {  	[smem:$0x3FB0] =	sst s10  }
0x32: {  	s10 =	sld [smem:$0x3FAE];
	_ =	sdelay $0x3  }
0x33: {  	p0 =	seq.s32 s10, $0x1;
	s10 =	sld [smem:$0x3FB0];
	_ =	sdelay $0x3  }
0x34: {  	[smem:$0x3FB0] =	sst s10  }
0x35: {  	s10 =	sld [smem:$0x3FAF];
	_ =	sdelay $0x3  }
0x36: {  	p1 =	seq.s32 s10, $0x1;
	s10 =	sld [smem:$0x3FB0];
	_ =	sdelay $0x3  }
0x37: {  	[smem:$0x3FB0] =	sst s10  }
0x38: {  	s10 =	sld [smem:$0x3FB1]  }
0x39: {  	_ = 	snop;
	(pc) =	sbr.ind lr, $3  }
0x3a: {  	_ = 	snop  }
0x3b: {  	_ = 	snop  }
0x3c: {  	p2 =	seq.s32 s10, $0x1;
	s10 =	sld [smem:$0x3FB0]  }
0x3d: {  	_ =	shalt  }
0x3e: {  	_ =	shalt  }
0x3f: {  	_ =	shalt  }
0x40: {  	_ =	shalt  }
0x41: {  	_ =	shalt  }
0x42: {  	_ =	shalt  }
0x43: {  	_ =	shalt  }
0x44: {  	_ =	shalt  }
0x45: {  	_ =	shalt  }
0x46: {  	_ =	shalt  }
0x47: {  	_ =	shalt  }
0x48: {  	_ =	shalt  }
0x49: {  	_ =	shalt  }
0x4a: {  	_ =	shalt  }
0x4b: {  	_ =	shalt  }
0x4c: {  	_ =	shalt  }
0x4d: {  	_ =	shalt  }
0x4e: {  	_ =	shalt  }
0x4f: {  	_ =	shalt  }
0x50: {  	_ =	shalt  }
0x51: {  	_ =	shalt  }
0x52: {  	_ =	shalt  }
0x53: {  	_ =	shalt  }
0x54: {  	_ =	shalt  }
0x55: {  	_ =	shalt  }
0x56: {  	_ =	shalt  }
0x57: {  	_ =	shalt  }
0x58: {  	_ =	shalt  }
0x59: {  	_ =	shalt  }
0x5a: {  	_ =	shalt  }
0x5b: {  	_ =	shalt  }
0x5c: {  	_ =	shalt  }
0x5d: {  	_ =	shalt  }
0x5e: {  	_ =	shalt  }
0x5f: {  	_ =	shalt  }
0x60: {  	_ =	shalt  }
0x61: {  	_ =	shalt  }
0x62: {  	_ =	shalt  }
0x63: {  	_ =	shalt  }
0x64: {  	_ =	shalt  }
0x65: {  	_ =	shalt  }
0x66: {  	_ =	shalt  }
0x67: {  	_ =	shalt  }
0x68: {  	_ =	shalt  }
0x69: {  	_ =	shalt  }
0x6a: {  	_ =	shalt  }
0x6b: {  	_ =	shalt  }
0x6c: {  	_ =	shalt  }
0x6d: {  	_ =	shalt  }
0x6e: {  	_ =	shalt  }
0x6f: {  	_ =	shalt  }
0x70: {  	_ =	shalt  }
0x71: {  	_ =	shalt  }
0x72: {  	_ =	shalt  }
0x73: {  	_ =	shalt  }
0x74: {  	_ =	shalt  }
0x75: {  	_ =	shalt  }
0x76: {  	_ =	shalt  }
0x77: {  	_ =	shalt  }
0x78: {  	_ =	shalt  }
0x79: {  	_ =	shalt  }
0x7a: {  	_ =	shalt  }
0x7b: {  	_ =	shalt  }
0x7c: {  	_ =	shalt  }
0x7d: {  	_ =	shalt  }
0x7e: {  	_ =	shalt  }
0x7f: {  	_ =	shalt  }
0x80: {  	_ =	shalt  }
0x81: {  	_ =	shalt  }
0x82: {  	_ =	shalt  }
0x83: {  	_ =	shalt  }
0x84: {  	_ =	shalt  }
0x85: {  	_ =	shalt  }
0x86: {  	_ =	shalt  }
0x87: {  	_ =	shalt  }
.Lfunc_end0:
.L_simem_size_0:
called_computation_lowered:
.L_overlay_start_0:
0x88: {  	s2 =	sld [smem:$0x3FD9]  }
0x89: {  	s3 =	sld [smem:$0x3FFE];
	_ =	sdelay $0x1  }
0x8a: {  	s1 =	srdreg.scid  }
0x8b: {  	s0 =	sand.u32 $0x1, s1  }
0x8c: {  	s17 =	sshll.u32 s0, $0xA;
	s2 =	sadd.s32 s3, s2  }
0x8d: {  	s2 =	sadd.s32 s2, s17  }
0x8e: {  	[smem:$0x3FBC] =	sst s2  }
0x8f: {  	_ = 	snop  }
0x90: {  	s2 =	sld [smem:$0x3FC9]  }
0x91: {  	s18 =	sld [smem:$0x3FC8];
	(tm) =	ssettm $0x1  }
0x92: {  	s4 =	sld [smem:$0x3FFB];
	_ =	sdelay $0x3  }
0x93: {  	_ =	strace s4  }
0x94: {  	s4 =	sld [smem:$0x3FFC];
	_ =	sdelay $0x3  }
0x95: {  	_ =	strace s4  }
0x96: {  	s4 =	sld [smem:$0x3FFD];
	_ =	sdelay $0x3  }
0x97: {  	_ =	strace s4  }
0x98: {  	_ =	strace $0x8FFFFFFF  }
0x99: {  	s19 =	sld [smem:$0x3FDB];
	_ =	sdelay $0x1  }
0x9a: {  	s5 =	simm.s32 $_scs_section_size  }
0x9b: {  	s6 =	simm.s32 $_size__tile_overlayer_lowered;
	s7 =	simm.s32 $_tile_overlayer_lowered  }
0x9c: {  	s22 =	simm.s32 $0x1BFF;
	s21 =	sshll.u32 s7, $0x1;
	s4 =	sadd.s32 s5, s19  }
0x9d: {  	s8 =	simm.s32 $0x0;
	s20 =	sshll.u32 s6, $0x1;
	s6 =	sadd.s32 s21, s4  }
0x9e: {  	[timem:s8], [sflag:s22] =	dma.local [hbm:s6], s20  }
0x9f: {  	_ =	swait.ge [sflag:s22], s20  }
0xa0: {  	s5 =	ssub.s32 $0x0, s20;
	[sflag:s22] =	ssyncset.done $0x0  }
0xa1: {  	[sflag:s22] =	ssyncadd.s32 s5;
	_ =	sdelay $0x1  }
0xa2: {  	s23 =	simm.s32 $0x1B8B  }
0xa3: {  	_ =	swait.ge [sflag:s23], $0x1  }
0xa4: {  	[sflag:s23] =	ssyncset.done $0x0  }
0xa5: {  	s25 =	simm.s32 $0x1B8E;
	s24 =	sld [smem:$0x3FFE];
	[sflag:s23] =	ssyncadd.s32 $0xFFFFFFFF  }
0xa6: {  	s26 =	simm.s32 $execute0_lowered;
	[smem:$0x3FD2] =	sst s25  }
0xa7: {  	s6 =	sshll.u32 s26, $0x1;
	_ =	strace $0x80000046;
	[dreg:$0x1] =	wrdreg $0xFFFFFFFF  }
0xa8: {  	s28 =	simm.s32 $_size_execute0_lowered;
	s4 =	sadd.s32 s4, s6;
	[dreg:$0x0] =	wrdreg $0x0  }
0xa9: {  	s6 =	sshll.u32 s28, $0x1;
	[dreg:$0x2] =	wrdreg s4  }
0xaa: {  	[dreg:$0x3] =	wrdreg s6  }
0xab: {  	[dreg:$0x4] =	wrdreg $0xC0  }
0xac: {  	_ =	task [dreg:s8], $0x5FFFF  }
0xad: {  	[dreg:$0x1] =	wrdreg $0xFFFFFFFF  }
0xae: {  	[dreg:$0x0] =	wrdreg $0x60  }
0xaf: {  	[dreg:$0x2] =	wrdreg s2  }
0xb0: {  	[dreg:$0x3] =	wrdreg s18  }
0xb1: {  	[dreg:$0x4] =	wrdreg s24  }
0xb2: {  	[dreg:$0x5] =	wrdreg $0x9  }
0xb3: {  	_ =	task.clear_ibuf [dreg:s8], $0x6FFFF;
	_ =	strace $0x90000046  }
0xb4: {  	s29 =	simm.s32 $0x9;
	_ =	strace $0x80000048  }
0xb5: {  	_ =	swait.ge [sflag:s29], $0x1  }
0xb6: {  	[sflag:s29] =	ssyncadd.s32 $0xFFFFFFFF  }
0xb7: {  	_ =	strace $0x90000048  }
0xb8: {  	_ =	sfence  }
0xb9: {  	s30 =	sld [smem:$0x0];
	_ =	sdelay $0x2  }
0xba: {  	s31 =	sshll.u32 s1, $0xD;
	s1 =	sshrl.u32 s1, $0x2  }
0xbb: {  	s3 =	sand.u32 $0x4000, s31;
	s1 =	sadd.s32 s1, s30  }
0xbc: {  	s0 =	sor.u32 s3, s0;
	s1 =	sshll.u32 s1, $0x11  }
0xbd: {  	s0 =	sor.u32 s1, s0  }
0xbe: {  	s0 =	sadd.s32 $0x8F2B, s0  }
0xbf: {  	[sflag:s0] =	ssyncadd.remote.s32 $0x1  }
0xc0: {  	_ =	sfence.sel $0xFFFF  }
0xc1: {  	[dreg:$0x0] =	wrdreg $0xFFFFFFFF;
	(pc) =	sbr.abs _section_cstart, $3  }
0xc2: {  	[dreg:$0x1] =	wrdreg $0xFFFFFFFF  }
0xc3: {  	_ =	task.clear_ibuf [dreg:s8], $0x2FFFF;
	_ =	strace $0x9FFFFFFF  }
0xc4: {  	(tm) =	ssettm $0x7FFFFFFF  }
0xc5: {  	_ =	shalt  }
tec
execute0_lowered:
.L_overlay_start_1:
0x0: {  	(tag) =	ssettag $0x1  }
0x1: {  	s0 =	srdreg.scid;
	s1 =	stileid.u32  }
0x2: {  	s11 =	sand.u32 $0x1, s0;
	s1 =	sshll.u32 s1, $0x1  }
0x3: {  	s0 =	sor.u32 s11, s1  }
0x4: {  	s3 =	smul.u32 $0x1A, s0;
	_ =	sdelay $0x1  }
0x5: {  	[smem:$0x7C6] =	sst s0;
	s21 =	sadd.s32 $0x2, s3  }
0x6: {  	s0 =	sshrl.u32 s3, $0x5;
	s4 =	sadd.s32 $0x3, s3;
	s18 =	sadd.s32 $0x4, s3  }
0x7: {  	s17 =	sadd.s32 $0x5, s3;
	s15 =	sadd.s32 $0x6, s3;
	s14 =	sadd.s32 $0x7, s3  }
0x8: {  	s24 =	sadd.s32 $0x8, s3;
	s13 =	sadd.s32 $0x9, s3;
	s2 =	sshrl.u32 s21, $0x5  }
0x9: {  	s9 =	sadd.s32 $0xA, s3;
	s8 =	sadd.s32 $0xB, s3;
	p0 =	seq.s32 s2, s0  }
0xa: {  	s7 =	sadd.s32 $0xC, s3;
	s5 =	sshrl.u32 s4, $0x5;
	s0 =	simm.s32 @!p0 $0x0  }
0xb: {  	s10 =	sadd.s32 $0xD, s3;
	s0 =	simm.s32 @p0 $0x1;
	p0 =	seq.s32 s5, s2  }
0xc: {  	s6 =	sshrl.u32 s18, $0x5;
	[smem:$0x7B3] =	sst s0;
	s0 =	simm.s32 @!p0 $0x0  }
0xd: {  	s22 =	sadd.s32 $0x11, s3;
	s0 =	simm.s32 @p0 $0x1;
	p0 =	seq.s32 s6, s5  }
0xe: {  	s12 =	sshrl.u32 s17, $0x5;
	[smem:$0x7B4] =	sst s0;
	s0 =	simm.s32 @!p0 $0x0  }
0xf: {  	s31 =	sadd.s32 $0x12, s3;
	s0 =	simm.s32 @p0 $0x1;
	p0 =	seq.s32 s12, s6  }
0x10: {  	s16 =	sshrl.u32 s15, $0x5;
	[smem:$0x7B5] =	sst s0;
	s0 =	simm.s32 @!p0 $0x0  }
0x11: {  	s30 =	sadd.s32 $0x13, s3;
	s0 =	simm.s32 @p0 $0x1;
	p0 =	seq.s32 s16, s12  }
0x12: {  	s19 =	sshrl.u32 s14, $0x5;
	[smem:$0x7B6] =	sst s0;
	s0 =	simm.s32 @!p0 $0x0  }
0x13: {  	s20 =	sshrl.u32 s24, $0x5;
	s0 =	simm.s32 @p0 $0x1;
	p0 =	seq.s32 s19, s16  }
0x14: {  	s23 =	sshrl.u32 s13, $0x5;
	[smem:$0x7B7] =	sst s0;
	s0 =	simm.s32 @!p0 $0x0  }
0x15: {  	s25 =	sshrl.u32 s9, $0x5;
	s0 =	simm.s32 @p0 $0x1;
	p0 =	seq.s32 s20, s19  }
0x16: {  	s26 =	sshrl.u32 s8, $0x5;
	[smem:$0x7B8] =	sst s0;
	s0 =	simm.s32 @!p0 $0x0  }
0x17: {  	s1 =	sshrl.u32 s7, $0x5;
	s0 =	simm.s32 @p0 $0x1;
	p0 =	seq.s32 s23, s20  }
0x18: {  	s28 =	sshrl.u32 s10, $0x5;
	s29 =	sshrl.u32 s21, $0x3;
	s2 =	simm.s32 @!p0 $0x0  }
0x19: {  	s5 =	sadd.s32 $0xE, s3;
	s2 =	simm.s32 @p0 $0x1;
	p0 =	seq.s32 s25, s23  }
0x1a: {  	s6 =	sadd.s32 $0xF, s3;
	[smem:$0x7BA] =	sst s2;
	s2 =	simm.s32 @!p0 $0x0  }
0x1b: {  	s12 =	sshrl.u32 s5, $0x5;
	s2 =	simm.s32 @p0 $0x1;
	p0 =	seq.s32 s26, s25  }
0x1c: {  	s19 =	sadd.s32 $0x10, s3;
	[smem:$0x7B9] =	sst s0;
	s0 =	simm.s32 @!p0 $0x0  }
0x1d: {  	[smem:$0x7C5] =	sst s19;
	s0 =	simm.s32 @p0 $0x1;
	p0 =	seq.s32 s1, s26  }
0x1e: {  	s16 =	sshrl.u32 s30, $0x5;
	[smem:$0x7BC] =	sst s0;
	s0 =	simm.s32 @!p0 $0x0  }
0x1f: {  	s20 =	sshrl.u32 s6, $0x5;
	s0 =	simm.s32 @p0 $0x1;
	p0 =	seq.s32 s28, s1  }
0x20: {  	s23 =	sshrl.u32 s19, $0x5;
	[smem:$0x7BD] =	sst s0;
	s0 =	simm.s32 @!p0 $0x0  }
0x21: {  	[smem:$0x7BB] =	sst s2;
	s0 =	simm.s32 @p0 $0x1;
	p0 =	seq.s32 s12, s28  }
0x22: {  	s25 =	sadd.s32 $0x14, s3;
	[smem:$0x7BE] =	sst s0;
	s0 =	simm.s32 @!p0 $0x0  }
0x23: {  	s2 =	sshrl.u32 s22, $0x5;
	s0 =	simm.s32 @p0 $0x1;
	p0 =	seq.s32 s20, s12  }
0x24: {  	s19 =	sshrl.u32 s25, $0x5;
	[smem:$0x7BF] =	sst s0;
	s0 =	simm.s32 @!p0 $0x0  }
0x25: {  	p4 =	seq.s32 s19, s16;
	s0 =	simm.s32 @p0 $0x1;
	p0 =	seq.s32 s23, s20  }
0x26: {  	s1 =	ssub.s32 $0x2, s11;
	[smem:$0x7C0] =	sst s0;
	s0 =	simm.s32 @!p0 $0x0  }
0x27: {  	s12 =	sshrl.u32 s31, $0x5;
	s0 =	simm.s32 @p0 $0x1;
	p0 =	seq.s32 s2, s23  }
0x28: {  	s20 =	sadd.s32 $0x16, s3;
	[smem:$0x7C1] =	sst s0;
	s0 =	simm.s32 @!p0 $0x0  }
0x29: {  	s28 =	sshrl.u32 s20, $0x5;
	s0 =	simm.s32 @p0 $0x1;
	p0 =	seq.s32 s12, s2  }
0x2a: {  	s23 =	sadd.s32 $0x15, s3;
	[smem:$0x7C2] =	sst s0;
	s0 =	simm.s32 @!p0 $0x0  }
0x2b: {  	s26 =	sshrl.u32 s23, $0x5;
	s0 =	simm.s32 @p0 $0x1;
	p0 =	seq.s32 s16, s12  }
0x2c: {  	p5 =	seq.s32 s26, s19;
	[smem:$0x7C3] =	sst s0;
	s0 =	simm.s32 @!p0 $0x0  }
0x2d: {  	p6 =	seq.s32 s28, s26;
	s16 =	sadd.s32 $0x17, s3;
	s0 =	simm.s32 @p0 $0x1  }
0x2e: {  	s12 =	sadd.s32 $0x18, s3;
	[smem:$0x7C4] =	sst s0;
	s0 =	sshrl.u32 s16, $0x5  }
0x2f: {  	s19 =	sadd.s32 $0x19, s3;
	s2 =	sshrl.u32 s12, $0x5;
	p0 =	seq.s32 s0, s28  }
0x30: {  	p1 =	seq.s32 s2, s0;
	s28 =	sshrl.u32 s19, $0x5;
	s0 =	sshrl.u32 s1, $0x1  }
0x31: {  	p2 =	seq.s32 s28, s2;
	s2 =	sshll.u32 s3, $0x4;
	s11 =	ssub.s32 s1, s0  }
0x32: {  	s28 =	sshrl.u32 s3, $0x1;
	s1 =	sshrl.u32 s21, $0x1;
	[smem:$0x7FD] =	sst s11  }
0x33: {  	s2 =	sand.u32 $0x3000, s2;
	s0 =	sand.u32 $0x70, s28;
	s11 =	rddreg [dreg:$0x0]  }
0x34: {  	s28 =	sand.u32 $0x70, s1;
	s1 =	smul.u32 $0xC3800, s29;
	s26 =	sadd.s32 s11, s0  }
0x35: {  	s0 =	sshll.u32 s21, $0x4;
	s21 =	sshll.u32 s21, $0x7;
	s28 =	sadd.s32 s11, s28  }
0x36: {  	s0 =	sand.u32 $0x7000, s0;
	s21 =	sand.u32 $0x300, s21;
	s2 =	sadd.s32 s2, s26  }
0x37: {  	s26 =	sshll.u32 s4, $0x4;
	[dreg:$0x4] =	wrdreg s2;
	s0 =	sadd.s32 s0, s28  }
0x38: {  	s2 =	sor.u32 s21, s1;
	s28 =	sshrl.u32 s4, $0x1;
	s1 =	sand.u32 $0x7000, s26  }
0x39: {  	s26 =	sshrl.u32 s4, $0x3;
	s4 =	sshll.u32 s4, $0x7;
	[dreg:$0x5] =	wrdreg s0  }
0x3a: {  	[smem:$0x7C7] =	sst s2;
	s0 =	sshll.u32 s29, $0xF;
	s2 =	sand.u32 $0x70, s28  }
0x3b: {  	s28 =	smul.u32 $0xC3800, s26;
	s2 =	sadd.s32 s11, s2;
	s0 =	sor.u32 s21, s0  }
0x3c: {  	s4 =	sand.u32 $0x380, s4;
	[smem:$0x7E8] =	sst s0;
	s2 =	sadd.s32 s1, s2  }
0x3d: {  	s26 =	sshll.u32 s26, $0xF;
	s21 =	sor.u32 s4, s28;
	[dreg:$0x6] =	wrdreg s2  }
0x3e: {  	s28 =	sshrl.u32 s18, $0x1;
	s0 =	sor.u32 s4, s26;
	[smem:$0x7C8] =	sst s21  }
0x3f: {  	s1 =	sshrl.u32 s18, $0x3;
	s26 =	sshll.u32 s18, $0x7;
	[smem:$0x7EB] =	sst s0  }
0x40: {  	s4 =	sand.u32 $0x70, s28;
	s21 =	sshll.u32 s18, $0x4;
	s28 =	smul.u32 $0xC3800, s1  }
0x41: {  	s1 =	sshll.u32 s1, $0xF;
	s2 =	sand.u32 $0x7000, s21;
	s0 =	sadd.s32 s11, s4  }
0x42: {  	s4 =	sand.u32 $0x300, s26;
	s21 =	sshrl.u32 s17, $0x1;
	s26 =	sshll.u32 s17, $0x4  }
0x43: {  	s0 =	sadd.s32 s2, s0;
	s18 =	sor.u32 s4, s28;
	s2 =	sshrl.u32 s17, $0x3  }
0x44: {  	s17 =	sshll.u32 s17, $0x7;
	s1 =	sor.u32 s4, s1;
	[dreg:$0x7] =	wrdreg s0  }
0x45: {  	s4 =	sshll.u32 s15, $0x4;
	[smem:$0x7CA] =	sst s18;
	s0 =	sand.u32 $0x70, s21  }
0x46: {  	s28 =	smul.u32 $0xC3800, s2;
	s18 =	sand.u32 $0x7000, s26;
	s17 =	sand.u32 $0x380, s17  }
0x47: {  	[smem:$0x7ED] =	sst s1;
	s1 =	sand.u32 $0x7000, s4;
	s4 =	sshrl.u32 s15, $0x3  }
0x48: {  	s0 =	sadd.s32 s11, s0;
	s21 =	smul.u32 $0xC3800, s4;
	s4 =	sshll.u32 s4, $0xF  }
0x49: {  	s0 =	sadd.s32 s18, s0;
	s26 =	sor.u32 s17, s28;
	s28 =	sshll.u32 s2, $0xF  }
0x4a: {  	s18 =	sshrl.u32 s15, $0x1;
	s15 =	sshll.u32 s15, $0x7;
	[dreg:$0x8] =	wrdreg s0  }
0x4b: {  	[smem:$0x7CB] =	sst s26;
	s2 =	sand.u32 $0x70, s18;
	s0 =	sor.u32 s17, s28  }
0x4c: {  	s28 =	sand.u32 $0x300, s15;
	s15 =	sshrl.u32 s14, $0x1;
	s18 =	sshrl.u32 s14, $0x3  }
0x4d: {  	s2 =	sadd.s32 s11, s2;
	[smem:$0x7EE] =	sst s0;
	s0 =	sor.u32 s28, s4  }
0x4e: {  	s17 =	sand.u32 $0x70, s15;
	s15 =	sshll.u32 s24, $0x4;
	s26 =	sadd.s32 s1, s2  }
0x4f: {  	s2 =	sor.u32 s28, s21;
	[smem:$0x7F1] =	sst s0;
	s21 =	sshll.u32 s14, $0x4  }
0x50: {  	s28 =	smul.u32 $0xC3800, s18;
	s0 =	sadd.s32 s11, s17;
	[dreg:$0x9] =	wrdreg s26  }
0x51: {  	s17 =	sshrl.u32 s24, $0x1;
	[smem:$0x7CE] =	sst s2;
	s26 =	sshll.u32 s14, $0x7  }
0x52: {  	s2 =	sand.u32 $0x7000, s21;
	s14 =	sshll.u32 s18, $0xF;
	s1 =	sand.u32 $0x70, s17  }
0x53: {  	s18 =	sshrl.u32 s13, $0x1;
	s21 =	sshrl.u32 s13, $0x3;
	s17 =	sshrl.u32 s9, $0x1  }
0x54: {  	s4 =	sand.u32 $0x380, s26;
	s0 =	sadd.s32 s2, s0;
	s1 =	sadd.s32 s11, s1  }
0x55: {  	s26 =	sshll.u32 s13, $0x4;
	s13 =	sshll.u32 s13, $0x7;
	[dreg:$0xa] =	wrdreg s0  }
0x56: {  	s2 =	sor.u32 s4, s28;
	s0 =	sor.u32 s4, s14;
	s28 =	smul.u32 $0xC3800, s21  }
0x57: {  	s14 =	sand.u32 $0x7000, s26;
	s13 =	sand.u32 $0x380, s13;
	[smem:$0x7D0] =	sst s2  }
0x58: {  	[smem:$0x7F2] =	sst s0;
	s0 =	sand.u32 $0x7000, s15;
	s2 =	sand.u32 $0x70, s18  }
0x59: {  	s15 =	sshll.u32 s9, $0x4;
	s18 =	sshrl.u32 s9, $0x3;
	s9 =	sshll.u32 s9, $0x7  }
0x5a: {  	s2 =	sadd.s32 s11, s2;
	s0 =	sadd.s32 s0, s1;
	s4 =	sshll.u32 s18, $0xF  }
0x5b: {  	[dreg:$0xb] =	wrdreg s0;
	s1 =	sadd.s32 s14, s2;
	s2 =	sor.u32 s13, s28  }
0x5c: {  	s14 =	sshll.u32 s21, $0xF;
	s21 =	smul.u32 $0xC3800, s18;
	[dreg:$0xc] =	wrdreg s1  }
0x5d: {  	s28 =	sand.u32 $0x300, s9;
	s9 =	sshrl.u32 s8, $0x1;
	[smem:$0x7D3] =	sst s2  }
0x5e: {  	s1 =	sand.u32 $0x7000, s15;
	s2 =	sand.u32 $0x70, s17;
	s0 =	sor.u32 s13, s14  }
0x5f: {  	s13 =	sand.u32 $0x70, s9;
	s14 =	sshrl.u32 s8, $0x3;
	s15 =	sshll.u32 s8, $0x4  }
0x60: {  	s17 =	sshll.u32 s8, $0x7;
	s9 =	sshrl.u32 s5, $0x3;
	s2 =	sadd.s32 s11, s2  }
0x61: {  	[smem:$0x7F3] =	sst s0;
	s0 =	sor.u32 s28, s4;
	s18 =	smul.u32 $0xC3800, s14  }
0x62: {  	s4 =	sand.u32 $0x380, s17;
	s17 =	sshll.u32 s10, $0x4;
	s26 =	sadd.s32 s1, s2  }
0x63: {  	s2 =	sor.u32 s28, s21;
	[smem:$0x7F4] =	sst s0;
	s0 =	sadd.s32 s11, s13  }
0x64: {  	s1 =	sshll.u32 s14, $0xF;
	s28 =	sshrl.u32 s7, $0x3;
	[dreg:$0xd] =	wrdreg s26  }
0x65: {  	s13 =	sshll.u32 s7, $0x4;
	[smem:$0x7D5] =	sst s2;
	s2 =	sand.u32 $0x7000, s15  }
0x66: {  	s21 =	sor.u32 s4, s18;
	s26 =	sshrl.u32 s7, $0x1;
	s7 =	sshll.u32 s7, $0x7  }
0x67: {  	s14 =	smul.u32 $0xC3800, s28;
	s8 =	sand.u32 $0x7000, s13;
	s1 =	sor.u32 s4, s1  }
0x68: {  	s15 =	sshll.u32 s28, $0xF;
	s18 =	sshrl.u32 s10, $0x1;
	s13 =	sshll.u32 s5, $0x7  }
0x69: {  	s0 =	sadd.s32 s2, s0;
	[smem:$0x7D6] =	sst s21;
	s7 =	sand.u32 $0x300, s7  }
0x6a: {  	[smem:$0x7F5] =	sst s1;
	s1 =	sand.u32 $0x7000, s17;
	s2 =	sand.u32 $0x70, s18  }
0x6b: {  	s21 =	sshrl.u32 s10, $0x3;
	s17 =	sshrl.u32 s6, $0x3;
	s18 =	sshll.u32 s6, $0x4  }
0x6c: {  	[dreg:$0xe] =	wrdreg s0;
	s0 =	sand.u32 $0x70, s26;
	s29 =	sor.u32 s7, s14  }
0x6d: {  	s2 =	sadd.s32 s11, s2;
	s26 =	sshll.u32 s10, $0x7;
	s28 =	smul.u32 $0xC3800, s21  }
0x6e: {  	s4 =	sshll.u32 s21, $0xF;
	s10 =	sshll.u32 s5, $0x4;
	s14 =	smul.u32 $0xC3800, s9  }
0x6f: {  	s0 =	sadd.s32 s11, s0;
	s1 =	sadd.s32 s1, s2;
	s2 =	sand.u32 $0x380, s26  }
0x70: {  	s26 =	smul.u32 $0xC3800, s17;
	s0 =	sadd.s32 s8, s0;
	[dreg:$0x10] =	wrdreg s1  }
0x71: {  	s28 =	sor.u32 s2, s28;
	s1 =	sshll.u32 s9, $0xF;
	[dreg:$0xf] =	wrdreg s0  }
0x72: {  	s0 =	sor.u32 s7, s15;
	s7 =	sshrl.u32 s5, $0x1;
	s15 =	sshrl.u32 s6, $0x1  }
0x73: {  	s6 =	sshll.u32 s6, $0x7;
	s5 =	sand.u32 $0x7000, s18;
	[smem:$0x7F6] =	sst s0  }
0x74: {  	s0 =	sor.u32 s2, s4;
	s8 =	sand.u32 $0x70, s7;
	s2 =	sand.u32 $0x7000, s10  }
0x75: {  	s4 =	sand.u32 $0x300, s13;
	s6 =	sand.u32 $0x380, s6;
	s7 =	sld [smem:$0x7C5]  }
0x76: {  	s13 =	sshll.u32 s22, $0x4;
	[smem:$0x7F7] =	sst s0;
	s0 =	sadd.s32 s11, s8  }
0x77: {  	s21 =	sor.u32 s4, s14;
	s1 =	sor.u32 s4, s1;
	s18 =	sor.u32 s6, s26  }
0x78: {  	s4 =	sshll.u32 s17, $0xF;
	s14 =	sshrl.u32 s22, $0x1;
	s26 =	sshll.u32 s22, $0x7  }
0x79: {  	s0 =	sadd.s32 s2, s0;
	[smem:$0x7F8] =	sst s1;
	s2 =	sand.u32 $0x7000, s13  }
0x7a: {  	s13 =	sshrl.u32 s31, $0x1;
	[dreg:$0x11] =	wrdreg s0;
	s0 =	sand.u32 $0x70, s15  }
0x7b: {  	s8 =	sshrl.u32 s7, $0x1;
	s15 =	sshrl.u32 s22, $0x3;
	s0 =	sadd.s32 s11, s0  }
0x7c: {  	s22 =	sshll.u32 s31, $0x4;
	s10 =	sand.u32 $0x70, s8;
	s0 =	sadd.s32 s5, s0  }
0x7d: {  	s5 =	sshll.u32 s7, $0x4;
	s1 =	sadd.s32 s11, s10;
	s10 =	sshll.u32 s15, $0xF  }
0x7e: {  	[dreg:$0x12] =	wrdreg s0;
	s0 =	sor.u32 s6, s4;
	s9 =	sand.u32 $0x7000, s5  }
0x7f: {  	s4 =	sand.u32 $0x70, s14;
	s5 =	smul.u32 $0xC3800, s15;
	s14 =	sand.u32 $0x70, s13  }
0x80: {  	s15 =	sshrl.u32 s31, $0x3;
	s13 =	sshll.u32 s30, $0x7;
	[smem:$0x7F9] =	sst s0  }
0x81: {  	s4 =	sadd.s32 s11, s4;
	s0 =	sadd.s32 s9, s1;
	s9 =	sand.u32 $0x380, s26  }
0x82: {  	s26 =	sshll.u32 s31, $0x7;
	s1 =	sshll.u32 s15, $0xF;
	[dreg:$0x13] =	wrdreg s0  }
0x83: {  	s8 =	sadd.s32 s2, s4;
	s17 =	sor.u32 s9, s5;
	s0 =	sor.u32 s9, s10  }
0x84: {  	s4 =	smul.u32 $0xC3800, s15;
	s2 =	sand.u32 $0x7000, s22;
	s6 =	sand.u32 $0x300, s26  }
0x85: {  	s5 =	sshrl.u32 s30, $0x1;
	s10 =	sshll.u32 s30, $0x4;
	[dreg:$0x14] =	wrdreg s8  }
0x86: {  	[smem:$0x7FA] =	sst s0;
	s0 =	sadd.s32 s11, s14;
	s8 =	sshrl.u32 s30, $0x3  }
0x87: {  	s22 =	sand.u32 $0x7000, s10;
	s10 =	sand.u32 $0x380, s13;
	s1 =	sor.u32 s6, s1  }
0x88: {  	s0 =	sadd.s32 s2, s0;
	s31 =	sor.u32 s6, s4;
	s14 =	smul.u32 $0xC3800, s8  }
0x89: {  	[smem:$0x7FB] =	sst s1;
	s26 =	sshll.u32 s8, $0xF;
	s2 =	sshll.u32 s25, $0x4  }
0x8a: {  	s4 =	sshrl.u32 s25, $0x1;
	s8 =	sshll.u32 s25, $0x7;
	[dreg:$0x15] =	wrdreg s0  }
0x8b: {  	s0 =	sand.u32 $0x70, s5;
	s1 =	sand.u32 $0x7000, s2;
	s2 =	sand.u32 $0x70, s4  }
0x8c: {  	s5 =	sshrl.u32 s25, $0x3;
	s0 =	sadd.s32 s11, s0;
	s30 =	sor.u32 s10, s14  }
0x8d: {  	s2 =	sadd.s32 s11, s2;
	s9 =	smul.u32 $0xC3800, s5;
	s14 =	sand.u32 $0x300, s8  }
0x8e: {  	s15 =	sshll.u32 s5, $0xF;
	s5 =	sshrl.u32 s23, $0x3;
	s8 =	sshll.u32 s23, $0x4  }
0x8f: {  	s0 =	sadd.s32 s22, s0;
	s13 =	sadd.s32 s1, s2;
	s22 =	sshrl.u32 s23, $0x1  }
0x90: {  	s2 =	sand.u32 $0x7000, s8;
	[dreg:$0x16] =	wrdreg s0;
	s0 =	sor.u32 s10, s26  }
0x91: {  	[dreg:$0x17] =	wrdreg s13;
	s25 =	sor.u32 s14, s9;
	s26 =	sor.u32 s14, s15  }
0x92: {  	s4 =	sand.u32 $0x70, s22;
	s9 =	sshll.u32 s23, $0x7;
	s10 =	smul.u32 $0xC3800, s5  }
0x93: {  	s13 =	sshll.u32 s5, $0xF;
	s15 =	sshll.u32 s20, $0x4;
	s22 =	sshrl.u32 s20, $0x1  }
0x94: {  	[smem:$0x7FC] =	sst s0;
	s0 =	sadd.s32 s11, s4;
	s6 =	sand.u32 $0x380, s9  }
0x95: {  	s1 =	sand.u32 $0x70, s22;
	s4 =	sshll.u32 s20, $0x7;
	s9 =	sshll.u32 s16, $0x4  }
0x96: {  	s22 =	sshrl.u32 s16, $0x3;
	s0 =	sadd.s32 s2, s0;
	s14 =	sor.u32 s6, s10  }
0x97: {  	s23 =	sor.u32 s6, s13;
	s2 =	sshrl.u32 s20, $0x3;
	s1 =	sadd.s32 s11, s1  }
0x98: {  	s8 =	sand.u32 $0x300, s4;
	s10 =	sand.u32 $0x7000, s9;
	s4 =	sshrl.u32 s3, $0x3  }
0x99: {  	s9 =	sshll.u32 s12, $0x4;
	[dreg:$0x18] =	wrdreg s0;
	s0 =	sand.u32 $0x7000, s15  }
0x9a: {  	s5 =	smul.u32 $0xC3800, s2;
	s6 =	sshll.u32 s2, $0xF;
	s15 =	sshrl.u32 s16, $0x1  }
0x9b: {  	s16 =	sshll.u32 s16, $0x7;
	s2 =	sshll.u32 s22, $0xF;
	s0 =	sadd.s32 s0, s1  }
0x9c: {  	s20 =	sor.u32 s8, s6;
	s6 =	sand.u32 $0x70, s15;
	s16 =	sand.u32 $0x380, s16  }
0x9d: {  	[dreg:$0x19] =	wrdreg s0;
	s13 =	sor.u32 s8, s5;
	s6 =	sadd.s32 s11, s6  }
0x9e: {  	s0 =	smul.u32 $0xC3800, s22;
	s8 =	sshrl.u32 s12, $0x1;
	s1 =	sadd.s32 s10, s6  }
0x9f: {  	s6 =	sld [smem:$0x7C6];
	s3 =	sand.u32 $0x70, s8;
	s10 =	smul.u32 $0xC3800, s4  }
0xa0: {  	s8 =	sshrl.u32 s24, $0x3;
	[dreg:$0x1a] =	wrdreg s1;
	s15 =	sor.u32 s16, s0  }
0xa1: {  	s16 =	sor.u32 s16, s2;
	s3 =	sadd.s32 s11, s3;
	s0 =	sshll.u32 s4, $0xF  }
0xa2: {  	s2 =	sshrl.u32 s7, $0x3;
	s1 =	sshll.u32 s6, $0x8;
	s6 =	sand.u32 $0x7000, s9  }
0xa3: {  	s1 =	sand.u32 $0x300, s1;
	s5 =	sadd.s32 s6, s3;
	s3 =	sshll.u32 s8, $0xF  }
0xa4: {  	[dreg:$0x1b] =	wrdreg s5;
	s6 =	sor.u32 $0x80, s1;
	s4 =	sor.u32 s1, s10  }
0xa5: {  	s9 =	sor.u32 s1, s0;
	s5 =	sor.u32 s6, s10;
	s10 =	smul.u32 $0xC3800, s8  }
0xa6: {  	s24 =	sor.u32 s6, s0;
	s0 =	sshrl.u32 s12, $0x3;
	s12 =	smul.u32 $0xC3800, s2  }
0xa7: {  	s2 =	sshll.u32 s2, $0xF;
	s8 =	smul.u32 $0xC3800, s0;
	s0 =	sshll.u32 s0, $0xF  }
0xa8: {  	s6 =	sor.u32 s1, s10;
	s10 =	sor.u32 s1, s3;
	s7 =	sor.u32 s1, s12  }
0xa9: {  	s12 =	sor.u32 s1, s2;
	s3 =	sshrl.u32 s19, $0x1;
	s22 =	sor.u32 s1, s0  }
0xaa: {  	s8 =	sor.u32 s1, s8;
	s2 =	sand.u32 $0x70, s3;
	s3 =	sshll.u32 s19, $0x4  }
0xab: {  	s1 =	rddreg [dreg:$0x1];
	s2 =	sadd.s32 s11, s2;
	s3 =	sand.u32 $0x7000, s3  }
0xac: {  	s11 =	sld [smem:$0x7C7];
	s0 =	sadd.s32 s3, s2  }
0xad: {  	s4 =	sshrl.u32 s4, $0x3;
	[dreg:$0x1c] =	wrdreg s0  }
0xae: {  	s0 =	sadd.s32 s1, s4;
	s4 =	sld [smem:$0x7C8]  }
0xaf: {  	s5 =	sshrl.u32 s5, $0x3;
	[dreg:$0x1d] =	wrdreg s0  }
0xb0: {  	s0 =	sadd.s32 s1, s5;
	s5 =	sld [smem:$0x7CA]  }
0xb1: {  	s2 =	sshrl.u32 s11, $0x3;
	s11 =	sld [smem:$0x7CB]  }
0xb2: {  	[dreg:$0x1e] =	wrdreg s0;
	s3 =	sadd.s32 s1, s2  }
0xb3: {  	[dreg:$0x1f] =	wrdreg s3;
	s0 =	sshrl.u32 s4, $0x3  }
0xb4: {  	s4 =	sld [smem:$0x7CE];
	s0 =	sadd.s32 s1, s0  }
0xb5: {  	s6 =	sshrl.u32 s6, $0x3;
	s2 =	sshrl.u32 s11, $0x3;
	[smem:$0x7C9] =	sst s0  }
0xb6: {  	s11 =	sadd.s32 s1, s6;
	s0 =	sshrl.u32 s5, $0x3;
	s5 =	sld [smem:$0x7D0]  }
0xb7: {  	s21 =	sshrl.u32 s21, $0x3;
	[smem:$0x7D2] =	sst s11  }
0xb8: {  	s3 =	sadd.s32 s1, s2;
	s2 =	sld [smem:$0x7D3];
	s11 =	sshrl.u32 s28, $0x3  }
0xb9: {  	s28 =	sadd.s32 s1, s21;
	s21 =	sshrl.u32 s14, $0x3;
	s14 =	sld [smem:$0x7E8]  }
0xba: {  	s0 =	sadd.s32 s1, s0;
	[smem:$0x7CD] =	sst s3  }
0xbb: {  	[smem:$0x7CC] =	sst s0;
	s0 =	sshrl.u32 s4, $0x3  }
0xbc: {  	s4 =	sld [smem:$0x7D6];
	s0 =	sadd.s32 s1, s0  }
0xbd: {  	[smem:$0x7CF] =	sst s0;
	s0 =	sshrl.u32 s5, $0x3  }
0xbe: {  	s3 =	sld [smem:$0x7D5];
	s0 =	sadd.s32 s1, s0  }
0xbf: {  	[smem:$0x7D1] =	sst s0;
	s0 =	sshrl.u32 s2, $0x3  }
0xc0: {  	[smem:$0x7DB] =	sst s28;
	s2 =	sshrl.u32 s4, $0x3;
	s0 =	sadd.s32 s1, s0  }
0xc1: {  	s4 =	sshrl.u32 s17, $0x3;
	s5 =	sadd.s32 s1, s2;
	[smem:$0x7D4] =	sst s0  }
0xc2: {  	s0 =	sshrl.u32 s3, $0x3;
	[smem:$0x7D8] =	sst s5;
	s5 =	sadd.s32 s1, s4  }
0xc3: {  	s6 =	sshrl.u32 s29, $0x3;
	s0 =	sadd.s32 s1, s0;
	[smem:$0x7DE] =	sst s5  }
0xc4: {  	s5 =	sshrl.u32 s13, $0x3;
	s13 =	sshrl.u32 s24, $0x3;
	s24 =	sld [smem:$0x7ED]  }
0xc5: {  	s2 =	sshrl.u32 s18, $0x3;
	[smem:$0x7D7] =	sst s0;
	s0 =	sadd.s32 s1, s6  }
0xc6: {  	s18 =	sshrl.u32 s19, $0x3;
	[smem:$0x7D9] =	sst s0;
	s0 =	sadd.s32 s1, s11  }
0xc7: {  	s11 =	sshrl.u32 s25, $0x3;
	s25 =	sshll.u32 s19, $0x7;
	s19 =	sld [smem:$0x7EB]  }
0xc8: {  	[smem:$0x7DA] =	sst s0;
	s0 =	sadd.s32 s1, s2  }
0xc9: {  	s17 =	sadd.s32 s1, s11;
	s11 =	sshrl.u32 s9, $0x3;
	s9 =	sld [smem:$0x7F8]  }
0xca: {  	[smem:$0x7DC] =	sst s0  }
0xcb: {  	s2 =	sadd.s32 s1, s21;
	[smem:$0x7E1] =	sst s17  }
0xcc: {  	s21 =	simm.s32 $0x0;
	[smem:$0x7E2] =	sst s2  }
0xcd: {  	s3 =	sshrl.u32 s7, $0x3;
	[smem:$0x7FF] =	sst s21  }
0xce: {  	s0 =	sadd.s32 s1, s3;
	s3 =	sand.u32 $0x380, s25;
	s25 =	sld [smem:$0x7EE]  }
0xcf: {  	s2 =	sadd.s32 s1, s5;
	s5 =	sld [smem:$0x7F4]  }
0xd0: {  	s6 =	sshrl.u32 s31, $0x3;
	[smem:$0x7DD] =	sst s0  }
0xd1: {  	s7 =	sshrl.u32 s30, $0x3;
	s0 =	sadd.s32 s1, s6;
	[smem:$0x7E3] =	sst s2  }
0xd2: {  	s28 =	smul.u32 $0xC3800, s18;
	s6 =	sshrl.u32 s15, $0x3;
	[smem:$0x7DF] =	sst s0  }
0xd3: {  	s0 =	sadd.s32 s1, s7;
	s7 =	sshrl.u32 s8, $0x3;
	s8 =	rddreg [dreg:$0x2]  }
0xd4: {  	s2 =	sadd.s32 s1, s6;
	s6 =	sld [smem:$0x7F5]  }
0xd5: {  	s4 =	sor.u32 s3, s28;
	[smem:$0x7E0] =	sst s0  }
0xd6: {  	s4 =	sshrl.u32 s4, $0x3;
	[smem:$0x7E4] =	sst s2  }
0xd7: {  	s2 =	sadd.s32 s1, s7;
	s1 =	sadd.s32 s1, s4;
	s4 =	sld [smem:$0x7F3]  }
0xd8: {  	s7 =	sld [smem:$0x7F6]  }
0xd9: {  	s0 =	sshll.u32 s18, $0xF;
	s18 =	sadd.s32 $0x1A00, s8;
	s8 =	sld [smem:$0x7F7]  }
0xda: {  	[smem:$0x7E5] =	sst s2  }
0xdb: {  	[smem:$0x7E6] =	sst s1  }
0xdc: {  	s2 =	sld [smem:$0x7F2]  }
0xdd: {  	s17 =	sor.u32 s3, s0;
	s3 =	sshrl.u32 s10, $0x3;
	s10 =	sld [smem:$0x7F9]  }
0xde: {  	s0 =	sadd.s32 s18, s11;
	s11 =	sshrl.u32 s12, $0x3;
	s12 =	sld [smem:$0x7FA]  }
0xdf: {  	s1 =	sshrl.u32 s14, $0x3;
	s14 =	sld [smem:$0x7FC]  }
0xe0: {  	[smem:$0x7E7] =	sst s0;
	s0 =	sadd.s32 s18, s13  }
0xe1: {  	s15 =	sadd.s32 s18, s1;
	s1 =	sshrl.u32 s25, $0x3;
	s13 =	sld [smem:$0x7FB]  }
0xe2: {  	s31 =	sadd.s32 s18, s3;
	s25 =	sshrl.u32 s22, $0x3;
	[smem:$0x7E9] =	sst s0  }
0xe3: {  	s22 =	simm.s32 $0x19700;
	[smem:$0x7EA] =	sst s15;
	s0 =	sshrl.u32 s19, $0x3  }
0xe4: {  	s28 =	sadd.s32 s18, s1;
	s1 =	sld [smem:$0x7F1];
	s3 =	sshrl.u32 s7, $0x3  }
0xe5: {  	s7 =	sadd.s32 s18, s11;
	s15 =	sshrl.u32 s26, $0x3;
	s19 =	sshrl.u32 s23, $0x3  }
0xe6: {  	s23 =	sshrl.u32 s20, $0x3;
	s26 =	sshrl.u32 s17, $0x3;
	s20 =	simm.s32 $0x1  }
0xe7: {  	s0 =	sadd.s32 s18, s0;
	[smem:$0x7F0] =	sst s28;
	s3 =	sadd.s32 s18, s3  }
0xe8: {  	s11 =	sadd.s32 s18, s15;
	[smem:$0x7EC] =	sst s0;
	s0 =	sshrl.u32 s24, $0x3  }
0xe9: {  	s15 =	sadd.s32 s18, s25;
	s24 =	sshrl.u32 s16, $0x3;
	s0 =	sadd.s32 s18, s0  }
0xea: {  	s16 =	sadd.s32 s18, s26;
	[smem:$0x7EF] =	sst s0;
	s0 =	sshrl.u32 s1, $0x3  }
0xeb: {  	s1 =	sshrl.u32 s5, $0x3;
	s5 =	sshrl.u32 s9, $0x3;
	s9 =	sshrl.u32 s13, $0x3  }
0xec: {  	s13 =	sadd.s32 s18, s23;
	s23 =	simm.s32 $0x0;
	s29 =	sadd.s32 s18, s0  }
0xed: {  	s0 =	sshrl.u32 s2, $0x3;
	s2 =	sshrl.u32 s6, $0x3;
	s1 =	sadd.s32 s18, s1  }
0xee: {  	s5 =	sadd.s32 s18, s5;
	s6 =	sshrl.u32 s10, $0x3;
	s9 =	sadd.s32 s18, s9  }
0xef: {  	s10 =	sshrl.u32 s14, $0x3;
	s14 =	sadd.s32 s18, s24;
	_ =	strace $0x80000047  }
0xf0: {  	s30 =	sadd.s32 s18, s0;
	s0 =	sshrl.u32 s4, $0x3;
	s2 =	sadd.s32 s18, s2  }
0xf1: {  	s4 =	sshrl.u32 s8, $0x3;
	s6 =	sadd.s32 s18, s6;
	s28 =	sld [smem:$0x7FD]  }
0xf2: {  	s8 =	sshrl.u32 s12, $0x3;
	s10 =	sadd.s32 s18, s10;
	s12 =	sadd.s32 s18, s19  }
0xf3: {  	s19 =	simm.s32 $0x400;
	s0 =	sadd.s32 s18, s0;
	s4 =	sadd.s32 s18, s4  }
0xf4: {  	s8 =	sadd.s32 s18, s8;
	s18 =	simm.s32 $0x80;
	s17 =	smax.u32 s28, $0x1  }
.LBB2_1:
0xf5: {  	s24 =	rddreg [dreg:$0x4];
	s25 =	simm.s32 $0x18700  }
0xf6: {  	[tilespmem:s25], [sflag:$0x1] =	stream.strided.gather [hbm4b:s24+s18], $0x1000, s19, s18, $0x38;
	[tilespmem:$0x1A700] =	vst v63  }
0xf7: {  	_ =	swait.ge [sflag:s20], $0x1000  }
0xf8: {  	[sflag:s20] =	ssyncset.done $0x0  }
0xf9: {  	s28 =	rddreg [dreg:$0x1d];
	[sflag:s20] =	ssyncadd.s32 $0xFFFFF000  }
0xfa: {  	[tilespmem:s21], [sflag:$0x1] =	stream.strided.gather [hbm4b:s28+s18], $0x18700, s19, s18, $0x38;
	[tilespmem:$0x1A700] =	vst v63  }
0xfb: {  	_ =	swait.ge [sflag:s20], $0x18700  }
0xfc: {  	[sflag:s20] =	ssyncset.done $0x0  }
0xfd: {  	s24 =	simm.s32 $0x0;
	[sflag:s20] =	ssyncadd.s32 $0xFFFE7900  }
0xfe: {  	v0 =	vld [tilespmem:s24+$0x18700];
	_ =	sdelay $0x7  }
0xff: {  	s26 =	simm.s32 $0x80;
	s25 =	simm.s32 $0x10;
	v0 =	vld.idx.msk [tilespmem:v0+s21+$0x0], $0xffff  }
.LBB2_2:
0x100: {  	p3 =	sne.s32 s26, $0x3FC0;
	v1 =	vld [tilespmem:s25+$0x18700];
	_ =	sdelay $0x3  }
.Ltmp0:
0x101: {  	(pc) =	sbr.rel @p3 .LBB2_2-.Ltmp0, $2  }
0x102: {  	[tilespmem:s24+$0x19700] =	vst v0;
	s24 =	smov.u32 s25;
	_ =	sdelay $0x2  }
0x103: {  	s25 =	sshra.s32 s26, $0x2;
	s26 =	sadd.s32 $0x40, s26;
	v0 =	vld.idx.msk [tilespmem:v1+s21+$0x0], $0xffff  }
0x104: {  	v1 =	vld [tilespmem:s25+$0x18700];
	_ =	sdelay $0x6  }
0x105: {  	[tilespmem:s24+$0x19700] =	vst v0  }
0x106: {  	v0 =	vld.idx.msk [tilespmem:v1+s21+$0x0], $0xffff;
	_ =	sdelay $0x4  }
0x107: {  	[tilespmem:s25+$0x19700] =	vst v0;
	s25 =	sld [smem:$0x7E7];
	_ =	sdelay $0x2  }
0x108: {  	[hbm4b:s25+s18] =	stream.strided.scatter [tilespmem:s22], [sflag:$0x1], $0x1000, s19, s18, $0x38;
	[tilespmem:$0x1A700] =	vst v63  }
0x109: {  	_ =	swait.ge [sflag:s20], $0x1000  }
0x10a: {  	[sflag:s20] =	ssyncset.done $0x0  }
0x10b: {  	s26 =	simm.s32 $0x0;
	s28 =	rddreg [dreg:$0x1e];
	[sflag:s20] =	ssyncadd.s32 $0xFFFFF000  }
0x10c: {  	[tilespmem:s26], [sflag:$0x1] =	stream.strided.gather [hbm4b:s28+s18], $0x18700, s19, s18, $0x38;
	[tilespmem:$0x1A700] =	vst v63  }
0x10d: {  	_ =	swait.ge [sflag:s20], $0x18700  }
0x10e: {  	[sflag:s20] =	ssyncset.done $0x0  }
0x10f: {  	s24 =	simm.s32 $0x0;
	[sflag:s20] =	ssyncadd.s32 $0xFFFE7900  }
0x110: {  	v0 =	vld [tilespmem:s24+$0x18700];
	_ =	sdelay $0x7  }
0x111: {  	s25 =	simm.s32 $0x10;
	s26 =	simm.s32 $0x80;
	v0 =	vld.idx.msk [tilespmem:v0+s21+$0x0], $0xffff  }
.LBB2_4:
0x112: {  	p3 =	sne.s32 s26, $0x3FC0;
	v1 =	vld [tilespmem:s25+$0x18700];
	_ =	sdelay $0x3  }
.Ltmp1:
0x113: {  	(pc) =	sbr.rel @p3 .LBB2_4-.Ltmp1, $2  }
0x114: {  	[tilespmem:s24+$0x19700] =	vst v0;
	s24 =	smov.u32 s25;
	_ =	sdelay $0x2  }
0x115: {  	s25 =	sshra.s32 s26, $0x2;
	s26 =	sadd.s32 $0x40, s26;
	v0 =	vld.idx.msk [tilespmem:v1+s21+$0x0], $0xffff  }
0x116: {  	v1 =	vld [tilespmem:s25+$0x18700];
	_ =	sdelay $0x6  }
0x117: {  	[tilespmem:s24+$0x19700] =	vst v0  }
0x118: {  	v0 =	vld.idx.msk [tilespmem:v1+s21+$0x0], $0xffff;
	_ =	sdelay $0x2  }
0x119: {  	s28 =	sld [smem:$0x7E9];
	_ =	sdelay $0x1  }
0x11a: {  	[tilespmem:s25+$0x19700] =	vst v0  }
0x11b: {  	[hbm4b:s28+s18] =	stream.strided.scatter [tilespmem:s22], [sflag:$0x1], $0x1000, s19, s18, $0x38;
	[tilespmem:$0x1A700] =	vst v63  }
0x11c: {  	_ =	swait.ge [sflag:s20], $0x1000  }
0x11d: {  	s25 =	sld [smem:$0x7B3];
	_ =	sdelay $0x1  }
0x11e: {  	[sflag:s20] =	ssyncset.done $0x0  }
0x11f: {  	s28 =	rddreg [dreg:$0x5];
	[sflag:s20] =	ssyncadd.s32 $0xFFFFF000;
	p3 =	seq.s32 s25, $0x1  }
0x120: {  	s24 =	simm.s32 @!p3 $0x80;
	s25 =	simm.s32 @!p3 $0x400;
	s26 =	simm.s32 @!p3 $0x18700  }
0x121: {  	[tilespmem:s26], [sflag:$0x1] =	stream.strided.gather @!p3 [hbm4b:s28+s24], $0x1000, s25, s24, $0x38;
	[tilespmem:$0x1A700] =	vst v63  }
0x122: {  	s24 =	simm.s32 @!p3 $0x1  }
0x123: {  	_ =	swait.ge @!p3 [sflag:s24], $0x1000  }
0x124: {  	[sflag:s24] =	ssyncset.done @!p3 $0x0  }
0x125: {  	s26 =	simm.s32 $0x0;
	s28 =	rddreg [dreg:$0x1f];
	[sflag:s24] =	ssyncadd.s32 @!p3 $0xFFFFF000  }
0x126: {  	[tilespmem:s26], [sflag:$0x1] =	stream.strided.gather [hbm4b:s28+s18], $0x18700, s19, s18, $0x38;
	[tilespmem:$0x1A700] =	vst v63  }
0x127: {  	_ =	swait.ge [sflag:s20], $0x18700  }
0x128: {  	[sflag:s20] =	ssyncset.done $0x0  }
0x129: {  	s24 =	simm.s32 $0x0;
	[sflag:s20] =	ssyncadd.s32 $0xFFFE7900  }
0x12a: {  	v0 =	vld [tilespmem:s24+$0x18700];
	_ =	sdelay $0x7  }
0x12b: {  	s25 =	simm.s32 $0x10;
	s26 =	simm.s32 $0x80;
	v0 =	vld.idx.msk [tilespmem:v0+s21+$0x0], $0xffff  }
.LBB2_6:
0x12c: {  	p3 =	sne.s32 s26, $0x3FC0;
	v1 =	vld [tilespmem:s25+$0x18700];
	_ =	sdelay $0x3  }
.Ltmp2:
0x12d: {  	(pc) =	sbr.rel @p3 .LBB2_6-.Ltmp2, $2  }
0x12e: {  	[tilespmem:s24+$0x19700] =	vst v0;
	s24 =	smov.u32 s25;
	_ =	sdelay $0x2  }
0x12f: {  	s25 =	sshra.s32 s26, $0x2;
	s26 =	sadd.s32 $0x40, s26;
	v0 =	vld.idx.msk [tilespmem:v1+s21+$0x0], $0xffff  }
0x130: {  	v1 =	vld [tilespmem:s25+$0x18700];
	_ =	sdelay $0x6  }
0x131: {  	[tilespmem:s24+$0x19700] =	vst v0  }
0x132: {  	v0 =	vld.idx.msk [tilespmem:v1+s21+$0x0], $0xffff;
	_ =	sdelay $0x2  }
0x133: {  	s28 =	sld [smem:$0x7EA];
	_ =	sdelay $0x1  }
0x134: {  	[tilespmem:s25+$0x19700] =	vst v0  }
0x135: {  	[hbm4b:s28+s18] =	stream.strided.scatter [tilespmem:s22], [sflag:$0x1], $0x1000, s19, s18, $0x38;
	[tilespmem:$0x1A700] =	vst v63  }
0x136: {  	_ =	swait.ge [sflag:s20], $0x1000  }
0x137: {  	s25 =	sld [smem:$0x7B4];
	_ =	sdelay $0x1  }
0x138: {  	[sflag:s20] =	ssyncset.done $0x0  }
0x139: {  	s28 =	rddreg [dreg:$0x6];
	[sflag:s20] =	ssyncadd.s32 $0xFFFFF000;
	p3 =	seq.s32 s25, $0x1  }
0x13a: {  	s24 =	simm.s32 @!p3 $0x80;
	s25 =	simm.s32 @!p3 $0x400;
	s26 =	simm.s32 @!p3 $0x18700  }
0x13b: {  	[tilespmem:s26], [sflag:$0x1] =	stream.strided.gather @!p3 [hbm4b:s28+s24], $0x1000, s25, s24, $0x38;
	[tilespmem:$0x1A700] =	vst v63  }
0x13c: {  	s24 =	simm.s32 @!p3 $0x1  }
0x13d: {  	_ =	swait.ge @!p3 [sflag:s24], $0x1000  }
0x13e: {  	s28 =	sld [smem:$0x7C9]  }
0x13f: {  	[sflag:s24] =	ssyncset.done @!p3 $0x0  }
0x140: {  	s26 =	simm.s32 $0x0;
	[sflag:s24] =	ssyncadd.s32 @!p3 $0xFFFFF000  }
0x141: {  	[tilespmem:s26], [sflag:$0x1] =	stream.strided.gather [hbm4b:s28+s18], $0x18700, s19, s18, $0x38;
	[tilespmem:$0x1A700] =	vst v63  }
0x142: {  	_ =	swait.ge [sflag:s20], $0x18700  }
0x143: {  	[sflag:s20] =	ssyncset.done $0x0  }
0x144: {  	s24 =	simm.s32 $0x0;
	[sflag:s20] =	ssyncadd.s32 $0xFFFE7900  }
0x145: {  	v0 =	vld [tilespmem:s24+$0x18700];
	_ =	sdelay $0x7  }
0x146: {  	s25 =	simm.s32 $0x10;
	s26 =	simm.s32 $0x80;
	v0 =	vld.idx.msk [tilespmem:v0+s21+$0x0], $0xffff  }
.LBB2_8:
0x147: {  	p3 =	sne.s32 s26, $0x3FC0;
	v1 =	vld [tilespmem:s25+$0x18700];
	_ =	sdelay $0x3  }
.Ltmp3:
0x148: {  	(pc) =	sbr.rel @p3 .LBB2_8-.Ltmp3, $2  }
0x149: {  	[tilespmem:s24+$0x19700] =	vst v0;
	s24 =	smov.u32 s25;
	_ =	sdelay $0x2  }
0x14a: {  	s25 =	sshra.s32 s26, $0x2;
	s26 =	sadd.s32 $0x40, s26;
	v0 =	vld.idx.msk [tilespmem:v1+s21+$0x0], $0xffff  }
0x14b: {  	v1 =	vld [tilespmem:s25+$0x18700];
	_ =	sdelay $0x6  }
0x14c: {  	[tilespmem:s24+$0x19700] =	vst v0  }
0x14d: {  	v0 =	vld.idx.msk [tilespmem:v1+s21+$0x0], $0xffff;
	_ =	sdelay $0x2  }
0x14e: {  	s28 =	sld [smem:$0x7EC];
	_ =	sdelay $0x1  }
0x14f: {  	[tilespmem:s25+$0x19700] =	vst v0  }
0x150: {  	[hbm4b:s28+s18] =	stream.strided.scatter [tilespmem:s22], [sflag:$0x1], $0x1000, s19, s18, $0x38;
	[tilespmem:$0x1A700] =	vst v63  }
0x151: {  	_ =	swait.ge [sflag:s20], $0x1000  }
0x152: {  	s25 =	sld [smem:$0x7B5];
	_ =	sdelay $0x1  }
0x153: {  	[sflag:s20] =	ssyncset.done $0x0  }
0x154: {  	s28 =	rddreg [dreg:$0x7];
	[sflag:s20] =	ssyncadd.s32 $0xFFFFF000;
	p3 =	seq.s32 s25, $0x1  }
0x155: {  	s24 =	simm.s32 @!p3 $0x80;
	s25 =	simm.s32 @!p3 $0x400;
	s26 =	simm.s32 @!p3 $0x18700  }
0x156: {  	[tilespmem:s26], [sflag:$0x1] =	stream.strided.gather @!p3 [hbm4b:s28+s24], $0x1000, s25, s24, $0x38;
	[tilespmem:$0x1A700] =	vst v63  }
0x157: {  	s24 =	simm.s32 @!p3 $0x1  }
0x158: {  	_ =	swait.ge @!p3 [sflag:s24], $0x1000  }
0x159: {  	s28 =	sld [smem:$0x7CC]  }
0x15a: {  	[sflag:s24] =	ssyncset.done @!p3 $0x0  }
0x15b: {  	s26 =	simm.s32 $0x0;
	[sflag:s24] =	ssyncadd.s32 @!p3 $0xFFFFF000  }
0x15c: {  	[tilespmem:s26], [sflag:$0x1] =	stream.strided.gather [hbm4b:s28+s18], $0x18700, s19, s18, $0x38;
	[tilespmem:$0x1A700] =	vst v63  }
0x15d: {  	_ =	swait.ge [sflag:s20], $0x18700  }
0x15e: {  	[sflag:s20] =	ssyncset.done $0x0  }
0x15f: {  	s24 =	simm.s32 $0x0;
	[sflag:s20] =	ssyncadd.s32 $0xFFFE7900  }
0x160: {  	v0 =	vld [tilespmem:s24+$0x18700];
	_ =	sdelay $0x7  }
0x161: {  	s25 =	simm.s32 $0x10;
	s26 =	simm.s32 $0x80;
	v0 =	vld.idx.msk [tilespmem:v0+s21+$0x0], $0xffff  }
.LBB2_10:
0x162: {  	p3 =	sne.s32 s26, $0x3FC0;
	v1 =	vld [tilespmem:s25+$0x18700];
	_ =	sdelay $0x3  }
.Ltmp4:
0x163: {  	(pc) =	sbr.rel @p3 .LBB2_10-.Ltmp4, $2  }
0x164: {  	[tilespmem:s24+$0x19700] =	vst v0;
	s24 =	smov.u32 s25;
	_ =	sdelay $0x2  }
0x165: {  	s25 =	sshra.s32 s26, $0x2;
	s26 =	sadd.s32 $0x40, s26;
	v0 =	vld.idx.msk [tilespmem:v1+s21+$0x0], $0xffff  }
0x166: {  	v1 =	vld [tilespmem:s25+$0x18700];
	_ =	sdelay $0x6  }
0x167: {  	[tilespmem:s24+$0x19700] =	vst v0  }
0x168: {  	v0 =	vld.idx.msk [tilespmem:v1+s21+$0x0], $0xffff;
	_ =	sdelay $0x2  }
0x169: {  	s28 =	sld [smem:$0x7EF];
	_ =	sdelay $0x1  }
0x16a: {  	[tilespmem:s25+$0x19700] =	vst v0  }
0x16b: {  	[hbm4b:s28+s18] =	stream.strided.scatter [tilespmem:s22], [sflag:$0x1], $0x1000, s19, s18, $0x38;
	[tilespmem:$0x1A700] =	vst v63  }
0x16c: {  	_ =	swait.ge [sflag:s20], $0x1000  }
0x16d: {  	s25 =	sld [smem:$0x7B6];
	_ =	sdelay $0x1  }
0x16e: {  	[sflag:s20] =	ssyncset.done $0x0  }
0x16f: {  	s28 =	rddreg [dreg:$0x8];
	[sflag:s20] =	ssyncadd.s32 $0xFFFFF000;
	p3 =	seq.s32 s25, $0x1  }
0x170: {  	s24 =	simm.s32 @!p3 $0x80;
	s25 =	simm.s32 @!p3 $0x400;
	s26 =	simm.s32 @!p3 $0x18700  }
0x171: {  	[tilespmem:s26], [sflag:$0x1] =	stream.strided.gather @!p3 [hbm4b:s28+s24], $0x1000, s25, s24, $0x38;
	[tilespmem:$0x1A700] =	vst v63  }
0x172: {  	s24 =	simm.s32 @!p3 $0x1  }
0x173: {  	_ =	swait.ge @!p3 [sflag:s24], $0x1000  }
0x174: {  	s28 =	sld [smem:$0x7CD]  }
0x175: {  	[sflag:s24] =	ssyncset.done @!p3 $0x0  }
0x176: {  	s26 =	simm.s32 $0x0;
	[sflag:s24] =	ssyncadd.s32 @!p3 $0xFFFFF000  }
0x177: {  	[tilespmem:s26], [sflag:$0x1] =	stream.strided.gather [hbm4b:s28+s18], $0x18700, s19, s18, $0x38;
	[tilespmem:$0x1A700] =	vst v63  }
0x178: {  	_ =	swait.ge [sflag:s20], $0x18700  }
0x179: {  	[sflag:s20] =	ssyncset.done $0x0  }
0x17a: {  	s24 =	simm.s32 $0x0;
	[sflag:s20] =	ssyncadd.s32 $0xFFFE7900  }
0x17b: {  	v0 =	vld [tilespmem:s24+$0x18700];
	_ =	sdelay $0x7  }
0x17c: {  	s25 =	simm.s32 $0x10;
	s26 =	simm.s32 $0x80;
	v0 =	vld.idx.msk [tilespmem:v0+s21+$0x0], $0xffff  }
.LBB2_12:
0x17d: {  	p3 =	sne.s32 s26, $0x3FC0;
	v1 =	vld [tilespmem:s25+$0x18700];
	_ =	sdelay $0x3  }
.Ltmp5:
0x17e: {  	(pc) =	sbr.rel @p3 .LBB2_12-.Ltmp5, $2  }
0x17f: {  	[tilespmem:s24+$0x19700] =	vst v0;
	s24 =	smov.u32 s25;
	_ =	sdelay $0x2  }
0x180: {  	s25 =	sshra.s32 s26, $0x2;
	s26 =	sadd.s32 $0x40, s26;
	v0 =	vld.idx.msk [tilespmem:v1+s21+$0x0], $0xffff  }
0x181: {  	v1 =	vld [tilespmem:s25+$0x18700];
	_ =	sdelay $0x6  }
0x182: {  	[tilespmem:s24+$0x19700] =	vst v0  }
0x183: {  	v0 =	vld.idx.msk [tilespmem:v1+s21+$0x0], $0xffff;
	_ =	sdelay $0x2  }
0x184: {  	s28 =	sld [smem:$0x7F0];
	_ =	sdelay $0x1  }
0x185: {  	[tilespmem:s25+$0x19700] =	vst v0  }
0x186: {  	[hbm4b:s28+s18] =	stream.strided.scatter [tilespmem:s22], [sflag:$0x1], $0x1000, s19, s18, $0x38;
	[tilespmem:$0x1A700] =	vst v63  }
0x187: {  	_ =	swait.ge [sflag:s20], $0x1000  }
0x188: {  	s25 =	sld [smem:$0x7B7];
	_ =	sdelay $0x1  }
0x189: {  	[sflag:s20] =	ssyncset.done $0x0  }
0x18a: {  	s28 =	rddreg [dreg:$0x9];
	[sflag:s20] =	ssyncadd.s32 $0xFFFFF000;
	p3 =	seq.s32 s25, $0x1  }
0x18b: {  	s24 =	simm.s32 @!p3 $0x80;
	s25 =	simm.s32 @!p3 $0x400;
	s26 =	simm.s32 @!p3 $0x18700  }
0x18c: {  	[tilespmem:s26], [sflag:$0x1] =	stream.strided.gather @!p3 [hbm4b:s28+s24], $0x1000, s25, s24, $0x38;
	[tilespmem:$0x1A700] =	vst v63  }
0x18d: {  	s24 =	simm.s32 @!p3 $0x1  }
0x18e: {  	_ =	swait.ge @!p3 [sflag:s24], $0x1000  }
0x18f: {  	s28 =	sld [smem:$0x7CF]  }
0x190: {  	[sflag:s24] =	ssyncset.done @!p3 $0x0  }
0x191: {  	s26 =	simm.s32 $0x0;
	[sflag:s24] =	ssyncadd.s32 @!p3 $0xFFFFF000  }
0x192: {  	[tilespmem:s26], [sflag:$0x1] =	stream.strided.gather [hbm4b:s28+s18], $0x18700, s19, s18, $0x38;
	[tilespmem:$0x1A700] =	vst v63  }
0x193: {  	_ =	swait.ge [sflag:s20], $0x18700  }
0x194: {  	[sflag:s20] =	ssyncset.done $0x0  }
0x195: {  	s24 =	simm.s32 $0x0;
	[sflag:s20] =	ssyncadd.s32 $0xFFFE7900  }
0x196: {  	v0 =	vld [tilespmem:s24+$0x18700];
	_ =	sdelay $0x7  }
0x197: {  	s25 =	simm.s32 $0x10;
	s26 =	simm.s32 $0x80;
	v0 =	vld.idx.msk [tilespmem:v0+s21+$0x0], $0xffff  }
.LBB2_14:
0x198: {  	p3 =	sne.s32 s26, $0x3FC0;
	v1 =	vld [tilespmem:s25+$0x18700];
	_ =	sdelay $0x3  }
.Ltmp6:
0x199: {  	(pc) =	sbr.rel @p3 .LBB2_14-.Ltmp6, $2  }
0x19a: {  	[tilespmem:s24+$0x19700] =	vst v0;
	s24 =	smov.u32 s25;
	_ =	sdelay $0x2  }
0x19b: {  	s25 =	sshra.s32 s26, $0x2;
	s26 =	sadd.s32 $0x40, s26;
	v0 =	vld.idx.msk [tilespmem:v1+s21+$0x0], $0xffff  }
0x19c: {  	v1 =	vld [tilespmem:s25+$0x18700];
	_ =	sdelay $0x6  }
0x19d: {  	[tilespmem:s24+$0x19700] =	vst v0  }
0x19e: {  	v0 =	vld.idx.msk [tilespmem:v1+s21+$0x0], $0xffff;
	_ =	sdelay $0x4  }
0x19f: {  	[tilespmem:s25+$0x19700] =	vst v0  }
0x1a0: {  	[hbm4b:s29+s18] =	stream.strided.scatter [tilespmem:s22], [sflag:$0x1], $0x1000, s19, s18, $0x38;
	[tilespmem:$0x1A700] =	vst v63  }
0x1a1: {  	_ =	swait.ge [sflag:s20], $0x1000  }
0x1a2: {  	s25 =	sld [smem:$0x7B8];
	_ =	sdelay $0x1  }
0x1a3: {  	[sflag:s20] =	ssyncset.done $0x0  }
0x1a4: {  	s28 =	rddreg [dreg:$0xa];
	[sflag:s20] =	ssyncadd.s32 $0xFFFFF000;
	p3 =	seq.s32 s25, $0x1  }
0x1a5: {  	s24 =	simm.s32 @!p3 $0x80;
	s25 =	simm.s32 @!p3 $0x400;
	s26 =	simm.s32 @!p3 $0x18700  }
0x1a6: {  	[tilespmem:s26], [sflag:$0x1] =	stream.strided.gather @!p3 [hbm4b:s28+s24], $0x1000, s25, s24, $0x38;
	[tilespmem:$0x1A700] =	vst v63  }
0x1a7: {  	s24 =	simm.s32 @!p3 $0x1  }
0x1a8: {  	_ =	swait.ge @!p3 [sflag:s24], $0x1000  }
0x1a9: {  	s28 =	sld [smem:$0x7D1]  }
0x1aa: {  	[sflag:s24] =	ssyncset.done @!p3 $0x0  }
0x1ab: {  	s26 =	simm.s32 $0x0;
	[sflag:s24] =	ssyncadd.s32 @!p3 $0xFFFFF000  }
0x1ac: {  	[tilespmem:s26], [sflag:$0x1] =	stream.strided.gather [hbm4b:s28+s18], $0x18700, s19, s18, $0x38;
	[tilespmem:$0x1A700] =	vst v63  }
0x1ad: {  	_ =	swait.ge [sflag:s20], $0x18700  }
0x1ae: {  	[sflag:s20] =	ssyncset.done $0x0  }
0x1af: {  	s24 =	simm.s32 $0x0;
	[sflag:s20] =	ssyncadd.s32 $0xFFFE7900  }
0x1b0: {  	v0 =	vld [tilespmem:s24+$0x18700];
	_ =	sdelay $0x7  }
0x1b1: {  	s25 =	simm.s32 $0x10;
	s26 =	simm.s32 $0x80;
	v0 =	vld.idx.msk [tilespmem:v0+s21+$0x0], $0xffff  }
.LBB2_16:
0x1b2: {  	p3 =	sne.s32 s26, $0x3FC0;
	v1 =	vld [tilespmem:s25+$0x18700];
	_ =	sdelay $0x3  }
.Ltmp7:
0x1b3: {  	(pc) =	sbr.rel @p3 .LBB2_16-.Ltmp7, $2  }
0x1b4: {  	[tilespmem:s24+$0x19700] =	vst v0;
	s24 =	smov.u32 s25;
	_ =	sdelay $0x2  }
0x1b5: {  	s25 =	sshra.s32 s26, $0x2;
	s26 =	sadd.s32 $0x40, s26;
	v0 =	vld.idx.msk [tilespmem:v1+s21+$0x0], $0xffff  }
0x1b6: {  	v1 =	vld [tilespmem:s25+$0x18700];
	_ =	sdelay $0x6  }
0x1b7: {  	[tilespmem:s24+$0x19700] =	vst v0  }
0x1b8: {  	v0 =	vld.idx.msk [tilespmem:v1+s21+$0x0], $0xffff;
	_ =	sdelay $0x4  }
0x1b9: {  	[tilespmem:s25+$0x19700] =	vst v0  }
0x1ba: {  	[hbm4b:s30+s18] =	stream.strided.scatter [tilespmem:s22], [sflag:$0x1], $0x1000, s19, s18, $0x38;
	[tilespmem:$0x1A700] =	vst v63  }
0x1bb: {  	_ =	swait.ge [sflag:s20], $0x1000  }
0x1bc: {  	s25 =	sld [smem:$0x7B9];
	_ =	sdelay $0x1  }
0x1bd: {  	[sflag:s20] =	ssyncset.done $0x0  }
0x1be: {  	s28 =	rddreg [dreg:$0xb];
	[sflag:s20] =	ssyncadd.s32 $0xFFFFF000;
	p3 =	seq.s32 s25, $0x1  }
0x1bf: {  	s24 =	simm.s32 @!p3 $0x80;
	s25 =	simm.s32 @!p3 $0x400;
	s26 =	simm.s32 @!p3 $0x18700  }
0x1c0: {  	[tilespmem:s26], [sflag:$0x1] =	stream.strided.gather @!p3 [hbm4b:s28+s24], $0x1000, s25, s24, $0x38;
	[tilespmem:$0x1A700] =	vst v63  }
0x1c1: {  	s24 =	simm.s32 @!p3 $0x1  }
0x1c2: {  	_ =	swait.ge @!p3 [sflag:s24], $0x1000  }
0x1c3: {  	s28 =	sld [smem:$0x7D2]  }
0x1c4: {  	[sflag:s24] =	ssyncset.done @!p3 $0x0  }
0x1c5: {  	s26 =	simm.s32 $0x0;
	[sflag:s24] =	ssyncadd.s32 @!p3 $0xFFFFF000  }
0x1c6: {  	[tilespmem:s26], [sflag:$0x1] =	stream.strided.gather [hbm4b:s28+s18], $0x18700, s19, s18, $0x38;
	[tilespmem:$0x1A700] =	vst v63  }
0x1c7: {  	_ =	swait.ge [sflag:s20], $0x18700  }
0x1c8: {  	[sflag:s20] =	ssyncset.done $0x0  }
0x1c9: {  	s24 =	simm.s32 $0x0;
	[sflag:s20] =	ssyncadd.s32 $0xFFFE7900  }
0x1ca: {  	v0 =	vld [tilespmem:s24+$0x18700];
	_ =	sdelay $0x7  }
0x1cb: {  	s25 =	simm.s32 $0x10;
	s26 =	simm.s32 $0x80;
	v0 =	vld.idx.msk [tilespmem:v0+s21+$0x0], $0xffff  }
.LBB2_18:
0x1cc: {  	p3 =	sne.s32 s26, $0x3FC0;
	v1 =	vld [tilespmem:s25+$0x18700];
	_ =	sdelay $0x3  }
.Ltmp8:
0x1cd: {  	(pc) =	sbr.rel @p3 .LBB2_18-.Ltmp8, $2  }
0x1ce: {  	[tilespmem:s24+$0x19700] =	vst v0;
	s24 =	smov.u32 s25;
	_ =	sdelay $0x2  }
0x1cf: {  	s25 =	sshra.s32 s26, $0x2;
	s26 =	sadd.s32 $0x40, s26;
	v0 =	vld.idx.msk [tilespmem:v1+s21+$0x0], $0xffff  }
0x1d0: {  	v1 =	vld [tilespmem:s25+$0x18700];
	_ =	sdelay $0x6  }
0x1d1: {  	[tilespmem:s24+$0x19700] =	vst v0  }
0x1d2: {  	v0 =	vld.idx.msk [tilespmem:v1+s21+$0x0], $0xffff;
	_ =	sdelay $0x4  }
0x1d3: {  	[tilespmem:s25+$0x19700] =	vst v0  }
0x1d4: {  	[hbm4b:s31+s18] =	stream.strided.scatter [tilespmem:s22], [sflag:$0x1], $0x1000, s19, s18, $0x38;
	[tilespmem:$0x1A700] =	vst v63  }
0x1d5: {  	_ =	swait.ge [sflag:s20], $0x1000  }
0x1d6: {  	s25 =	sld [smem:$0x7BA];
	_ =	sdelay $0x1  }
0x1d7: {  	[sflag:s20] =	ssyncset.done $0x0  }
0x1d8: {  	s28 =	rddreg [dreg:$0xc];
	[sflag:s20] =	ssyncadd.s32 $0xFFFFF000;
	p3 =	seq.s32 s25, $0x1  }
0x1d9: {  	s24 =	simm.s32 @!p3 $0x80;
	s25 =	simm.s32 @!p3 $0x400;
	s26 =	simm.s32 @!p3 $0x18700  }
0x1da: {  	[tilespmem:s26], [sflag:$0x1] =	stream.strided.gather @!p3 [hbm4b:s28+s24], $0x1000, s25, s24, $0x38;
	[tilespmem:$0x1A700] =	vst v63  }
0x1db: {  	s24 =	simm.s32 @!p3 $0x1  }
0x1dc: {  	_ =	swait.ge @!p3 [sflag:s24], $0x1000  }
0x1dd: {  	s28 =	sld [smem:$0x7D4]  }
0x1de: {  	[sflag:s24] =	ssyncset.done @!p3 $0x0  }
0x1df: {  	s26 =	simm.s32 $0x0;
	[sflag:s24] =	ssyncadd.s32 @!p3 $0xFFFFF000  }
0x1e0: {  	[tilespmem:s26], [sflag:$0x1] =	stream.strided.gather [hbm4b:s28+s18], $0x18700, s19, s18, $0x38;
	[tilespmem:$0x1A700] =	vst v63  }
0x1e1: {  	_ =	swait.ge [sflag:s20], $0x18700  }
0x1e2: {  	[sflag:s20] =	ssyncset.done $0x0  }
0x1e3: {  	s24 =	simm.s32 $0x0;
	[sflag:s20] =	ssyncadd.s32 $0xFFFE7900  }
0x1e4: {  	v0 =	vld [tilespmem:s24+$0x18700];
	_ =	sdelay $0x7  }
0x1e5: {  	s25 =	simm.s32 $0x10;
	s26 =	simm.s32 $0x80;
	v0 =	vld.idx.msk [tilespmem:v0+s21+$0x0], $0xffff  }
.LBB2_20:
0x1e6: {  	p3 =	sne.s32 s26, $0x3FC0;
	v1 =	vld [tilespmem:s25+$0x18700];
	_ =	sdelay $0x3  }
.Ltmp9:
0x1e7: {  	(pc) =	sbr.rel @p3 .LBB2_20-.Ltmp9, $2  }
0x1e8: {  	[tilespmem:s24+$0x19700] =	vst v0;
	s24 =	smov.u32 s25;
	_ =	sdelay $0x2  }
0x1e9: {  	s25 =	sshra.s32 s26, $0x2;
	s26 =	sadd.s32 $0x40, s26;
	v0 =	vld.idx.msk [tilespmem:v1+s21+$0x0], $0xffff  }
0x1ea: {  	v1 =	vld [tilespmem:s25+$0x18700];
	_ =	sdelay $0x6  }
0x1eb: {  	[tilespmem:s24+$0x19700] =	vst v0  }
0x1ec: {  	v0 =	vld.idx.msk [tilespmem:v1+s21+$0x0], $0xffff;
	_ =	sdelay $0x4  }
0x1ed: {  	[tilespmem:s25+$0x19700] =	vst v0  }
0x1ee: {  	[hbm4b:s0+s18] =	stream.strided.scatter [tilespmem:s22], [sflag:$0x1], $0x1000, s19, s18, $0x38;
	[tilespmem:$0x1A700] =	vst v63  }
0x1ef: {  	_ =	swait.ge [sflag:s20], $0x1000  }
0x1f0: {  	s25 =	sld [smem:$0x7BB];
	_ =	sdelay $0x1  }
0x1f1: {  	[sflag:s20] =	ssyncset.done $0x0  }
0x1f2: {  	s28 =	rddreg [dreg:$0xd];
	[sflag:s20] =	ssyncadd.s32 $0xFFFFF000;
	p3 =	seq.s32 s25, $0x1  }
0x1f3: {  	s24 =	simm.s32 @!p3 $0x80;
	s25 =	simm.s32 @!p3 $0x400;
	s26 =	simm.s32 @!p3 $0x18700  }
0x1f4: {  	[tilespmem:s26], [sflag:$0x1] =	stream.strided.gather @!p3 [hbm4b:s28+s24], $0x1000, s25, s24, $0x38;
	[tilespmem:$0x1A700] =	vst v63  }
0x1f5: {  	s24 =	simm.s32 @!p3 $0x1  }
0x1f6: {  	_ =	swait.ge @!p3 [sflag:s24], $0x1000  }
0x1f7: {  	s28 =	sld [smem:$0x7D7]  }
0x1f8: {  	[sflag:s24] =	ssyncset.done @!p3 $0x0  }
0x1f9: {  	s26 =	simm.s32 $0x0;
	[sflag:s24] =	ssyncadd.s32 @!p3 $0xFFFFF000  }
0x1fa: {  	[tilespmem:s26], [sflag:$0x1] =	stream.strided.gather [hbm4b:s28+s18], $0x18700, s19, s18, $0x38;
	[tilespmem:$0x1A700] =	vst v63  }
0x1fb: {  	_ =	swait.ge [sflag:s20], $0x18700  }
0x1fc: {  	[sflag:s20] =	ssyncset.done $0x0  }
0x1fd: {  	s24 =	simm.s32 $0x0;
	[sflag:s20] =	ssyncadd.s32 $0xFFFE7900  }
0x1fe: {  	v0 =	vld [tilespmem:s24+$0x18700];
	_ =	sdelay $0x7  }
0x1ff: {  	s25 =	simm.s32 $0x10;
	s26 =	simm.s32 $0x80;
	v0 =	vld.idx.msk [tilespmem:v0+s21+$0x0], $0xffff  }
.LBB2_22:
0x200: {  	p3 =	sne.s32 s26, $0x3FC0;
	v1 =	vld [tilespmem:s25+$0x18700];
	_ =	sdelay $0x3  }
.Ltmp10:
0x201: {  	(pc) =	sbr.rel @p3 .LBB2_22-.Ltmp10, $2  }
0x202: {  	[tilespmem:s24+$0x19700] =	vst v0;
	s24 =	smov.u32 s25;
	_ =	sdelay $0x2  }
0x203: {  	s25 =	sshra.s32 s26, $0x2;
	s26 =	sadd.s32 $0x40, s26;
	v0 =	vld.idx.msk [tilespmem:v1+s21+$0x0], $0xffff  }
0x204: {  	v1 =	vld [tilespmem:s25+$0x18700];
	_ =	sdelay $0x6  }
0x205: {  	[tilespmem:s24+$0x19700] =	vst v0  }
0x206: {  	v0 =	vld.idx.msk [tilespmem:v1+s21+$0x0], $0xffff;
	_ =	sdelay $0x4  }
0x207: {  	[tilespmem:s25+$0x19700] =	vst v0  }
0x208: {  	[hbm4b:s1+s18] =	stream.strided.scatter [tilespmem:s22], [sflag:$0x1], $0x1000, s19, s18, $0x38;
	[tilespmem:$0x1A700] =	vst v63  }
0x209: {  	_ =	swait.ge [sflag:s20], $0x1000  }
0x20a: {  	s25 =	sld [smem:$0x7BC];
	_ =	sdelay $0x1  }
0x20b: {  	[sflag:s20] =	ssyncset.done $0x0  }
0x20c: {  	s28 =	rddreg [dreg:$0xe];
	[sflag:s20] =	ssyncadd.s32 $0xFFFFF000;
	p3 =	seq.s32 s25, $0x1  }
0x20d: {  	s24 =	simm.s32 @!p3 $0x80;
	s25 =	simm.s32 @!p3 $0x400;
	s26 =	simm.s32 @!p3 $0x18700  }
0x20e: {  	[tilespmem:s26], [sflag:$0x1] =	stream.strided.gather @!p3 [hbm4b:s28+s24], $0x1000, s25, s24, $0x38;
	[tilespmem:$0x1A700] =	vst v63  }
0x20f: {  	s24 =	simm.s32 @!p3 $0x1  }
0x210: {  	_ =	swait.ge @!p3 [sflag:s24], $0x1000  }
0x211: {  	s28 =	sld [smem:$0x7D8]  }
0x212: {  	[sflag:s24] =	ssyncset.done @!p3 $0x0  }
0x213: {  	s26 =	simm.s32 $0x0;
	[sflag:s24] =	ssyncadd.s32 @!p3 $0xFFFFF000  }
0x214: {  	[tilespmem:s26], [sflag:$0x1] =	stream.strided.gather [hbm4b:s28+s18], $0x18700, s19, s18, $0x38;
	[tilespmem:$0x1A700] =	vst v63  }
0x215: {  	_ =	swait.ge [sflag:s20], $0x18700  }
0x216: {  	[sflag:s20] =	ssyncset.done $0x0  }
0x217: {  	s24 =	simm.s32 $0x0;
	[sflag:s20] =	ssyncadd.s32 $0xFFFE7900  }
0x218: {  	v0 =	vld [tilespmem:s24+$0x18700];
	_ =	sdelay $0x7  }
0x219: {  	s25 =	simm.s32 $0x10;
	s26 =	simm.s32 $0x80;
	v0 =	vld.idx.msk [tilespmem:v0+s21+$0x0], $0xffff  }
.LBB2_24:
0x21a: {  	p3 =	sne.s32 s26, $0x3FC0;
	v1 =	vld [tilespmem:s25+$0x18700];
	_ =	sdelay $0x3  }
.Ltmp11:
0x21b: {  	(pc) =	sbr.rel @p3 .LBB2_24-.Ltmp11, $2  }
0x21c: {  	[tilespmem:s24+$0x19700] =	vst v0;
	s24 =	smov.u32 s25;
	_ =	sdelay $0x2  }
0x21d: {  	s25 =	sshra.s32 s26, $0x2;
	s26 =	sadd.s32 $0x40, s26;
	v0 =	vld.idx.msk [tilespmem:v1+s21+$0x0], $0xffff  }
0x21e: {  	v1 =	vld [tilespmem:s25+$0x18700];
	_ =	sdelay $0x6  }
0x21f: {  	[tilespmem:s24+$0x19700] =	vst v0  }
0x220: {  	v0 =	vld.idx.msk [tilespmem:v1+s21+$0x0], $0xffff;
	_ =	sdelay $0x4  }
0x221: {  	[tilespmem:s25+$0x19700] =	vst v0  }
0x222: {  	[hbm4b:s2+s18] =	stream.strided.scatter [tilespmem:s22], [sflag:$0x1], $0x1000, s19, s18, $0x38;
	[tilespmem:$0x1A700] =	vst v63  }
0x223: {  	_ =	swait.ge [sflag:s20], $0x1000  }
0x224: {  	s25 =	sld [smem:$0x7BD];
	_ =	sdelay $0x1  }
0x225: {  	[sflag:s20] =	ssyncset.done $0x0  }
0x226: {  	s28 =	rddreg [dreg:$0xf];
	[sflag:s20] =	ssyncadd.s32 $0xFFFFF000;
	p3 =	seq.s32 s25, $0x1  }
0x227: {  	s24 =	simm.s32 @!p3 $0x80;
	s25 =	simm.s32 @!p3 $0x400;
	s26 =	simm.s32 @!p3 $0x18700  }
0x228: {  	[tilespmem:s26], [sflag:$0x1] =	stream.strided.gather @!p3 [hbm4b:s28+s24], $0x1000, s25, s24, $0x38;
	[tilespmem:$0x1A700] =	vst v63  }
0x229: {  	s24 =	simm.s32 @!p3 $0x1  }
0x22a: {  	_ =	swait.ge @!p3 [sflag:s24], $0x1000  }
0x22b: {  	s28 =	sld [smem:$0x7D9]  }
0x22c: {  	[sflag:s24] =	ssyncset.done @!p3 $0x0  }
0x22d: {  	s26 =	simm.s32 $0x0;
	[sflag:s24] =	ssyncadd.s32 @!p3 $0xFFFFF000  }
0x22e: {  	[tilespmem:s26], [sflag:$0x1] =	stream.strided.gather [hbm4b:s28+s18], $0x18700, s19, s18, $0x38;
	[tilespmem:$0x1A700] =	vst v63  }
0x22f: {  	_ =	swait.ge [sflag:s20], $0x18700  }
0x230: {  	[sflag:s20] =	ssyncset.done $0x0  }
0x231: {  	s24 =	simm.s32 $0x0;
	[sflag:s20] =	ssyncadd.s32 $0xFFFE7900  }
0x232: {  	v0 =	vld [tilespmem:s24+$0x18700];
	_ =	sdelay $0x7  }
0x233: {  	s25 =	simm.s32 $0x10;
	s26 =	simm.s32 $0x80;
	v0 =	vld.idx.msk [tilespmem:v0+s21+$0x0], $0xffff  }
.LBB2_26:
0x234: {  	p3 =	sne.s32 s26, $0x3FC0;
	v1 =	vld [tilespmem:s25+$0x18700];
	_ =	sdelay $0x3  }
.Ltmp12:
0x235: {  	(pc) =	sbr.rel @p3 .LBB2_26-.Ltmp12, $2  }
0x236: {  	[tilespmem:s24+$0x19700] =	vst v0;
	s24 =	smov.u32 s25;
	_ =	sdelay $0x2  }
0x237: {  	s25 =	sshra.s32 s26, $0x2;
	s26 =	sadd.s32 $0x40, s26;
	v0 =	vld.idx.msk [tilespmem:v1+s21+$0x0], $0xffff  }
0x238: {  	v1 =	vld [tilespmem:s25+$0x18700];
	_ =	sdelay $0x6  }
0x239: {  	[tilespmem:s24+$0x19700] =	vst v0  }
0x23a: {  	v0 =	vld.idx.msk [tilespmem:v1+s21+$0x0], $0xffff;
	_ =	sdelay $0x4  }
0x23b: {  	[tilespmem:s25+$0x19700] =	vst v0  }
0x23c: {  	[hbm4b:s3+s18] =	stream.strided.scatter [tilespmem:s22], [sflag:$0x1], $0x1000, s19, s18, $0x38;
	[tilespmem:$0x1A700] =	vst v63  }
0x23d: {  	_ =	swait.ge [sflag:s20], $0x1000  }
0x23e: {  	s25 =	sld [smem:$0x7BE];
	_ =	sdelay $0x1  }
0x23f: {  	[sflag:s20] =	ssyncset.done $0x0  }
0x240: {  	s28 =	rddreg [dreg:$0x10];
	[sflag:s20] =	ssyncadd.s32 $0xFFFFF000;
	p3 =	seq.s32 s25, $0x1  }
0x241: {  	s24 =	simm.s32 @!p3 $0x80;
	s25 =	simm.s32 @!p3 $0x400;
	s26 =	simm.s32 @!p3 $0x18700  }
0x242: {  	[tilespmem:s26], [sflag:$0x1] =	stream.strided.gather @!p3 [hbm4b:s28+s24], $0x1000, s25, s24, $0x38;
	[tilespmem:$0x1A700] =	vst v63  }
0x243: {  	s24 =	simm.s32 @!p3 $0x1  }
0x244: {  	_ =	swait.ge @!p3 [sflag:s24], $0x1000  }
0x245: {  	s28 =	sld [smem:$0x7DA]  }
0x246: {  	[sflag:s24] =	ssyncset.done @!p3 $0x0  }
0x247: {  	s26 =	simm.s32 $0x0;
	[sflag:s24] =	ssyncadd.s32 @!p3 $0xFFFFF000  }
0x248: {  	[tilespmem:s26], [sflag:$0x1] =	stream.strided.gather [hbm4b:s28+s18], $0x18700, s19, s18, $0x38;
	[tilespmem:$0x1A700] =	vst v63  }
0x249: {  	_ =	swait.ge [sflag:s20], $0x18700  }
0x24a: {  	[sflag:s20] =	ssyncset.done $0x0  }
0x24b: {  	s24 =	simm.s32 $0x0;
	[sflag:s20] =	ssyncadd.s32 $0xFFFE7900  }
0x24c: {  	v0 =	vld [tilespmem:s24+$0x18700];
	_ =	sdelay $0x7  }
0x24d: {  	s25 =	simm.s32 $0x10;
	s26 =	simm.s32 $0x80;
	v0 =	vld.idx.msk [tilespmem:v0+s21+$0x0], $0xffff  }
.LBB2_28:
0x24e: {  	p3 =	sne.s32 s26, $0x3FC0;
	v1 =	vld [tilespmem:s25+$0x18700];
	_ =	sdelay $0x3  }
.Ltmp13:
0x24f: {  	(pc) =	sbr.rel @p3 .LBB2_28-.Ltmp13, $2  }
0x250: {  	[tilespmem:s24+$0x19700] =	vst v0;
	s24 =	smov.u32 s25;
	_ =	sdelay $0x2  }
0x251: {  	s25 =	sshra.s32 s26, $0x2;
	s26 =	sadd.s32 $0x40, s26;
	v0 =	vld.idx.msk [tilespmem:v1+s21+$0x0], $0xffff  }
0x252: {  	v1 =	vld [tilespmem:s25+$0x18700];
	_ =	sdelay $0x6  }
0x253: {  	[tilespmem:s24+$0x19700] =	vst v0  }
0x254: {  	v0 =	vld.idx.msk [tilespmem:v1+s21+$0x0], $0xffff;
	_ =	sdelay $0x4  }
0x255: {  	[tilespmem:s25+$0x19700] =	vst v0  }
0x256: {  	[hbm4b:s4+s18] =	stream.strided.scatter [tilespmem:s22], [sflag:$0x1], $0x1000, s19, s18, $0x38;
	[tilespmem:$0x1A700] =	vst v63  }
0x257: {  	_ =	swait.ge [sflag:s20], $0x1000  }
0x258: {  	s25 =	sld [smem:$0x7BF];
	_ =	sdelay $0x1  }
0x259: {  	[sflag:s20] =	ssyncset.done $0x0  }
0x25a: {  	s28 =	rddreg [dreg:$0x11];
	[sflag:s20] =	ssyncadd.s32 $0xFFFFF000;
	p3 =	seq.s32 s25, $0x1  }
0x25b: {  	s24 =	simm.s32 @!p3 $0x80;
	s25 =	simm.s32 @!p3 $0x400;
	s26 =	simm.s32 @!p3 $0x18700  }
0x25c: {  	[tilespmem:s26], [sflag:$0x1] =	stream.strided.gather @!p3 [hbm4b:s28+s24], $0x1000, s25, s24, $0x38;
	[tilespmem:$0x1A700] =	vst v63  }
0x25d: {  	s24 =	simm.s32 @!p3 $0x1  }
0x25e: {  	_ =	swait.ge @!p3 [sflag:s24], $0x1000  }
0x25f: {  	s28 =	sld [smem:$0x7DB]  }
0x260: {  	[sflag:s24] =	ssyncset.done @!p3 $0x0  }
0x261: {  	s26 =	simm.s32 $0x0;
	[sflag:s24] =	ssyncadd.s32 @!p3 $0xFFFFF000  }
0x262: {  	[tilespmem:s26], [sflag:$0x1] =	stream.strided.gather [hbm4b:s28+s18], $0x18700, s19, s18, $0x38;
	[tilespmem:$0x1A700] =	vst v63  }
0x263: {  	_ =	swait.ge [sflag:s20], $0x18700  }
0x264: {  	[sflag:s20] =	ssyncset.done $0x0  }
0x265: {  	s24 =	simm.s32 $0x0;
	[sflag:s20] =	ssyncadd.s32 $0xFFFE7900  }
0x266: {  	v0 =	vld [tilespmem:s24+$0x18700];
	_ =	sdelay $0x7  }
0x267: {  	s25 =	simm.s32 $0x10;
	s26 =	simm.s32 $0x80;
	v0 =	vld.idx.msk [tilespmem:v0+s21+$0x0], $0xffff  }
.LBB2_30:
0x268: {  	p3 =	sne.s32 s26, $0x3FC0;
	v1 =	vld [tilespmem:s25+$0x18700];
	_ =	sdelay $0x3  }
.Ltmp14:
0x269: {  	(pc) =	sbr.rel @p3 .LBB2_30-.Ltmp14, $2  }
0x26a: {  	[tilespmem:s24+$0x19700] =	vst v0;
	s24 =	smov.u32 s25;
	_ =	sdelay $0x2  }
0x26b: {  	s25 =	sshra.s32 s26, $0x2;
	s26 =	sadd.s32 $0x40, s26;
	v0 =	vld.idx.msk [tilespmem:v1+s21+$0x0], $0xffff  }
0x26c: {  	v1 =	vld [tilespmem:s25+$0x18700];
	_ =	sdelay $0x6  }
0x26d: {  	[tilespmem:s24+$0x19700] =	vst v0  }
0x26e: {  	v0 =	vld.idx.msk [tilespmem:v1+s21+$0x0], $0xffff;
	_ =	sdelay $0x4  }
0x26f: {  	[tilespmem:s25+$0x19700] =	vst v0  }
0x270: {  	[hbm4b:s5+s18] =	stream.strided.scatter [tilespmem:s22], [sflag:$0x1], $0x1000, s19, s18, $0x38;
	[tilespmem:$0x1A700] =	vst v63  }
0x271: {  	_ =	swait.ge [sflag:s20], $0x1000  }
0x272: {  	s25 =	sld [smem:$0x7C0];
	_ =	sdelay $0x1  }
0x273: {  	[sflag:s20] =	ssyncset.done $0x0  }
0x274: {  	s28 =	rddreg [dreg:$0x12];
	[sflag:s20] =	ssyncadd.s32 $0xFFFFF000;
	p3 =	seq.s32 s25, $0x1  }
0x275: {  	s24 =	simm.s32 @!p3 $0x80;
	s25 =	simm.s32 @!p3 $0x400;
	s26 =	simm.s32 @!p3 $0x18700  }
0x276: {  	[tilespmem:s26], [sflag:$0x1] =	stream.strided.gather @!p3 [hbm4b:s28+s24], $0x1000, s25, s24, $0x38;
	[tilespmem:$0x1A700] =	vst v63  }
0x277: {  	s24 =	simm.s32 @!p3 $0x1  }
0x278: {  	_ =	swait.ge @!p3 [sflag:s24], $0x1000  }
0x279: {  	s28 =	sld [smem:$0x7DC]  }
0x27a: {  	[sflag:s24] =	ssyncset.done @!p3 $0x0  }
0x27b: {  	s26 =	simm.s32 $0x0;
	[sflag:s24] =	ssyncadd.s32 @!p3 $0xFFFFF000  }
0x27c: {  	[tilespmem:s26], [sflag:$0x1] =	stream.strided.gather [hbm4b:s28+s18], $0x18700, s19, s18, $0x38;
	[tilespmem:$0x1A700] =	vst v63  }
0x27d: {  	_ =	swait.ge [sflag:s20], $0x18700  }
0x27e: {  	[sflag:s20] =	ssyncset.done $0x0  }
0x27f: {  	s24 =	simm.s32 $0x0;
	[sflag:s20] =	ssyncadd.s32 $0xFFFE7900  }
0x280: {  	v0 =	vld [tilespmem:s24+$0x18700];
	_ =	sdelay $0x7  }
0x281: {  	s25 =	simm.s32 $0x10;
	s26 =	simm.s32 $0x80;
	v0 =	vld.idx.msk [tilespmem:v0+s21+$0x0], $0xffff  }
.LBB2_32:
0x282: {  	p3 =	sne.s32 s26, $0x3FC0;
	v1 =	vld [tilespmem:s25+$0x18700];
	_ =	sdelay $0x3  }
.Ltmp15:
0x283: {  	(pc) =	sbr.rel @p3 .LBB2_32-.Ltmp15, $2  }
0x284: {  	[tilespmem:s24+$0x19700] =	vst v0;
	s24 =	smov.u32 s25;
	_ =	sdelay $0x2  }
0x285: {  	s25 =	sshra.s32 s26, $0x2;
	s26 =	sadd.s32 $0x40, s26;
	v0 =	vld.idx.msk [tilespmem:v1+s21+$0x0], $0xffff  }
0x286: {  	v1 =	vld [tilespmem:s25+$0x18700];
	_ =	sdelay $0x6  }
0x287: {  	[tilespmem:s24+$0x19700] =	vst v0  }
0x288: {  	v0 =	vld.idx.msk [tilespmem:v1+s21+$0x0], $0xffff;
	_ =	sdelay $0x4  }
0x289: {  	[tilespmem:s25+$0x19700] =	vst v0  }
0x28a: {  	[hbm4b:s6+s18] =	stream.strided.scatter [tilespmem:s22], [sflag:$0x1], $0x1000, s19, s18, $0x38;
	[tilespmem:$0x1A700] =	vst v63  }
0x28b: {  	_ =	swait.ge [sflag:s20], $0x1000  }
0x28c: {  	s25 =	sld [smem:$0x7C1];
	_ =	sdelay $0x1  }
0x28d: {  	[sflag:s20] =	ssyncset.done $0x0  }
0x28e: {  	s28 =	rddreg [dreg:$0x13];
	[sflag:s20] =	ssyncadd.s32 $0xFFFFF000;
	p3 =	seq.s32 s25, $0x1  }
0x28f: {  	s24 =	simm.s32 @!p3 $0x80;
	s25 =	simm.s32 @!p3 $0x400;
	s26 =	simm.s32 @!p3 $0x18700  }
0x290: {  	[tilespmem:s26], [sflag:$0x1] =	stream.strided.gather @!p3 [hbm4b:s28+s24], $0x1000, s25, s24, $0x38;
	[tilespmem:$0x1A700] =	vst v63  }
0x291: {  	s24 =	simm.s32 @!p3 $0x1  }
0x292: {  	_ =	swait.ge @!p3 [sflag:s24], $0x1000  }
0x293: {  	s28 =	sld [smem:$0x7DD]  }
0x294: {  	[sflag:s24] =	ssyncset.done @!p3 $0x0  }
0x295: {  	s26 =	simm.s32 $0x0;
	[sflag:s24] =	ssyncadd.s32 @!p3 $0xFFFFF000  }
0x296: {  	[tilespmem:s26], [sflag:$0x1] =	stream.strided.gather [hbm4b:s28+s18], $0x18700, s19, s18, $0x38;
	[tilespmem:$0x1A700] =	vst v63  }
0x297: {  	_ =	swait.ge [sflag:s20], $0x18700  }
0x298: {  	[sflag:s20] =	ssyncset.done $0x0  }
0x299: {  	s24 =	simm.s32 $0x0;
	[sflag:s20] =	ssyncadd.s32 $0xFFFE7900  }
0x29a: {  	v0 =	vld [tilespmem:s24+$0x18700];
	_ =	sdelay $0x7  }
0x29b: {  	s25 =	simm.s32 $0x10;
	s26 =	simm.s32 $0x80;
	v0 =	vld.idx.msk [tilespmem:v0+s21+$0x0], $0xffff  }
.LBB2_34:
0x29c: {  	p3 =	sne.s32 s26, $0x3FC0;
	v1 =	vld [tilespmem:s25+$0x18700];
	_ =	sdelay $0x3  }
.Ltmp16:
0x29d: {  	(pc) =	sbr.rel @p3 .LBB2_34-.Ltmp16, $2  }
0x29e: {  	[tilespmem:s24+$0x19700] =	vst v0;
	s24 =	smov.u32 s25;
	_ =	sdelay $0x2  }
0x29f: {  	s25 =	sshra.s32 s26, $0x2;
	s26 =	sadd.s32 $0x40, s26;
	v0 =	vld.idx.msk [tilespmem:v1+s21+$0x0], $0xffff  }
0x2a0: {  	v1 =	vld [tilespmem:s25+$0x18700];
	_ =	sdelay $0x6  }
0x2a1: {  	[tilespmem:s24+$0x19700] =	vst v0  }
0x2a2: {  	v0 =	vld.idx.msk [tilespmem:v1+s21+$0x0], $0xffff;
	_ =	sdelay $0x4  }
0x2a3: {  	[tilespmem:s25+$0x19700] =	vst v0  }
0x2a4: {  	[hbm4b:s7+s18] =	stream.strided.scatter [tilespmem:s22], [sflag:$0x1], $0x1000, s19, s18, $0x38;
	[tilespmem:$0x1A700] =	vst v63  }
0x2a5: {  	_ =	swait.ge [sflag:s20], $0x1000  }
0x2a6: {  	s25 =	sld [smem:$0x7C2];
	_ =	sdelay $0x1  }
0x2a7: {  	[sflag:s20] =	ssyncset.done $0x0  }
0x2a8: {  	s28 =	rddreg [dreg:$0x14];
	[sflag:s20] =	ssyncadd.s32 $0xFFFFF000;
	p3 =	seq.s32 s25, $0x1  }
0x2a9: {  	s24 =	simm.s32 @!p3 $0x80;
	s25 =	simm.s32 @!p3 $0x400;
	s26 =	simm.s32 @!p3 $0x18700  }
0x2aa: {  	[tilespmem:s26], [sflag:$0x1] =	stream.strided.gather @!p3 [hbm4b:s28+s24], $0x1000, s25, s24, $0x38;
	[tilespmem:$0x1A700] =	vst v63  }
0x2ab: {  	s24 =	simm.s32 @!p3 $0x1  }
0x2ac: {  	_ =	swait.ge @!p3 [sflag:s24], $0x1000  }
0x2ad: {  	s28 =	sld [smem:$0x7DE]  }
0x2ae: {  	[sflag:s24] =	ssyncset.done @!p3 $0x0  }
0x2af: {  	s26 =	simm.s32 $0x0;
	[sflag:s24] =	ssyncadd.s32 @!p3 $0xFFFFF000  }
0x2b0: {  	[tilespmem:s26], [sflag:$0x1] =	stream.strided.gather [hbm4b:s28+s18], $0x18700, s19, s18, $0x38;
	[tilespmem:$0x1A700] =	vst v63  }
0x2b1: {  	_ =	swait.ge [sflag:s20], $0x18700  }
0x2b2: {  	[sflag:s20] =	ssyncset.done $0x0  }
0x2b3: {  	s24 =	simm.s32 $0x0;
	[sflag:s20] =	ssyncadd.s32 $0xFFFE7900  }
0x2b4: {  	v0 =	vld [tilespmem:s24+$0x18700];
	_ =	sdelay $0x7  }
0x2b5: {  	s25 =	simm.s32 $0x10;
	s26 =	simm.s32 $0x80;
	v0 =	vld.idx.msk [tilespmem:v0+s21+$0x0], $0xffff  }
.LBB2_36:
0x2b6: {  	p3 =	sne.s32 s26, $0x3FC0;
	v1 =	vld [tilespmem:s25+$0x18700];
	_ =	sdelay $0x3  }
.Ltmp17:
0x2b7: {  	(pc) =	sbr.rel @p3 .LBB2_36-.Ltmp17, $2  }
0x2b8: {  	[tilespmem:s24+$0x19700] =	vst v0;
	s24 =	smov.u32 s25;
	_ =	sdelay $0x2  }
0x2b9: {  	s25 =	sshra.s32 s26, $0x2;
	s26 =	sadd.s32 $0x40, s26;
	v0 =	vld.idx.msk [tilespmem:v1+s21+$0x0], $0xffff  }
0x2ba: {  	v1 =	vld [tilespmem:s25+$0x18700];
	_ =	sdelay $0x6  }
0x2bb: {  	[tilespmem:s24+$0x19700] =	vst v0  }
0x2bc: {  	v0 =	vld.idx.msk [tilespmem:v1+s21+$0x0], $0xffff;
	_ =	sdelay $0x4  }
0x2bd: {  	[tilespmem:s25+$0x19700] =	vst v0  }
0x2be: {  	[hbm4b:s8+s18] =	stream.strided.scatter [tilespmem:s22], [sflag:$0x1], $0x1000, s19, s18, $0x38;
	[tilespmem:$0x1A700] =	vst v63  }
0x2bf: {  	_ =	swait.ge [sflag:s20], $0x1000  }
0x2c0: {  	s25 =	sld [smem:$0x7C3];
	_ =	sdelay $0x1  }
0x2c1: {  	[sflag:s20] =	ssyncset.done $0x0  }
0x2c2: {  	s28 =	rddreg [dreg:$0x15];
	[sflag:s20] =	ssyncadd.s32 $0xFFFFF000;
	p3 =	seq.s32 s25, $0x1  }
0x2c3: {  	s24 =	simm.s32 @!p3 $0x80;
	s25 =	simm.s32 @!p3 $0x400;
	s26 =	simm.s32 @!p3 $0x18700  }
0x2c4: {  	[tilespmem:s26], [sflag:$0x1] =	stream.strided.gather @!p3 [hbm4b:s28+s24], $0x1000, s25, s24, $0x38;
	[tilespmem:$0x1A700] =	vst v63  }
0x2c5: {  	s24 =	simm.s32 @!p3 $0x1  }
0x2c6: {  	_ =	swait.ge @!p3 [sflag:s24], $0x1000  }
0x2c7: {  	s28 =	sld [smem:$0x7DF]  }
0x2c8: {  	[sflag:s24] =	ssyncset.done @!p3 $0x0  }
0x2c9: {  	s26 =	simm.s32 $0x0;
	[sflag:s24] =	ssyncadd.s32 @!p3 $0xFFFFF000  }
0x2ca: {  	[tilespmem:s26], [sflag:$0x1] =	stream.strided.gather [hbm4b:s28+s18], $0x18700, s19, s18, $0x38;
	[tilespmem:$0x1A700] =	vst v63  }
0x2cb: {  	_ =	swait.ge [sflag:s20], $0x18700  }
0x2cc: {  	[sflag:s20] =	ssyncset.done $0x0  }
0x2cd: {  	s24 =	simm.s32 $0x0;
	[sflag:s20] =	ssyncadd.s32 $0xFFFE7900  }
0x2ce: {  	v0 =	vld [tilespmem:s24+$0x18700];
	_ =	sdelay $0x7  }
0x2cf: {  	s25 =	simm.s32 $0x10;
	s26 =	simm.s32 $0x80;
	v0 =	vld.idx.msk [tilespmem:v0+s21+$0x0], $0xffff  }
.LBB2_38:
0x2d0: {  	p3 =	sne.s32 s26, $0x3FC0;
	v1 =	vld [tilespmem:s25+$0x18700];
	_ =	sdelay $0x3  }
.Ltmp18:
0x2d1: {  	(pc) =	sbr.rel @p3 .LBB2_38-.Ltmp18, $2  }
0x2d2: {  	[tilespmem:s24+$0x19700] =	vst v0;
	s24 =	smov.u32 s25;
	_ =	sdelay $0x2  }
0x2d3: {  	s25 =	sshra.s32 s26, $0x2;
	s26 =	sadd.s32 $0x40, s26;
	v0 =	vld.idx.msk [tilespmem:v1+s21+$0x0], $0xffff  }
0x2d4: {  	v1 =	vld [tilespmem:s25+$0x18700];
	_ =	sdelay $0x6  }
0x2d5: {  	[tilespmem:s24+$0x19700] =	vst v0  }
0x2d6: {  	v0 =	vld.idx.msk [tilespmem:v1+s21+$0x0], $0xffff;
	_ =	sdelay $0x4  }
0x2d7: {  	[tilespmem:s25+$0x19700] =	vst v0  }
0x2d8: {  	[hbm4b:s9+s18] =	stream.strided.scatter [tilespmem:s22], [sflag:$0x1], $0x1000, s19, s18, $0x38;
	[tilespmem:$0x1A700] =	vst v63  }
0x2d9: {  	_ =	swait.ge [sflag:s20], $0x1000  }
0x2da: {  	s25 =	sld [smem:$0x7C4];
	_ =	sdelay $0x1  }
0x2db: {  	[sflag:s20] =	ssyncset.done $0x0  }
0x2dc: {  	s28 =	rddreg [dreg:$0x16];
	[sflag:s20] =	ssyncadd.s32 $0xFFFFF000;
	p3 =	seq.s32 s25, $0x1  }
0x2dd: {  	s24 =	simm.s32 @!p3 $0x80;
	s25 =	simm.s32 @!p3 $0x400;
	s26 =	simm.s32 @!p3 $0x18700  }
0x2de: {  	[tilespmem:s26], [sflag:$0x1] =	stream.strided.gather @!p3 [hbm4b:s28+s24], $0x1000, s25, s24, $0x38;
	[tilespmem:$0x1A700] =	vst v63  }
0x2df: {  	s24 =	simm.s32 @!p3 $0x1  }
0x2e0: {  	_ =	swait.ge @!p3 [sflag:s24], $0x1000  }
0x2e1: {  	s28 =	sld [smem:$0x7E0]  }
0x2e2: {  	[sflag:s24] =	ssyncset.done @!p3 $0x0  }
0x2e3: {  	s26 =	simm.s32 $0x0;
	[sflag:s24] =	ssyncadd.s32 @!p3 $0xFFFFF000  }
0x2e4: {  	[tilespmem:s26], [sflag:$0x1] =	stream.strided.gather [hbm4b:s28+s18], $0x18700, s19, s18, $0x38;
	[tilespmem:$0x1A700] =	vst v63  }
0x2e5: {  	_ =	swait.ge [sflag:s20], $0x18700  }
0x2e6: {  	[sflag:s20] =	ssyncset.done $0x0  }
0x2e7: {  	s24 =	simm.s32 $0x0;
	[sflag:s20] =	ssyncadd.s32 $0xFFFE7900  }
0x2e8: {  	v0 =	vld [tilespmem:s24+$0x18700];
	_ =	sdelay $0x7  }
0x2e9: {  	s25 =	simm.s32 $0x10;
	s26 =	simm.s32 $0x80;
	v0 =	vld.idx.msk [tilespmem:v0+s21+$0x0], $0xffff  }
.LBB2_40:
0x2ea: {  	p3 =	sne.s32 s26, $0x3FC0;
	v1 =	vld [tilespmem:s25+$0x18700];
	_ =	sdelay $0x3  }
.Ltmp19:
0x2eb: {  	(pc) =	sbr.rel @p3 .LBB2_40-.Ltmp19, $2  }
0x2ec: {  	[tilespmem:s24+$0x19700] =	vst v0;
	s24 =	smov.u32 s25;
	_ =	sdelay $0x2  }
0x2ed: {  	s25 =	sshra.s32 s26, $0x2;
	s26 =	sadd.s32 $0x40, s26;
	v0 =	vld.idx.msk [tilespmem:v1+s21+$0x0], $0xffff  }
0x2ee: {  	v1 =	vld [tilespmem:s25+$0x18700];
	_ =	sdelay $0x6  }
0x2ef: {  	[tilespmem:s24+$0x19700] =	vst v0  }
0x2f0: {  	v0 =	vld.idx.msk [tilespmem:v1+s21+$0x0], $0xffff;
	_ =	sdelay $0x4  }
0x2f1: {  	[tilespmem:s25+$0x19700] =	vst v0  }
0x2f2: {  	[hbm4b:s10+s18] =	stream.strided.scatter [tilespmem:s22], [sflag:$0x1], $0x1000, s19, s18, $0x38;
	[tilespmem:$0x1A700] =	vst v63  }
0x2f3: {  	_ =	swait.ge [sflag:s20], $0x1000  }
0x2f4: {  	s26 =	simm.s32 @!p4 $0x18700;
	s24 =	simm.s32 @!p4 $0x80;
	[sflag:s20] =	ssyncset.done $0x0  }
0x2f5: {  	s25 =	simm.s32 @!p4 $0x400;
	s28 =	rddreg [dreg:$0x17];
	[sflag:s20] =	ssyncadd.s32 $0xFFFFF000  }
0x2f6: {  	[tilespmem:s26], [sflag:$0x1] =	stream.strided.gather @!p4 [hbm4b:s28+s24], $0x1000, s25, s24, $0x38;
	[tilespmem:$0x1A700] =	vst v63  }
0x2f7: {  	s24 =	simm.s32 @!p4 $0x1  }
0x2f8: {  	_ =	swait.ge @!p4 [sflag:s24], $0x1000  }
0x2f9: {  	s28 =	sld [smem:$0x7E1]  }
0x2fa: {  	[sflag:s24] =	ssyncset.done @!p4 $0x0  }
0x2fb: {  	s26 =	simm.s32 $0x0;
	[sflag:s24] =	ssyncadd.s32 @!p4 $0xFFFFF000  }
0x2fc: {  	[tilespmem:s26], [sflag:$0x1] =	stream.strided.gather [hbm4b:s28+s18], $0x18700, s19, s18, $0x38;
	[tilespmem:$0x1A700] =	vst v63  }
0x2fd: {  	_ =	swait.ge [sflag:s20], $0x18700  }
0x2fe: {  	[sflag:s20] =	ssyncset.done $0x0  }
0x2ff: {  	s24 =	simm.s32 $0x0;
	[sflag:s20] =	ssyncadd.s32 $0xFFFE7900  }
0x300: {  	v0 =	vld [tilespmem:s24+$0x18700];
	_ =	sdelay $0x7  }
0x301: {  	s25 =	simm.s32 $0x10;
	s26 =	simm.s32 $0x80;
	v0 =	vld.idx.msk [tilespmem:v0+s21+$0x0], $0xffff  }
.LBB2_42:
0x302: {  	p3 =	sne.s32 s26, $0x3FC0;
	v1 =	vld [tilespmem:s25+$0x18700];
	_ =	sdelay $0x3  }
.Ltmp20:
0x303: {  	(pc) =	sbr.rel @p3 .LBB2_42-.Ltmp20, $2  }
0x304: {  	[tilespmem:s24+$0x19700] =	vst v0;
	s24 =	smov.u32 s25;
	_ =	sdelay $0x2  }
0x305: {  	s25 =	sshra.s32 s26, $0x2;
	s26 =	sadd.s32 $0x40, s26;
	v0 =	vld.idx.msk [tilespmem:v1+s21+$0x0], $0xffff  }
0x306: {  	v1 =	vld [tilespmem:s25+$0x18700];
	_ =	sdelay $0x6  }
0x307: {  	[tilespmem:s24+$0x19700] =	vst v0  }
0x308: {  	v0 =	vld.idx.msk [tilespmem:v1+s21+$0x0], $0xffff;
	_ =	sdelay $0x4  }
0x309: {  	[tilespmem:s25+$0x19700] =	vst v0  }
0x30a: {  	[hbm4b:s11+s18] =	stream.strided.scatter [tilespmem:s22], [sflag:$0x1], $0x1000, s19, s18, $0x38;
	[tilespmem:$0x1A700] =	vst v63  }
0x30b: {  	_ =	swait.ge [sflag:s20], $0x1000  }
0x30c: {  	s26 =	simm.s32 @!p5 $0x18700;
	s24 =	simm.s32 @!p5 $0x80;
	[sflag:s20] =	ssyncset.done $0x0  }
0x30d: {  	s25 =	simm.s32 @!p5 $0x400;
	s28 =	rddreg [dreg:$0x18];
	[sflag:s20] =	ssyncadd.s32 $0xFFFFF000  }
0x30e: {  	[tilespmem:s26], [sflag:$0x1] =	stream.strided.gather @!p5 [hbm4b:s28+s24], $0x1000, s25, s24, $0x38;
	[tilespmem:$0x1A700] =	vst v63  }
0x30f: {  	s24 =	simm.s32 @!p5 $0x1  }
0x310: {  	_ =	swait.ge @!p5 [sflag:s24], $0x1000  }
0x311: {  	s28 =	sld [smem:$0x7E2]  }
0x312: {  	[sflag:s24] =	ssyncset.done @!p5 $0x0  }
0x313: {  	s26 =	simm.s32 $0x0;
	[sflag:s24] =	ssyncadd.s32 @!p5 $0xFFFFF000  }
0x314: {  	[tilespmem:s26], [sflag:$0x1] =	stream.strided.gather [hbm4b:s28+s18], $0x18700, s19, s18, $0x38;
	[tilespmem:$0x1A700] =	vst v63  }
0x315: {  	_ =	swait.ge [sflag:s20], $0x18700  }
0x316: {  	[sflag:s20] =	ssyncset.done $0x0  }
0x317: {  	s24 =	simm.s32 $0x0;
	[sflag:s20] =	ssyncadd.s32 $0xFFFE7900  }
0x318: {  	v0 =	vld [tilespmem:s24+$0x18700];
	_ =	sdelay $0x7  }
0x319: {  	s25 =	simm.s32 $0x10;
	s26 =	simm.s32 $0x80;
	v0 =	vld.idx.msk [tilespmem:v0+s21+$0x0], $0xffff  }
.LBB2_44:
0x31a: {  	p3 =	sne.s32 s26, $0x3FC0;
	v1 =	vld [tilespmem:s25+$0x18700];
	_ =	sdelay $0x3  }
.Ltmp21:
0x31b: {  	(pc) =	sbr.rel @p3 .LBB2_44-.Ltmp21, $2  }
0x31c: {  	[tilespmem:s24+$0x19700] =	vst v0;
	s24 =	smov.u32 s25;
	_ =	sdelay $0x2  }
0x31d: {  	s25 =	sshra.s32 s26, $0x2;
	s26 =	sadd.s32 $0x40, s26;
	v0 =	vld.idx.msk [tilespmem:v1+s21+$0x0], $0xffff  }
0x31e: {  	v1 =	vld [tilespmem:s25+$0x18700];
	_ =	sdelay $0x6  }
0x31f: {  	[tilespmem:s24+$0x19700] =	vst v0  }
0x320: {  	v0 =	vld.idx.msk [tilespmem:v1+s21+$0x0], $0xffff;
	_ =	sdelay $0x4  }
0x321: {  	[tilespmem:s25+$0x19700] =	vst v0  }
0x322: {  	[hbm4b:s12+s18] =	stream.strided.scatter [tilespmem:s22], [sflag:$0x1], $0x1000, s19, s18, $0x38;
	[tilespmem:$0x1A700] =	vst v63  }
0x323: {  	_ =	swait.ge [sflag:s20], $0x1000  }
0x324: {  	s26 =	simm.s32 @!p6 $0x18700;
	s24 =	simm.s32 @!p6 $0x80;
	[sflag:s20] =	ssyncset.done $0x0  }
0x325: {  	s25 =	simm.s32 @!p6 $0x400;
	s28 =	rddreg [dreg:$0x19];
	[sflag:s20] =	ssyncadd.s32 $0xFFFFF000  }
0x326: {  	[tilespmem:s26], [sflag:$0x1] =	stream.strided.gather @!p6 [hbm4b:s28+s24], $0x1000, s25, s24, $0x38;
	[tilespmem:$0x1A700] =	vst v63  }
0x327: {  	s24 =	simm.s32 @!p6 $0x1  }
0x328: {  	_ =	swait.ge @!p6 [sflag:s24], $0x1000  }
0x329: {  	s28 =	sld [smem:$0x7E3]  }
0x32a: {  	[sflag:s24] =	ssyncset.done @!p6 $0x0  }
0x32b: {  	s26 =	simm.s32 $0x0;
	[sflag:s24] =	ssyncadd.s32 @!p6 $0xFFFFF000  }
0x32c: {  	[tilespmem:s26], [sflag:$0x1] =	stream.strided.gather [hbm4b:s28+s18], $0x18700, s19, s18, $0x38;
	[tilespmem:$0x1A700] =	vst v63  }
0x32d: {  	_ =	swait.ge [sflag:s20], $0x18700  }
0x32e: {  	[sflag:s20] =	ssyncset.done $0x0  }
0x32f: {  	s24 =	simm.s32 $0x0;
	[sflag:s20] =	ssyncadd.s32 $0xFFFE7900  }
0x330: {  	v0 =	vld [tilespmem:s24+$0x18700];
	_ =	sdelay $0x7  }
0x331: {  	s25 =	simm.s32 $0x10;
	s26 =	simm.s32 $0x80;
	v0 =	vld.idx.msk [tilespmem:v0+s21+$0x0], $0xffff  }
.LBB2_46:
0x332: {  	p3 =	sne.s32 s26, $0x3FC0;
	v1 =	vld [tilespmem:s25+$0x18700];
	_ =	sdelay $0x3  }
.Ltmp22:
0x333: {  	(pc) =	sbr.rel @p3 .LBB2_46-.Ltmp22, $2  }
0x334: {  	[tilespmem:s24+$0x19700] =	vst v0;
	s24 =	smov.u32 s25;
	_ =	sdelay $0x2  }
0x335: {  	s25 =	sshra.s32 s26, $0x2;
	s26 =	sadd.s32 $0x40, s26;
	v0 =	vld.idx.msk [tilespmem:v1+s21+$0x0], $0xffff  }
0x336: {  	v1 =	vld [tilespmem:s25+$0x18700];
	_ =	sdelay $0x6  }
0x337: {  	[tilespmem:s24+$0x19700] =	vst v0  }
0x338: {  	v0 =	vld.idx.msk [tilespmem:v1+s21+$0x0], $0xffff;
	_ =	sdelay $0x4  }
0x339: {  	[tilespmem:s25+$0x19700] =	vst v0  }
0x33a: {  	[hbm4b:s13+s18] =	stream.strided.scatter [tilespmem:s22], [sflag:$0x1], $0x1000, s19, s18, $0x38;
	[tilespmem:$0x1A700] =	vst v63  }
0x33b: {  	_ =	swait.ge [sflag:s20], $0x1000  }
0x33c: {  	s26 =	simm.s32 @!p0 $0x18700;
	s24 =	simm.s32 @!p0 $0x80;
	[sflag:s20] =	ssyncset.done $0x0  }
0x33d: {  	s25 =	simm.s32 @!p0 $0x400;
	s28 =	rddreg [dreg:$0x1a];
	[sflag:s20] =	ssyncadd.s32 $0xFFFFF000  }
0x33e: {  	[tilespmem:s26], [sflag:$0x1] =	stream.strided.gather @!p0 [hbm4b:s28+s24], $0x1000, s25, s24, $0x38;
	[tilespmem:$0x1A700] =	vst v63  }
0x33f: {  	s24 =	simm.s32 @!p0 $0x1  }
0x340: {  	_ =	swait.ge @!p0 [sflag:s24], $0x1000  }
0x341: {  	s28 =	sld [smem:$0x7E4]  }
0x342: {  	[sflag:s24] =	ssyncset.done @!p0 $0x0  }
0x343: {  	s26 =	simm.s32 $0x0;
	[sflag:s24] =	ssyncadd.s32 @!p0 $0xFFFFF000  }
0x344: {  	[tilespmem:s26], [sflag:$0x1] =	stream.strided.gather [hbm4b:s28+s18], $0x18700, s19, s18, $0x38;
	[tilespmem:$0x1A700] =	vst v63  }
0x345: {  	_ =	swait.ge [sflag:s20], $0x18700  }
0x346: {  	[sflag:s20] =	ssyncset.done $0x0  }
0x347: {  	s24 =	simm.s32 $0x0;
	[sflag:s20] =	ssyncadd.s32 $0xFFFE7900  }
0x348: {  	v0 =	vld [tilespmem:s24+$0x18700];
	_ =	sdelay $0x7  }
0x349: {  	s25 =	simm.s32 $0x10;
	s26 =	simm.s32 $0x80;
	v0 =	vld.idx.msk [tilespmem:v0+s21+$0x0], $0xffff  }
.LBB2_48:
0x34a: {  	p3 =	sne.s32 s26, $0x3FC0;
	v1 =	vld [tilespmem:s25+$0x18700];
	_ =	sdelay $0x3  }
.Ltmp23:
0x34b: {  	(pc) =	sbr.rel @p3 .LBB2_48-.Ltmp23, $2  }
0x34c: {  	[tilespmem:s24+$0x19700] =	vst v0;
	s24 =	smov.u32 s25;
	_ =	sdelay $0x2  }
0x34d: {  	s25 =	sshra.s32 s26, $0x2;
	s26 =	sadd.s32 $0x40, s26;
	v0 =	vld.idx.msk [tilespmem:v1+s21+$0x0], $0xffff  }
0x34e: {  	v1 =	vld [tilespmem:s25+$0x18700];
	_ =	sdelay $0x6  }
0x34f: {  	[tilespmem:s24+$0x19700] =	vst v0  }
0x350: {  	v0 =	vld.idx.msk [tilespmem:v1+s21+$0x0], $0xffff;
	_ =	sdelay $0x4  }
0x351: {  	[tilespmem:s25+$0x19700] =	vst v0  }
0x352: {  	[hbm4b:s14+s18] =	stream.strided.scatter [tilespmem:s22], [sflag:$0x1], $0x1000, s19, s18, $0x38;
	[tilespmem:$0x1A700] =	vst v63  }
0x353: {  	_ =	swait.ge [sflag:s20], $0x1000  }
0x354: {  	s26 =	simm.s32 @!p1 $0x18700;
	s24 =	simm.s32 @!p1 $0x80;
	[sflag:s20] =	ssyncset.done $0x0  }
0x355: {  	s25 =	simm.s32 @!p1 $0x400;
	s28 =	rddreg [dreg:$0x1b];
	[sflag:s20] =	ssyncadd.s32 $0xFFFFF000  }
0x356: {  	[tilespmem:s26], [sflag:$0x1] =	stream.strided.gather @!p1 [hbm4b:s28+s24], $0x1000, s25, s24, $0x38;
	[tilespmem:$0x1A700] =	vst v63  }
0x357: {  	s24 =	simm.s32 @!p1 $0x1  }
0x358: {  	_ =	swait.ge @!p1 [sflag:s24], $0x1000  }
0x359: {  	s28 =	sld [smem:$0x7E5]  }
0x35a: {  	[sflag:s24] =	ssyncset.done @!p1 $0x0  }
0x35b: {  	s26 =	simm.s32 $0x0;
	[sflag:s24] =	ssyncadd.s32 @!p1 $0xFFFFF000  }
0x35c: {  	[tilespmem:s26], [sflag:$0x1] =	stream.strided.gather [hbm4b:s28+s18], $0x18700, s19, s18, $0x38;
	[tilespmem:$0x1A700] =	vst v63  }
0x35d: {  	_ =	swait.ge [sflag:s20], $0x18700  }
0x35e: {  	[sflag:s20] =	ssyncset.done $0x0  }
0x35f: {  	s24 =	simm.s32 $0x0;
	[sflag:s20] =	ssyncadd.s32 $0xFFFE7900  }
0x360: {  	v0 =	vld [tilespmem:s24+$0x18700];
	_ =	sdelay $0x7  }
0x361: {  	s25 =	simm.s32 $0x10;
	s26 =	simm.s32 $0x80;
	v0 =	vld.idx.msk [tilespmem:v0+s21+$0x0], $0xffff  }
.LBB2_50:
0x362: {  	p3 =	sne.s32 s26, $0x3FC0;
	v1 =	vld [tilespmem:s25+$0x18700];
	_ =	sdelay $0x3  }
.Ltmp24:
0x363: {  	(pc) =	sbr.rel @p3 .LBB2_50-.Ltmp24, $2  }
0x364: {  	[tilespmem:s24+$0x19700] =	vst v0;
	s24 =	smov.u32 s25;
	_ =	sdelay $0x2  }
0x365: {  	s25 =	sshra.s32 s26, $0x2;
	s26 =	sadd.s32 $0x40, s26;
	v0 =	vld.idx.msk [tilespmem:v1+s21+$0x0], $0xffff  }
0x366: {  	v1 =	vld [tilespmem:s25+$0x18700];
	_ =	sdelay $0x6  }
0x367: {  	[tilespmem:s24+$0x19700] =	vst v0  }
0x368: {  	v0 =	vld.idx.msk [tilespmem:v1+s21+$0x0], $0xffff;
	_ =	sdelay $0x4  }
0x369: {  	[tilespmem:s25+$0x19700] =	vst v0  }
0x36a: {  	[hbm4b:s15+s18] =	stream.strided.scatter [tilespmem:s22], [sflag:$0x1], $0x1000, s19, s18, $0x38;
	[tilespmem:$0x1A700] =	vst v63  }
0x36b: {  	_ =	swait.ge [sflag:s20], $0x1000  }
0x36c: {  	s26 =	simm.s32 @!p2 $0x18700;
	s24 =	simm.s32 @!p2 $0x80;
	[sflag:s20] =	ssyncset.done $0x0  }
0x36d: {  	s25 =	simm.s32 @!p2 $0x400;
	s28 =	rddreg [dreg:$0x1c];
	[sflag:s20] =	ssyncadd.s32 $0xFFFFF000  }
0x36e: {  	[tilespmem:s26], [sflag:$0x1] =	stream.strided.gather @!p2 [hbm4b:s28+s24], $0x1000, s25, s24, $0x38;
	[tilespmem:$0x1A700] =	vst v63  }
0x36f: {  	s24 =	simm.s32 @!p2 $0x1  }
0x370: {  	_ =	swait.ge @!p2 [sflag:s24], $0x1000  }
0x371: {  	s28 =	sld [smem:$0x7E6]  }
0x372: {  	[sflag:s24] =	ssyncset.done @!p2 $0x0  }
0x373: {  	s26 =	simm.s32 $0x0;
	[sflag:s24] =	ssyncadd.s32 @!p2 $0xFFFFF000  }
0x374: {  	[tilespmem:s26], [sflag:$0x1] =	stream.strided.gather [hbm4b:s28+s18], $0x18700, s19, s18, $0x38;
	[tilespmem:$0x1A700] =	vst v63  }
0x375: {  	_ =	swait.ge [sflag:s20], $0x18700  }
0x376: {  	[sflag:s20] =	ssyncset.done $0x0  }
0x377: {  	s24 =	simm.s32 $0x0;
	[sflag:s20] =	ssyncadd.s32 $0xFFFE7900  }
0x378: {  	v0 =	vld [tilespmem:s24+$0x18700];
	_ =	sdelay $0x7  }
0x379: {  	s25 =	simm.s32 $0x10;
	s26 =	simm.s32 $0x80;
	v0 =	vld.idx.msk [tilespmem:v0+s21+$0x0], $0xffff  }
.LBB2_52:
0x37a: {  	p3 =	sne.s32 s26, $0x3FC0;
	v1 =	vld [tilespmem:s25+$0x18700];
	_ =	sdelay $0x3  }
.Ltmp25:
0x37b: {  	(pc) =	sbr.rel @p3 .LBB2_52-.Ltmp25, $2  }
0x37c: {  	[tilespmem:s24+$0x19700] =	vst v0;
	s24 =	smov.u32 s25;
	_ =	sdelay $0x2  }
0x37d: {  	s25 =	sshra.s32 s26, $0x2;
	s26 =	sadd.s32 $0x40, s26;
	v0 =	vld.idx.msk [tilespmem:v1+s21+$0x0], $0xffff  }
0x37e: {  	v1 =	vld [tilespmem:s25+$0x18700];
	_ =	sdelay $0x6  }
0x37f: {  	[tilespmem:s24+$0x19700] =	vst v0  }
0x380: {  	v0 =	vld.idx.msk [tilespmem:v1+s21+$0x0], $0xffff;
	_ =	sdelay $0x2  }
0x381: {  	s23 =	sadd.s32 $0x1, s23  }
0x382: {  	p3 =	sne.s32 s23, s17  }
.Ltmp26:
0x383: {  	[tilespmem:s25+$0x19700] =	vst v0;
	(pc) =	sbr.rel @p3 .LBB2_1-.Ltmp26, $4  }
0x384: {  	[hbm4b:s16+s18] =	stream.strided.scatter [tilespmem:s22], [sflag:$0x1], $0x1000, s19, s18, $0x38;
	[tilespmem:$0x1A700] =	vst v63  }
0x385: {  	_ =	swait.ge [sflag:s20], $0x1000  }
0x386: {  	[sflag:s20] =	ssyncset.done $0x0  }
0x387: {  	[sflag:s20] =	ssyncadd.s32 $0xFFFFF000  }
0x388: {  	_ =	sfence.sel $0x180000  }
0x389: {  	[bflag:$0x0] =	sbarrier.arrive $0xFFFF  }
0x38a: {  	_ =	strace $0x90000047  }
0x38b: {  	s0 =	stileid.u32;
	[bflag:$0x2] =	sbarrier.arrive $0xFFFF  }
0x38c: {  	p0 =	sne.s32 s0, $0x0;
	s0 =	rddreg [dreg:$0x3]  }
0x38d: {  	s0 =	sadd.s32 @!p0 $0x100000, s0  }
0x38e: {  	[sflag:s0] =	ssyncadd.tile.s32 @!p0 $0x1;
	_ =	shalt  }
.Lfunc_end2:
_tile_overlayer_lowered:
.L_overlay_start_2:
0x38f: {  	(tag) =	ssettag $0x2  }
0x390: {  	s0 =	rddreg [dreg:$0x0];
	s2 =	stileid.u32  }
0x391: {  	s1 =	rddreg [dreg:$0x1];
	p0 =	sne.s32 s2, $0x0  }
0x392: {  	s3 =	rddreg [dreg:$0x2];
	[bflag:$0x3] =	sbarrier.arrive $0xFFFF;
	s2 =	simm.s32 @!p0 $0x1C01  }
0x393: {  	[timem:s3], [sflag:s2] =	dma.local @!p0 [hbm:s0], s1  }
0x394: {  	s0 =	simm.s32 @!p0 $0x1  }
0x395: {  	_ =	swait.ge @!p0 [sflag:s0], s1  }
0x396: {  	s1 =	ssub.s32 @!p0 $0x0, s1;
	[sflag:s0] =	ssyncset.done @!p0 $0x0  }
0x397: {  	[sflag:s0] =	ssyncadd.s32 @!p0 s1  }
0x398: {  	[bflag:$0x3] =	sbarrier.arrive $0xFFFF  }
0x399: {  	_ =	shalt  }

</sc_bundles>
